<compile_context>
chip_gen: v7x
topology: tpu7x:2x2x1
jax: 0.10.2.dev20260603
libtpu: 0.0.44.dev20260713+nightly
codegen_flags: <defaults>
</compile_context>

<pallas_src>
import jax
import jax.numpy as jnp
from jax import lax
from jax.experimental import pallas as pl
from jax.experimental.pallas import tpu as pltpu
from jax.experimental.pallas import tpu_sc as plsc

NROWS = 1000000
EMBED_DIM = 32
MLP_HIDDEN = 64
BATCH = 16384

NC = 2
NS = 16
NW = NC * NS
BPW = BATCH // NW
K = 32
DEPTH = 256
UNROLL = 8


def _sc_gather_body(ii_hbm, iemb_hbm, irows_hbm, idx_i, sem):
    wid = lax.axis_index("s") * NC + lax.axis_index("c")
    base = wid * BPW
    pltpu.sync_copy(ii_hbm.at[pl.ds(base, BPW)], idx_i)

    def chunk(c, carry):
        co = c * K
        waits = []
        for v in range(K // 16):
            vec = idx_i[pl.ds(co + v * 16, 16)]
            for b in range(16):
                i = co + v * 16 + b
                waits.append(pltpu.async_copy(
                    iemb_hbm.at[pl.ds(vec[b], 1)],
                    irows_hbm.at[pl.ds(base + i, 1)], sem))
        for w in waits:
            w.wait()
        return carry

    lax.fori_loop(0, BPW // K, chunk, 0)


def _tc_gather_mlp_body(idx_ref, tab_ref, v_ref, w1t_ref, b1_ref, w2_ref,
                        b2_ref, out_ref, u_vmem, sem):
    def prologue(j, carry):
        for u in range(UNROLL):
            i = j * UNROLL + u
            pltpu.make_async_copy(
                tab_ref.at[pl.ds(idx_ref[i], 1)], u_vmem.at[pl.ds(i, 1)],
                sem.at[lax.bitwise_and(i, DEPTH - 1)]).start()
        return carry

    lax.fori_loop(0, DEPTH // UNROLL, prologue, 0)

    def body(j, carry):
        for u in range(UNROLL):
            i = DEPTH + j * UNROLL + u
            s = lax.bitwise_and(i, DEPTH - 1)
            pltpu.make_async_copy(
                tab_ref.at[pl.ds(0, 1)], u_vmem.at[pl.ds(0, 1)],
                sem.at[s]).wait()
            pltpu.make_async_copy(
                tab_ref.at[pl.ds(idx_ref[i], 1)], u_vmem.at[pl.ds(i, 1)],
                sem.at[s]).start()
        return carry

    lax.fori_loop(0, (BATCH - DEPTH) // UNROLL, body, 0)
    for s in range(DEPTH):
        pltpu.make_async_copy(
            tab_ref.at[pl.ds(0, 1)], u_vmem.at[pl.ds(0, 1)],
            sem.at[s]).wait()

    h = (jnp.dot(u_vmem[...], w1t_ref[:EMBED_DIM, :],
                 preferred_element_type=jnp.float32)
         + jnp.dot(v_ref[...], w1t_ref[EMBED_DIM:, :],
                   preferred_element_type=jnp.float32)
         + b1_ref[...])
    h = jnp.maximum(h, 0.0)
    o = jnp.sum(h * w2_ref[...], axis=1) + b2_ref[0, 0]
    out_ref[...] = jax.nn.sigmoid(o)


def kernel(user_indices, item_indices, user_emb, item_emb, W1, b1, W2, b2):
    ui = user_indices.astype(jnp.int32)
    ii = item_indices.astype(jnp.int32)

    mesh = plsc.VectorSubcoreMesh(core_axis_name="c", subcore_axis_name="s")
    sc_gather = pl.kernel(
        _sc_gather_body,
        mesh=mesh,
        out_type=jax.ShapeDtypeStruct((BATCH, EMBED_DIM), jnp.float32),
        scratch_types=[
            pltpu.VMEM((BPW,), jnp.int32),
            pltpu.SemaphoreType.DMA,
        ],
    )
    v_rows = sc_gather(ii, item_emb)

    out = pl.pallas_call(
        _tc_gather_mlp_body,
        grid_spec=pltpu.PrefetchScalarGridSpec(
            num_scalar_prefetch=1,
            grid=(1,),
            in_specs=[
                pl.BlockSpec(memory_space=pltpu.MemorySpace.HBM),
                pl.BlockSpec((BATCH, EMBED_DIM), lambda i, *_: (0, 0)),
                pl.BlockSpec((2 * EMBED_DIM, MLP_HIDDEN), lambda i, *_: (0, 0)),
                pl.BlockSpec((1, MLP_HIDDEN), lambda i, *_: (0, 0)),
                pl.BlockSpec((1, MLP_HIDDEN), lambda i, *_: (0, 0)),
                pl.BlockSpec((1, 1), lambda i, *_: (0, 0)),
            ],
            out_specs=pl.BlockSpec((BATCH,), lambda i, *_: (0,)),
            scratch_shapes=[
                pltpu.VMEM((BATCH, EMBED_DIM), jnp.float32),
                pltpu.SemaphoreType.DMA((DEPTH,)),
            ],
        ),
        out_shape=jax.ShapeDtypeStruct((BATCH,), jnp.float32),
    )(ui, user_emb, v_rows, W1.T, b1.reshape(1, MLP_HIDDEN), W2,
      b2.reshape(1, 1))
    return out

# --- scband reference (transcript-rebuilt; emitter-appended) ---
"""Pipeline reference for scband-neural-cf-61512521613819 (READ-ONLY COPY).

The authoritative reference and input builder live on the scoring server;
editing this copy changes nothing except your own understanding.
"""

import jax, jax.numpy as jnp
import numpy as np

NUM_USERS = 1000000
NUM_ITEMS = 1000000
EMBED_DIM = 32
MLP_HIDDEN = 64
BATCH = 16384

def setup_inputs(seed: int = 0) -> dict:
    key = jax.random.key(seed)
    k1, k2, k3, k4, k5, k6, k7, k8 = jax.random.split(key, 8)
    user_indices = jax.random.randint(k1, (BATCH,), 0, NUM_USERS, dtype=jnp.int64 if jax.config.jax_enable_x64 else jnp.int32)
    item_indices = jax.random.randint(k2, (BATCH,), 0, NUM_ITEMS, dtype=jnp.int64 if jax.config.jax_enable_x64 else jnp.int32)
    user_emb = jax.random.normal(k3, (NUM_USERS, EMBED_DIM), dtype=jnp.float32) * 0.02
    item_emb = jax.random.normal(k4, (NUM_ITEMS, EMBED_DIM), dtype=jnp.float32) * 0.02
    W1 = jax.random.normal(k5, (MLP_HIDDEN, EMBED_DIM * 2), dtype=jnp.float32) * (1.0 / np.sqrt(EMBED_DIM * 2))
    b1 = jnp.zeros((MLP_HIDDEN,), dtype=jnp.float32)
    W2 = jax.random.normal(k6, (1, MLP_HIDDEN), dtype=jnp.float32) * (1.0 / np.sqrt(MLP_HIDDEN))
    b2 = jnp.zeros((1,), dtype=jnp.float32)
    return {
        "user_indices": user_indices,
        "item_indices": item_indices,
        "user_emb": user_emb,
        "item_emb": item_emb,
        "W1": W1,
        "b1": b1,
        "W2": W2,
        "b2": b2,
    }

def reference(user_indices, item_indices, user_emb, item_emb, W1, b1, W2, b2):
    # Embedding lookups (gather)
    u = jnp.take(user_emb, user_indices, axis=0)  # [B, D]
    v = jnp.take(item_emb, item_indices, axis=0)  # [B, D]
    x = jnp.concatenate([u, v], axis=-1)          # [B, 2D]
    # MLP: Linear -> ReLU -> Linear
    x = x @ W1.T + b1
    x = jnp.maximum(x, 0.0)
    x = x @ W2.T + b2                             # [B, 1]
    # Sigmoid + squeeze
    out = jax.nn.sigmoid(x)
    return jnp.squeeze(out, axis=-1)              # [B]

if __name__ == "__main__":
    import jax
    _d = setup_inputs()
    print(jax.jit(kernel)(*tuple(_d.values())))

</pallas_src>

<mosaic_0001>
#map = affine_map<(d0, d1) -> (0)>
#map1 = affine_map<(d0, d1) -> (0, 0)>
module attributes {stable_mosaic.version = 14 : i64} {
  func.func @_sc_gather_body(%arg0: i32, %arg1: i32, %arg2: memref<16384xi32, #tpu.memory_space<hbm>>, %arg3: memref<1000000x32xf32, #tpu.memory_space<hbm>>, %arg4: memref<16384x32xf32, #tpu.memory_space<hbm>>, %arg5: memref<512xi32, #tpu.memory_space<vmem>>, %arg6: memref<!tpu.dma_semaphore, #tpu.memory_space<semaphore_mem>>) attributes {dimension_semantics = [#tpu.dimension_semantics<core_parallel>, #tpu.dimension_semantics<subcore_parallel>], iteration_bounds = array<i64: 2, 16>, scalar_prefetch = 0 : i64, scratch_operands = 2 : i64, tpu.core_type = #tpu.core_type<sc_vector_subcore>, window_params = [{transform_indices = #map}, {transform_indices = #map1}, {transform_indices = #map1}]} {
    %mul3A = arith.constant 2 : i32
    %mul3A_0 = arith.muli %arg1, %mul3A : i32
    %add3A = arith.addi %mul3A_0, %arg0 : i32
    %mul3A_1 = arith.constant 512 : i32
    %mul3A_2 = arith.muli %add3A, %mul3A_1 : i32
    "tpu.region"() ({
      %run_scoped3A = tpu.sem_alloc : memref<!tpu.dma_semaphore, #tpu.memory_space<semaphore_mem>>
      %dma_start3A = tpu.memref_slice %arg2[%mul3A_2] : memref<16384xi32, #tpu.memory_space<hbm>> -> memref<512xi32, #tpu.memory_space<hbm>>
      %dma_start3A_8 = tpu.memref_slice %arg2[%mul3A_2] : memref<16384xi32, #tpu.memory_space<hbm>> -> memref<512xi32, #tpu.memory_space<hbm>>
      tpu.enqueue_dma source(%dma_start3A_8 : memref<512xi32, #tpu.memory_space<hbm>>) target(%arg5 : memref<512xi32, #tpu.memory_space<vmem>>) target_semaphore(%run_scoped3A : memref<!tpu.dma_semaphore, #tpu.memory_space<semaphore_mem>>)
      %dma_wait3A = tpu.memref_slice %arg2[%mul3A_2] : memref<16384xi32, #tpu.memory_space<hbm>> -> memref<512xi32, #tpu.memory_space<hbm>>
      %dma_wait3A_9 = tpu.memref_slice %arg2[%mul3A_2] : memref<16384xi32, #tpu.memory_space<hbm>> -> memref<512xi32, #tpu.memory_space<hbm>>
      tpu.wait_dma2 semaphore(%run_scoped3A : memref<!tpu.dma_semaphore, #tpu.memory_space<semaphore_mem>>) src(%dma_wait3A_9 : memref<512xi32, #tpu.memory_space<hbm>>) dst(%arg5 : memref<512xi32, #tpu.memory_space<vmem>>)
      tpu.yield
    }) : () -> ()
    %scan3A = arith.constant 0 : i32
    %scan3A_3 = arith.constant 0 : i32
    %scan3A_4 = arith.constant 16 : i32
    %scan3A_5 = arith.addi %scan3A_3, %scan3A_4 : i32
    %scan3A_6 = arith.constant 1 : i32
    scf.for %scan3A_8 = %scan3A_3 to %scan3A_5 step %scan3A_6  : i32 {
      %mul3A_9 = arith.constant 32 : i32
      %mul3A_10 = arith.muli %scan3A_8, %mul3A_9 : i32
      %add3A_11 = arith.constant 0 : i32
      %add3A_12 = arith.addi %mul3A_10, %add3A_11 : i32
      %get3A = arith.index_cast %add3A_12 : i32 to index
      %get3A_13 = tpu.vector_load %arg5[%get3A] {strides = array<i32>} : memref<512xi32, #tpu.memory_space<vmem>>, vector<16xi32>,
      %get3A_14 = vector.shape_cast %get3A_13 : vector<16xi32> to vector<16xi32>
      %add3A_15 = arith.constant 0 : i32
      %add3A_16 = arith.addi %mul3A_10, %add3A_15 : i32
      %add3A_17 = arith.constant 0 : i32
      %add3A_18 = arith.addi %add3A_16, %add3A_17 : i32
      %slice3A = vector.extract_strided_slice %get3A_14 {offsets = [0], sizes = [1], strides = [1]} : vector<16xi32> to vector<1xi32>
      %squeeze3A = vector.extract %slice3A[0] : i32 from vector<1xi32>
      %add3A_19 = arith.addi %mul3A_2, %add3A_18 : i32
      %dma_start3A = arith.constant 0 : i32
      %dma_start3A_20 = tpu.memref_slice %arg4[%add3A_19, %dma_start3A] : memref<16384x32xf32, #tpu.memory_space<hbm>> -> memref<1x32xf32, #tpu.memory_space<hbm>>
      %dma_start3A_21 = arith.constant 0 : i32
      %dma_start3A_22 = tpu.memref_slice %arg3[%squeeze3A, %dma_start3A_21] : memref<1000000x32xf32, #tpu.memory_space<hbm>> -> memref<1x32xf32, #tpu.memory_space<hbm>>
      tpu.enqueue_dma source(%dma_start3A_22 : memref<1x32xf32, #tpu.memory_space<hbm>>) target(%dma_start3A_20 : memref<1x32xf32, #tpu.memory_space<hbm>>) target_semaphore(%arg6 : memref<!tpu.dma_semaphore, #tpu.memory_space<semaphore_mem>>)
      %add3A_23 = arith.constant 0 : i32
      %add3A_24 = arith.addi %mul3A_10, %add3A_23 : i32
      %add3A_25 = arith.constant 1 : i32
      %add3A_26 = arith.addi %add3A_24, %add3A_25 : i32
      %slice3A_27 = vector.extract_strided_slice %get3A_14 {offsets = [1], sizes = [1], strides = [1]} : vector<16xi32> to vector<1xi32>
      %squeeze3A_28 = vector.extract %slice3A_27[0] : i32 from vector<1xi32>
      %add3A_29 = arith.addi %mul3A_2, %add3A_26 : i32
      %dma_start3A_30 = arith.constant 0 : i32
      %dma_start3A_31 = tpu.memref_slice %arg4[%add3A_29, %dma_start3A_30] : memref<16384x32xf32, #tpu.memory_space<hbm>> -> memref<1x32xf32, #tpu.memory_space<hbm>>
      %dma_start3A_32 = arith.constant 0 : i32
      %dma_start3A_33 = tpu.memref_slice %arg3[%squeeze3A_28, %dma_start3A_32] : memref<1000000x32xf32, #tpu.memory_space<hbm>> -> memref<1x32xf32, #tpu.memory_space<hbm>>
      tpu.enqueue_dma source(%dma_start3A_33 : memref<1x32xf32, #tpu.memory_space<hbm>>) target(%dma_start3A_31 : memref<1x32xf32, #tpu.memory_space<hbm>>) target_semaphore(%arg6 : memref<!tpu.dma_semaphore, #tpu.memory_space<semaphore_mem>>)
      %add3A_34 = arith.constant 0 : i32
      %add3A_35 = arith.addi %mul3A_10, %add3A_34 : i32
      %add3A_36 = arith.constant 2 : i32
      %add3A_37 = arith.addi %add3A_35, %add3A_36 : i32
      %slice3A_38 = vector.extract_strided_slice %get3A_14 {offsets = [2], sizes = [1], strides = [1]} : vector<16xi32> to vector<1xi32>
      %squeeze3A_39 = vector.extract %slice3A_38[0] : i32 from vector<1xi32>
      %add3A_40 = arith.addi %mul3A_2, %add3A_37 : i32
      %dma_start3A_41 = arith.constant 0 : i32
      %dma_start3A_42 = tpu.memref_slice %arg4[%add3A_40, %dma_start3A_41] : memref<16384x32xf32, #tpu.memory_space<hbm>> -> memref<1x32xf32, #tpu.memory_space<hbm>>
      %dma_start3A_43 = arith.constant 0 : i32
      %dma_start3A_44 = tpu.memref_slice %arg3[%squeeze3A_39, %dma_start3A_43] : memref<1000000x32xf32, #tpu.memory_space<hbm>> -> memref<1x32xf32, #tpu.memory_space<hbm>>
      tpu.enqueue_dma source(%dma_start3A_44 : memref<1x32xf32, #tpu.memory_space<hbm>>) target(%dma_start3A_42 : memref<1x32xf32, #tpu.memory_space<hbm>>) target_semaphore(%arg6 : memref<!tpu.dma_semaphore, #tpu.memory_space<semaphore_mem>>)
      %add3A_45 = arith.constant 0 : i32
      %add3A_46 = arith.addi %mul3A_10, %add3A_45 : i32
      %add3A_47 = arith.constant 3 : i32
      %add3A_48 = arith.addi %add3A_46, %add3A_47 : i32
      %slice3A_49 = vector.extract_strided_slice %get3A_14 {offsets = [3], sizes = [1], strides = [1]} : vector<16xi32> to vector<1xi32>
      %squeeze3A_50 = vector.extract %slice3A_49[0] : i32 from vector<1xi32>
      %add3A_51 = arith.addi %mul3A_2, %add3A_48 : i32
      %dma_start3A_52 = arith.constant 0 : i32
      %dma_start3A_53 = tpu.memref_slice %arg4[%add3A_51, %dma_start3A_52] : memref<16384x32xf32, #tpu.memory_space<hbm>> -> memref<1x32xf32, #tpu.memory_space<hbm>>
      %dma_start3A_54 = arith.constant 0 : i32
      %dma_start3A_55 = tpu.memref_slice %arg3[%squeeze3A_50, %dma_start3A_54] : memref<1000000x32xf32, #tpu.memory_space<hbm>> -> memref<1x32xf32, #tpu.memory_space<hbm>>
      tpu.enqueue_dma source(%dma_start3A_55 : memref<1x32xf32, #tpu.memory_space<hbm>>) target(%dma_start3A_53 : memref<1x32xf32, #tpu.memory_space<hbm>>) target_semaphore(%arg6 : memref<!tpu.dma_semaphore, #tpu.memory_space<semaphore_mem>>)
      %add3A_56 = arith.constant 0 : i32
      %add3A_57 = arith.addi %mul3A_10, %add3A_56 : i32
      %add3A_58 = arith.constant 4 : i32
      %add3A_59 = arith.addi %add3A_57, %add3A_58 : i32
      %slice3A_60 = vector.extract_strided_slice %get3A_14 {offsets = [4], sizes = [1], strides = [1]} : vector<16xi32> to vector<1xi32>
      %squeeze3A_61 = vector.extract %slice3A_60[0] : i32 from vector<1xi32>
      %add3A_62 = arith.addi %mul3A_2, %add3A_59 : i32
      %dma_start3A_63 = arith.constant 0 : i32
      %dma_start3A_64 = tpu.memref_slice %arg4[%add3A_62, %dma_start3A_63] : memref<16384x32xf32, #tpu.memory_space<hbm>> -> memref<1x32xf32, #tpu.memory_space<hbm>>
      %dma_start3A_65 = arith.constant 0 : i32
      %dma_start3A_66 = tpu.memref_slice %arg3[%squeeze3A_61, %dma_start3A_65] : memref<1000000x32xf32, #tpu.memory_space<hbm>> -> memref<1x32xf32, #tpu.memory_space<hbm>>
      tpu.enqueue_dma source(%dma_start3A_66 : memref<1x32xf32, #tpu.memory_space<hbm>>) target(%dma_start3A_64 : memref<1x32xf32, #tpu.memory_space<hbm>>) target_semaphore(%arg6 : memref<!tpu.dma_semaphore, #tpu.memory_space<semaphore_mem>>)
      %add3A_67 = arith.constant 0 : i32
      %add3A_68 = arith.addi %mul3A_10, %add3A_67 : i32
      %add3A_69 = arith.constant 5 : i32
      %add3A_70 = arith.addi %add3A_68, %add3A_69 : i32
      %slice3A_71 = vector.extract_strided_slice %get3A_14 {offsets = [5], sizes = [1], strides = [1]} : vector<16xi32> to vector<1xi32>
      %squeeze3A_72 = vector.extract %slice3A_71[0] : i32 from vector<1xi32>
      %add3A_73 = arith.addi %mul3A_2, %add3A_70 : i32
      %dma_start3A_74 = arith.constant 0 : i32
      %dma_start3A_75 = tpu.memref_slice %arg4[%add3A_73, %dma_start3A_74] : memref<16384x32xf32, #tpu.memory_space<hbm>> -> memref<1x32xf32, #tpu.memory_space<hbm>>
      %dma_start3A_76 = arith.constant 0 : i32
      %dma_start3A_77 = tpu.memref_slice %arg3[%squeeze3A_72, %dma_start3A_76] : memref<1000000x32xf32, #tpu.memory_space<hbm>> -> memref<1x32xf32, #tpu.memory_space<hbm>>
      tpu.enqueue_dma source(%dma_start3A_77 : memref<1x32xf32, #tpu.memory_space<hbm>>) target(%dma_start3A_75 : memref<1x32xf32, #tpu.memory_space<hbm>>) target_semaphore(%arg6 : memref<!tpu.dma_semaphore, #tpu.memory_space<semaphore_mem>>)
      %add3A_78 = arith.constant 0 : i32
      %add3A_79 = arith.addi %mul3A_10, %add3A_78 : i32
      %add3A_80 = arith.constant 6 : i32
      %add3A_81 = arith.addi %add3A_79, %add3A_80 : i32
      %slice3A_82 = vector.extract_strided_slice %get3A_14 {offsets = [6], sizes = [1], strides = [1]} : vector<16xi32> to vector<1xi32>
      %squeeze3A_83 = vector.extract %slice3A_82[0] : i32 from vector<1xi32>
      %add3A_84 = arith.addi %mul3A_2, %add3A_81 : i32
      %dma_start3A_85 = arith.constant 0 : i32
      %dma_start3A_86 = tpu.memref_slice %arg4[%add3A_84, %dma_start3A_85] : memref<16384x32xf32, #tpu.memory_space<hbm>> -> memref<1x32xf32, #tpu.memory_space<hbm>>
      %dma_start3A_87 = arith.constant 0 : i32
      %dma_start3A_88 = tpu.memref_slice %arg3[%squeeze3A_83, %dma_start3A_87] : memref<1000000x32xf32, #tpu.memory_space<hbm>> -> memref<1x32xf32, #tpu.memory_space<hbm>>
      tpu.enqueue_dma source(%dma_start3A_88 : memref<1x32xf32, #tpu.memory_space<hbm>>) target(%dma_start3A_86 : memref<1x32xf32, #tpu.memory_space<hbm>>) target_semaphore(%arg6 : memref<!tpu.dma_semaphore, #tpu.memory_space<semaphore_mem>>)
      %add3A_89 = arith.constant 0 : i32
      %add3A_90 = arith.addi %mul3A_10, %add3A_89 : i32
      %add3A_91 = arith.constant 7 : i32
      %add3A_92 = arith.addi %add3A_90, %add3A_91 : i32
      %slice3A_93 = vector.extract_strided_slice %get3A_14 {offsets = [7], sizes = [1], strides = [1]} : vector<16xi32> to vector<1xi32>
      %squeeze3A_94 = vector.extract %slice3A_93[0] : i32 from vector<1xi32>
      %add3A_95 = arith.addi %mul3A_2, %add3A_92 : i32
      %dma_start3A_96 = arith.constant 0 : i32
      %dma_start3A_97 = tpu.memref_slice %arg4[%add3A_95, %dma_start3A_96] : memref<16384x32xf32, #tpu.memory_space<hbm>> -> memref<1x32xf32, #tpu.memory_space<hbm>>
      %dma_start3A_98 = arith.constant 0 : i32
      %dma_start3A_99 = tpu.memref_slice %arg3[%squeeze3A_94, %dma_start3A_98] : memref<1000000x32xf32, #tpu.memory_space<hbm>> -> memref<1x32xf32, #tpu.memory_space<hbm>>
      tpu.enqueue_dma source(%dma_start3A_99 : memref<1x32xf32, #tpu.memory_space<hbm>>) target(%dma_start3A_97 : memref<1x32xf32, #tpu.memory_space<hbm>>) target_semaphore(%arg6 : memref<!tpu.dma_semaphore, #tpu.memory_space<semaphore_mem>>)
      %add3A_100 = arith.constant 0 : i32
      %add3A_101 = arith.addi %mul3A_10, %add3A_100 : i32
      %add3A_102 = arith.constant 8 : i32
      %add3A_103 = arith.addi %add3A_101, %add3A_102 : i32
      %slice3A_104 = vector.extract_strided_slice %get3A_14 {offsets = [8], sizes = [1], strides = [1]} : vector<16xi32> to vector<1xi32>
      %squeeze3A_105 = vector.extract %slice3A_104[0] : i32 from vector<1xi32>
      %add3A_106 = arith.addi %mul3A_2, %add3A_103 : i32
      %dma_start3A_107 = arith.constant 0 : i32
      %dma_start3A_108 = tpu.memref_slice %arg4[%add3A_106, %dma_start3A_107] : memref<16384x32xf32, #tpu.memory_space<hbm>> -> memref<1x32xf32, #tpu.memory_space<hbm>>
      %dma_start3A_109 = arith.constant 0 : i32
      %dma_start3A_110 = tpu.memref_slice %arg3[%squeeze3A_105, %dma_start3A_109] : memref<1000000x32xf32, #tpu.memory_space<hbm>> -> memref<1x32xf32, #tpu.memory_space<hbm>>
      tpu.enqueue_dma source(%dma_start3A_110 : memref<1x32xf32, #tpu.memory_space<hbm>>) target(%dma_start3A_108 : memref<1x32xf32, #tpu.memory_space<hbm>>) target_semaphore(%arg6 : memref<!tpu.dma_semaphore, #tpu.memory_space<semaphore_mem>>)
      %add3A_111 = arith.constant 0 : i32
      %add3A_112 = arith.addi %mul3A_10, %add3A_111 : i32
      %add3A_113 = arith.constant 9 : i32
      %add3A_114 = arith.addi %add3A_112, %add3A_113 : i32
      %slice3A_115 = vector.extract_strided_slice %get3A_14 {offsets = [9], sizes = [1], strides = [1]} : vector<16xi32> to vector<1xi32>
      %squeeze3A_116 = vector.extract %slice3A_115[0] : i32 from vector<1xi32>
      %add3A_117 = arith.addi %mul3A_2, %add3A_114 : i32
      %dma_start3A_118 = arith.constant 0 : i32
      %dma_start3A_119 = tpu.memref_slice %arg4[%add3A_117, %dma_start3A_118] : memref<16384x32xf32, #tpu.memory_space<hbm>> -> memref<1x32xf32, #tpu.memory_space<hbm>>
      %dma_start3A_120 = arith.constant 0 : i32
      %dma_start3A_121 = tpu.memref_slice %arg3[%squeeze3A_116, %dma_start3A_120] : memref<1000000x32xf32, #tpu.memory_space<hbm>> -> memref<1x32xf32, #tpu.memory_space<hbm>>
      tpu.enqueue_dma source(%dma_start3A_121 : memref<1x32xf32, #tpu.memory_space<hbm>>) target(%dma_start3A_119 : memref<1x32xf32, #tpu.memory_space<hbm>>) target_semaphore(%arg6 : memref<!tpu.dma_semaphore, #tpu.memory_space<semaphore_mem>>)
      %add3A_122 = arith.constant 0 : i32
      %add3A_123 = arith.addi %mul3A_10, %add3A_122 : i32
      %add3A_124 = arith.constant 10 : i32
      %add3A_125 = arith.addi %add3A_123, %add3A_124 : i32
      %slice3A_126 = vector.extract_strided_slice %get3A_14 {offsets = [10], sizes = [1], strides = [1]} : vector<16xi32> to vector<1xi32>
      %squeeze3A_127 = vector.extract %slice3A_126[0] : i32 from vector<1xi32>
      %add3A_128 = arith.addi %mul3A_2, %add3A_125 : i32
      %dma_start3A_129 = arith.constant 0 : i32
      %dma_start3A_130 = tpu.memref_slice %arg4[%add3A_128, %dma_start3A_129] : memref<16384x32xf32, #tpu.memory_space<hbm>> -> memref<1x32xf32, #tpu.memory_space<hbm>>
      %dma_start3A_131 = arith.constant 0 : i32
      %dma_start3A_132 = tpu.memref_slice %arg3[%squeeze3A_127, %dma_start3A_131] : memref<1000000x32xf32, #tpu.memory_space<hbm>> -> memref<1x32xf32, #tpu.memory_space<hbm>>
      tpu.enqueue_dma source(%dma_start3A_132 : memref<1x32xf32, #tpu.memory_space<hbm>>) target(%dma_start3A_130 : memref<1x32xf32, #tpu.memory_space<hbm>>) target_semaphore(%arg6 : memref<!tpu.dma_semaphore, #tpu.memory_space<semaphore_mem>>)
      %add3A_133 = arith.constant 0 : i32
      %add3A_134 = arith.addi %mul3A_10, %add3A_133 : i32
      %add3A_135 = arith.constant 11 : i32
      %add3A_136 = arith.addi %add3A_134, %add3A_135 : i32
      %slice3A_137 = vector.extract_strided_slice %get3A_14 {offsets = [11], sizes = [1], strides = [1]} : vector<16xi32> to vector<1xi32>
      %squeeze3A_138 = vector.extract %slice3A_137[0] : i32 from vector<1xi32>
      %add3A_139 = arith.addi %mul3A_2, %add3A_136 : i32
      %dma_start3A_140 = arith.constant 0 : i32
      %dma_start3A_141 = tpu.memref_slice %arg4[%add3A_139, %dma_start3A_140] : memref<16384x32xf32, #tpu.memory_space<hbm>> -> memref<1x32xf32, #tpu.memory_space<hbm>>
      %dma_start3A_142 = arith.constant 0 : i32
      %dma_start3A_143 = tpu.memref_slice %arg3[%squeeze3A_138, %dma_start3A_142] : memref<1000000x32xf32, #tpu.memory_space<hbm>> -> memref<1x32xf32, #tpu.memory_space<hbm>>
      tpu.enqueue_dma source(%dma_start3A_143 : memref<1x32xf32, #tpu.memory_space<hbm>>) target(%dma_start3A_141 : memref<1x32xf32, #tpu.memory_space<hbm>>) target_semaphore(%arg6 : memref<!tpu.dma_semaphore, #tpu.memory_space<semaphore_mem>>)
      %add3A_144 = arith.constant 0 : i32
      %add3A_145 = arith.addi %mul3A_10, %add3A_144 : i32
      %add3A_146 = arith.constant 12 : i32
      %add3A_147 = arith.addi %add3A_145, %add3A_146 : i32
      %slice3A_148 = vector.extract_strided_slice %get3A_14 {offsets = [12], sizes = [1], strides = [1]} : vector<16xi32> to vector<1xi32>
      %squeeze3A_149 = vector.extract %slice3A_148[0] : i32 from vector<1xi32>
      %add3A_150 = arith.addi %mul3A_2, %add3A_147 : i32
      %dma_start3A_151 = arith.constant 0 : i32
      %dma_start3A_152 = tpu.memref_slice %arg4[%add3A_150, %dma_start3A_151] : memref<16384x32xf32, #tpu.memory_space<hbm>> -> memref<1x32xf32, #tpu.memory_space<hbm>>
      %dma_start3A_153 = arith.constant 0 : i32
      %dma_start3A_154 = tpu.memref_slice %arg3[%squeeze3A_149, %dma_start3A_153] : memref<1000000x32xf32, #tpu.memory_space<hbm>> -> memref<1x32xf32, #tpu.memory_space<hbm>>
      tpu.enqueue_dma source(%dma_start3A_154 : memref<1x32xf32, #tpu.memory_space<hbm>>) target(%dma_start3A_152 : memref<1x32xf32, #tpu.memory_space<hbm>>) target_semaphore(%arg6 : memref<!tpu.dma_semaphore, #tpu.memory_space<semaphore_mem>>)
      %add3A_155 = arith.constant 0 : i32
      %add3A_156 = arith.addi %mul3A_10, %add3A_155 : i32
      %add3A_157 = arith.constant 13 : i32
      %add3A_158 = arith.addi %add3A_156, %add3A_157 : i32
      %slice3A_159 = vector.extract_strided_slice %get3A_14 {offsets = [13], sizes = [1], strides = [1]} : vector<16xi32> to vector<1xi32>
      %squeeze3A_160 = vector.extract %slice3A_159[0] : i32 from vector<1xi32>
      %add3A_161 = arith.addi %mul3A_2, %add3A_158 : i32
      %dma_start3A_162 = arith.constant 0 : i32
      %dma_start3A_163 = tpu.memref_slice %arg4[%add3A_161, %dma_start3A_162] : memref<16384x32xf32, #tpu.memory_space<hbm>> -> memref<1x32xf32, #tpu.memory_space<hbm>>
      %dma_start3A_164 = arith.constant 0 : i32
      %dma_start3A_165 = tpu.memref_slice %arg3[%squeeze3A_160, %dma_start3A_164] : memref<1000000x32xf32, #tpu.memory_space<hbm>> -> memref<1x32xf32, #tpu.memory_space<hbm>>
      tpu.enqueue_dma source(%dma_start3A_165 : memref<1x32xf32, #tpu.memory_space<hbm>>) target(%dma_start3A_163 : memref<1x32xf32, #tpu.memory_space<hbm>>) target_semaphore(%arg6 : memref<!tpu.dma_semaphore, #tpu.memory_space<semaphore_mem>>)
      %add3A_166 = arith.constant 0 : i32
      %add3A_167 = arith.addi %mul3A_10, %add3A_166 : i32
      %add3A_168 = arith.constant 14 : i32
      %add3A_169 = arith.addi %add3A_167, %add3A_168 : i32
      %slice3A_170 = vector.extract_strided_slice %get3A_14 {offsets = [14], sizes = [1], strides = [1]} : vector<16xi32> to vector<1xi32>
      %squeeze3A_171 = vector.extract %slice3A_170[0] : i32 from vector<1xi32>
      %add3A_172 = arith.addi %mul3A_2, %add3A_169 : i32
      %dma_start3A_173 = arith.constant 0 : i32
      %dma_start3A_174 = tpu.memref_slice %arg4[%add3A_172, %dma_start3A_173] : memref<16384x32xf32, #tpu.memory_space<hbm>> -> memref<1x32xf32, #tpu.memory_space<hbm>>
      %dma_start3A_175 = arith.constant 0 : i32
      %dma_start3A_176 = tpu.memref_slice %arg3[%squeeze3A_171, %dma_start3A_175] : memref<1000000x32xf32, #tpu.memory_space<hbm>> -> memref<1x32xf32, #tpu.memory_space<hbm>>
      tpu.enqueue_dma source(%dma_start3A_176 : memref<1x32xf32, #tpu.memory_space<hbm>>) target(%dma_start3A_174 : memref<1x32xf32, #tpu.memory_space<hbm>>) target_semaphore(%arg6 : memref<!tpu.dma_semaphore, #tpu.memory_space<semaphore_mem>>)
      %add3A_177 = arith.constant 0 : i32
      %add3A_178 = arith.addi %mul3A_10, %add3A_177 : i32
      %add3A_179 = arith.constant 15 : i32
      %add3A_180 = arith.addi %add3A_178, %add3A_179 : i32
      %slice3A_181 = vector.extract_strided_slice %get3A_14 {offsets = [15], sizes = [1], strides = [1]} : vector<16xi32> to vector<1xi32>
      %squeeze3A_182 = vector.extract %slice3A_181[0] : i32 from vector<1xi32>
      %add3A_183 = arith.addi %mul3A_2, %add3A_180 : i32
      %dma_start3A_184 = arith.constant 0 : i32
      %dma_start3A_185 = tpu.memref_slice %arg4[%add3A_183, %dma_start3A_184] : memref<16384x32xf32, #tpu.memory_space<hbm>> -> memref<1x32xf32, #tpu.memory_space<hbm>>
      %dma_start3A_186 = arith.constant 0 : i32
      %dma_start3A_187 = tpu.memref_slice %arg3[%squeeze3A_182, %dma_start3A_186] : memref<1000000x32xf32, #tpu.memory_space<hbm>> -> memref<1x32xf32, #tpu.memory_space<hbm>>
      tpu.enqueue_dma source(%dma_start3A_187 : memref<1x32xf32, #tpu.memory_space<hbm>>) target(%dma_start3A_185 : memref<1x32xf32, #tpu.memory_space<hbm>>) target_semaphore(%arg6 : memref<!tpu.dma_semaphore, #tpu.memory_space<semaphore_mem>>)
      %add3A_188 = arith.constant 16 : i32
      %add3A_189 = arith.addi %mul3A_10, %add3A_188 : i32
      %get3A_190 = arith.index_cast %add3A_189 : i32 to index
      %get3A_191 = tpu.vector_load %arg5[%get3A_190] {strides = array<i32>} : memref<512xi32, #tpu.memory_space<vmem>>, vector<16xi32>,
      %get3A_192 = vector.shape_cast %get3A_191 : vector<16xi32> to vector<16xi32>
      %add3A_193 = arith.constant 16 : i32
      %add3A_194 = arith.addi %mul3A_10, %add3A_193 : i32
      %add3A_195 = arith.constant 0 : i32
      %add3A_196 = arith.addi %add3A_194, %add3A_195 : i32
      %slice3A_197 = vector.extract_strided_slice %get3A_192 {offsets = [0], sizes = [1], strides = [1]} : vector<16xi32> to vector<1xi32>
      %squeeze3A_198 = vector.extract %slice3A_197[0] : i32 from vector<1xi32>
      %add3A_199 = arith.addi %mul3A_2, %add3A_196 : i32
      %dma_start3A_200 = arith.constant 0 : i32
      %dma_start3A_201 = tpu.memref_slice %arg4[%add3A_199, %dma_start3A_200] : memref<16384x32xf32, #tpu.memory_space<hbm>> -> memref<1x32xf32, #tpu.memory_space<hbm>>
      %dma_start3A_202 = arith.constant 0 : i32
      %dma_start3A_203 = tpu.memref_slice %arg3[%squeeze3A_198, %dma_start3A_202] : memref<1000000x32xf32, #tpu.memory_space<hbm>> -> memref<1x32xf32, #tpu.memory_space<hbm>>
      tpu.enqueue_dma source(%dma_start3A_203 : memref<1x32xf32, #tpu.memory_space<hbm>>) target(%dma_start3A_201 : memref<1x32xf32, #tpu.memory_space<hbm>>) target_semaphore(%arg6 : memref<!tpu.dma_semaphore, #tpu.memory_space<semaphore_mem>>)
      %add3A_204 = arith.constant 16 : i32
      %add3A_205 = arith.addi %mul3A_10, %add3A_204 : i32
      %add3A_206 = arith.constant 1 : i32
      %add3A_207 = arith.addi %add3A_205, %add3A_206 : i32
      %slice3A_208 = vector.extract_strided_slice %get3A_192 {offsets = [1], sizes = [1], strides = [1]} : vector<16xi32> to vector<1xi32>
      %squeeze3A_209 = vector.extract %slice3A_208[0] : i32 from vector<1xi32>
      %add3A_210 = arith.addi %mul3A_2, %add3A_207 : i32
      %dma_start3A_211 = arith.constant 0 : i32
      %dma_start3A_212 = tpu.memref_slice %arg4[%add3A_210, %dma_start3A_211] : memref<16384x32xf32, #tpu.memory_space<hbm>> -> memref<1x32xf32, #tpu.memory_space<hbm>>
      %dma_start3A_213 = arith.constant 0 : i32
      %dma_start3A_214 = tpu.memref_slice %arg3[%squeeze3A_209, %dma_start3A_213] : memref<1000000x32xf32, #tpu.memory_space<hbm>> -> memref<1x32xf32, #tpu.memory_space<hbm>>
      tpu.enqueue_dma source(%dma_start3A_214 : memref<1x32xf32, #tpu.memory_space<hbm>>) target(%dma_start3A_212 : memref<1x32xf32, #tpu.memory_space<hbm>>) target_semaphore(%arg6 : memref<!tpu.dma_semaphore, #tpu.memory_space<semaphore_mem>>)
      %add3A_215 = arith.constant 16 : i32
      %add3A_216 = arith.addi %mul3A_10, %add3A_215 : i32
      %add3A_217 = arith.constant 2 : i32
      %add3A_218 = arith.addi %add3A_216, %add3A_217 : i32
      %slice3A_219 = vector.extract_strided_slice %get3A_192 {offsets = [2], sizes = [1], strides = [1]} : vector<16xi32> to vector<1xi32>
      %squeeze3A_220 = vector.extract %slice3A_219[0] : i32 from vector<1xi32>
      %add3A_221 = arith.addi %mul3A_2, %add3A_218 : i32
      %dma_start3A_222 = arith.constant 0 : i32
      %dma_start3A_223 = tpu.memref_slice %arg4[%add3A_221, %dma_start3A_222] : memref<16384x32xf32, #tpu.memory_space<hbm>> -> memref<1x32xf32, #tpu.memory_space<hbm>>
      %dma_start3A_224 = arith.constant 0 : i32
      %dma_start3A_225 = tpu.memref_slice %arg3[%squeeze3A_220, %dma_start3A_224] : memref<1000000x32xf32, #tpu.memory_space<hbm>> -> memref<1x32xf32, #tpu.memory_space<hbm>>
      tpu.enqueue_dma source(%dma_start3A_225 : memref<1x32xf32, #tpu.memory_space<hbm>>) target(%dma_start3A_223 : memref<1x32xf32, #tpu.memory_space<hbm>>) target_semaphore(%arg6 : memref<!tpu.dma_semaphore, #tpu.memory_space<semaphore_mem>>)
      %add3A_226 = arith.constant 16 : i32
      %add3A_227 = arith.addi %mul3A_10, %add3A_226 : i32
      %add3A_228 = arith.constant 3 : i32
      %add3A_229 = arith.addi %add3A_227, %add3A_228 : i32
      %slice3A_230 = vector.extract_strided_slice %get3A_192 {offsets = [3], sizes = [1], strides = [1]} : vector<16xi32> to vector<1xi32>
      %squeeze3A_231 = vector.extract %slice3A_230[0] : i32 from vector<1xi32>
      %add3A_232 = arith.addi %mul3A_2, %add3A_229 : i32
      %dma_start3A_233 = arith.constant 0 : i32
      %dma_start3A_234 = tpu.memref_slice %arg4[%add3A_232, %dma_start3A_233] : memref<16384x32xf32, #tpu.memory_space<hbm>> -> memref<1x32xf32, #tpu.memory_space<hbm>>
      %dma_start3A_235 = arith.constant 0 : i32
      %dma_start3A_236 = tpu.memref_slice %arg3[%squeeze3A_231, %dma_start3A_235] : memref<1000000x32xf32, #tpu.memory_space<hbm>> -> memref<1x32xf32, #tpu.memory_space<hbm>>
      tpu.enqueue_dma source(%dma_start3A_236 : memref<1x32xf32, #tpu.memory_space<hbm>>) target(%dma_start3A_234 : memref<1x32xf32, #tpu.memory_space<hbm>>) target_semaphore(%arg6 : memref<!tpu.dma_semaphore, #tpu.memory_space<semaphore_mem>>)
      %add3A_237 = arith.constant 16 : i32
      %add3A_238 = arith.addi %mul3A_10, %add3A_237 : i32
      %add3A_239 = arith.constant 4 : i32
      %add3A_240 = arith.addi %add3A_238, %add3A_239 : i32
      %slice3A_241 = vector.extract_strided_slice %get3A_192 {offsets = [4], sizes = [1], strides = [1]} : vector<16xi32> to vector<1xi32>
      %squeeze3A_242 = vector.extract %slice3A_241[0] : i32 from vector<1xi32>
      %add3A_243 = arith.addi %mul3A_2, %add3A_240 : i32
      %dma_start3A_244 = arith.constant 0 : i32
      %dma_start3A_245 = tpu.memref_slice %arg4[%add3A_243, %dma_start3A_244] : memref<16384x32xf32, #tpu.memory_space<hbm>> -> memref<1x32xf32, #tpu.memory_space<hbm>>
      %dma_start3A_246 = arith.constant 0 : i32
      %dma_start3A_247 = tpu.memref_slice %arg3[%squeeze3A_242, %dma_start3A_246] : memref<1000000x32xf32, #tpu.memory_space<hbm>> -> memref<1x32xf32, #tpu.memory_space<hbm>>
      tpu.enqueue_dma source(%dma_start3A_247 : memref<1x32xf32, #tpu.memory_space<hbm>>) target(%dma_start3A_245 : memref<1x32xf32, #tpu.memory_space<hbm>>) target_semaphore(%arg6 : memref<!tpu.dma_semaphore, #tpu.memory_space<semaphore_mem>>)
      %add3A_248 = arith.constant 16 : i32
      %add3A_249 = arith.addi %mul3A_10, %add3A_248 : i32
      %add3A_250 = arith.constant 5 : i32
      %add3A_251 = arith.addi %add3A_249, %add3A_250 : i32
      %slice3A_252 = vector.extract_strided_slice %get3A_192 {offsets = [5], sizes = [1], strides = [1]} : vector<16xi32> to vector<1xi32>
      %squeeze3A_253 = vector.extract %slice3A_252[0] : i32 from vector<1xi32>
      %add3A_254 = arith.addi %mul3A_2, %add3A_251 : i32
      %dma_start3A_255 = arith.constant 0 : i32
      %dma_start3A_256 = tpu.memref_slice %arg4[%add3A_254, %dma_start3A_255] : memref<16384x32xf32, #tpu.memory_space<hbm>> -> memref<1x32xf32, #tpu.memory_space<hbm>>
      %dma_start3A_257 = arith.constant 0 : i32
      %dma_start3A_258 = tpu.memref_slice %arg3[%squeeze3A_253, %dma_start3A_257] : memref<1000000x32xf32, #tpu.memory_space<hbm>> -> memref<1x32xf32, #tpu.memory_space<hbm>>
      tpu.enqueue_dma source(%dma_start3A_258 : memref<1x32xf32, #tpu.memory_space<hbm>>) target(%dma_start3A_256 : memref<1x32xf32, #tpu.memory_space<hbm>>) target_semaphore(%arg6 : memref<!tpu.dma_semaphore, #tpu.memory_space<semaphore_mem>>)
      %add3A_259 = arith.constant 16 : i32
      %add3A_260 = arith.addi %mul3A_10, %add3A_259 : i32
      %add3A_261 = arith.constant 6 : i32
      %add3A_262 = arith.addi %add3A_260, %add3A_261 : i32
      %slice3A_263 = vector.extract_strided_slice %get3A_192 {offsets = [6], sizes = [1], strides = [1]} : vector<16xi32> to vector<1xi32>
      %squeeze3A_264 = vector.extract %slice3A_263[0] : i32 from vector<1xi32>
      %add3A_265 = arith.addi %mul3A_2, %add3A_262 : i32
      %dma_start3A_266 = arith.constant 0 : i32
      %dma_start3A_267 = tpu.memref_slice %arg4[%add3A_265, %dma_start3A_266] : memref<16384x32xf32, #tpu.memory_space<hbm>> -> memref<1x32xf32, #tpu.memory_space<hbm>>
      %dma_start3A_268 = arith.constant 0 : i32
      %dma_start3A_269 = tpu.memref_slice %arg3[%squeeze3A_264, %dma_start3A_268] : memref<1000000x32xf32, #tpu.memory_space<hbm>> -> memref<1x32xf32, #tpu.memory_space<hbm>>
      tpu.enqueue_dma source(%dma_start3A_269 : memref<1x32xf32, #tpu.memory_space<hbm>>) target(%dma_start3A_267 : memref<1x32xf32, #tpu.memory_space<hbm>>) target_semaphore(%arg6 : memref<!tpu.dma_semaphore, #tpu.memory_space<semaphore_mem>>)
      %add3A_270 = arith.constant 16 : i32
      %add3A_271 = arith.addi %mul3A_10, %add3A_270 : i32
      %add3A_272 = arith.constant 7 : i32
      %add3A_273 = arith.addi %add3A_271, %add3A_272 : i32
      %slice3A_274 = vector.extract_strided_slice %get3A_192 {offsets = [7], sizes = [1], strides = [1]} : vector<16xi32> to vector<1xi32>
      %squeeze3A_275 = vector.extract %slice3A_274[0] : i32 from vector<1xi32>
      %add3A_276 = arith.addi %mul3A_2, %add3A_273 : i32
      %dma_start3A_277 = arith.constant 0 : i32
      %dma_start3A_278 = tpu.memref_slice %arg4[%add3A_276, %dma_start3A_277] : memref<16384x32xf32, #tpu.memory_space<hbm>> -> memref<1x32xf32, #tpu.memory_space<hbm>>
      %dma_start3A_279 = arith.constant 0 : i32
      %dma_start3A_280 = tpu.memref_slice %arg3[%squeeze3A_275, %dma_start3A_279] : memref<1000000x32xf32, #tpu.memory_space<hbm>> -> memref<1x32xf32, #tpu.memory_space<hbm>>
      tpu.enqueue_dma source(%dma_start3A_280 : memref<1x32xf32, #tpu.memory_space<hbm>>) target(%dma_start3A_278 : memref<1x32xf32, #tpu.memory_space<hbm>>) target_semaphore(%arg6 : memref<!tpu.dma_semaphore, #tpu.memory_space<semaphore_mem>>)
      %add3A_281 = arith.constant 16 : i32
      %add3A_282 = arith.addi %mul3A_10, %add3A_281 : i32
      %add3A_283 = arith.constant 8 : i32
      %add3A_284 = arith.addi %add3A_282, %add3A_283 : i32
      %slice3A_285 = vector.extract_strided_slice %get3A_192 {offsets = [8], sizes = [1], strides = [1]} : vector<16xi32> to vector<1xi32>
      %squeeze3A_286 = vector.extract %slice3A_285[0] : i32 from vector<1xi32>
      %add3A_287 = arith.addi %mul3A_2, %add3A_284 : i32
      %dma_start3A_288 = arith.constant 0 : i32
      %dma_start3A_289 = tpu.memref_slice %arg4[%add3A_287, %dma_start3A_288] : memref<16384x32xf32, #tpu.memory_space<hbm>> -> memref<1x32xf32, #tpu.memory_space<hbm>>
      %dma_start3A_290 = arith.constant 0 : i32
      %dma_start3A_291 = tpu.memref_slice %arg3[%squeeze3A_286, %dma_start3A_290] : memref<1000000x32xf32, #tpu.memory_space<hbm>> -> memref<1x32xf32, #tpu.memory_space<hbm>>
      tpu.enqueue_dma source(%dma_start3A_291 : memref<1x32xf32, #tpu.memory_space<hbm>>) target(%dma_start3A_289 : memref<1x32xf32, #tpu.memory_space<hbm>>) target_semaphore(%arg6 : memref<!tpu.dma_semaphore, #tpu.memory_space<semaphore_mem>>)
      %add3A_292 = arith.constant 16 : i32
      %add3A_293 = arith.addi %mul3A_10, %add3A_292 : i32
      %add3A_294 = arith.constant 9 : i32
      %add3A_295 = arith.addi %add3A_293, %add3A_294 : i32
      %slice3A_296 = vector.extract_strided_slice %get3A_192 {offsets = [9], sizes = [1], strides = [1]} : vector<16xi32> to vector<1xi32>
      %squeeze3A_297 = vector.extract %slice3A_296[0] : i32 from vector<1xi32>
      %add3A_298 = arith.addi %mul3A_2, %add3A_295 : i32
      %dma_start3A_299 = arith.constant 0 : i32
      %dma_start3A_300 = tpu.memref_slice %arg4[%add3A_298, %dma_start3A_299] : memref<16384x32xf32, #tpu.memory_space<hbm>> -> memref<1x32xf32, #tpu.memory_space<hbm>>
      %dma_start3A_301 = arith.constant 0 : i32
      %dma_start3A_302 = tpu.memref_slice %arg3[%squeeze3A_297, %dma_start3A_301] : memref<1000000x32xf32, #tpu.memory_space<hbm>> -> memref<1x32xf32, #tpu.memory_space<hbm>>
      tpu.enqueue_dma source(%dma_start3A_302 : memref<1x32xf32, #tpu.memory_space<hbm>>) target(%dma_start3A_300 : memref<1x32xf32, #tpu.memory_space<hbm>>) target_semaphore(%arg6 : memref<!tpu.dma_semaphore, #tpu.memory_space<semaphore_mem>>)
      %add3A_303 = arith.constant 16 : i32
      %add3A_304 = arith.addi %mul3A_10, %add3A_303 : i32
      %add3A_305 = arith.constant 10 : i32
      %add3A_306 = arith.addi %add3A_304, %add3A_305 : i32
      %slice3A_307 = vector.extract_strided_slice %get3A_192 {offsets = [10], sizes = [1], strides = [1]} : vector<16xi32> to vector<1xi32>
      %squeeze3A_308 = vector.extract %slice3A_307[0] : i32 from vector<1xi32>
      %add3A_309 = arith.addi %mul3A_2, %add3A_306 : i32
      %dma_start3A_310 = arith.constant 0 : i32
      %dma_start3A_311 = tpu.memref_slice %arg4[%add3A_309, %dma_start3A_310] : memref<16384x32xf32, #tpu.memory_space<hbm>> -> memref<1x32xf32, #tpu.memory_space<hbm>>
      %dma_start3A_312 = arith.constant 0 : i32
      %dma_start3A_313 = tpu.memref_slice %arg3[%squeeze3A_308, %dma_start3A_312] : memref<1000000x32xf32, #tpu.memory_space<hbm>> -> memref<1x32xf32, #tpu.memory_space<hbm>>
      tpu.enqueue_dma source(%dma_start3A_313 : memref<1x32xf32, #tpu.memory_space<hbm>>) target(%dma_start3A_311 : memref<1x32xf32, #tpu.memory_space<hbm>>) target_semaphore(%arg6 : memref<!tpu.dma_semaphore, #tpu.memory_space<semaphore_mem>>)
      %add3A_314 = arith.constant 16 : i32
      %add3A_315 = arith.addi %mul3A_10, %add3A_314 : i32
      %add3A_316 = arith.constant 11 : i32
      %add3A_317 = arith.addi %add3A_315, %add3A_316 : i32
      %slice3A_318 = vector.extract_strided_slice %get3A_192 {offsets = [11], sizes = [1], strides = [1]} : vector<16xi32> to vector<1xi32>
      %squeeze3A_319 = vector.extract %slice3A_318[0] : i32 from vector<1xi32>
      %add3A_320 = arith.addi %mul3A_2, %add3A_317 : i32
      %dma_start3A_321 = arith.constant 0 : i32
      %dma_start3A_322 = tpu.memref_slice %arg4[%add3A_320, %dma_start3A_321] : memref<16384x32xf32, #tpu.memory_space<hbm>> -> memref<1x32xf32, #tpu.memory_space<hbm>>
      %dma_start3A_323 = arith.constant 0 : i32
      %dma_start3A_324 = tpu.memref_slice %arg3[%squeeze3A_319, %dma_start3A_323] : memref<1000000x32xf32, #tpu.memory_space<hbm>> -> memref<1x32xf32, #tpu.memory_space<hbm>>
      tpu.enqueue_dma source(%dma_start3A_324 : memref<1x32xf32, #tpu.memory_space<hbm>>) target(%dma_start3A_322 : memref<1x32xf32, #tpu.memory_space<hbm>>) target_semaphore(%arg6 : memref<!tpu.dma_semaphore, #tpu.memory_space<semaphore_mem>>)
      %add3A_325 = arith.constant 16 : i32
      %add3A_326 = arith.addi %mul3A_10, %add3A_325 : i32
      %add3A_327 = arith.constant 12 : i32
      %add3A_328 = arith.addi %add3A_326, %add3A_327 : i32
      %slice3A_329 = vector.extract_strided_slice %get3A_192 {offsets = [12], sizes = [1], strides = [1]} : vector<16xi32> to vector<1xi32>
      %squeeze3A_330 = vector.extract %slice3A_329[0] : i32 from vector<1xi32>
      %add3A_331 = arith.addi %mul3A_2, %add3A_328 : i32
      %dma_start3A_332 = arith.constant 0 : i32
      %dma_start3A_333 = tpu.memref_slice %arg4[%add3A_331, %dma_start3A_332] : memref<16384x32xf32, #tpu.memory_space<hbm>> -> memref<1x32xf32, #tpu.memory_space<hbm>>
      %dma_start3A_334 = arith.constant 0 : i32
      %dma_start3A_335 = tpu.memref_slice %arg3[%squeeze3A_330, %dma_start3A_334] : memref<1000000x32xf32, #tpu.memory_space<hbm>> -> memref<1x32xf32, #tpu.memory_space<hbm>>
      tpu.enqueue_dma source(%dma_start3A_335 : memref<1x32xf32, #tpu.memory_space<hbm>>) target(%dma_start3A_333 : memref<1x32xf32, #tpu.memory_space<hbm>>) target_semaphore(%arg6 : memref<!tpu.dma_semaphore, #tpu.memory_space<semaphore_mem>>)
      %add3A_336 = arith.constant 16 : i32
      %add3A_337 = arith.addi %mul3A_10, %add3A_336 : i32
      %add3A_338 = arith.constant 13 : i32
      %add3A_339 = arith.addi %add3A_337, %add3A_338 : i32
      %slice3A_340 = vector.extract_strided_slice %get3A_192 {offsets = [13], sizes = [1], strides = [1]} : vector<16xi32> to vector<1xi32>
      %squeeze3A_341 = vector.extract %slice3A_340[0] : i32 from vector<1xi32>
      %add3A_342 = arith.addi %mul3A_2, %add3A_339 : i32
      %dma_start3A_343 = arith.constant 0 : i32
      %dma_start3A_344 = tpu.memref_slice %arg4[%add3A_342, %dma_start3A_343] : memref<16384x32xf32, #tpu.memory_space<hbm>> -> memref<1x32xf32, #tpu.memory_space<hbm>>
      %dma_start3A_345 = arith.constant 0 : i32
      %dma_start3A_346 = tpu.memref_slice %arg3[%squeeze3A_341, %dma_start3A_345] : memref<1000000x32xf32, #tpu.memory_space<hbm>> -> memref<1x32xf32, #tpu.memory_space<hbm>>
      tpu.enqueue_dma source(%dma_start3A_346 : memref<1x32xf32, #tpu.memory_space<hbm>>) target(%dma_start3A_344 : memref<1x32xf32, #tpu.memory_space<hbm>>) target_semaphore(%arg6 : memref<!tpu.dma_semaphore, #tpu.memory_space<semaphore_mem>>)
      %add3A_347 = arith.constant 16 : i32
      %add3A_348 = arith.addi %mul3A_10, %add3A_347 : i32
      %add3A_349 = arith.constant 14 : i32
      %add3A_350 = arith.addi %add3A_348, %add3A_349 : i32
      %slice3A_351 = vector.extract_strided_slice %get3A_192 {offsets = [14], sizes = [1], strides = [1]} : vector<16xi32> to vector<1xi32>
      %squeeze3A_352 = vector.extract %slice3A_351[0] : i32 from vector<1xi32>
      %add3A_353 = arith.addi %mul3A_2, %add3A_350 : i32
      %dma_start3A_354 = arith.constant 0 : i32
      %dma_start3A_355 = tpu.memref_slice %arg4[%add3A_353, %dma_start3A_354] : memref<16384x32xf32, #tpu.memory_space<hbm>> -> memref<1x32xf32, #tpu.memory_space<hbm>>
      %dma_start3A_356 = arith.constant 0 : i32
      %dma_start3A_357 = tpu.memref_slice %arg3[%squeeze3A_352, %dma_start3A_356] : memref<1000000x32xf32, #tpu.memory_space<hbm>> -> memref<1x32xf32, #tpu.memory_space<hbm>>
      tpu.enqueue_dma source(%dma_start3A_357 : memref<1x32xf32, #tpu.memory_space<hbm>>) target(%dma_start3A_355 : memref<1x32xf32, #tpu.memory_space<hbm>>) target_semaphore(%arg6 : memref<!tpu.dma_semaphore, #tpu.memory_space<semaphore_mem>>)
      %add3A_358 = arith.constant 16 : i32
      %add3A_359 = arith.addi %mul3A_10, %add3A_358 : i32
      %add3A_360 = arith.constant 15 : i32
      %add3A_361 = arith.addi %add3A_359, %add3A_360 : i32
      %slice3A_362 = vector.extract_strided_slice %get3A_192 {offsets = [15], sizes = [1], strides = [1]} : vector<16xi32> to vector<1xi32>
      %squeeze3A_363 = vector.extract %slice3A_362[0] : i32 from vector<1xi32>
      %add3A_364 = arith.addi %mul3A_2, %add3A_361 : i32
      %dma_start3A_365 = arith.constant 0 : i32
      %dma_start3A_366 = tpu.memref_slice %arg4[%add3A_364, %dma_start3A_365] : memref<16384x32xf32, #tpu.memory_space<hbm>> -> memref<1x32xf32, #tpu.memory_space<hbm>>
      %dma_start3A_367 = arith.constant 0 : i32
      %dma_start3A_368 = tpu.memref_slice %arg3[%squeeze3A_363, %dma_start3A_367] : memref<1000000x32xf32, #tpu.memory_space<hbm>> -> memref<1x32xf32, #tpu.memory_space<hbm>>
      tpu.enqueue_dma source(%dma_start3A_368 : memref<1x32xf32, #tpu.memory_space<hbm>>) target(%dma_start3A_366 : memref<1x32xf32, #tpu.memory_space<hbm>>) target_semaphore(%arg6 : memref<!tpu.dma_semaphore, #tpu.memory_space<semaphore_mem>>)
      %dma_wait3A = arith.constant 0 : i32
      %dma_wait3A_369 = tpu.memref_slice %arg4[%add3A_19, %dma_wait3A] : memref<16384x32xf32, #tpu.memory_space<hbm>> -> memref<1x32xf32, #tpu.memory_space<hbm>>
      %dma_wait3A_370 = arith.constant 0 : i32
      %dma_wait3A_371 = tpu.memref_slice %arg3[%squeeze3A, %dma_wait3A_370] : memref<1000000x32xf32, #tpu.memory_space<hbm>> -> memref<1x32xf32, #tpu.memory_space<hbm>>
      tpu.wait_dma2 semaphore(%arg6 : memref<!tpu.dma_semaphore, #tpu.memory_space<semaphore_mem>>) src(%dma_wait3A_371 : memref<1x32xf32, #tpu.memory_space<hbm>>) dst(%dma_wait3A_369 : memref<1x32xf32, #tpu.memory_space<hbm>>)
      %dma_wait3A_372 = arith.constant 0 : i32
      %dma_wait3A_373 = tpu.memref_slice %arg4[%add3A_29, %dma_wait3A_372] : memref<16384x32xf32, #tpu.memory_space<hbm>> -> memref<1x32xf32, #tpu.memory_space<hbm>>
      %dma_wait3A_374 = arith.constant 0 : i32
      %dma_wait3A_375 = tpu.memref_slice %arg3[%squeeze3A_28, %dma_wait3A_374] : memref<1000000x32xf32, #tpu.memory_space<hbm>> -> memref<1x32xf32, #tpu.memory_space<hbm>>
      tpu.wait_dma2 semaphore(%arg6 : memref<!tpu.dma_semaphore, #tpu.memory_space<semaphore_mem>>) src(%dma_wait3A_375 : memref<1x32xf32, #tpu.memory_space<hbm>>) dst(%dma_wait3A_373 : memref<1x32xf32, #tpu.memory_space<hbm>>)
      %dma_wait3A_376 = arith.constant 0 : i32
      %dma_wait3A_377 = tpu.memref_slice %arg4[%add3A_40, %dma_wait3A_376] : memref<16384x32xf32, #tpu.memory_space<hbm>> -> memref<1x32xf32, #tpu.memory_space<hbm>>
      %dma_wait3A_378 = arith.constant 0 : i32
      %dma_wait3A_379 = tpu.memref_slice %arg3[%squeeze3A_39, %dma_wait3A_378] : memref<1000000x32xf32, #tpu.memory_space<hbm>> -> memref<1x32xf32, #tpu.memory_space<hbm>>
      tpu.wait_dma2 semaphore(%arg6 : memref<!tpu.dma_semaphore, #tpu.memory_space<semaphore_mem>>) src(%dma_wait3A_379 : memref<1x32xf32, #tpu.memory_space<hbm>>) dst(%dma_wait3A_377 : memref<1x32xf32, #tpu.memory_space<hbm>>)
      %dma_wait3A_380 = arith.constant 0 : i32
      %dma_wait3A_381 = tpu.memref_slice %arg4[%add3A_51, %dma_wait3A_380] : memref<16384x32xf32, #tpu.memory_space<hbm>> -> memref<1x32xf32, #tpu.memory_space<hbm>>
      %dma_wait3A_382 = arith.constant 0 : i32
      %dma_wait3A_383 = tpu.memref_slice %arg3[%squeeze3A_50, %dma_wait3A_382] : memref<1000000x32xf32, #tpu.memory_space<hbm>> -> memref<1x32xf32, #tpu.memory_space<hbm>>
      tpu.wait_dma2 semaphore(%arg6 : memref<!tpu.dma_semaphore, #tpu.memory_space<semaphore_mem>>) src(%dma_wait3A_383 : memref<1x32xf32, #tpu.memory_space<hbm>>) dst(%dma_wait3A_381 : memref<1x32xf32, #tpu.memory_space<hbm>>)
      %dma_wait3A_384 = arith.constant 0 : i32
      %dma_wait3A_385 = tpu.memref_slice %arg4[%add3A_62, %dma_wait3A_384] : memref<16384x32xf32, #tpu.memory_space<hbm>> -> memref<1x32xf32, #tpu.memory_space<hbm>>
      %dma_wait3A_386 = arith.constant 0 : i32
      %dma_wait3A_387 = tpu.memref_slice %arg3[%squeeze3A_61, %dma_wait3A_386] : memref<1000000x32xf32, #tpu.memory_space<hbm>> -> memref<1x32xf32, #tpu.memory_space<hbm>>
      tpu.wait_dma2 semaphore(%arg6 : memref<!tpu.dma_semaphore, #tpu.memory_space<semaphore_mem>>) src(%dma_wait3A_387 : memref<1x32xf32, #tpu.memory_space<hbm>>) dst(%dma_wait3A_385 : memref<1x32xf32, #tpu.memory_space<hbm>>)
      %dma_wait3A_388 = arith.constant 0 : i32
      %dma_wait3A_389 = tpu.memref_slice %arg4[%add3A_73, %dma_wait3A_388] : memref<16384x32xf32, #tpu.memory_space<hbm>> -> memref<1x32xf32, #tpu.memory_space<hbm>>
      %dma_wait3A_390 = arith.constant 0 : i32
      %dma_wait3A_391 = tpu.memref_slice %arg3[%squeeze3A_72, %dma_wait3A_390] : memref<1000000x32xf32, #tpu.memory_space<hbm>> -> memref<1x32xf32, #tpu.memory_space<hbm>>
      tpu.wait_dma2 semaphore(%arg6 : memref<!tpu.dma_semaphore, #tpu.memory_space<semaphore_mem>>) src(%dma_wait3A_391 : memref<1x32xf32, #tpu.memory_space<hbm>>) dst(%dma_wait3A_389 : memref<1x32xf32, #tpu.memory_space<hbm>>)
      %dma_wait3A_392 = arith.constant 0 : i32
      %dma_wait3A_393 = tpu.memref_slice %arg4[%add3A_84, %dma_wait3A_392] : memref<16384x32xf32, #tpu.memory_space<hbm>> -> memref<1x32xf32, #tpu.memory_space<hbm>>
      %dma_wait3A_394 = arith.constant 0 : i32
      %dma_wait3A_395 = tpu.memref_slice %arg3[%squeeze3A_83, %dma_wait3A_394] : memref<1000000x32xf32, #tpu.memory_space<hbm>> -> memref<1x32xf32, #tpu.memory_space<hbm>>
      tpu.wait_dma2 semaphore(%arg6 : memref<!tpu.dma_semaphore, #tpu.memory_space<semaphore_mem>>) src(%dma_wait3A_395 : memref<1x32xf32, #tpu.memory_space<hbm>>) dst(%dma_wait3A_393 : memref<1x32xf32, #tpu.memory_space<hbm>>)
      %dma_wait3A_396 = arith.constant 0 : i32
      %dma_wait3A_397 = tpu.memref_slice %arg4[%add3A_95, %dma_wait3A_396] : memref<16384x32xf32, #tpu.memory_space<hbm>> -> memref<1x32xf32, #tpu.memory_space<hbm>>
      %dma_wait3A_398 = arith.constant 0 : i32
      %dma_wait3A_399 = tpu.memref_slice %arg3[%squeeze3A_94, %dma_wait3A_398] : memref<1000000x32xf32, #tpu.memory_space<hbm>> -> memref<1x32xf32, #tpu.memory_space<hbm>>
      tpu.wait_dma2 semaphore(%arg6 : memref<!tpu.dma_semaphore, #tpu.memory_space<semaphore_mem>>) src(%dma_wait3A_399 : memref<1x32xf32, #tpu.memory_space<hbm>>) dst(%dma_wait3A_397 : memref<1x32xf32, #tpu.memory_space<hbm>>)
      %dma_wait3A_400 = arith.constant 0 : i32
      %dma_wait3A_401 = tpu.memref_slice %arg4[%add3A_106, %dma_wait3A_400] : memref<16384x32xf32, #tpu.memory_space<hbm>> -> memref<1x32xf32, #tpu.memory_space<hbm>>
      %dma_wait3A_402 = arith.constant 0 : i32
      %dma_wait3A_403 = tpu.memref_slice %arg3[%squeeze3A_105, %dma_wait3A_402] : memref<1000000x32xf32, #tpu.memory_space<hbm>> -> memref<1x32xf32, #tpu.memory_space<hbm>>
      tpu.wait_dma2 semaphore(%arg6 : memref<!tpu.dma_semaphore, #tpu.memory_space<semaphore_mem>>) src(%dma_wait3A_403 : memref<1x32xf32, #tpu.memory_space<hbm>>) dst(%dma_wait3A_401 : memref<1x32xf32, #tpu.memory_space<hbm>>)
      %dma_wait3A_404 = arith.constant 0 : i32
      %dma_wait3A_405 = tpu.memref_slice %arg4[%add3A_117, %dma_wait3A_404] : memref<16384x32xf32, #tpu.memory_space<hbm>> -> memref<1x32xf32, #tpu.memory_space<hbm>>
      %dma_wait3A_406 = arith.constant 0 : i32
      %dma_wait3A_407 = tpu.memref_slice %arg3[%squeeze3A_116, %dma_wait3A_406] : memref<1000000x32xf32, #tpu.memory_space<hbm>> -> memref<1x32xf32, #tpu.memory_space<hbm>>
      tpu.wait_dma2 semaphore(%arg6 : memref<!tpu.dma_semaphore, #tpu.memory_space<semaphore_mem>>) src(%dma_wait3A_407 : memref<1x32xf32, #tpu.memory_space<hbm>>) dst(%dma_wait3A_405 : memref<1x32xf32, #tpu.memory_space<hbm>>)
      %dma_wait3A_408 = arith.constant 0 : i32
      %dma_wait3A_409 = tpu.memref_slice %arg4[%add3A_128, %dma_wait3A_408] : memref<16384x32xf32, #tpu.memory_space<hbm>> -> memref<1x32xf32, #tpu.memory_space<hbm>>
      %dma_wait3A_410 = arith.constant 0 : i32
      %dma_wait3A_411 = tpu.memref_slice %arg3[%squeeze3A_127, %dma_wait3A_410] : memref<1000000x32xf32, #tpu.memory_space<hbm>> -> memref<1x32xf32, #tpu.memory_space<hbm>>
      tpu.wait_dma2 semaphore(%arg6 : memref<!tpu.dma_semaphore, #tpu.memory_space<semaphore_mem>>) src(%dma_wait3A_411 : memref<1x32xf32, #tpu.memory_space<hbm>>) dst(%dma_wait3A_409 : memref<1x32xf32, #tpu.memory_space<hbm>>)
      %dma_wait3A_412 = arith.constant 0 : i32
      %dma_wait3A_413 = tpu.memref_slice %arg4[%add3A_139, %dma_wait3A_412] : memref<16384x32xf32, #tpu.memory_space<hbm>> -> memref<1x32xf32, #tpu.memory_space<hbm>>
      %dma_wait3A_414 = arith.constant 0 : i32
      %dma_wait3A_415 = tpu.memref_slice %arg3[%squeeze3A_138, %dma_wait3A_414] : memref<1000000x32xf32, #tpu.memory_space<hbm>> -> memref<1x32xf32, #tpu.memory_space<hbm>>
      tpu.wait_dma2 semaphore(%arg6 : memref<!tpu.dma_semaphore, #tpu.memory_space<semaphore_mem>>) src(%dma_wait3A_415 : memref<1x32xf32, #tpu.memory_space<hbm>>) dst(%dma_wait3A_413 : memref<1x32xf32, #tpu.memory_space<hbm>>)
      %dma_wait3A_416 = arith.constant 0 : i32
      %dma_wait3A_417 = tpu.memref_slice %arg4[%add3A_150, %dma_wait3A_416] : memref<16384x32xf32, #tpu.memory_space<hbm>> -> memref<1x32xf32, #tpu.memory_space<hbm>>
      %dma_wait3A_418 = arith.constant 0 : i32
      %dma_wait3A_419 = tpu.memref_slice %arg3[%squeeze3A_149, %dma_wait3A_418] : memref<1000000x32xf32, #tpu.memory_space<hbm>> -> memref<1x32xf32, #tpu.memory_space<hbm>>
      tpu.wait_dma2 semaphore(%arg6 : memref<!tpu.dma_semaphore, #tpu.memory_space<semaphore_mem>>) src(%dma_wait3A_419 : memref<1x32xf32, #tpu.memory_space<hbm>>) dst(%dma_wait3A_417 : memref<1x32xf32, #tpu.memory_space<hbm>>)
      %dma_wait3A_420 = arith.constant 0 : i32
      %dma_wait3A_421 = tpu.memref_slice %arg4[%add3A_161, %dma_wait3A_420] : memref<16384x32xf32, #tpu.memory_space<hbm>> -> memref<1x32xf32, #tpu.memory_space<hbm>>
      %dma_wait3A_422 = arith.constant 0 : i32
      %dma_wait3A_423 = tpu.memref_slice %arg3[%squeeze3A_160, %dma_wait3A_422] : memref<1000000x32xf32, #tpu.memory_space<hbm>> -> memref<1x32xf32, #tpu.memory_space<hbm>>
      tpu.wait_dma2 semaphore(%arg6 : memref<!tpu.dma_semaphore, #tpu.memory_space<semaphore_mem>>) src(%dma_wait3A_423 : memref<1x32xf32, #tpu.memory_space<hbm>>) dst(%dma_wait3A_421 : memref<1x32xf32, #tpu.memory_space<hbm>>)
      %dma_wait3A_424 = arith.constant 0 : i32
      %dma_wait3A_425 = tpu.memref_slice %arg4[%add3A_172, %dma_wait3A_424] : memref<16384x32xf32, #tpu.memory_space<hbm>> -> memref<1x32xf32, #tpu.memory_space<hbm>>
      %dma_wait3A_426 = arith.constant 0 : i32
      %dma_wait3A_427 = tpu.memref_slice %arg3[%squeeze3A_171, %dma_wait3A_426] : memref<1000000x32xf32, #tpu.memory_space<hbm>> -> memref<1x32xf32, #tpu.memory_space<hbm>>
      tpu.wait_dma2 semaphore(%arg6 : memref<!tpu.dma_semaphore, #tpu.memory_space<semaphore_mem>>) src(%dma_wait3A_427 : memref<1x32xf32, #tpu.memory_space<hbm>>) dst(%dma_wait3A_425 : memref<1x32xf32, #tpu.memory_space<hbm>>)
      %dma_wait3A_428 = arith.constant 0 : i32
      %dma_wait3A_429 = tpu.memref_slice %arg4[%add3A_183, %dma_wait3A_428] : memref<16384x32xf32, #tpu.memory_space<hbm>> -> memref<1x32xf32, #tpu.memory_space<hbm>>
      %dma_wait3A_430 = arith.constant 0 : i32
      %dma_wait3A_431 = tpu.memref_slice %arg3[%squeeze3A_182, %dma_wait3A_430] : memref<1000000x32xf32, #tpu.memory_space<hbm>> -> memref<1x32xf32, #tpu.memory_space<hbm>>
      tpu.wait_dma2 semaphore(%arg6 : memref<!tpu.dma_semaphore, #tpu.memory_space<semaphore_mem>>) src(%dma_wait3A_431 : memref<1x32xf32, #tpu.memory_space<hbm>>) dst(%dma_wait3A_429 : memref<1x32xf32, #tpu.memory_space<hbm>>)
      %dma_wait3A_432 = arith.constant 0 : i32
      %dma_wait3A_433 = tpu.memref_slice %arg4[%add3A_199, %dma_wait3A_432] : memref<16384x32xf32, #tpu.memory_space<hbm>> -> memref<1x32xf32, #tpu.memory_space<hbm>>
      %dma_wait3A_434 = arith.constant 0 : i32
      %dma_wait3A_435 = tpu.memref_slice %arg3[%squeeze3A_198, %dma_wait3A_434] : memref<1000000x32xf32, #tpu.memory_space<hbm>> -> memref<1x32xf32, #tpu.memory_space<hbm>>
      tpu.wait_dma2 semaphore(%arg6 : memref<!tpu.dma_semaphore, #tpu.memory_space<semaphore_mem>>) src(%dma_wait3A_435 : memref<1x32xf32, #tpu.memory_space<hbm>>) dst(%dma_wait3A_433 : memref<1x32xf32, #tpu.memory_space<hbm>>)
      %dma_wait3A_436 = arith.constant 0 : i32
      %dma_wait3A_437 = tpu.memref_slice %arg4[%add3A_210, %dma_wait3A_436] : memref<16384x32xf32, #tpu.memory_space<hbm>> -> memref<1x32xf32, #tpu.memory_space<hbm>>
      %dma_wait3A_438 = arith.constant 0 : i32
      %dma_wait3A_439 = tpu.memref_slice %arg3[%squeeze3A_209, %dma_wait3A_438] : memref<1000000x32xf32, #tpu.memory_space<hbm>> -> memref<1x32xf32, #tpu.memory_space<hbm>>
      tpu.wait_dma2 semaphore(%arg6 : memref<!tpu.dma_semaphore, #tpu.memory_space<semaphore_mem>>) src(%dma_wait3A_439 : memref<1x32xf32, #tpu.memory_space<hbm>>) dst(%dma_wait3A_437 : memref<1x32xf32, #tpu.memory_space<hbm>>)
      %dma_wait3A_440 = arith.constant 0 : i32
      %dma_wait3A_441 = tpu.memref_slice %arg4[%add3A_221, %dma_wait3A_440] : memref<16384x32xf32, #tpu.memory_space<hbm>> -> memref<1x32xf32, #tpu.memory_space<hbm>>
      %dma_wait3A_442 = arith.constant 0 : i32
      %dma_wait3A_443 = tpu.memref_slice %arg3[%squeeze3A_220, %dma_wait3A_442] : memref<1000000x32xf32, #tpu.memory_space<hbm>> -> memref<1x32xf32, #tpu.memory_space<hbm>>
      tpu.wait_dma2 semaphore(%arg6 : memref<!tpu.dma_semaphore, #tpu.memory_space<semaphore_mem>>) src(%dma_wait3A_443 : memref<1x32xf32, #tpu.memory_space<hbm>>) dst(%dma_wait3A_441 : memref<1x32xf32, #tpu.memory_space<hbm>>)
      %dma_wait3A_444 = arith.constant 0 : i32
      %dma_wait3A_445 = tpu.memref_slice %arg4[%add3A_232, %dma_wait3A_444] : memref<16384x32xf32, #tpu.memory_space<hbm>> -> memref<1x32xf32, #tpu.memory_space<hbm>>
      %dma_wait3A_446 = arith.constant 0 : i32
      %dma_wait3A_447 = tpu.memref_slice %arg3[%squeeze3A_231, %dma_wait3A_446] : memref<1000000x32xf32, #tpu.memory_space<hbm>> -> memref<1x32xf32, #tpu.memory_space<hbm>>
      tpu.wait_dma2 semaphore(%arg6 : memref<!tpu.dma_semaphore, #tpu.memory_space<semaphore_mem>>) src(%dma_wait3A_447 : memref<1x32xf32, #tpu.memory_space<hbm>>) dst(%dma_wait3A_445 : memref<1x32xf32, #tpu.memory_space<hbm>>)
      %dma_wait3A_448 = arith.constant 0 : i32
      %dma_wait3A_449 = tpu.memref_slice %arg4[%add3A_243, %dma_wait3A_448] : memref<16384x32xf32, #tpu.memory_space<hbm>> -> memref<1x32xf32, #tpu.memory_space<hbm>>
      %dma_wait3A_450 = arith.constant 0 : i32
      %dma_wait3A_451 = tpu.memref_slice %arg3[%squeeze3A_242, %dma_wait3A_450] : memref<1000000x32xf32, #tpu.memory_space<hbm>> -> memref<1x32xf32, #tpu.memory_space<hbm>>
      tpu.wait_dma2 semaphore(%arg6 : memref<!tpu.dma_semaphore, #tpu.memory_space<semaphore_mem>>) src(%dma_wait3A_451 : memref<1x32xf32, #tpu.memory_space<hbm>>) dst(%dma_wait3A_449 : memref<1x32xf32, #tpu.memory_space<hbm>>)
      %dma_wait3A_452 = arith.constant 0 : i32
      %dma_wait3A_453 = tpu.memref_slice %arg4[%add3A_254, %dma_wait3A_452] : memref<16384x32xf32, #tpu.memory_space<hbm>> -> memref<1x32xf32, #tpu.memory_space<hbm>>
      %dma_wait3A_454 = arith.constant 0 : i32
      %dma_wait3A_455 = tpu.memref_slice %arg3[%squeeze3A_253, %dma_wait3A_454] : memref<1000000x32xf32, #tpu.memory_space<hbm>> -> memref<1x32xf32, #tpu.memory_space<hbm>>
      tpu.wait_dma2 semaphore(%arg6 : memref<!tpu.dma_semaphore, #tpu.memory_space<semaphore_mem>>) src(%dma_wait3A_455 : memref<1x32xf32, #tpu.memory_space<hbm>>) dst(%dma_wait3A_453 : memref<1x32xf32, #tpu.memory_space<hbm>>)
      %dma_wait3A_456 = arith.constant 0 : i32
      %dma_wait3A_457 = tpu.memref_slice %arg4[%add3A_265, %dma_wait3A_456] : memref<16384x32xf32, #tpu.memory_space<hbm>> -> memref<1x32xf32, #tpu.memory_space<hbm>>
      %dma_wait3A_458 = arith.constant 0 : i32
      %dma_wait3A_459 = tpu.memref_slice %arg3[%squeeze3A_264, %dma_wait3A_458] : memref<1000000x32xf32, #tpu.memory_space<hbm>> -> memref<1x32xf32, #tpu.memory_space<hbm>>
      tpu.wait_dma2 semaphore(%arg6 : memref<!tpu.dma_semaphore, #tpu.memory_space<semaphore_mem>>) src(%dma_wait3A_459 : memref<1x32xf32, #tpu.memory_space<hbm>>) dst(%dma_wait3A_457 : memref<1x32xf32, #tpu.memory_space<hbm>>)
      %dma_wait3A_460 = arith.constant 0 : i32
      %dma_wait3A_461 = tpu.memref_slice %arg4[%add3A_276, %dma_wait3A_460] : memref<16384x32xf32, #tpu.memory_space<hbm>> -> memref<1x32xf32, #tpu.memory_space<hbm>>
      %dma_wait3A_462 = arith.constant 0 : i32
      %dma_wait3A_463 = tpu.memref_slice %arg3[%squeeze3A_275, %dma_wait3A_462] : memref<1000000x32xf32, #tpu.memory_space<hbm>> -> memref<1x32xf32, #tpu.memory_space<hbm>>
      tpu.wait_dma2 semaphore(%arg6 : memref<!tpu.dma_semaphore, #tpu.memory_space<semaphore_mem>>) src(%dma_wait3A_463 : memref<1x32xf32, #tpu.memory_space<hbm>>) dst(%dma_wait3A_461 : memref<1x32xf32, #tpu.memory_space<hbm>>)
      %dma_wait3A_464 = arith.constant 0 : i32
      %dma_wait3A_465 = tpu.memref_slice %arg4[%add3A_287, %dma_wait3A_464] : memref<16384x32xf32, #tpu.memory_space<hbm>> -> memref<1x32xf32, #tpu.memory_space<hbm>>
      %dma_wait3A_466 = arith.constant 0 : i32
      %dma_wait3A_467 = tpu.memref_slice %arg3[%squeeze3A_286, %dma_wait3A_466] : memref<1000000x32xf32, #tpu.memory_space<hbm>> -> memref<1x32xf32, #tpu.memory_space<hbm>>
      tpu.wait_dma2 semaphore(%arg6 : memref<!tpu.dma_semaphore, #tpu.memory_space<semaphore_mem>>) src(%dma_wait3A_467 : memref<1x32xf32, #tpu.memory_space<hbm>>) dst(%dma_wait3A_465 : memref<1x32xf32, #tpu.memory_space<hbm>>)
      %dma_wait3A_468 = arith.constant 0 : i32
      %dma_wait3A_469 = tpu.memref_slice %arg4[%add3A_298, %dma_wait3A_468] : memref<16384x32xf32, #tpu.memory_space<hbm>> -> memref<1x32xf32, #tpu.memory_space<hbm>>
      %dma_wait3A_470 = arith.constant 0 : i32
      %dma_wait3A_471 = tpu.memref_slice %arg3[%squeeze3A_297, %dma_wait3A_470] : memref<1000000x32xf32, #tpu.memory_space<hbm>> -> memref<1x32xf32, #tpu.memory_space<hbm>>
      tpu.wait_dma2 semaphore(%arg6 : memref<!tpu.dma_semaphore, #tpu.memory_space<semaphore_mem>>) src(%dma_wait3A_471 : memref<1x32xf32, #tpu.memory_space<hbm>>) dst(%dma_wait3A_469 : memref<1x32xf32, #tpu.memory_space<hbm>>)
      %dma_wait3A_472 = arith.constant 0 : i32
      %dma_wait3A_473 = tpu.memref_slice %arg4[%add3A_309, %dma_wait3A_472] : memref<16384x32xf32, #tpu.memory_space<hbm>> -> memref<1x32xf32, #tpu.memory_space<hbm>>
      %dma_wait3A_474 = arith.constant 0 : i32
      %dma_wait3A_475 = tpu.memref_slice %arg3[%squeeze3A_308, %dma_wait3A_474] : memref<1000000x32xf32, #tpu.memory_space<hbm>> -> memref<1x32xf32, #tpu.memory_space<hbm>>
      tpu.wait_dma2 semaphore(%arg6 : memref<!tpu.dma_semaphore, #tpu.memory_space<semaphore_mem>>) src(%dma_wait3A_475 : memref<1x32xf32, #tpu.memory_space<hbm>>) dst(%dma_wait3A_473 : memref<1x32xf32, #tpu.memory_space<hbm>>)
      %dma_wait3A_476 = arith.constant 0 : i32
      %dma_wait3A_477 = tpu.memref_slice %arg4[%add3A_320, %dma_wait3A_476] : memref<16384x32xf32, #tpu.memory_space<hbm>> -> memref<1x32xf32, #tpu.memory_space<hbm>>
      %dma_wait3A_478 = arith.constant 0 : i32
      %dma_wait3A_479 = tpu.memref_slice %arg3[%squeeze3A_319, %dma_wait3A_478] : memref<1000000x32xf32, #tpu.memory_space<hbm>> -> memref<1x32xf32, #tpu.memory_space<hbm>>
      tpu.wait_dma2 semaphore(%arg6 : memref<!tpu.dma_semaphore, #tpu.memory_space<semaphore_mem>>) src(%dma_wait3A_479 : memref<1x32xf32, #tpu.memory_space<hbm>>) dst(%dma_wait3A_477 : memref<1x32xf32, #tpu.memory_space<hbm>>)
      %dma_wait3A_480 = arith.constant 0 : i32
      %dma_wait3A_481 = tpu.memref_slice %arg4[%add3A_331, %dma_wait3A_480] : memref<16384x32xf32, #tpu.memory_space<hbm>> -> memref<1x32xf32, #tpu.memory_space<hbm>>
      %dma_wait3A_482 = arith.constant 0 : i32
      %dma_wait3A_483 = tpu.memref_slice %arg3[%squeeze3A_330, %dma_wait3A_482] : memref<1000000x32xf32, #tpu.memory_space<hbm>> -> memref<1x32xf32, #tpu.memory_space<hbm>>
      tpu.wait_dma2 semaphore(%arg6 : memref<!tpu.dma_semaphore, #tpu.memory_space<semaphore_mem>>) src(%dma_wait3A_483 : memref<1x32xf32, #tpu.memory_space<hbm>>) dst(%dma_wait3A_481 : memref<1x32xf32, #tpu.memory_space<hbm>>)
      %dma_wait3A_484 = arith.constant 0 : i32
      %dma_wait3A_485 = tpu.memref_slice %arg4[%add3A_342, %dma_wait3A_484] : memref<16384x32xf32, #tpu.memory_space<hbm>> -> memref<1x32xf32, #tpu.memory_space<hbm>>
      %dma_wait3A_486 = arith.constant 0 : i32
      %dma_wait3A_487 = tpu.memref_slice %arg3[%squeeze3A_341, %dma_wait3A_486] : memref<1000000x32xf32, #tpu.memory_space<hbm>> -> memref<1x32xf32, #tpu.memory_space<hbm>>
      tpu.wait_dma2 semaphore(%arg6 : memref<!tpu.dma_semaphore, #tpu.memory_space<semaphore_mem>>) src(%dma_wait3A_487 : memref<1x32xf32, #tpu.memory_space<hbm>>) dst(%dma_wait3A_485 : memref<1x32xf32, #tpu.memory_space<hbm>>)
      %dma_wait3A_488 = arith.constant 0 : i32
      %dma_wait3A_489 = tpu.memref_slice %arg4[%add3A_353, %dma_wait3A_488] : memref<16384x32xf32, #tpu.memory_space<hbm>> -> memref<1x32xf32, #tpu.memory_space<hbm>>
      %dma_wait3A_490 = arith.constant 0 : i32
      %dma_wait3A_491 = tpu.memref_slice %arg3[%squeeze3A_352, %dma_wait3A_490] : memref<1000000x32xf32, #tpu.memory_space<hbm>> -> memref<1x32xf32, #tpu.memory_space<hbm>>
      tpu.wait_dma2 semaphore(%arg6 : memref<!tpu.dma_semaphore, #tpu.memory_space<semaphore_mem>>) src(%dma_wait3A_491 : memref<1x32xf32, #tpu.memory_space<hbm>>) dst(%dma_wait3A_489 : memref<1x32xf32, #tpu.memory_space<hbm>>)
      %dma_wait3A_492 = arith.constant 0 : i32
      %dma_wait3A_493 = tpu.memref_slice %arg4[%add3A_364, %dma_wait3A_492] : memref<16384x32xf32, #tpu.memory_space<hbm>> -> memref<1x32xf32, #tpu.memory_space<hbm>>
      %dma_wait3A_494 = arith.constant 0 : i32
      %dma_wait3A_495 = tpu.memref_slice %arg3[%squeeze3A_363, %dma_wait3A_494] : memref<1000000x32xf32, #tpu.memory_space<hbm>> -> memref<1x32xf32, #tpu.memory_space<hbm>>
      tpu.wait_dma2 semaphore(%arg6 : memref<!tpu.dma_semaphore, #tpu.memory_space<semaphore_mem>>) src(%dma_wait3A_495 : memref<1x32xf32, #tpu.memory_space<hbm>>) dst(%dma_wait3A_493 : memref<1x32xf32, #tpu.memory_space<hbm>>)
    }
    %scan3A_7 = arith.constant 16 : i32
    return
  }
}

module attributes {stable_mosaic.version = 14 : i64} {
  func.func @_tc_gather_mlp_body(%arg0: i32, %arg1: memref<16384xi32, #tpu.memory_space<smem>>, %arg2: memref<1000000x32xf32, #tpu.memory_space<hbm>>, %arg3: memref<16384x32xf32, #tpu.memory_space<vmem>>, %arg4: memref<64x64xf32, #tpu.memory_space<vmem>>, %arg5: memref<1x64xf32, #tpu.memory_space<vmem>>, %arg6: memref<1x64xf32, #tpu.memory_space<vmem>>, %arg7: memref<1x1xf32, #tpu.memory_space<vmem>>, %arg8: memref<16384xf32, #tpu.memory_space<vmem>>, %arg9: memref<16384x32xf32, #tpu.memory_space<vmem>>, %arg10: memref<256x!tpu.dma_semaphore, #tpu.memory_space<semaphore_mem>>) attributes {dimension_semantics = [#tpu.dimension_semantics<arbitrary>], iteration_bounds = array<i64: 1>, scalar_prefetch = 1 : i64, scratch_operands = 2 : i64, tpu.core_type = #tpu.core_type<tc>, window_params = [{}, {pipeline_mode = #tpu.pipeline_mode<synchronous>, transform_indices = @transform_1, window_bounds = array<i64: 16384, 32>}, {pipeline_mode = #tpu.pipeline_mode<synchronous>, transform_indices = @transform_2, window_bounds = array<i64: 64, 64>}, {pipeline_mode = #tpu.pipeline_mode<synchronous>, transform_indices = @transform_3, window_bounds = array<i64: 1, 64>}, {pipeline_mode = #tpu.pipeline_mode<synchronous>, transform_indices = @transform_4, window_bounds = array<i64: 1, 64>}, {pipeline_mode = #tpu.pipeline_mode<synchronous>, transform_indices = @transform_5, window_bounds = array<i64: 1, 1>}, {pipeline_mode = #tpu.pipeline_mode<synchronous>, transform_indices = @transform_6, window_bounds = array<i64: 16384>}]} {
    %scan3A = arith.constant 0 : i32
    %scan3A_0 = arith.constant 32 : i32
    %scan3A_1 = arith.addi %scan3A, %scan3A_0 : i32
    %scan3A_2 = arith.constant 1 : i32
    scf.for %scan3A_2350 = %scan3A to %scan3A_1 step %scan3A_2  : i32 {
      %mul3A_2351 = arith.constant 8 : i32
      %mul3A_2352 = arith.muli %scan3A_2350, %mul3A_2351 : i32
      %add3A_2353 = arith.constant 0 : i32
      %add3A_2354 = arith.addi %mul3A_2352, %add3A_2353 : i32
      %get3A_2355 = arith.index_cast %add3A_2354 : i32 to index
      %get3A_2356 = memref.load %arg1[%get3A_2355] : memref<16384xi32, #tpu.memory_space<smem>>
      %and3A = arith.constant 255 : i32
      %and3A_2357 = arith.andi %add3A_2354, %and3A : i32
      %dma_start3A = tpu.memref_slice %arg10[%and3A_2357] : memref<256x!tpu.dma_semaphore, #tpu.memory_space<semaphore_mem>> -> memref<1x!tpu.dma_semaphore, #tpu.memory_space<semaphore_mem>>
      %dma_start3A_2358 = tpu.memref_squeeze %dma_start3A : memref<1x!tpu.dma_semaphore, #tpu.memory_space<semaphore_mem>> -> memref<!tpu.dma_semaphore, #tpu.memory_space<semaphore_mem>>
      %dma_start3A_2359 = arith.constant 0 : i32
      %dma_start3A_2360 = tpu.memref_slice %arg9[%add3A_2354, %dma_start3A_2359] : memref<16384x32xf32, #tpu.memory_space<vmem>> -> memref<1x32xf32, #tpu.memory_space<vmem>>
      %dma_start3A_2361 = arith.constant 0 : i32
      %dma_start3A_2362 = tpu.memref_slice %arg2[%get3A_2356, %dma_start3A_2361] : memref<1000000x32xf32, #tpu.memory_space<hbm>> -> memref<1x32xf32, #tpu.memory_space<hbm>>
      tpu.enqueue_dma source(%dma_start3A_2362 : memref<1x32xf32, #tpu.memory_space<hbm>>) target(%dma_start3A_2360 : memref<1x32xf32, #tpu.memory_space<vmem>>) target_semaphore(%dma_start3A_2358 : memref<!tpu.dma_semaphore, #tpu.memory_space<semaphore_mem>>)
      %mul3A_2363 = arith.constant 8 : i32
      %mul3A_2364 = arith.muli %scan3A_2350, %mul3A_2363 : i32
      %add3A_2365 = arith.constant 1 : i32
      %add3A_2366 = arith.addi %mul3A_2364, %add3A_2365 : i32
      %get3A_2367 = arith.index_cast %add3A_2366 : i32 to index
      %get3A_2368 = memref.load %arg1[%get3A_2367] : memref<16384xi32, #tpu.memory_space<smem>>
      %and3A_2369 = arith.constant 255 : i32
      %and3A_2370 = arith.andi %add3A_2366, %and3A_2369 : i32
      %dma_start3A_2371 = tpu.memref_slice %arg10[%and3A_2370] : memref<256x!tpu.dma_semaphore, #tpu.memory_space<semaphore_mem>> -> memref<1x!tpu.dma_semaphore, #tpu.memory_space<semaphore_mem>>
      %dma_start3A_2372 = tpu.memref_squeeze %dma_start3A_2371 : memref<1x!tpu.dma_semaphore, #tpu.memory_space<semaphore_mem>> -> memref<!tpu.dma_semaphore, #tpu.memory_space<semaphore_mem>>
      %dma_start3A_2373 = arith.constant 0 : i32
      %dma_start3A_2374 = tpu.memref_slice %arg9[%add3A_2366, %dma_start3A_2373] : memref<16384x32xf32, #tpu.memory_space<vmem>> -> memref<1x32xf32, #tpu.memory_space<vmem>>
      %dma_start3A_2375 = arith.constant 0 : i32
      %dma_start3A_2376 = tpu.memref_slice %arg2[%get3A_2368, %dma_start3A_2375] : memref<1000000x32xf32, #tpu.memory_space<hbm>> -> memref<1x32xf32, #tpu.memory_space<hbm>>
      tpu.enqueue_dma source(%dma_start3A_2376 : memref<1x32xf32, #tpu.memory_space<hbm>>) target(%dma_start3A_2374 : memref<1x32xf32, #tpu.memory_space<vmem>>) target_semaphore(%dma_start3A_2372 : memref<!tpu.dma_semaphore, #tpu.memory_space<semaphore_mem>>)
      %mul3A_2377 = arith.constant 8 : i32
      %mul3A_2378 = arith.muli %scan3A_2350, %mul3A_2377 : i32
      %add3A_2379 = arith.constant 2 : i32
      %add3A_2380 = arith.addi %mul3A_2378, %add3A_2379 : i32
      %get3A_2381 = arith.index_cast %add3A_2380 : i32 to index
      %get3A_2382 = memref.load %arg1[%get3A_2381] : memref<16384xi32, #tpu.memory_space<smem>>
      %and3A_2383 = arith.constant 255 : i32
      %and3A_2384 = arith.andi %add3A_2380, %and3A_2383 : i32
      %dma_start3A_2385 = tpu.memref_slice %arg10[%and3A_2384] : memref<256x!tpu.dma_semaphore, #tpu.memory_space<semaphore_mem>> -> memref<1x!tpu.dma_semaphore, #tpu.memory_space<semaphore_mem>>
      %dma_start3A_2386 = tpu.memref_squeeze %dma_start3A_2385 : memref<1x!tpu.dma_semaphore, #tpu.memory_space<semaphore_mem>> -> memref<!tpu.dma_semaphore, #tpu.memory_space<semaphore_mem>>
      %dma_start3A_2387 = arith.constant 0 : i32
      %dma_start3A_2388 = tpu.memref_slice %arg9[%add3A_2380, %dma_start3A_2387] : memref<16384x32xf32, #tpu.memory_space<vmem>> -> memref<1x32xf32, #tpu.memory_space<vmem>>
      %dma_start3A_2389 = arith.constant 0 : i32
      %dma_start3A_2390 = tpu.memref_slice %arg2[%get3A_2382, %dma_start3A_2389] : memref<1000000x32xf32, #tpu.memory_space<hbm>> -> memref<1x32xf32, #tpu.memory_space<hbm>>
      tpu.enqueue_dma source(%dma_start3A_2390 : memref<1x32xf32, #tpu.memory_space<hbm>>) target(%dma_start3A_2388 : memref<1x32xf32, #tpu.memory_space<vmem>>) target_semaphore(%dma_start3A_2386 : memref<!tpu.dma_semaphore, #tpu.memory_space<semaphore_mem>>)
      %mul3A_2391 = arith.constant 8 : i32
      %mul3A_2392 = arith.muli %scan3A_2350, %mul3A_2391 : i32
      %add3A_2393 = arith.constant 3 : i32
      %add3A_2394 = arith.addi %mul3A_2392, %add3A_2393 : i32
      %get3A_2395 = arith.index_cast %add3A_2394 : i32 to index
      %get3A_2396 = memref.load %arg1[%get3A_2395] : memref<16384xi32, #tpu.memory_space<smem>>
      %and3A_2397 = arith.constant 255 : i32
      %and3A_2398 = arith.andi %add3A_2394, %and3A_2397 : i32
      %dma_start3A_2399 = tpu.memref_slice %arg10[%and3A_2398] : memref<256x!tpu.dma_semaphore, #tpu.memory_space<semaphore_mem>> -> memref<1x!tpu.dma_semaphore, #tpu.memory_space<semaphore_mem>>
      %dma_start3A_2400 = tpu.memref_squeeze %dma_start3A_2399 : memref<1x!tpu.dma_semaphore, #tpu.memory_space<semaphore_mem>> -> memref<!tpu.dma_semaphore, #tpu.memory_space<semaphore_mem>>
      %dma_start3A_2401 = arith.constant 0 : i32
      %dma_start3A_2402 = tpu.memref_slice %arg9[%add3A_2394, %dma_start3A_2401] : memref<16384x32xf32, #tpu.memory_space<vmem>> -> memref<1x32xf32, #tpu.memory_space<vmem>>
      %dma_start3A_2403 = arith.constant 0 : i32
      %dma_start3A_2404 = tpu.memref_slice %arg2[%get3A_2396, %dma_start3A_2403] : memref<1000000x32xf32, #tpu.memory_space<hbm>> -> memref<1x32xf32, #tpu.memory_space<hbm>>
      tpu.enqueue_dma source(%dma_start3A_2404 : memref<1x32xf32, #tpu.memory_space<hbm>>) target(%dma_start3A_2402 : memref<1x32xf32, #tpu.memory_space<vmem>>) target_semaphore(%dma_start3A_2400 : memref<!tpu.dma_semaphore, #tpu.memory_space<semaphore_mem>>)
      %mul3A_2405 = arith.constant 8 : i32
      %mul3A_2406 = arith.muli %scan3A_2350, %mul3A_2405 : i32
      %add3A_2407 = arith.constant 4 : i32
      %add3A_2408 = arith.addi %mul3A_2406, %add3A_2407 : i32
      %get3A_2409 = arith.index_cast %add3A_2408 : i32 to index
      %get3A_2410 = memref.load %arg1[%get3A_2409] : memref<16384xi32, #tpu.memory_space<smem>>
      %and3A_2411 = arith.constant 255 : i32
      %and3A_2412 = arith.andi %add3A_2408, %and3A_2411 : i32
      %dma_start3A_2413 = tpu.memref_slice %arg10[%and3A_2412] : memref<256x!tpu.dma_semaphore, #tpu.memory_space<semaphore_mem>> -> memref<1x!tpu.dma_semaphore, #tpu.memory_space<semaphore_mem>>
      %dma_start3A_2414 = tpu.memref_squeeze %dma_start3A_2413 : memref<1x!tpu.dma_semaphore, #tpu.memory_space<semaphore_mem>> -> memref<!tpu.dma_semaphore, #tpu.memory_space<semaphore_mem>>
      %dma_start3A_2415 = arith.constant 0 : i32
      %dma_start3A_2416 = tpu.memref_slice %arg9[%add3A_2408, %dma_start3A_2415] : memref<16384x32xf32, #tpu.memory_space<vmem>> -> memref<1x32xf32, #tpu.memory_space<vmem>>
      %dma_start3A_2417 = arith.constant 0 : i32
      %dma_start3A_2418 = tpu.memref_slice %arg2[%get3A_2410, %dma_start3A_2417] : memref<1000000x32xf32, #tpu.memory_space<hbm>> -> memref<1x32xf32, #tpu.memory_space<hbm>>
      tpu.enqueue_dma source(%dma_start3A_2418 : memref<1x32xf32, #tpu.memory_space<hbm>>) target(%dma_start3A_2416 : memref<1x32xf32, #tpu.memory_space<vmem>>) target_semaphore(%dma_start3A_2414 : memref<!tpu.dma_semaphore, #tpu.memory_space<semaphore_mem>>)
      %mul3A_2419 = arith.constant 8 : i32
      %mul3A_2420 = arith.muli %scan3A_2350, %mul3A_2419 : i32
      %add3A_2421 = arith.constant 5 : i32
      %add3A_2422 = arith.addi %mul3A_2420, %add3A_2421 : i32
      %get3A_2423 = arith.index_cast %add3A_2422 : i32 to index
      %get3A_2424 = memref.load %arg1[%get3A_2423] : memref<16384xi32, #tpu.memory_space<smem>>
      %and3A_2425 = arith.constant 255 : i32
      %and3A_2426 = arith.andi %add3A_2422, %and3A_2425 : i32
      %dma_start3A_2427 = tpu.memref_slice %arg10[%and3A_2426] : memref<256x!tpu.dma_semaphore, #tpu.memory_space<semaphore_mem>> -> memref<1x!tpu.dma_semaphore, #tpu.memory_space<semaphore_mem>>
      %dma_start3A_2428 = tpu.memref_squeeze %dma_start3A_2427 : memref<1x!tpu.dma_semaphore, #tpu.memory_space<semaphore_mem>> -> memref<!tpu.dma_semaphore, #tpu.memory_space<semaphore_mem>>
      %dma_start3A_2429 = arith.constant 0 : i32
      %dma_start3A_2430 = tpu.memref_slice %arg9[%add3A_2422, %dma_start3A_2429] : memref<16384x32xf32, #tpu.memory_space<vmem>> -> memref<1x32xf32, #tpu.memory_space<vmem>>
      %dma_start3A_2431 = arith.constant 0 : i32
      %dma_start3A_2432 = tpu.memref_slice %arg2[%get3A_2424, %dma_start3A_2431] : memref<1000000x32xf32, #tpu.memory_space<hbm>> -> memref<1x32xf32, #tpu.memory_space<hbm>>
      tpu.enqueue_dma source(%dma_start3A_2432 : memref<1x32xf32, #tpu.memory_space<hbm>>) target(%dma_start3A_2430 : memref<1x32xf32, #tpu.memory_space<vmem>>) target_semaphore(%dma_start3A_2428 : memref<!tpu.dma_semaphore, #tpu.memory_space<semaphore_mem>>)
      %mul3A_2433 = arith.constant 8 : i32
      %mul3A_2434 = arith.muli %scan3A_2350, %mul3A_2433 : i32
      %add3A_2435 = arith.constant 6 : i32
      %add3A_2436 = arith.addi %mul3A_2434, %add3A_2435 : i32
      %get3A_2437 = arith.index_cast %add3A_2436 : i32 to index
      %get3A_2438 = memref.load %arg1[%get3A_2437] : memref<16384xi32, #tpu.memory_space<smem>>
      %and3A_2439 = arith.constant 255 : i32
      %and3A_2440 = arith.andi %add3A_2436, %and3A_2439 : i32
      %dma_start3A_2441 = tpu.memref_slice %arg10[%and3A_2440] : memref<256x!tpu.dma_semaphore, #tpu.memory_space<semaphore_mem>> -> memref<1x!tpu.dma_semaphore, #tpu.memory_space<semaphore_mem>>
      %dma_start3A_2442 = tpu.memref_squeeze %dma_start3A_2441 : memref<1x!tpu.dma_semaphore, #tpu.memory_space<semaphore_mem>> -> memref<!tpu.dma_semaphore, #tpu.memory_space<semaphore_mem>>
      %dma_start3A_2443 = arith.constant 0 : i32
      %dma_start3A_2444 = tpu.memref_slice %arg9[%add3A_2436, %dma_start3A_2443] : memref<16384x32xf32, #tpu.memory_space<vmem>> -> memref<1x32xf32, #tpu.memory_space<vmem>>
      %dma_start3A_2445 = arith.constant 0 : i32
      %dma_start3A_2446 = tpu.memref_slice %arg2[%get3A_2438, %dma_start3A_2445] : memref<1000000x32xf32, #tpu.memory_space<hbm>> -> memref<1x32xf32, #tpu.memory_space<hbm>>
      tpu.enqueue_dma source(%dma_start3A_2446 : memref<1x32xf32, #tpu.memory_space<hbm>>) target(%dma_start3A_2444 : memref<1x32xf32, #tpu.memory_space<vmem>>) target_semaphore(%dma_start3A_2442 : memref<!tpu.dma_semaphore, #tpu.memory_space<semaphore_mem>>)
      %mul3A_2447 = arith.constant 8 : i32
      %mul3A_2448 = arith.muli %scan3A_2350, %mul3A_2447 : i32
      %add3A_2449 = arith.constant 7 : i32
      %add3A_2450 = arith.addi %mul3A_2448, %add3A_2449 : i32
      %get3A_2451 = arith.index_cast %add3A_2450 : i32 to index
      %get3A_2452 = memref.load %arg1[%get3A_2451] : memref<16384xi32, #tpu.memory_space<smem>>
      %and3A_2453 = arith.constant 255 : i32
      %and3A_2454 = arith.andi %add3A_2450, %and3A_2453 : i32
      %dma_start3A_2455 = tpu.memref_slice %arg10[%and3A_2454] : memref<256x!tpu.dma_semaphore, #tpu.memory_space<semaphore_mem>> -> memref<1x!tpu.dma_semaphore, #tpu.memory_space<semaphore_mem>>
      %dma_start3A_2456 = tpu.memref_squeeze %dma_start3A_2455 : memref<1x!tpu.dma_semaphore, #tpu.memory_space<semaphore_mem>> -> memref<!tpu.dma_semaphore, #tpu.memory_space<semaphore_mem>>
      %dma_start3A_2457 = arith.constant 0 : i32
      %dma_start3A_2458 = tpu.memref_slice %arg9[%add3A_2450, %dma_start3A_2457] : memref<16384x32xf32, #tpu.memory_space<vmem>> -> memref<1x32xf32, #tpu.memory_space<vmem>>
      %dma_start3A_2459 = arith.constant 0 : i32
      %dma_start3A_2460 = tpu.memref_slice %arg2[%get3A_2452, %dma_start3A_2459] : memref<1000000x32xf32, #tpu.memory_space<hbm>> -> memref<1x32xf32, #tpu.memory_space<hbm>>
      tpu.enqueue_dma source(%dma_start3A_2460 : memref<1x32xf32, #tpu.memory_space<hbm>>) target(%dma_start3A_2458 : memref<1x32xf32, #tpu.memory_space<vmem>>) target_semaphore(%dma_start3A_2456 : memref<!tpu.dma_semaphore, #tpu.memory_space<semaphore_mem>>)
    }
    %scan3A_3 = arith.constant 32 : i32
    %scan3A_4 = arith.constant 0 : i32
    %scan3A_5 = arith.constant 2016 : i32
    %scan3A_6 = arith.addi %scan3A_4, %scan3A_5 : i32
    %scan3A_7 = arith.constant 1 : i32
    scf.for %scan3A_2350 = %scan3A_4 to %scan3A_6 step %scan3A_7  : i32 {
      %mul3A_2351 = arith.constant 8 : i32
      %mul3A_2352 = arith.muli %scan3A_2350, %mul3A_2351 : i32
      %add3A_2353 = arith.constant 256 : i32
      %add3A_2354 = arith.addi %add3A_2353, %mul3A_2352 : i32
      %add3A_2355 = arith.constant 0 : i32
      %add3A_2356 = arith.addi %add3A_2354, %add3A_2355 : i32
      %and3A = arith.constant 255 : i32
      %and3A_2357 = arith.andi %add3A_2356, %and3A : i32
      %dma_wait3A_2358 = tpu.memref_slice %arg10[%and3A_2357] : memref<256x!tpu.dma_semaphore, #tpu.memory_space<semaphore_mem>> -> memref<1x!tpu.dma_semaphore, #tpu.memory_space<semaphore_mem>>
      %dma_wait3A_2359 = tpu.memref_squeeze %dma_wait3A_2358 : memref<1x!tpu.dma_semaphore, #tpu.memory_space<semaphore_mem>> -> memref<!tpu.dma_semaphore, #tpu.memory_space<semaphore_mem>>
      %dma_wait3A_2360 = arith.constant 0 : i32
      %dma_wait3A_2361 = arith.constant 0 : i32
      %dma_wait3A_2362 = tpu.memref_slice %arg9[%dma_wait3A_2360, %dma_wait3A_2361] : memref<16384x32xf32, #tpu.memory_space<vmem>> -> memref<1x32xf32, #tpu.memory_space<vmem>>
      %dma_wait3A_2363 = arith.constant 0 : i32
      %dma_wait3A_2364 = arith.constant 0 : i32
      %dma_wait3A_2365 = tpu.memref_slice %arg2[%dma_wait3A_2363, %dma_wait3A_2364] : memref<1000000x32xf32, #tpu.memory_space<hbm>> -> memref<1x32xf32, #tpu.memory_space<hbm>>
      tpu.wait_dma2 semaphore(%dma_wait3A_2359 : memref<!tpu.dma_semaphore, #tpu.memory_space<semaphore_mem>>) src(%dma_wait3A_2365 : memref<1x32xf32, #tpu.memory_space<hbm>>) dst(%dma_wait3A_2362 : memref<1x32xf32, #tpu.memory_space<vmem>>)
      %get3A_2366 = arith.index_cast %add3A_2356 : i32 to index
      %get3A_2367 = memref.load %arg1[%get3A_2366] : memref<16384xi32, #tpu.memory_space<smem>>
      %dma_start3A = tpu.memref_slice %arg10[%and3A_2357] : memref<256x!tpu.dma_semaphore, #tpu.memory_space<semaphore_mem>> -> memref<1x!tpu.dma_semaphore, #tpu.memory_space<semaphore_mem>>
      %dma_start3A_2368 = tpu.memref_squeeze %dma_start3A : memref<1x!tpu.dma_semaphore, #tpu.memory_space<semaphore_mem>> -> memref<!tpu.dma_semaphore, #tpu.memory_space<semaphore_mem>>
      %dma_start3A_2369 = arith.constant 0 : i32
      %dma_start3A_2370 = tpu.memref_slice %arg9[%add3A_2356, %dma_start3A_2369] : memref<16384x32xf32, #tpu.memory_space<vmem>> -> memref<1x32xf32, #tpu.memory_space<vmem>>
      %dma_start3A_2371 = arith.constant 0 : i32
      %dma_start3A_2372 = tpu.memref_slice %arg2[%get3A_2367, %dma_start3A_2371] : memref<1000000x32xf32, #tpu.memory_space<hbm>> -> memref<1x32xf32, #tpu.memory_space<hbm>>
      tpu.enqueue_dma source(%dma_start3A_2372 : memref<1x32xf32, #tpu.memory_space<hbm>>) target(%dma_start3A_2370 : memref<1x32xf32, #tpu.memory_space<vmem>>) target_semaphore(%dma_start3A_2368 : memref<!tpu.dma_semaphore, #tpu.memory_space<semaphore_mem>>)
      %mul3A_2373 = arith.constant 8 : i32
      %mul3A_2374 = arith.muli %scan3A_2350, %mul3A_2373 : i32
      %add3A_2375 = arith.constant 256 : i32
      %add3A_2376 = arith.addi %add3A_2375, %mul3A_2374 : i32
      %add3A_2377 = arith.constant 1 : i32
      %add3A_2378 = arith.addi %add3A_2376, %add3A_2377 : i32
      %and3A_2379 = arith.constant 255 : i32
      %and3A_2380 = arith.andi %add3A_2378, %and3A_2379 : i32
      %dma_wait3A_2381 = tpu.memref_slice %arg10[%and3A_2380] : memref<256x!tpu.dma_semaphore, #tpu.memory_space<semaphore_mem>> -> memref<1x!tpu.dma_semaphore, #tpu.memory_space<semaphore_mem>>
      %dma_wait3A_2382 = tpu.memref_squeeze %dma_wait3A_2381 : memref<1x!tpu.dma_semaphore, #tpu.memory_space<semaphore_mem>> -> memref<!tpu.dma_semaphore, #tpu.memory_space<semaphore_mem>>
      %dma_wait3A_2383 = arith.constant 0 : i32
      %dma_wait3A_2384 = arith.constant 0 : i32
      %dma_wait3A_2385 = tpu.memref_slice %arg9[%dma_wait3A_2383, %dma_wait3A_2384] : memref<16384x32xf32, #tpu.memory_space<vmem>> -> memref<1x32xf32, #tpu.memory_space<vmem>>
      %dma_wait3A_2386 = arith.constant 0 : i32
      %dma_wait3A_2387 = arith.constant 0 : i32
      %dma_wait3A_2388 = tpu.memref_slice %arg2[%dma_wait3A_2386, %dma_wait3A_2387] : memref<1000000x32xf32, #tpu.memory_space<hbm>> -> memref<1x32xf32, #tpu.memory_space<hbm>>
      tpu.wait_dma2 semaphore(%dma_wait3A_2382 : memref<!tpu.dma_semaphore, #tpu.memory_space<semaphore_mem>>) src(%dma_wait3A_2388 : memref<1x32xf32, #tpu.memory_space<hbm>>) dst(%dma_wait3A_2385 : memref<1x32xf32, #tpu.memory_space<vmem>>)
      %get3A_2389 = arith.index_cast %add3A_2378 : i32 to index
      %get3A_2390 = memref.load %arg1[%get3A_2389] : memref<16384xi32, #tpu.memory_space<smem>>
      %dma_start3A_2391 = tpu.memref_slice %arg10[%and3A_2380] : memref<256x!tpu.dma_semaphore, #tpu.memory_space<semaphore_mem>> -> memref<1x!tpu.dma_semaphore, #tpu.memory_space<semaphore_mem>>
      %dma_start3A_2392 = tpu.memref_squeeze %dma_start3A_2391 : memref<1x!tpu.dma_semaphore, #tpu.memory_space<semaphore_mem>> -> memref<!tpu.dma_semaphore, #tpu.memory_space<semaphore_mem>>
      %dma_start3A_2393 = arith.constant 0 : i32
      %dma_start3A_2394 = tpu.memref_slice %arg9[%add3A_2378, %dma_start3A_2393] : memref<16384x32xf32, #tpu.memory_space<vmem>> -> memref<1x32xf32, #tpu.memory_space<vmem>>
      %dma_start3A_2395 = arith.constant 0 : i32
      %dma_start3A_2396 = tpu.memref_slice %arg2[%get3A_2390, %dma_start3A_2395] : memref<1000000x32xf32, #tpu.memory_space<hbm>> -> memref<1x32xf32, #tpu.memory_space<hbm>>
      tpu.enqueue_dma source(%dma_start3A_2396 : memref<1x32xf32, #tpu.memory_space<hbm>>) target(%dma_start3A_2394 : memref<1x32xf32, #tpu.memory_space<vmem>>) target_semaphore(%dma_start3A_2392 : memref<!tpu.dma_semaphore, #tpu.memory_space<semaphore_mem>>)
      %mul3A_2397 = arith.constant 8 : i32
      %mul3A_2398 = arith.muli %scan3A_2350, %mul3A_2397 : i32
      %add3A_2399 = arith.constant 256 : i32
      %add3A_2400 = arith.addi %add3A_2399, %mul3A_2398 : i32
      %add3A_2401 = arith.constant 2 : i32
      %add3A_2402 = arith.addi %add3A_2400, %add3A_2401 : i32
      %and3A_2403 = arith.constant 255 : i32
      %and3A_2404 = arith.andi %add3A_2402, %and3A_2403 : i32
      %dma_wait3A_2405 = tpu.memref_slice %arg10[%and3A_2404] : memref<256x!tpu.dma_semaphore, #tpu.memory_space<semaphore_mem>> -> memref<1x!tpu.dma_semaphore, #tpu.memory_space<semaphore_mem>>
      %dma_wait3A_2406 = tpu.memref_squeeze %dma_wait3A_2405 : memref<1x!tpu.dma_semaphore, #tpu.memory_space<semaphore_mem>> -> memref<!tpu.dma_semaphore, #tpu.memory_space<semaphore_mem>>
      %dma_wait3A_2407 = arith.constant 0 : i32
      %dma_wait3A_2408 = arith.constant 0 : i32
      %dma_wait3A_2409 = tpu.memref_slice %arg9[%dma_wait3A_2407, %dma_wait3A_2408] : memref<16384x32xf32, #tpu.memory_space<vmem>> -> memref<1x32xf32, #tpu.memory_space<vmem>>
      %dma_wait3A_2410 = arith.constant 0 : i32
      %dma_wait3A_2411 = arith.constant 0 : i32
      %dma_wait3A_2412 = tpu.memref_slice %arg2[%dma_wait3A_2410, %dma_wait3A_2411] : memref<1000000x32xf32, #tpu.memory_space<hbm>> -> memref<1x32xf32, #tpu.memory_space<hbm>>
      tpu.wait_dma2 semaphore(%dma_wait3A_2406 : memref<!tpu.dma_semaphore, #tpu.memory_space<semaphore_mem>>) src(%dma_wait3A_2412 : memref<1x32xf32, #tpu.memory_space<hbm>>) dst(%dma_wait3A_2409 : memref<1x32xf32, #tpu.memory_space<vmem>>)
      %get3A_2413 = arith.index_cast %add3A_2402 : i32 to index
      %get3A_2414 = memref.load %arg1[%get3A_2413] : memref<16384xi32, #tpu.memory_space<smem>>
      %dma_start3A_2415 = tpu.memref_slice %arg10[%and3A_2404] : memref<256x!tpu.dma_semaphore, #tpu.memory_space<semaphore_mem>> -> memref<1x!tpu.dma_semaphore, #tpu.memory_space<semaphore_mem>>
      %dma_start3A_2416 = tpu.memref_squeeze %dma_start3A_2415 : memref<1x!tpu.dma_semaphore, #tpu.memory_space<semaphore_mem>> -> memref<!tpu.dma_semaphore, #tpu.memory_space<semaphore_mem>>
      %dma_start3A_2417 = arith.constant 0 : i32
      %dma_start3A_2418 = tpu.memref_slice %arg9[%add3A_2402, %dma_start3A_2417] : memref<16384x32xf32, #tpu.memory_space<vmem>> -> memref<1x32xf32, #tpu.memory_space<vmem>>
      %dma_start3A_2419 = arith.constant 0 : i32
      %dma_start3A_2420 = tpu.memref_slice %arg2[%get3A_2414, %dma_start3A_2419] : memref<1000000x32xf32, #tpu.memory_space<hbm>> -> memref<1x32xf32, #tpu.memory_space<hbm>>
      tpu.enqueue_dma source(%dma_start3A_2420 : memref<1x32xf32, #tpu.memory_space<hbm>>) target(%dma_start3A_2418 : memref<1x32xf32, #tpu.memory_space<vmem>>) target_semaphore(%dma_start3A_2416 : memref<!tpu.dma_semaphore, #tpu.memory_space<semaphore_mem>>)
      %mul3A_2421 = arith.constant 8 : i32
      %mul3A_2422 = arith.muli %scan3A_2350, %mul3A_2421 : i32
      %add3A_2423 = arith.constant 256 : i32
      %add3A_2424 = arith.addi %add3A_2423, %mul3A_2422 : i32
      %add3A_2425 = arith.constant 3 : i32
      %add3A_2426 = arith.addi %add3A_2424, %add3A_2425 : i32
      %and3A_2427 = arith.constant 255 : i32
      %and3A_2428 = arith.andi %add3A_2426, %and3A_2427 : i32
      %dma_wait3A_2429 = tpu.memref_slice %arg10[%and3A_2428] : memref<256x!tpu.dma_semaphore, #tpu.memory_space<semaphore_mem>> -> memref<1x!tpu.dma_semaphore, #tpu.memory_space<semaphore_mem>>
      %dma_wait3A_2430 = tpu.memref_squeeze %dma_wait3A_2429 : memref<1x!tpu.dma_semaphore, #tpu.memory_space<semaphore_mem>> -> memref<!tpu.dma_semaphore, #tpu.memory_space<semaphore_mem>>
      %dma_wait3A_2431 = arith.constant 0 : i32
      %dma_wait3A_2432 = arith.constant 0 : i32
      %dma_wait3A_2433 = tpu.memref_slice %arg9[%dma_wait3A_2431, %dma_wait3A_2432] : memref<16384x32xf32, #tpu.memory_space<vmem>> -> memref<1x32xf32, #tpu.memory_space<vmem>>
      %dma_wait3A_2434 = arith.constant 0 : i32
      %dma_wait3A_2435 = arith.constant 0 : i32
      %dma_wait3A_2436 = tpu.memref_slice %arg2[%dma_wait3A_2434, %dma_wait3A_2435] : memref<1000000x32xf32, #tpu.memory_space<hbm>> -> memref<1x32xf32, #tpu.memory_space<hbm>>
      tpu.wait_dma2 semaphore(%dma_wait3A_2430 : memref<!tpu.dma_semaphore, #tpu.memory_space<semaphore_mem>>) src(%dma_wait3A_2436 : memref<1x32xf32, #tpu.memory_space<hbm>>) dst(%dma_wait3A_2433 : memref<1x32xf32, #tpu.memory_space<vmem>>)
      %get3A_2437 = arith.index_cast %add3A_2426 : i32 to index
      %get3A_2438 = memref.load %arg1[%get3A_2437] : memref<16384xi32, #tpu.memory_space<smem>>
      %dma_start3A_2439 = tpu.memref_slice %arg10[%and3A_2428] : memref<256x!tpu.dma_semaphore, #tpu.memory_space<semaphore_mem>> -> memref<1x!tpu.dma_semaphore, #tpu.memory_space<semaphore_mem>>
      %dma_start3A_2440 = tpu.memref_squeeze %dma_start3A_2439 : memref<1x!tpu.dma_semaphore, #tpu.memory_space<semaphore_mem>> -> memref<!tpu.dma_semaphore, #tpu.memory_space<semaphore_mem>>
      %dma_start3A_2441 = arith.constant 0 : i32
      %dma_start3A_2442 = tpu.memref_slice %arg9[%add3A_2426, %dma_start3A_2441] : memref<16384x32xf32, #tpu.memory_space<vmem>> -> memref<1x32xf32, #tpu.memory_space<vmem>>
      %dma_start3A_2443 = arith.constant 0 : i32
      %dma_start3A_2444 = tpu.memref_slice %arg2[%get3A_2438, %dma_start3A_2443] : memref<1000000x32xf32, #tpu.memory_space<hbm>> -> memref<1x32xf32, #tpu.memory_space<hbm>>
      tpu.enqueue_dma source(%dma_start3A_2444 : memref<1x32xf32, #tpu.memory_space<hbm>>) target(%dma_start3A_2442 : memref<1x32xf32, #tpu.memory_space<vmem>>) target_semaphore(%dma_start3A_2440 : memref<!tpu.dma_semaphore, #tpu.memory_space<semaphore_mem>>)
      %mul3A_2445 = arith.constant 8 : i32
      %mul3A_2446 = arith.muli %scan3A_2350, %mul3A_2445 : i32
      %add3A_2447 = arith.constant 256 : i32
      %add3A_2448 = arith.addi %add3A_2447, %mul3A_2446 : i32
      %add3A_2449 = arith.constant 4 : i32
      %add3A_2450 = arith.addi %add3A_2448, %add3A_2449 : i32
      %and3A_2451 = arith.constant 255 : i32
      %and3A_2452 = arith.andi %add3A_2450, %and3A_2451 : i32
      %dma_wait3A_2453 = tpu.memref_slice %arg10[%and3A_2452] : memref<256x!tpu.dma_semaphore, #tpu.memory_space<semaphore_mem>> -> memref<1x!tpu.dma_semaphore, #tpu.memory_space<semaphore_mem>>
      %dma_wait3A_2454 = tpu.memref_squeeze %dma_wait3A_2453 : memref<1x!tpu.dma_semaphore, #tpu.memory_space<semaphore_mem>> -> memref<!tpu.dma_semaphore, #tpu.memory_space<semaphore_mem>>
      %dma_wait3A_2455 = arith.constant 0 : i32
      %dma_wait3A_2456 = arith.constant 0 : i32
      %dma_wait3A_2457 = tpu.memref_slice %arg9[%dma_wait3A_2455, %dma_wait3A_2456] : memref<16384x32xf32, #tpu.memory_space<vmem>> -> memref<1x32xf32, #tpu.memory_space<vmem>>
      %dma_wait3A_2458 = arith.constant 0 : i32
      %dma_wait3A_2459 = arith.constant 0 : i32
      %dma_wait3A_2460 = tpu.memref_slice %arg2[%dma_wait3A_2458, %dma_wait3A_2459] : memref<1000000x32xf32, #tpu.memory_space<hbm>> -> memref<1x32xf32, #tpu.memory_space<hbm>>
      tpu.wait_dma2 semaphore(%dma_wait3A_2454 : memref<!tpu.dma_semaphore, #tpu.memory_space<semaphore_mem>>) src(%dma_wait3A_2460 : memref<1x32xf32, #tpu.memory_space<hbm>>) dst(%dma_wait3A_2457 : memref<1x32xf32, #tpu.memory_space<vmem>>)
      %get3A_2461 = arith.index_cast %add3A_2450 : i32 to index
      %get3A_2462 = memref.load %arg1[%get3A_2461] : memref<16384xi32, #tpu.memory_space<smem>>
      %dma_start3A_2463 = tpu.memref_slice %arg10[%and3A_2452] : memref<256x!tpu.dma_semaphore, #tpu.memory_space<semaphore_mem>> -> memref<1x!tpu.dma_semaphore, #tpu.memory_space<semaphore_mem>>
      %dma_start3A_2464 = tpu.memref_squeeze %dma_start3A_2463 : memref<1x!tpu.dma_semaphore, #tpu.memory_space<semaphore_mem>> -> memref<!tpu.dma_semaphore, #tpu.memory_space<semaphore_mem>>
      %dma_start3A_2465 = arith.constant 0 : i32
      %dma_start3A_2466 = tpu.memref_slice %arg9[%add3A_2450, %dma_start3A_2465] : memref<16384x32xf32, #tpu.memory_space<vmem>> -> memref<1x32xf32, #tpu.memory_space<vmem>>
      %dma_start3A_2467 = arith.constant 0 : i32
      %dma_start3A_2468 = tpu.memref_slice %arg2[%get3A_2462, %dma_start3A_2467] : memref<1000000x32xf32, #tpu.memory_space<hbm>> -> memref<1x32xf32, #tpu.memory_space<hbm>>
      tpu.enqueue_dma source(%dma_start3A_2468 : memref<1x32xf32, #tpu.memory_space<hbm>>) target(%dma_start3A_2466 : memref<1x32xf32, #tpu.memory_space<vmem>>) target_semaphore(%dma_start3A_2464 : memref<!tpu.dma_semaphore, #tpu.memory_space<semaphore_mem>>)
      %mul3A_2469 = arith.constant 8 : i32
      %mul3A_2470 = arith.muli %scan3A_2350, %mul3A_2469 : i32
      %add3A_2471 = arith.constant 256 : i32
      %add3A_2472 = arith.addi %add3A_2471, %mul3A_2470 : i32
      %add3A_2473 = arith.constant 5 : i32
      %add3A_2474 = arith.addi %add3A_2472, %add3A_2473 : i32
      %and3A_2475 = arith.constant 255 : i32
      %and3A_2476 = arith.andi %add3A_2474, %and3A_2475 : i32
      %dma_wait3A_2477 = tpu.memref_slice %arg10[%and3A_2476] : memref<256x!tpu.dma_semaphore, #tpu.memory_space<semaphore_mem>> -> memref<1x!tpu.dma_semaphore, #tpu.memory_space<semaphore_mem>>
      %dma_wait3A_2478 = tpu.memref_squeeze %dma_wait3A_2477 : memref<1x!tpu.dma_semaphore, #tpu.memory_space<semaphore_mem>> -> memref<!tpu.dma_semaphore, #tpu.memory_space<semaphore_mem>>
      %dma_wait3A_2479 = arith.constant 0 : i32
      %dma_wait3A_2480 = arith.constant 0 : i32
      %dma_wait3A_2481 = tpu.memref_slice %arg9[%dma_wait3A_2479, %dma_wait3A_2480] : memref<16384x32xf32, #tpu.memory_space<vmem>> -> memref<1x32xf32, #tpu.memory_space<vmem>>
      %dma_wait3A_2482 = arith.constant 0 : i32
      %dma_wait3A_2483 = arith.constant 0 : i32
      %dma_wait3A_2484 = tpu.memref_slice %arg2[%dma_wait3A_2482, %dma_wait3A_2483] : memref<1000000x32xf32, #tpu.memory_space<hbm>> -> memref<1x32xf32, #tpu.memory_space<hbm>>
      tpu.wait_dma2 semaphore(%dma_wait3A_2478 : memref<!tpu.dma_semaphore, #tpu.memory_space<semaphore_mem>>) src(%dma_wait3A_2484 : memref<1x32xf32, #tpu.memory_space<hbm>>) dst(%dma_wait3A_2481 : memref<1x32xf32, #tpu.memory_space<vmem>>)
      %get3A_2485 = arith.index_cast %add3A_2474 : i32 to index
      %get3A_2486 = memref.load %arg1[%get3A_2485] : memref<16384xi32, #tpu.memory_space<smem>>
      %dma_start3A_2487 = tpu.memref_slice %arg10[%and3A_2476] : memref<256x!tpu.dma_semaphore, #tpu.memory_space<semaphore_mem>> -> memref<1x!tpu.dma_semaphore, #tpu.memory_space<semaphore_mem>>
      %dma_start3A_2488 = tpu.memref_squeeze %dma_start3A_2487 : memref<1x!tpu.dma_semaphore, #tpu.memory_space<semaphore_mem>> -> memref<!tpu.dma_semaphore, #tpu.memory_space<semaphore_mem>>
      %dma_start3A_2489 = arith.constant 0 : i32
      %dma_start3A_2490 = tpu.memref_slice %arg9[%add3A_2474, %dma_start3A_2489] : memref<16384x32xf32, #tpu.memory_space<vmem>> -> memref<1x32xf32, #tpu.memory_space<vmem>>
      %dma_start3A_2491 = arith.constant 0 : i32
      %dma_start3A_2492 = tpu.memref_slice %arg2[%get3A_2486, %dma_start3A_2491] : memref<1000000x32xf32, #tpu.memory_space<hbm>> -> memref<1x32xf32, #tpu.memory_space<hbm>>
      tpu.enqueue_dma source(%dma_start3A_2492 : memref<1x32xf32, #tpu.memory_space<hbm>>) target(%dma_start3A_2490 : memref<1x32xf32, #tpu.memory_space<vmem>>) target_semaphore(%dma_start3A_2488 : memref<!tpu.dma_semaphore, #tpu.memory_space<semaphore_mem>>)
      %mul3A_2493 = arith.constant 8 : i32
      %mul3A_2494 = arith.muli %scan3A_2350, %mul3A_2493 : i32
      %add3A_2495 = arith.constant 256 : i32
      %add3A_2496 = arith.addi %add3A_2495, %mul3A_2494 : i32
      %add3A_2497 = arith.constant 6 : i32
      %add3A_2498 = arith.addi %add3A_2496, %add3A_2497 : i32
      %and3A_2499 = arith.constant 255 : i32
      %and3A_2500 = arith.andi %add3A_2498, %and3A_2499 : i32
      %dma_wait3A_2501 = tpu.memref_slice %arg10[%and3A_2500] : memref<256x!tpu.dma_semaphore, #tpu.memory_space<semaphore_mem>> -> memref<1x!tpu.dma_semaphore, #tpu.memory_space<semaphore_mem>>
      %dma_wait3A_2502 = tpu.memref_squeeze %dma_wait3A_2501 : memref<1x!tpu.dma_semaphore, #tpu.memory_space<semaphore_mem>> -> memref<!tpu.dma_semaphore, #tpu.memory_space<semaphore_mem>>
      %dma_wait3A_2503 = arith.constant 0 : i32
      %dma_wait3A_2504 = arith.constant 0 : i32
      %dma_wait3A_2505 = tpu.memref_slice %arg9[%dma_wait3A_2503, %dma_wait3A_2504] : memref<16384x32xf32, #tpu.memory_space<vmem>> -> memref<1x32xf32, #tpu.memory_space<vmem>>
      %dma_wait3A_2506 = arith.constant 0 : i32
      %dma_wait3A_2507 = arith.constant 0 : i32
      %dma_wait3A_2508 = tpu.memref_slice %arg2[%dma_wait3A_2506, %dma_wait3A_2507] : memref<1000000x32xf32, #tpu.memory_space<hbm>> -> memref<1x32xf32, #tpu.memory_space<hbm>>
      tpu.wait_dma2 semaphore(%dma_wait3A_2502 : memref<!tpu.dma_semaphore, #tpu.memory_space<semaphore_mem>>) src(%dma_wait3A_2508 : memref<1x32xf32, #tpu.memory_space<hbm>>) dst(%dma_wait3A_2505 : memref<1x32xf32, #tpu.memory_space<vmem>>)
      %get3A_2509 = arith.index_cast %add3A_2498 : i32 to index
      %get3A_2510 = memref.load %arg1[%get3A_2509] : memref<16384xi32, #tpu.memory_space<smem>>
      %dma_start3A_2511 = tpu.memref_slice %arg10[%and3A_2500] : memref<256x!tpu.dma_semaphore, #tpu.memory_space<semaphore_mem>> -> memref<1x!tpu.dma_semaphore, #tpu.memory_space<semaphore_mem>>
      %dma_start3A_2512 = tpu.memref_squeeze %dma_start3A_2511 : memref<1x!tpu.dma_semaphore, #tpu.memory_space<semaphore_mem>> -> memref<!tpu.dma_semaphore, #tpu.memory_space<semaphore_mem>>
      %dma_start3A_2513 = arith.constant 0 : i32
      %dma_start3A_2514 = tpu.memref_slice %arg9[%add3A_2498, %dma_start3A_2513] : memref<16384x32xf32, #tpu.memory_space<vmem>> -> memref<1x32xf32, #tpu.memory_space<vmem>>
      %dma_start3A_2515 = arith.constant 0 : i32
      %dma_start3A_2516 = tpu.memref_slice %arg2[%get3A_2510, %dma_start3A_2515] : memref<1000000x32xf32, #tpu.memory_space<hbm>> -> memref<1x32xf32, #tpu.memory_space<hbm>>
      tpu.enqueue_dma source(%dma_start3A_2516 : memref<1x32xf32, #tpu.memory_space<hbm>>) target(%dma_start3A_2514 : memref<1x32xf32, #tpu.memory_space<vmem>>) target_semaphore(%dma_start3A_2512 : memref<!tpu.dma_semaphore, #tpu.memory_space<semaphore_mem>>)
      %mul3A_2517 = arith.constant 8 : i32
      %mul3A_2518 = arith.muli %scan3A_2350, %mul3A_2517 : i32
      %add3A_2519 = arith.constant 256 : i32
      %add3A_2520 = arith.addi %add3A_2519, %mul3A_2518 : i32
      %add3A_2521 = arith.constant 7 : i32
      %add3A_2522 = arith.addi %add3A_2520, %add3A_2521 : i32
      %and3A_2523 = arith.constant 255 : i32
      %and3A_2524 = arith.andi %add3A_2522, %and3A_2523 : i32
      %dma_wait3A_2525 = tpu.memref_slice %arg10[%and3A_2524] : memref<256x!tpu.dma_semaphore, #tpu.memory_space<semaphore_mem>> -> memref<1x!tpu.dma_semaphore, #tpu.memory_space<semaphore_mem>>
      %dma_wait3A_2526 = tpu.memref_squeeze %dma_wait3A_2525 : memref<1x!tpu.dma_semaphore, #tpu.memory_space<semaphore_mem>> -> memref<!tpu.dma_semaphore, #tpu.memory_space<semaphore_mem>>
      %dma_wait3A_2527 = arith.constant 0 : i32
      %dma_wait3A_2528 = arith.constant 0 : i32
      %dma_wait3A_2529 = tpu.memref_slice %arg9[%dma_wait3A_2527, %dma_wait3A_2528] : memref<16384x32xf32, #tpu.memory_space<vmem>> -> memref<1x32xf32, #tpu.memory_space<vmem>>
      %dma_wait3A_2530 = arith.constant 0 : i32
      %dma_wait3A_2531 = arith.constant 0 : i32
      %dma_wait3A_2532 = tpu.memref_slice %arg2[%dma_wait3A_2530, %dma_wait3A_2531] : memref<1000000x32xf32, #tpu.memory_space<hbm>> -> memref<1x32xf32, #tpu.memory_space<hbm>>
      tpu.wait_dma2 semaphore(%dma_wait3A_2526 : memref<!tpu.dma_semaphore, #tpu.memory_space<semaphore_mem>>) src(%dma_wait3A_2532 : memref<1x32xf32, #tpu.memory_space<hbm>>) dst(%dma_wait3A_2529 : memref<1x32xf32, #tpu.memory_space<vmem>>)
      %get3A_2533 = arith.index_cast %add3A_2522 : i32 to index
      %get3A_2534 = memref.load %arg1[%get3A_2533] : memref<16384xi32, #tpu.memory_space<smem>>
      %dma_start3A_2535 = tpu.memref_slice %arg10[%and3A_2524] : memref<256x!tpu.dma_semaphore, #tpu.memory_space<semaphore_mem>> -> memref<1x!tpu.dma_semaphore, #tpu.memory_space<semaphore_mem>>
      %dma_start3A_2536 = tpu.memref_squeeze %dma_start3A_2535 : memref<1x!tpu.dma_semaphore, #tpu.memory_space<semaphore_mem>> -> memref<!tpu.dma_semaphore, #tpu.memory_space<semaphore_mem>>
      %dma_start3A_2537 = arith.constant 0 : i32
      %dma_start3A_2538 = tpu.memref_slice %arg9[%add3A_2522, %dma_start3A_2537] : memref<16384x32xf32, #tpu.memory_space<vmem>> -> memref<1x32xf32, #tpu.memory_space<vmem>>
      %dma_start3A_2539 = arith.constant 0 : i32
      %dma_start3A_2540 = tpu.memref_slice %arg2[%get3A_2534, %dma_start3A_2539] : memref<1000000x32xf32, #tpu.memory_space<hbm>> -> memref<1x32xf32, #tpu.memory_space<hbm>>
      tpu.enqueue_dma source(%dma_start3A_2540 : memref<1x32xf32, #tpu.memory_space<hbm>>) target(%dma_start3A_2538 : memref<1x32xf32, #tpu.memory_space<vmem>>) target_semaphore(%dma_start3A_2536 : memref<!tpu.dma_semaphore, #tpu.memory_space<semaphore_mem>>)
    }
    %scan3A_8 = arith.constant 2016 : i32
    %dma_wait3A = arith.constant 0 : i32
    %dma_wait3A_9 = tpu.memref_slice %arg10[%dma_wait3A] : memref<256x!tpu.dma_semaphore, #tpu.memory_space<semaphore_mem>> -> memref<1x!tpu.dma_semaphore, #tpu.memory_space<semaphore_mem>>
    %dma_wait3A_10 = tpu.memref_squeeze %dma_wait3A_9 : memref<1x!tpu.dma_semaphore, #tpu.memory_space<semaphore_mem>> -> memref<!tpu.dma_semaphore, #tpu.memory_space<semaphore_mem>>
    %dma_wait3A_11 = arith.constant 0 : i32
    %dma_wait3A_12 = arith.constant 0 : i32
    %dma_wait3A_13 = tpu.memref_slice %arg9[%dma_wait3A_11, %dma_wait3A_12] : memref<16384x32xf32, #tpu.memory_space<vmem>> -> memref<1x32xf32, #tpu.memory_space<vmem>>
    %dma_wait3A_14 = arith.constant 0 : i32
    %dma_wait3A_15 = arith.constant 0 : i32
    %dma_wait3A_16 = tpu.memref_slice %arg2[%dma_wait3A_14, %dma_wait3A_15] : memref<1000000x32xf32, #tpu.memory_space<hbm>> -> memref<1x32xf32, #tpu.memory_space<hbm>>
    tpu.wait_dma2 semaphore(%dma_wait3A_10 : memref<!tpu.dma_semaphore, #tpu.memory_space<semaphore_mem>>) src(%dma_wait3A_16 : memref<1x32xf32, #tpu.memory_space<hbm>>) dst(%dma_wait3A_13 : memref<1x32xf32, #tpu.memory_space<vmem>>)
    %dma_wait3A_17 = arith.constant 1 : i32
    %dma_wait3A_18 = tpu.memref_slice %arg10[%dma_wait3A_17] : memref<256x!tpu.dma_semaphore, #tpu.memory_space<semaphore_mem>> -> memref<1x!tpu.dma_semaphore, #tpu.memory_space<semaphore_mem>>
    %dma_wait3A_19 = tpu.memref_squeeze %dma_wait3A_18 : memref<1x!tpu.dma_semaphore, #tpu.memory_space<semaphore_mem>> -> memref<!tpu.dma_semaphore, #tpu.memory_space<semaphore_mem>>
    %dma_wait3A_20 = arith.constant 0 : i32
    %dma_wait3A_21 = arith.constant 0 : i32
    %dma_wait3A_22 = tpu.memref_slice %arg9[%dma_wait3A_20, %dma_wait3A_21] : memref<16384x32xf32, #tpu.memory_space<vmem>> -> memref<1x32xf32, #tpu.memory_space<vmem>>
    %dma_wait3A_23 = arith.constant 0 : i32
    %dma_wait3A_24 = arith.constant 0 : i32
    %dma_wait3A_25 = tpu.memref_slice %arg2[%dma_wait3A_23, %dma_wait3A_24] : memref<1000000x32xf32, #tpu.memory_space<hbm>> -> memref<1x32xf32, #tpu.memory_space<hbm>>
    tpu.wait_dma2 semaphore(%dma_wait3A_19 : memref<!tpu.dma_semaphore, #tpu.memory_space<semaphore_mem>>) src(%dma_wait3A_25 : memref<1x32xf32, #tpu.memory_space<hbm>>) dst(%dma_wait3A_22 : memref<1x32xf32, #tpu.memory_space<vmem>>)
    %dma_wait3A_26 = arith.constant 2 : i32
    %dma_wait3A_27 = tpu.memref_slice %arg10[%dma_wait3A_26] : memref<256x!tpu.dma_semaphore, #tpu.memory_space<semaphore_mem>> -> memref<1x!tpu.dma_semaphore, #tpu.memory_space<semaphore_mem>>
    %dma_wait3A_28 = tpu.memref_squeeze %dma_wait3A_27 : memref<1x!tpu.dma_semaphore, #tpu.memory_space<semaphore_mem>> -> memref<!tpu.dma_semaphore, #tpu.memory_space<semaphore_mem>>
    %dma_wait3A_29 = arith.constant 0 : i32
    %dma_wait3A_30 = arith.constant 0 : i32
    %dma_wait3A_31 = tpu.memref_slice %arg9[%dma_wait3A_29, %dma_wait3A_30] : memref<16384x32xf32, #tpu.memory_space<vmem>> -> memref<1x32xf32, #tpu.memory_space<vmem>>
    %dma_wait3A_32 = arith.constant 0 : i32
    %dma_wait3A_33 = arith.constant 0 : i32
    %dma_wait3A_34 = tpu.memref_slice %arg2[%dma_wait3A_32, %dma_wait3A_33] : memref<1000000x32xf32, #tpu.memory_space<hbm>> -> memref<1x32xf32, #tpu.memory_space<hbm>>
    tpu.wait_dma2 semaphore(%dma_wait3A_28 : memref<!tpu.dma_semaphore, #tpu.memory_space<semaphore_mem>>) src(%dma_wait3A_34 : memref<1x32xf32, #tpu.memory_space<hbm>>) dst(%dma_wait3A_31 : memref<1x32xf32, #tpu.memory_space<vmem>>)
    %dma_wait3A_35 = arith.constant 3 : i32
    %dma_wait3A_36 = tpu.memref_slice %arg10[%dma_wait3A_35] : memref<256x!tpu.dma_semaphore, #tpu.memory_space<semaphore_mem>> -> memref<1x!tpu.dma_semaphore, #tpu.memory_space<semaphore_mem>>
    %dma_wait3A_37 = tpu.memref_squeeze %dma_wait3A_36 : memref<1x!tpu.dma_semaphore, #tpu.memory_space<semaphore_mem>> -> memref<!tpu.dma_semaphore, #tpu.memory_space<semaphore_mem>>
    %dma_wait3A_38 = arith.constant 0 : i32
    %dma_wait3A_39 = arith.constant 0 : i32
    %dma_wait3A_40 = tpu.memref_slice %arg9[%dma_wait3A_38, %dma_wait3A_39] : memref<16384x32xf32, #tpu.memory_space<vmem>> -> memref<1x32xf32, #tpu.memory_space<vmem>>
    %dma_wait3A_41 = arith.constant 0 : i32
    %dma_wait3A_42 = arith.constant 0 : i32
    %dma_wait3A_43 = tpu.memref_slice %arg2[%dma_wait3A_41, %dma_wait3A_42] : memref<1000000x32xf32, #tpu.memory_space<hbm>> -> memref<1x32xf32, #tpu.memory_space<hbm>>
    tpu.wait_dma2 semaphore(%dma_wait3A_37 : memref<!tpu.dma_semaphore, #tpu.memory_space<semaphore_mem>>) src(%dma_wait3A_43 : memref<1x32xf32, #tpu.memory_space<hbm>>) dst(%dma_wait3A_40 : memref<1x32xf32, #tpu.memory_space<vmem>>)
    %dma_wait3A_44 = arith.constant 4 : i32
    %dma_wait3A_45 = tpu.memref_slice %arg10[%dma_wait3A_44] : memref<256x!tpu.dma_semaphore, #tpu.memory_space<semaphore_mem>> -> memref<1x!tpu.dma_semaphore, #tpu.memory_space<semaphore_mem>>
    %dma_wait3A_46 = tpu.memref_squeeze %dma_wait3A_45 : memref<1x!tpu.dma_semaphore, #tpu.memory_space<semaphore_mem>> -> memref<!tpu.dma_semaphore, #tpu.memory_space<semaphore_mem>>
    %dma_wait3A_47 = arith.constant 0 : i32
    %dma_wait3A_48 = arith.constant 0 : i32
    %dma_wait3A_49 = tpu.memref_slice %arg9[%dma_wait3A_47, %dma_wait3A_48] : memref<16384x32xf32, #tpu.memory_space<vmem>> -> memref<1x32xf32, #tpu.memory_space<vmem>>
    %dma_wait3A_50 = arith.constant 0 : i32
    %dma_wait3A_51 = arith.constant 0 : i32
    %dma_wait3A_52 = tpu.memref_slice %arg2[%dma_wait3A_50, %dma_wait3A_51] : memref<1000000x32xf32, #tpu.memory_space<hbm>> -> memref<1x32xf32, #tpu.memory_space<hbm>>
    tpu.wait_dma2 semaphore(%dma_wait3A_46 : memref<!tpu.dma_semaphore, #tpu.memory_space<semaphore_mem>>) src(%dma_wait3A_52 : memref<1x32xf32, #tpu.memory_space<hbm>>) dst(%dma_wait3A_49 : memref<1x32xf32, #tpu.memory_space<vmem>>)
    %dma_wait3A_53 = arith.constant 5 : i32
    %dma_wait3A_54 = tpu.memref_slice %arg10[%dma_wait3A_53] : memref<256x!tpu.dma_semaphore, #tpu.memory_space<semaphore_mem>> -> memref<1x!tpu.dma_semaphore, #tpu.memory_space<semaphore_mem>>
    %dma_wait3A_55 = tpu.memref_squeeze %dma_wait3A_54 : memref<1x!tpu.dma_semaphore, #tpu.memory_space<semaphore_mem>> -> memref<!tpu.dma_semaphore, #tpu.memory_space<semaphore_mem>>
    %dma_wait3A_56 = arith.constant 0 : i32
    %dma_wait3A_57 = arith.constant 0 : i32
    %dma_wait3A_58 = tpu.memref_slice %arg9[%dma_wait3A_56, %dma_wait3A_57] : memref<16384x32xf32, #tpu.memory_space<vmem>> -> memref<1x32xf32, #tpu.memory_space<vmem>>
    %dma_wait3A_59 = arith.constant 0 : i32
    %dma_wait3A_60 = arith.constant 0 : i32
    %dma_wait3A_61 = tpu.memref_slice %arg2[%dma_wait3A_59, %dma_wait3A_60] : memref<1000000x32xf32, #tpu.memory_space<hbm>> -> memref<1x32xf32, #tpu.memory_space<hbm>>
    tpu.wait_dma2 semaphore(%dma_wait3A_55 : memref<!tpu.dma_semaphore, #tpu.memory_space<semaphore_mem>>) src(%dma_wait3A_61 : memref<1x32xf32, #tpu.memory_space<hbm>>) dst(%dma_wait3A_58 : memref<1x32xf32, #tpu.memory_space<vmem>>)
    %dma_wait3A_62 = arith.constant 6 : i32
    %dma_wait3A_63 = tpu.memref_slice %arg10[%dma_wait3A_62] : memref<256x!tpu.dma_semaphore, #tpu.memory_space<semaphore_mem>> -> memref<1x!tpu.dma_semaphore, #tpu.memory_space<semaphore_mem>>
    %dma_wait3A_64 = tpu.memref_squeeze %dma_wait3A_63 : memref<1x!tpu.dma_semaphore, #tpu.memory_space<semaphore_mem>> -> memref<!tpu.dma_semaphore, #tpu.memory_space<semaphore_mem>>
    %dma_wait3A_65 = arith.constant 0 : i32
    %dma_wait3A_66 = arith.constant 0 : i32
    %dma_wait3A_67 = tpu.memref_slice %arg9[%dma_wait3A_65, %dma_wait3A_66] : memref<16384x32xf32, #tpu.memory_space<vmem>> -> memref<1x32xf32, #tpu.memory_space<vmem>>
    %dma_wait3A_68 = arith.constant 0 : i32
    %dma_wait3A_69 = arith.constant 0 : i32
    %dma_wait3A_70 = tpu.memref_slice %arg2[%dma_wait3A_68, %dma_wait3A_69] : memref<1000000x32xf32, #tpu.memory_space<hbm>> -> memref<1x32xf32, #tpu.memory_space<hbm>>
    tpu.wait_dma2 semaphore(%dma_wait3A_64 : memref<!tpu.dma_semaphore, #tpu.memory_space<semaphore_mem>>) src(%dma_wait3A_70 : memref<1x32xf32, #tpu.memory_space<hbm>>) dst(%dma_wait3A_67 : memref<1x32xf32, #tpu.memory_space<vmem>>)
    %dma_wait3A_71 = arith.constant 7 : i32
    %dma_wait3A_72 = tpu.memref_slice %arg10[%dma_wait3A_71] : memref<256x!tpu.dma_semaphore, #tpu.memory_space<semaphore_mem>> -> memref<1x!tpu.dma_semaphore, #tpu.memory_space<semaphore_mem>>
    %dma_wait3A_73 = tpu.memref_squeeze %dma_wait3A_72 : memref<1x!tpu.dma_semaphore, #tpu.memory_space<semaphore_mem>> -> memref<!tpu.dma_semaphore, #tpu.memory_space<semaphore_mem>>
    %dma_wait3A_74 = arith.constant 0 : i32
    %dma_wait3A_75 = arith.constant 0 : i32
    %dma_wait3A_76 = tpu.memref_slice %arg9[%dma_wait3A_74, %dma_wait3A_75] : memref<16384x32xf32, #tpu.memory_space<vmem>> -> memref<1x32xf32, #tpu.memory_space<vmem>>
    %dma_wait3A_77 = arith.constant 0 : i32
    %dma_wait3A_78 = arith.constant 0 : i32
    %dma_wait3A_79 = tpu.memref_slice %arg2[%dma_wait3A_77, %dma_wait3A_78] : memref<1000000x32xf32, #tpu.memory_space<hbm>> -> memref<1x32xf32, #tpu.memory_space<hbm>>
    tpu.wait_dma2 semaphore(%dma_wait3A_73 : memref<!tpu.dma_semaphore, #tpu.memory_space<semaphore_mem>>) src(%dma_wait3A_79 : memref<1x32xf32, #tpu.memory_space<hbm>>) dst(%dma_wait3A_76 : memref<1x32xf32, #tpu.memory_space<vmem>>)
    %dma_wait3A_80 = arith.constant 8 : i32
    %dma_wait3A_81 = tpu.memref_slice %arg10[%dma_wait3A_80] : memref<256x!tpu.dma_semaphore, #tpu.memory_space<semaphore_mem>> -> memref<1x!tpu.dma_semaphore, #tpu.memory_space<semaphore_mem>>
    %dma_wait3A_82 = tpu.memref_squeeze %dma_wait3A_81 : memref<1x!tpu.dma_semaphore, #tpu.memory_space<semaphore_mem>> -> memref<!tpu.dma_semaphore, #tpu.memory_space<semaphore_mem>>
    %dma_wait3A_83 = arith.constant 0 : i32
    %dma_wait3A_84 = arith.constant 0 : i32
    %dma_wait3A_85 = tpu.memref_slice %arg9[%dma_wait3A_83, %dma_wait3A_84] : memref<16384x32xf32, #tpu.memory_space<vmem>> -> memref<1x32xf32, #tpu.memory_space<vmem>>
    %dma_wait3A_86 = arith.constant 0 : i32
    %dma_wait3A_87 = arith.constant 0 : i32
    %dma_wait3A_88 = tpu.memref_slice %arg2[%dma_wait3A_86, %dma_wait3A_87] : memref<1000000x32xf32, #tpu.memory_space<hbm>> -> memref<1x32xf32, #tpu.memory_space<hbm>>
    tpu.wait_dma2 semaphore(%dma_wait3A_82 : memref<!tpu.dma_semaphore, #tpu.memory_space<semaphore_mem>>) src(%dma_wait3A_88 : memref<1x32xf32, #tpu.memory_space<hbm>>) dst(%dma_wait3A_85 : memref<1x32xf32, #tpu.memory_space<vmem>>)
    %dma_wait3A_89 = arith.constant 9 : i32
    %dma_wait3A_90 = tpu.memref_slice %arg10[%dma_wait3A_89] : memref<256x!tpu.dma_semaphore, #tpu.memory_space<semaphore_mem>> -> memref<1x!tpu.dma_semaphore, #tpu.memory_space<semaphore_mem>>
    %dma_wait3A_91 = tpu.memref_squeeze %dma_wait3A_90 : memref<1x!tpu.dma_semaphore, #tpu.memory_space<semaphore_mem>> -> memref<!tpu.dma_semaphore, #tpu.memory_space<semaphore_mem>>
    %dma_wait3A_92 = arith.constant 0 : i32
    %dma_wait3A_93 = arith.constant 0 : i32
    %dma_wait3A_94 = tpu.memref_slice %arg9[%dma_wait3A_92, %dma_wait3A_93] : memref<16384x32xf32, #tpu.memory_space<vmem>> -> memref<1x32xf32, #tpu.memory_space<vmem>>
    %dma_wait3A_95 = arith.constant 0 : i32
    %dma_wait3A_96 = arith.constant 0 : i32
    %dma_wait3A_97 = tpu.memref_slice %arg2[%dma_wait3A_95, %dma_wait3A_96] : memref<1000000x32xf32, #tpu.memory_space<hbm>> -> memref<1x32xf32, #tpu.memory_space<hbm>>
    tpu.wait_dma2 semaphore(%dma_wait3A_91 : memref<!tpu.dma_semaphore, #tpu.memory_space<semaphore_mem>>) src(%dma_wait3A_97 : memref<1x32xf32, #tpu.memory_space<hbm>>) dst(%dma_wait3A_94 : memref<1x32xf32, #tpu.memory_space<vmem>>)
    %dma_wait3A_98 = arith.constant 10 : i32
    %dma_wait3A_99 = tpu.memref_slice %arg10[%dma_wait3A_98] : memref<256x!tpu.dma_semaphore, #tpu.memory_space<semaphore_mem>> -> memref<1x!tpu.dma_semaphore, #tpu.memory_space<semaphore_mem>>
    %dma_wait3A_100 = tpu.memref_squeeze %dma_wait3A_99 : memref<1x!tpu.dma_semaphore, #tpu.memory_space<semaphore_mem>> -> memref<!tpu.dma_semaphore, #tpu.memory_space<semaphore_mem>>
    %dma_wait3A_101 = arith.constant 0 : i32
    %dma_wait3A_102 = arith.constant 0 : i32
    %dma_wait3A_103 = tpu.memref_slice %arg9[%dma_wait3A_101, %dma_wait3A_102] : memref<16384x32xf32, #tpu.memory_space<vmem>> -> memref<1x32xf32, #tpu.memory_space<vmem>>
    %dma_wait3A_104 = arith.constant 0 : i32
    %dma_wait3A_105 = arith.constant 0 : i32
    %dma_wait3A_106 = tpu.memref_slice %arg2[%dma_wait3A_104, %dma_wait3A_105] : memref<1000000x32xf32, #tpu.memory_space<hbm>> -> memref<1x32xf32, #tpu.memory_space<hbm>>
    tpu.wait_dma2 semaphore(%dma_wait3A_100 : memref<!tpu.dma_semaphore, #tpu.memory_space<semaphore_mem>>) src(%dma_wait3A_106 : memref<1x32xf32, #tpu.memory_space<hbm>>) dst(%dma_wait3A_103 : memref<1x32xf32, #tpu.memory_space<vmem>>)
    %dma_wait3A_107 = arith.constant 11 : i32
    %dma_wait3A_108 = tpu.memref_slice %arg10[%dma_wait3A_107] : memref<256x!tpu.dma_semaphore, #tpu.memory_space<semaphore_mem>> -> memref<1x!tpu.dma_semaphore, #tpu.memory_space<semaphore_mem>>
    %dma_wait3A_109 = tpu.memref_squeeze %dma_wait3A_108 : memref<1x!tpu.dma_semaphore, #tpu.memory_space<semaphore_mem>> -> memref<!tpu.dma_semaphore, #tpu.memory_space<semaphore_mem>>
    %dma_wait3A_110 = arith.constant 0 : i32
    %dma_wait3A_111 = arith.constant 0 : i32
    %dma_wait3A_112 = tpu.memref_slice %arg9[%dma_wait3A_110, %dma_wait3A_111] : memref<16384x32xf32, #tpu.memory_space<vmem>> -> memref<1x32xf32, #tpu.memory_space<vmem>>
    %dma_wait3A_113 = arith.constant 0 : i32
    %dma_wait3A_114 = arith.constant 0 : i32
    %dma_wait3A_115 = tpu.memref_slice %arg2[%dma_wait3A_113, %dma_wait3A_114] : memref<1000000x32xf32, #tpu.memory_space<hbm>> -> memref<1x32xf32, #tpu.memory_space<hbm>>
    tpu.wait_dma2 semaphore(%dma_wait3A_109 : memref<!tpu.dma_semaphore, #tpu.memory_space<semaphore_mem>>) src(%dma_wait3A_115 : memref<1x32xf32, #tpu.memory_space<hbm>>) dst(%dma_wait3A_112 : memref<1x32xf32, #tpu.memory_space<vmem>>)
    %dma_wait3A_116 = arith.constant 12 : i32
    %dma_wait3A_117 = tpu.memref_slice %arg10[%dma_wait3A_116] : memref<256x!tpu.dma_semaphore, #tpu.memory_space<semaphore_mem>> -> memref<1x!tpu.dma_semaphore, #tpu.memory_space<semaphore_mem>>
    %dma_wait3A_118 = tpu.memref_squeeze %dma_wait3A_117 : memref<1x!tpu.dma_semaphore, #tpu.memory_space<semaphore_mem>> -> memref<!tpu.dma_semaphore, #tpu.memory_space<semaphore_mem>>
    %dma_wait3A_119 = arith.constant 0 : i32
    %dma_wait3A_120 = arith.constant 0 : i32
    %dma_wait3A_121 = tpu.memref_slice %arg9[%dma_wait3A_119, %dma_wait3A_120] : memref<16384x32xf32, #tpu.memory_space<vmem>> -> memref<1x32xf32, #tpu.memory_space<vmem>>
    %dma_wait3A_122 = arith.constant 0 : i32
    %dma_wait3A_123 = arith.constant 0 : i32
    %dma_wait3A_124 = tpu.memref_slice %arg2[%dma_wait3A_122, %dma_wait3A_123] : memref<1000000x32xf32, #tpu.memory_space<hbm>> -> memref<1x32xf32, #tpu.memory_space<hbm>>
    tpu.wait_dma2 semaphore(%dma_wait3A_118 : memref<!tpu.dma_semaphore, #tpu.memory_space<semaphore_mem>>) src(%dma_wait3A_124 : memref<1x32xf32, #tpu.memory_space<hbm>>) dst(%dma_wait3A_121 : memref<1x32xf32, #tpu.memory_space<vmem>>)
    %dma_wait3A_125 = arith.constant 13 : i32
    %dma_wait3A_126 = tpu.memref_slice %arg10[%dma_wait3A_125] : memref<256x!tpu.dma_semaphore, #tpu.memory_space<semaphore_mem>> -> memref<1x!tpu.dma_semaphore, #tpu.memory_space<semaphore_mem>>
    %dma_wait3A_127 = tpu.memref_squeeze %dma_wait3A_126 : memref<1x!tpu.dma_semaphore, #tpu.memory_space<semaphore_mem>> -> memref<!tpu.dma_semaphore, #tpu.memory_space<semaphore_mem>>
    %dma_wait3A_128 = arith.constant 0 : i32
    %dma_wait3A_129 = arith.constant 0 : i32
    %dma_wait3A_130 = tpu.memref_slice %arg9[%dma_wait3A_128, %dma_wait3A_129] : memref<16384x32xf32, #tpu.memory_space<vmem>> -> memref<1x32xf32, #tpu.memory_space<vmem>>
    %dma_wait3A_131 = arith.constant 0 : i32
    %dma_wait3A_132 = arith.constant 0 : i32
    %dma_wait3A_133 = tpu.memref_slice %arg2[%dma_wait3A_131, %dma_wait3A_132] : memref<1000000x32xf32, #tpu.memory_space<hbm>> -> memref<1x32xf32, #tpu.memory_space<hbm>>
    tpu.wait_dma2 semaphore(%dma_wait3A_127 : memref<!tpu.dma_semaphore, #tpu.memory_space<semaphore_mem>>) src(%dma_wait3A_133 : memref<1x32xf32, #tpu.memory_space<hbm>>) dst(%dma_wait3A_130 : memref<1x32xf32, #tpu.memory_space<vmem>>)
    %dma_wait3A_134 = arith.constant 14 : i32
    %dma_wait3A_135 = tpu.memref_slice %arg10[%dma_wait3A_134] : memref<256x!tpu.dma_semaphore, #tpu.memory_space<semaphore_mem>> -> memref<1x!tpu.dma_semaphore, #tpu.memory_space<semaphore_mem>>
    %dma_wait3A_136 = tpu.memref_squeeze %dma_wait3A_135 : memref<1x!tpu.dma_semaphore, #tpu.memory_space<semaphore_mem>> -> memref<!tpu.dma_semaphore, #tpu.memory_space<semaphore_mem>>
    %dma_wait3A_137 = arith.constant 0 : i32
    %dma_wait3A_138 = arith.constant 0 : i32
    %dma_wait3A_139 = tpu.memref_slice %arg9[%dma_wait3A_137, %dma_wait3A_138] : memref<16384x32xf32, #tpu.memory_space<vmem>> -> memref<1x32xf32, #tpu.memory_space<vmem>>
    %dma_wait3A_140 = arith.constant 0 : i32
    %dma_wait3A_141 = arith.constant 0 : i32
    %dma_wait3A_142 = tpu.memref_slice %arg2[%dma_wait3A_140, %dma_wait3A_141] : memref<1000000x32xf32, #tpu.memory_space<hbm>> -> memref<1x32xf32, #tpu.memory_space<hbm>>
    tpu.wait_dma2 semaphore(%dma_wait3A_136 : memref<!tpu.dma_semaphore, #tpu.memory_space<semaphore_mem>>) src(%dma_wait3A_142 : memref<1x32xf32, #tpu.memory_space<hbm>>) dst(%dma_wait3A_139 : memref<1x32xf32, #tpu.memory_space<vmem>>)
    %dma_wait3A_143 = arith.constant 15 : i32
    %dma_wait3A_144 = tpu.memref_slice %arg10[%dma_wait3A_143] : memref<256x!tpu.dma_semaphore, #tpu.memory_space<semaphore_mem>> -> memref<1x!tpu.dma_semaphore, #tpu.memory_space<semaphore_mem>>
    %dma_wait3A_145 = tpu.memref_squeeze %dma_wait3A_144 : memref<1x!tpu.dma_semaphore, #tpu.memory_space<semaphore_mem>> -> memref<!tpu.dma_semaphore, #tpu.memory_space<semaphore_mem>>
    %dma_wait3A_146 = arith.constant 0 : i32
    %dma_wait3A_147 = arith.constant 0 : i32
    %dma_wait3A_148 = tpu.memref_slice %arg9[%dma_wait3A_146, %dma_wait3A_147] : memref<16384x32xf32, #tpu.memory_space<vmem>> -> memref<1x32xf32, #tpu.memory_space<vmem>>
    %dma_wait3A_149 = arith.constant 0 : i32
    %dma_wait3A_150 = arith.constant 0 : i32
    %dma_wait3A_151 = tpu.memref_slice %arg2[%dma_wait3A_149, %dma_wait3A_150] : memref<1000000x32xf32, #tpu.memory_space<hbm>> -> memref<1x32xf32, #tpu.memory_space<hbm>>
    tpu.wait_dma2 semaphore(%dma_wait3A_145 : memref<!tpu.dma_semaphore, #tpu.memory_space<semaphore_mem>>) src(%dma_wait3A_151 : memref<1x32xf32, #tpu.memory_space<hbm>>) dst(%dma_wait3A_148 : memref<1x32xf32, #tpu.memory_space<vmem>>)
    %dma_wait3A_152 = arith.constant 16 : i32
    %dma_wait3A_153 = tpu.memref_slice %arg10[%dma_wait3A_152] : memref<256x!tpu.dma_semaphore, #tpu.memory_space<semaphore_mem>> -> memref<1x!tpu.dma_semaphore, #tpu.memory_space<semaphore_mem>>
    %dma_wait3A_154 = tpu.memref_squeeze %dma_wait3A_153 : memref<1x!tpu.dma_semaphore, #tpu.memory_space<semaphore_mem>> -> memref<!tpu.dma_semaphore, #tpu.memory_space<semaphore_mem>>
    %dma_wait3A_155 = arith.constant 0 : i32
    %dma_wait3A_156 = arith.constant 0 : i32
    %dma_wait3A_157 = tpu.memref_slice %arg9[%dma_wait3A_155, %dma_wait3A_156] : memref<16384x32xf32, #tpu.memory_space<vmem>> -> memref<1x32xf32, #tpu.memory_space<vmem>>
    %dma_wait3A_158 = arith.constant 0 : i32
    %dma_wait3A_159 = arith.constant 0 : i32
    %dma_wait3A_160 = tpu.memref_slice %arg2[%dma_wait3A_158, %dma_wait3A_159] : memref<1000000x32xf32, #tpu.memory_space<hbm>> -> memref<1x32xf32, #tpu.memory_space<hbm>>
    tpu.wait_dma2 semaphore(%dma_wait3A_154 : memref<!tpu.dma_semaphore, #tpu.memory_space<semaphore_mem>>) src(%dma_wait3A_160 : memref<1x32xf32, #tpu.memory_space<hbm>>) dst(%dma_wait3A_157 : memref<1x32xf32, #tpu.memory_space<vmem>>)
    %dma_wait3A_161 = arith.constant 17 : i32
    %dma_wait3A_162 = tpu.memref_slice %arg10[%dma_wait3A_161] : memref<256x!tpu.dma_semaphore, #tpu.memory_space<semaphore_mem>> -> memref<1x!tpu.dma_semaphore, #tpu.memory_space<semaphore_mem>>
    %dma_wait3A_163 = tpu.memref_squeeze %dma_wait3A_162 : memref<1x!tpu.dma_semaphore, #tpu.memory_space<semaphore_mem>> -> memref<!tpu.dma_semaphore, #tpu.memory_space<semaphore_mem>>
    %dma_wait3A_164 = arith.constant 0 : i32
    %dma_wait3A_165 = arith.constant 0 : i32
    %dma_wait3A_166 = tpu.memref_slice %arg9[%dma_wait3A_164, %dma_wait3A_165] : memref<16384x32xf32, #tpu.memory_space<vmem>> -> memref<1x32xf32, #tpu.memory_space<vmem>>
    %dma_wait3A_167 = arith.constant 0 : i32
    %dma_wait3A_168 = arith.constant 0 : i32
    %dma_wait3A_169 = tpu.memref_slice %arg2[%dma_wait3A_167, %dma_wait3A_168] : memref<1000000x32xf32, #tpu.memory_space<hbm>> -> memref<1x32xf32, #tpu.memory_space<hbm>>
    tpu.wait_dma2 semaphore(%dma_wait3A_163 : memref<!tpu.dma_semaphore, #tpu.memory_space<semaphore_mem>>) src(%dma_wait3A_169 : memref<1x32xf32, #tpu.memory_space<hbm>>) dst(%dma_wait3A_166 : memref<1x32xf32, #tpu.memory_space<vmem>>)
    %dma_wait3A_170 = arith.constant 18 : i32
    %dma_wait3A_171 = tpu.memref_slice %arg10[%dma_wait3A_170] : memref<256x!tpu.dma_semaphore, #tpu.memory_space<semaphore_mem>> -> memref<1x!tpu.dma_semaphore, #tpu.memory_space<semaphore_mem>>
    %dma_wait3A_172 = tpu.memref_squeeze %dma_wait3A_171 : memref<1x!tpu.dma_semaphore, #tpu.memory_space<semaphore_mem>> -> memref<!tpu.dma_semaphore, #tpu.memory_space<semaphore_mem>>
    %dma_wait3A_173 = arith.constant 0 : i32
    %dma_wait3A_174 = arith.constant 0 : i32
    %dma_wait3A_175 = tpu.memref_slice %arg9[%dma_wait3A_173, %dma_wait3A_174] : memref<16384x32xf32, #tpu.memory_space<vmem>> -> memref<1x32xf32, #tpu.memory_space<vmem>>
    %dma_wait3A_176 = arith.constant 0 : i32
    %dma_wait3A_177 = arith.constant 0 : i32
    %dma_wait3A_178 = tpu.memref_slice %arg2[%dma_wait3A_176, %dma_wait3A_177] : memref<1000000x32xf32, #tpu.memory_space<hbm>> -> memref<1x32xf32, #tpu.memory_space<hbm>>
    tpu.wait_dma2 semaphore(%dma_wait3A_172 : memref<!tpu.dma_semaphore, #tpu.memory_space<semaphore_mem>>) src(%dma_wait3A_178 : memref<1x32xf32, #tpu.memory_space<hbm>>) dst(%dma_wait3A_175 : memref<1x32xf32, #tpu.memory_space<vmem>>)
    %dma_wait3A_179 = arith.constant 19 : i32
    %dma_wait3A_180 = tpu.memref_slice %arg10[%dma_wait3A_179] : memref<256x!tpu.dma_semaphore, #tpu.memory_space<semaphore_mem>> -> memref<1x!tpu.dma_semaphore, #tpu.memory_space<semaphore_mem>>
    %dma_wait3A_181 = tpu.memref_squeeze %dma_wait3A_180 : memref<1x!tpu.dma_semaphore, #tpu.memory_space<semaphore_mem>> -> memref<!tpu.dma_semaphore, #tpu.memory_space<semaphore_mem>>
    %dma_wait3A_182 = arith.constant 0 : i32
    %dma_wait3A_183 = arith.constant 0 : i32
    %dma_wait3A_184 = tpu.memref_slice %arg9[%dma_wait3A_182, %dma_wait3A_183] : memref<16384x32xf32, #tpu.memory_space<vmem>> -> memref<1x32xf32, #tpu.memory_space<vmem>>
    %dma_wait3A_185 = arith.constant 0 : i32
    %dma_wait3A_186 = arith.constant 0 : i32
    %dma_wait3A_187 = tpu.memref_slice %arg2[%dma_wait3A_185, %dma_wait3A_186] : memref<1000000x32xf32, #tpu.memory_space<hbm>> -> memref<1x32xf32, #tpu.memory_space<hbm>>
    tpu.wait_dma2 semaphore(%dma_wait3A_181 : memref<!tpu.dma_semaphore, #tpu.memory_space<semaphore_mem>>) src(%dma_wait3A_187 : memref<1x32xf32, #tpu.memory_space<hbm>>) dst(%dma_wait3A_184 : memref<1x32xf32, #tpu.memory_space<vmem>>)
    %dma_wait3A_188 = arith.constant 20 : i32
    %dma_wait3A_189 = tpu.memref_slice %arg10[%dma_wait3A_188] : memref<256x!tpu.dma_semaphore, #tpu.memory_space<semaphore_mem>> -> memref<1x!tpu.dma_semaphore, #tpu.memory_space<semaphore_mem>>
    %dma_wait3A_190 = tpu.memref_squeeze %dma_wait3A_189 : memref<1x!tpu.dma_semaphore, #tpu.memory_space<semaphore_mem>> -> memref<!tpu.dma_semaphore, #tpu.memory_space<semaphore_mem>>
    %dma_wait3A_191 = arith.constant 0 : i32
    %dma_wait3A_192 = arith.constant 0 : i32
    %dma_wait3A_193 = tpu.memref_slice %arg9[%dma_wait3A_191, %dma_wait3A_192] : memref<16384x32xf32, #tpu.memory_space<vmem>> -> memref<1x32xf32, #tpu.memory_space<vmem>>
    %dma_wait3A_194 = arith.constant 0 : i32
    %dma_wait3A_195 = arith.constant 0 : i32
    %dma_wait3A_196 = tpu.memref_slice %arg2[%dma_wait3A_194, %dma_wait3A_195] : memref<1000000x32xf32, #tpu.memory_space<hbm>> -> memref<1x32xf32, #tpu.memory_space<hbm>>
    tpu.wait_dma2 semaphore(%dma_wait3A_190 : memref<!tpu.dma_semaphore, #tpu.memory_space<semaphore_mem>>) src(%dma_wait3A_196 : memref<1x32xf32, #tpu.memory_space<hbm>>) dst(%dma_wait3A_193 : memref<1x32xf32, #tpu.memory_space<vmem>>)
    %dma_wait3A_197 = arith.constant 21 : i32
    %dma_wait3A_198 = tpu.memref_slice %arg10[%dma_wait3A_197] : memref<256x!tpu.dma_semaphore, #tpu.memory_space<semaphore_mem>> -> memref<1x!tpu.dma_semaphore, #tpu.memory_space<semaphore_mem>>
    %dma_wait3A_199 = tpu.memref_squeeze %dma_wait3A_198 : memref<1x!tpu.dma_semaphore, #tpu.memory_space<semaphore_mem>> -> memref<!tpu.dma_semaphore, #tpu.memory_space<semaphore_mem>>
    %dma_wait3A_200 = arith.constant 0 : i32
    %dma_wait3A_201 = arith.constant 0 : i32
    %dma_wait3A_202 = tpu.memref_slice %arg9[%dma_wait3A_200, %dma_wait3A_201] : memref<16384x32xf32, #tpu.memory_space<vmem>> -> memref<1x32xf32, #tpu.memory_space<vmem>>
    %dma_wait3A_203 = arith.constant 0 : i32
    %dma_wait3A_204 = arith.constant 0 : i32
    %dma_wait3A_205 = tpu.memref_slice %arg2[%dma_wait3A_203, %dma_wait3A_204] : memref<1000000x32xf32, #tpu.memory_space<hbm>> -> memref<1x32xf32, #tpu.memory_space<hbm>>
    tpu.wait_dma2 semaphore(%dma_wait3A_199 : memref<!tpu.dma_semaphore, #tpu.memory_space<semaphore_mem>>) src(%dma_wait3A_205 : memref<1x32xf32, #tpu.memory_space<hbm>>) dst(%dma_wait3A_202 : memref<1x32xf32, #tpu.memory_space<vmem>>)
    %dma_wait3A_206 = arith.constant 22 : i32
    %dma_wait3A_207 = tpu.memref_slice %arg10[%dma_wait3A_206] : memref<256x!tpu.dma_semaphore, #tpu.memory_space<semaphore_mem>> -> memref<1x!tpu.dma_semaphore, #tpu.memory_space<semaphore_mem>>
    %dma_wait3A_208 = tpu.memref_squeeze %dma_wait3A_207 : memref<1x!tpu.dma_semaphore, #tpu.memory_space<semaphore_mem>> -> memref<!tpu.dma_semaphore, #tpu.memory_space<semaphore_mem>>
    %dma_wait3A_209 = arith.constant 0 : i32
    %dma_wait3A_210 = arith.constant 0 : i32
    %dma_wait3A_211 = tpu.memref_slice %arg9[%dma_wait3A_209, %dma_wait3A_210] : memref<16384x32xf32, #tpu.memory_space<vmem>> -> memref<1x32xf32, #tpu.memory_space<vmem>>
    %dma_wait3A_212 = arith.constant 0 : i32
    %dma_wait3A_213 = arith.constant 0 : i32
    %dma_wait3A_214 = tpu.memref_slice %arg2[%dma_wait3A_212, %dma_wait3A_213] : memref<1000000x32xf32, #tpu.memory_space<hbm>> -> memref<1x32xf32, #tpu.memory_space<hbm>>
    tpu.wait_dma2 semaphore(%dma_wait3A_208 : memref<!tpu.dma_semaphore, #tpu.memory_space<semaphore_mem>>) src(%dma_wait3A_214 : memref<1x32xf32, #tpu.memory_space<hbm>>) dst(%dma_wait3A_211 : memref<1x32xf32, #tpu.memory_space<vmem>>)
    %dma_wait3A_215 = arith.constant 23 : i32
    %dma_wait3A_216 = tpu.memref_slice %arg10[%dma_wait3A_215] : memref<256x!tpu.dma_semaphore, #tpu.memory_space<semaphore_mem>> -> memref<1x!tpu.dma_semaphore, #tpu.memory_space<semaphore_mem>>
    %dma_wait3A_217 = tpu.memref_squeeze %dma_wait3A_216 : memref<1x!tpu.dma_semaphore, #tpu.memory_space<semaphore_mem>> -> memref<!tpu.dma_semaphore, #tpu.memory_space<semaphore_mem>>
    %dma_wait3A_218 = arith.constant 0 : i32
    %dma_wait3A_219 = arith.constant 0 : i32
    %dma_wait3A_220 = tpu.memref_slice %arg9[%dma_wait3A_218, %dma_wait3A_219] : memref<16384x32xf32, #tpu.memory_space<vmem>> -> memref<1x32xf32, #tpu.memory_space<vmem>>
    %dma_wait3A_221 = arith.constant 0 : i32
    %dma_wait3A_222 = arith.constant 0 : i32
    %dma_wait3A_223 = tpu.memref_slice %arg2[%dma_wait3A_221, %dma_wait3A_222] : memref<1000000x32xf32, #tpu.memory_space<hbm>> -> memref<1x32xf32, #tpu.memory_space<hbm>>
    tpu.wait_dma2 semaphore(%dma_wait3A_217 : memref<!tpu.dma_semaphore, #tpu.memory_space<semaphore_mem>>) src(%dma_wait3A_223 : memref<1x32xf32, #tpu.memory_space<hbm>>) dst(%dma_wait3A_220 : memref<1x32xf32, #tpu.memory_space<vmem>>)
    %dma_wait3A_224 = arith.constant 24 : i32
    %dma_wait3A_225 = tpu.memref_slice %arg10[%dma_wait3A_224] : memref<256x!tpu.dma_semaphore, #tpu.memory_space<semaphore_mem>> -> memref<1x!tpu.dma_semaphore, #tpu.memory_space<semaphore_mem>>
    %dma_wait3A_226 = tpu.memref_squeeze %dma_wait3A_225 : memref<1x!tpu.dma_semaphore, #tpu.memory_space<semaphore_mem>> -> memref<!tpu.dma_semaphore, #tpu.memory_space<semaphore_mem>>
    %dma_wait3A_227 = arith.constant 0 : i32
    %dma_wait3A_228 = arith.constant 0 : i32
    %dma_wait3A_229 = tpu.memref_slice %arg9[%dma_wait3A_227, %dma_wait3A_228] : memref<16384x32xf32, #tpu.memory_space<vmem>> -> memref<1x32xf32, #tpu.memory_space<vmem>>
    %dma_wait3A_230 = arith.constant 0 : i32
    %dma_wait3A_231 = arith.constant 0 : i32
    %dma_wait3A_232 = tpu.memref_slice %arg2[%dma_wait3A_230, %dma_wait3A_231] : memref<1000000x32xf32, #tpu.memory_space<hbm>> -> memref<1x32xf32, #tpu.memory_space<hbm>>
    tpu.wait_dma2 semaphore(%dma_wait3A_226 : memref<!tpu.dma_semaphore, #tpu.memory_space<semaphore_mem>>) src(%dma_wait3A_232 : memref<1x32xf32, #tpu.memory_space<hbm>>) dst(%dma_wait3A_229 : memref<1x32xf32, #tpu.memory_space<vmem>>)
    %dma_wait3A_233 = arith.constant 25 : i32
    %dma_wait3A_234 = tpu.memref_slice %arg10[%dma_wait3A_233] : memref<256x!tpu.dma_semaphore, #tpu.memory_space<semaphore_mem>> -> memref<1x!tpu.dma_semaphore, #tpu.memory_space<semaphore_mem>>
    %dma_wait3A_235 = tpu.memref_squeeze %dma_wait3A_234 : memref<1x!tpu.dma_semaphore, #tpu.memory_space<semaphore_mem>> -> memref<!tpu.dma_semaphore, #tpu.memory_space<semaphore_mem>>
    %dma_wait3A_236 = arith.constant 0 : i32
    %dma_wait3A_237 = arith.constant 0 : i32
    %dma_wait3A_238 = tpu.memref_slice %arg9[%dma_wait3A_236, %dma_wait3A_237] : memref<16384x32xf32, #tpu.memory_space<vmem>> -> memref<1x32xf32, #tpu.memory_space<vmem>>
    %dma_wait3A_239 = arith.constant 0 : i32
    %dma_wait3A_240 = arith.constant 0 : i32
    %dma_wait3A_241 = tpu.memref_slice %arg2[%dma_wait3A_239, %dma_wait3A_240] : memref<1000000x32xf32, #tpu.memory_space<hbm>> -> memref<1x32xf32, #tpu.memory_space<hbm>>
    tpu.wait_dma2 semaphore(%dma_wait3A_235 : memref<!tpu.dma_semaphore, #tpu.memory_space<semaphore_mem>>) src(%dma_wait3A_241 : memref<1x32xf32, #tpu.memory_space<hbm>>) dst(%dma_wait3A_238 : memref<1x32xf32, #tpu.memory_space<vmem>>)
    %dma_wait3A_242 = arith.constant 26 : i32
    %dma_wait3A_243 = tpu.memref_slice %arg10[%dma_wait3A_242] : memref<256x!tpu.dma_semaphore, #tpu.memory_space<semaphore_mem>> -> memref<1x!tpu.dma_semaphore, #tpu.memory_space<semaphore_mem>>
    %dma_wait3A_244 = tpu.memref_squeeze %dma_wait3A_243 : memref<1x!tpu.dma_semaphore, #tpu.memory_space<semaphore_mem>> -> memref<!tpu.dma_semaphore, #tpu.memory_space<semaphore_mem>>
    %dma_wait3A_245 = arith.constant 0 : i32
    %dma_wait3A_246 = arith.constant 0 : i32
    %dma_wait3A_247 = tpu.memref_slice %arg9[%dma_wait3A_245, %dma_wait3A_246] : memref<16384x32xf32, #tpu.memory_space<vmem>> -> memref<1x32xf32, #tpu.memory_space<vmem>>
    %dma_wait3A_248 = arith.constant 0 : i32
    %dma_wait3A_249 = arith.constant 0 : i32
    %dma_wait3A_250 = tpu.memref_slice %arg2[%dma_wait3A_248, %dma_wait3A_249] : memref<1000000x32xf32, #tpu.memory_space<hbm>> -> memref<1x32xf32, #tpu.memory_space<hbm>>
    tpu.wait_dma2 semaphore(%dma_wait3A_244 : memref<!tpu.dma_semaphore, #tpu.memory_space<semaphore_mem>>) src(%dma_wait3A_250 : memref<1x32xf32, #tpu.memory_space<hbm>>) dst(%dma_wait3A_247 : memref<1x32xf32, #tpu.memory_space<vmem>>)
    %dma_wait3A_251 = arith.constant 27 : i32
    %dma_wait3A_252 = tpu.memref_slice %arg10[%dma_wait3A_251] : memref<256x!tpu.dma_semaphore, #tpu.memory_space<semaphore_mem>> -> memref<1x!tpu.dma_semaphore, #tpu.memory_space<semaphore_mem>>
    %dma_wait3A_253 = tpu.memref_squeeze %dma_wait3A_252 : memref<1x!tpu.dma_semaphore, #tpu.memory_space<semaphore_mem>> -> memref<!tpu.dma_semaphore, #tpu.memory_space<semaphore_mem>>
    %dma_wait3A_254 = arith.constant 0 : i32
    %dma_wait3A_255 = arith.constant 0 : i32
    %dma_wait3A_256 = tpu.memref_slice %arg9[%dma_wait3A_254, %dma_wait3A_255] : memref<16384x32xf32, #tpu.memory_space<vmem>> -> memref<1x32xf32, #tpu.memory_space<vmem>>
    %dma_wait3A_257 = arith.constant 0 : i32
    %dma_wait3A_258 = arith.constant 0 : i32
    %dma_wait3A_259 = tpu.memref_slice %arg2[%dma_wait3A_257, %dma_wait3A_258] : memref<1000000x32xf32, #tpu.memory_space<hbm>> -> memref<1x32xf32, #tpu.memory_space<hbm>>
    tpu.wait_dma2 semaphore(%dma_wait3A_253 : memref<!tpu.dma_semaphore, #tpu.memory_space<semaphore_mem>>) src(%dma_wait3A_259 : memref<1x32xf32, #tpu.memory_space<hbm>>) dst(%dma_wait3A_256 : memref<1x32xf32, #tpu.memory_space<vmem>>)
    %dma_wait3A_260 = arith.constant 28 : i32
    %dma_wait3A_261 = tpu.memref_slice %arg10[%dma_wait3A_260] : memref<256x!tpu.dma_semaphore, #tpu.memory_space<semaphore_mem>> -> memref<1x!tpu.dma_semaphore, #tpu.memory_space<semaphore_mem>>
    %dma_wait3A_262 = tpu.memref_squeeze %dma_wait3A_261 : memref<1x!tpu.dma_semaphore, #tpu.memory_space<semaphore_mem>> -> memref<!tpu.dma_semaphore, #tpu.memory_space<semaphore_mem>>
    %dma_wait3A_263 = arith.constant 0 : i32
    %dma_wait3A_264 = arith.constant 0 : i32
    %dma_wait3A_265 = tpu.memref_slice %arg9[%dma_wait3A_263, %dma_wait3A_264] : memref<16384x32xf32, #tpu.memory_space<vmem>> -> memref<1x32xf32, #tpu.memory_space<vmem>>
    %dma_wait3A_266 = arith.constant 0 : i32
    %dma_wait3A_267 = arith.constant 0 : i32
    %dma_wait3A_268 = tpu.memref_slice %arg2[%dma_wait3A_266, %dma_wait3A_267] : memref<1000000x32xf32, #tpu.memory_space<hbm>> -> memref<1x32xf32, #tpu.memory_space<hbm>>
    tpu.wait_dma2 semaphore(%dma_wait3A_262 : memref<!tpu.dma_semaphore, #tpu.memory_space<semaphore_mem>>) src(%dma_wait3A_268 : memref<1x32xf32, #tpu.memory_space<hbm>>) dst(%dma_wait3A_265 : memref<1x32xf32, #tpu.memory_space<vmem>>)
    %dma_wait3A_269 = arith.constant 29 : i32
    %dma_wait3A_270 = tpu.memref_slice %arg10[%dma_wait3A_269] : memref<256x!tpu.dma_semaphore, #tpu.memory_space<semaphore_mem>> -> memref<1x!tpu.dma_semaphore, #tpu.memory_space<semaphore_mem>>
    %dma_wait3A_271 = tpu.memref_squeeze %dma_wait3A_270 : memref<1x!tpu.dma_semaphore, #tpu.memory_space<semaphore_mem>> -> memref<!tpu.dma_semaphore, #tpu.memory_space<semaphore_mem>>
    %dma_wait3A_272 = arith.constant 0 : i32
    %dma_wait3A_273 = arith.constant 0 : i32
    %dma_wait3A_274 = tpu.memref_slice %arg9[%dma_wait3A_272, %dma_wait3A_273] : memref<16384x32xf32, #tpu.memory_space<vmem>> -> memref<1x32xf32, #tpu.memory_space<vmem>>
    %dma_wait3A_275 = arith.constant 0 : i32
    %dma_wait3A_276 = arith.constant 0 : i32
    %dma_wait3A_277 = tpu.memref_slice %arg2[%dma_wait3A_275, %dma_wait3A_276] : memref<1000000x32xf32, #tpu.memory_space<hbm>> -> memref<1x32xf32, #tpu.memory_space<hbm>>
    tpu.wait_dma2 semaphore(%dma_wait3A_271 : memref<!tpu.dma_semaphore, #tpu.memory_space<semaphore_mem>>) src(%dma_wait3A_277 : memref<1x32xf32, #tpu.memory_space<hbm>>) dst(%dma_wait3A_274 : memref<1x32xf32, #tpu.memory_space<vmem>>)
    %dma_wait3A_278 = arith.constant 30 : i32
    %dma_wait3A_279 = tpu.memref_slice %arg10[%dma_wait3A_278] : memref<256x!tpu.dma_semaphore, #tpu.memory_space<semaphore_mem>> -> memref<1x!tpu.dma_semaphore, #tpu.memory_space<semaphore_mem>>
    %dma_wait3A_280 = tpu.memref_squeeze %dma_wait3A_279 : memref<1x!tpu.dma_semaphore, #tpu.memory_space<semaphore_mem>> -> memref<!tpu.dma_semaphore, #tpu.memory_space<semaphore_mem>>
    %dma_wait3A_281 = arith.constant 0 : i32
    %dma_wait3A_282 = arith.constant 0 : i32
    %dma_wait3A_283 = tpu.memref_slice %arg9[%dma_wait3A_281, %dma_wait3A_282] : memref<16384x32xf32, #tpu.memory_space<vmem>> -> memref<1x32xf32, #tpu.memory_space<vmem>>
    %dma_wait3A_284 = arith.constant 0 : i32
    %dma_wait3A_285 = arith.constant 0 : i32
    %dma_wait3A_286 = tpu.memref_slice %arg2[%dma_wait3A_284, %dma_wait3A_285] : memref<1000000x32xf32, #tpu.memory_space<hbm>> -> memref<1x32xf32, #tpu.memory_space<hbm>>
    tpu.wait_dma2 semaphore(%dma_wait3A_280 : memref<!tpu.dma_semaphore, #tpu.memory_space<semaphore_mem>>) src(%dma_wait3A_286 : memref<1x32xf32, #tpu.memory_space<hbm>>) dst(%dma_wait3A_283 : memref<1x32xf32, #tpu.memory_space<vmem>>)
    %dma_wait3A_287 = arith.constant 31 : i32
    %dma_wait3A_288 = tpu.memref_slice %arg10[%dma_wait3A_287] : memref<256x!tpu.dma_semaphore, #tpu.memory_space<semaphore_mem>> -> memref<1x!tpu.dma_semaphore, #tpu.memory_space<semaphore_mem>>
    %dma_wait3A_289 = tpu.memref_squeeze %dma_wait3A_288 : memref<1x!tpu.dma_semaphore, #tpu.memory_space<semaphore_mem>> -> memref<!tpu.dma_semaphore, #tpu.memory_space<semaphore_mem>>
    %dma_wait3A_290 = arith.constant 0 : i32
    %dma_wait3A_291 = arith.constant 0 : i32
    %dma_wait3A_292 = tpu.memref_slice %arg9[%dma_wait3A_290, %dma_wait3A_291] : memref<16384x32xf32, #tpu.memory_space<vmem>> -> memref<1x32xf32, #tpu.memory_space<vmem>>
    %dma_wait3A_293 = arith.constant 0 : i32
    %dma_wait3A_294 = arith.constant 0 : i32
    %dma_wait3A_295 = tpu.memref_slice %arg2[%dma_wait3A_293, %dma_wait3A_294] : memref<1000000x32xf32, #tpu.memory_space<hbm>> -> memref<1x32xf32, #tpu.memory_space<hbm>>
    tpu.wait_dma2 semaphore(%dma_wait3A_289 : memref<!tpu.dma_semaphore, #tpu.memory_space<semaphore_mem>>) src(%dma_wait3A_295 : memref<1x32xf32, #tpu.memory_space<hbm>>) dst(%dma_wait3A_292 : memref<1x32xf32, #tpu.memory_space<vmem>>)
    %dma_wait3A_296 = arith.constant 32 : i32
    %dma_wait3A_297 = tpu.memref_slice %arg10[%dma_wait3A_296] : memref<256x!tpu.dma_semaphore, #tpu.memory_space<semaphore_mem>> -> memref<1x!tpu.dma_semaphore, #tpu.memory_space<semaphore_mem>>
    %dma_wait3A_298 = tpu.memref_squeeze %dma_wait3A_297 : memref<1x!tpu.dma_semaphore, #tpu.memory_space<semaphore_mem>> -> memref<!tpu.dma_semaphore, #tpu.memory_space<semaphore_mem>>
    %dma_wait3A_299 = arith.constant 0 : i32
    %dma_wait3A_300 = arith.constant 0 : i32
    %dma_wait3A_301 = tpu.memref_slice %arg9[%dma_wait3A_299, %dma_wait3A_300] : memref<16384x32xf32, #tpu.memory_space<vmem>> -> memref<1x32xf32, #tpu.memory_space<vmem>>
    %dma_wait3A_302 = arith.constant 0 : i32
    %dma_wait3A_303 = arith.constant 0 : i32
    %dma_wait3A_304 = tpu.memref_slice %arg2[%dma_wait3A_302, %dma_wait3A_303] : memref<1000000x32xf32, #tpu.memory_space<hbm>> -> memref<1x32xf32, #tpu.memory_space<hbm>>
    tpu.wait_dma2 semaphore(%dma_wait3A_298 : memref<!tpu.dma_semaphore, #tpu.memory_space<semaphore_mem>>) src(%dma_wait3A_304 : memref<1x32xf32, #tpu.memory_space<hbm>>) dst(%dma_wait3A_301 : memref<1x32xf32, #tpu.memory_space<vmem>>)
    %dma_wait3A_305 = arith.constant 33 : i32
    %dma_wait3A_306 = tpu.memref_slice %arg10[%dma_wait3A_305] : memref<256x!tpu.dma_semaphore, #tpu.memory_space<semaphore_mem>> -> memref<1x!tpu.dma_semaphore, #tpu.memory_space<semaphore_mem>>
    %dma_wait3A_307 = tpu.memref_squeeze %dma_wait3A_306 : memref<1x!tpu.dma_semaphore, #tpu.memory_space<semaphore_mem>> -> memref<!tpu.dma_semaphore, #tpu.memory_space<semaphore_mem>>
    %dma_wait3A_308 = arith.constant 0 : i32
    %dma_wait3A_309 = arith.constant 0 : i32
    %dma_wait3A_310 = tpu.memref_slice %arg9[%dma_wait3A_308, %dma_wait3A_309] : memref<16384x32xf32, #tpu.memory_space<vmem>> -> memref<1x32xf32, #tpu.memory_space<vmem>>
    %dma_wait3A_311 = arith.constant 0 : i32
    %dma_wait3A_312 = arith.constant 0 : i32
    %dma_wait3A_313 = tpu.memref_slice %arg2[%dma_wait3A_311, %dma_wait3A_312] : memref<1000000x32xf32, #tpu.memory_space<hbm>> -> memref<1x32xf32, #tpu.memory_space<hbm>>
    tpu.wait_dma2 semaphore(%dma_wait3A_307 : memref<!tpu.dma_semaphore, #tpu.memory_space<semaphore_mem>>) src(%dma_wait3A_313 : memref<1x32xf32, #tpu.memory_space<hbm>>) dst(%dma_wait3A_310 : memref<1x32xf32, #tpu.memory_space<vmem>>)
    %dma_wait3A_314 = arith.constant 34 : i32
    %dma_wait3A_315 = tpu.memref_slice %arg10[%dma_wait3A_314] : memref<256x!tpu.dma_semaphore, #tpu.memory_space<semaphore_mem>> -> memref<1x!tpu.dma_semaphore, #tpu.memory_space<semaphore_mem>>
    %dma_wait3A_316 = tpu.memref_squeeze %dma_wait3A_315 : memref<1x!tpu.dma_semaphore, #tpu.memory_space<semaphore_mem>> -> memref<!tpu.dma_semaphore, #tpu.memory_space<semaphore_mem>>
    %dma_wait3A_317 = arith.constant 0 : i32
    %dma_wait3A_318 = arith.constant 0 : i32
    %dma_wait3A_319 = tpu.memref_slice %arg9[%dma_wait3A_317, %dma_wait3A_318] : memref<16384x32xf32, #tpu.memory_space<vmem>> -> memref<1x32xf32, #tpu.memory_space<vmem>>
    %dma_wait3A_320 = arith.constant 0 : i32
    %dma_wait3A_321 = arith.constant 0 : i32
    %dma_wait3A_322 = tpu.memref_slice %arg2[%dma_wait3A_320, %dma_wait3A_321] : memref<1000000x32xf32, #tpu.memory_space<hbm>> -> memref<1x32xf32, #tpu.memory_space<hbm>>
    tpu.wait_dma2 semaphore(%dma_wait3A_316 : memref<!tpu.dma_semaphore, #tpu.memory_space<semaphore_mem>>) src(%dma_wait3A_322 : memref<1x32xf32, #tpu.memory_space<hbm>>) dst(%dma_wait3A_319 : memref<1x32xf32, #tpu.memory_space<vmem>>)
    %dma_wait3A_323 = arith.constant 35 : i32
    %dma_wait3A_324 = tpu.memref_slice %arg10[%dma_wait3A_323] : memref<256x!tpu.dma_semaphore, #tpu.memory_space<semaphore_mem>> -> memref<1x!tpu.dma_semaphore, #tpu.memory_space<semaphore_mem>>
    %dma_wait3A_325 = tpu.memref_squeeze %dma_wait3A_324 : memref<1x!tpu.dma_semaphore, #tpu.memory_space<semaphore_mem>> -> memref<!tpu.dma_semaphore, #tpu.memory_space<semaphore_mem>>
    %dma_wait3A_326 = arith.constant 0 : i32
    %dma_wait3A_327 = arith.constant 0 : i32
    %dma_wait3A_328 = tpu.memref_slice %arg9[%dma_wait3A_326, %dma_wait3A_327] : memref<16384x32xf32, #tpu.memory_space<vmem>> -> memref<1x32xf32, #tpu.memory_space<vmem>>
    %dma_wait3A_329 = arith.constant 0 : i32
    %dma_wait3A_330 = arith.constant 0 : i32
    %dma_wait3A_331 = tpu.memref_slice %arg2[%dma_wait3A_329, %dma_wait3A_330] : memref<1000000x32xf32, #tpu.memory_space<hbm>> -> memref<1x32xf32, #tpu.memory_space<hbm>>
    tpu.wait_dma2 semaphore(%dma_wait3A_325 : memref<!tpu.dma_semaphore, #tpu.memory_space<semaphore_mem>>) src(%dma_wait3A_331 : memref<1x32xf32, #tpu.memory_space<hbm>>) dst(%dma_wait3A_328 : memref<1x32xf32, #tpu.memory_space<vmem>>)
    %dma_wait3A_332 = arith.constant 36 : i32
    %dma_wait3A_333 = tpu.memref_slice %arg10[%dma_wait3A_332] : memref<256x!tpu.dma_semaphore, #tpu.memory_space<semaphore_mem>> -> memref<1x!tpu.dma_semaphore, #tpu.memory_space<semaphore_mem>>
    %dma_wait3A_334 = tpu.memref_squeeze %dma_wait3A_333 : memref<1x!tpu.dma_semaphore, #tpu.memory_space<semaphore_mem>> -> memref<!tpu.dma_semaphore, #tpu.memory_space<semaphore_mem>>
    %dma_wait3A_335 = arith.constant 0 : i32
    %dma_wait3A_336 = arith.constant 0 : i32
    %dma_wait3A_337 = tpu.memref_slice %arg9[%dma_wait3A_335, %dma_wait3A_336] : memref<16384x32xf32, #tpu.memory_space<vmem>> -> memref<1x32xf32, #tpu.memory_space<vmem>>
    %dma_wait3A_338 = arith.constant 0 : i32
    %dma_wait3A_339 = arith.constant 0 : i32
    %dma_wait3A_340 = tpu.memref_slice %arg2[%dma_wait3A_338, %dma_wait3A_339] : memref<1000000x32xf32, #tpu.memory_space<hbm>> -> memref<1x32xf32, #tpu.memory_space<hbm>>
    tpu.wait_dma2 semaphore(%dma_wait3A_334 : memref<!tpu.dma_semaphore, #tpu.memory_space<semaphore_mem>>) src(%dma_wait3A_340 : memref<1x32xf32, #tpu.memory_space<hbm>>) dst(%dma_wait3A_337 : memref<1x32xf32, #tpu.memory_space<vmem>>)
    %dma_wait3A_341 = arith.constant 37 : i32
    %dma_wait3A_342 = tpu.memref_slice %arg10[%dma_wait3A_341] : memref<256x!tpu.dma_semaphore, #tpu.memory_space<semaphore_mem>> -> memref<1x!tpu.dma_semaphore, #tpu.memory_space<semaphore_mem>>
    %dma_wait3A_343 = tpu.memref_squeeze %dma_wait3A_342 : memref<1x!tpu.dma_semaphore, #tpu.memory_space<semaphore_mem>> -> memref<!tpu.dma_semaphore, #tpu.memory_space<semaphore_mem>>
    %dma_wait3A_344 = arith.constant 0 : i32
    %dma_wait3A_345 = arith.constant 0 : i32
    %dma_wait3A_346 = tpu.memref_slice %arg9[%dma_wait3A_344, %dma_wait3A_345] : memref<16384x32xf32, #tpu.memory_space<vmem>> -> memref<1x32xf32, #tpu.memory_space<vmem>>
    %dma_wait3A_347 = arith.constant 0 : i32
    %dma_wait3A_348 = arith.constant 0 : i32
    %dma_wait3A_349 = tpu.memref_slice %arg2[%dma_wait3A_347, %dma_wait3A_348] : memref<1000000x32xf32, #tpu.memory_space<hbm>> -> memref<1x32xf32, #tpu.memory_space<hbm>>
    tpu.wait_dma2 semaphore(%dma_wait3A_343 : memref<!tpu.dma_semaphore, #tpu.memory_space<semaphore_mem>>) src(%dma_wait3A_349 : memref<1x32xf32, #tpu.memory_space<hbm>>) dst(%dma_wait3A_346 : memref<1x32xf32, #tpu.memory_space<vmem>>)
    %dma_wait3A_350 = arith.constant 38 : i32
    %dma_wait3A_351 = tpu.memref_slice %arg10[%dma_wait3A_350] : memref<256x!tpu.dma_semaphore, #tpu.memory_space<semaphore_mem>> -> memref<1x!tpu.dma_semaphore, #tpu.memory_space<semaphore_mem>>
    %dma_wait3A_352 = tpu.memref_squeeze %dma_wait3A_351 : memref<1x!tpu.dma_semaphore, #tpu.memory_space<semaphore_mem>> -> memref<!tpu.dma_semaphore, #tpu.memory_space<semaphore_mem>>
    %dma_wait3A_353 = arith.constant 0 : i32
    %dma_wait3A_354 = arith.constant 0 : i32
    %dma_wait3A_355 = tpu.memref_slice %arg9[%dma_wait3A_353, %dma_wait3A_354] : memref<16384x32xf32, #tpu.memory_space<vmem>> -> memref<1x32xf32, #tpu.memory_space<vmem>>
    %dma_wait3A_356 = arith.constant 0 : i32
    %dma_wait3A_357 = arith.constant 0 : i32
    %dma_wait3A_358 = tpu.memref_slice %arg2[%dma_wait3A_356, %dma_wait3A_357] : memref<1000000x32xf32, #tpu.memory_space<hbm>> -> memref<1x32xf32, #tpu.memory_space<hbm>>
    tpu.wait_dma2 semaphore(%dma_wait3A_352 : memref<!tpu.dma_semaphore, #tpu.memory_space<semaphore_mem>>) src(%dma_wait3A_358 : memref<1x32xf32, #tpu.memory_space<hbm>>) dst(%dma_wait3A_355 : memref<1x32xf32, #tpu.memory_space<vmem>>)
    %dma_wait3A_359 = arith.constant 39 : i32
    %dma_wait3A_360 = tpu.memref_slice %arg10[%dma_wait3A_359] : memref<256x!tpu.dma_semaphore, #tpu.memory_space<semaphore_mem>> -> memref<1x!tpu.dma_semaphore, #tpu.memory_space<semaphore_mem>>
    %dma_wait3A_361 = tpu.memref_squeeze %dma_wait3A_360 : memref<1x!tpu.dma_semaphore, #tpu.memory_space<semaphore_mem>> -> memref<!tpu.dma_semaphore, #tpu.memory_space<semaphore_mem>>
    %dma_wait3A_362 = arith.constant 0 : i32
    %dma_wait3A_363 = arith.constant 0 : i32
    %dma_wait3A_364 = tpu.memref_slice %arg9[%dma_wait3A_362, %dma_wait3A_363] : memref<16384x32xf32, #tpu.memory_space<vmem>> -> memref<1x32xf32, #tpu.memory_space<vmem>>
    %dma_wait3A_365 = arith.constant 0 : i32
    %dma_wait3A_366 = arith.constant 0 : i32
    %dma_wait3A_367 = tpu.memref_slice %arg2[%dma_wait3A_365, %dma_wait3A_366] : memref<1000000x32xf32, #tpu.memory_space<hbm>> -> memref<1x32xf32, #tpu.memory_space<hbm>>
    tpu.wait_dma2 semaphore(%dma_wait3A_361 : memref<!tpu.dma_semaphore, #tpu.memory_space<semaphore_mem>>) src(%dma_wait3A_367 : memref<1x32xf32, #tpu.memory_space<hbm>>) dst(%dma_wait3A_364 : memref<1x32xf32, #tpu.memory_space<vmem>>)
    %dma_wait3A_368 = arith.constant 40 : i32
    %dma_wait3A_369 = tpu.memref_slice %arg10[%dma_wait3A_368] : memref<256x!tpu.dma_semaphore, #tpu.memory_space<semaphore_mem>> -> memref<1x!tpu.dma_semaphore, #tpu.memory_space<semaphore_mem>>
    %dma_wait3A_370 = tpu.memref_squeeze %dma_wait3A_369 : memref<1x!tpu.dma_semaphore, #tpu.memory_space<semaphore_mem>> -> memref<!tpu.dma_semaphore, #tpu.memory_space<semaphore_mem>>
    %dma_wait3A_371 = arith.constant 0 : i32
    %dma_wait3A_372 = arith.constant 0 : i32
    %dma_wait3A_373 = tpu.memref_slice %arg9[%dma_wait3A_371, %dma_wait3A_372] : memref<16384x32xf32, #tpu.memory_space<vmem>> -> memref<1x32xf32, #tpu.memory_space<vmem>>
    %dma_wait3A_374 = arith.constant 0 : i32
    %dma_wait3A_375 = arith.constant 0 : i32
    %dma_wait3A_376 = tpu.memref_slice %arg2[%dma_wait3A_374, %dma_wait3A_375] : memref<1000000x32xf32, #tpu.memory_space<hbm>> -> memref<1x32xf32, #tpu.memory_space<hbm>>
    tpu.wait_dma2 semaphore(%dma_wait3A_370 : memref<!tpu.dma_semaphore, #tpu.memory_space<semaphore_mem>>) src(%dma_wait3A_376 : memref<1x32xf32, #tpu.memory_space<hbm>>) dst(%dma_wait3A_373 : memref<1x32xf32, #tpu.memory_space<vmem>>)
    %dma_wait3A_377 = arith.constant 41 : i32
    %dma_wait3A_378 = tpu.memref_slice %arg10[%dma_wait3A_377] : memref<256x!tpu.dma_semaphore, #tpu.memory_space<semaphore_mem>> -> memref<1x!tpu.dma_semaphore, #tpu.memory_space<semaphore_mem>>
    %dma_wait3A_379 = tpu.memref_squeeze %dma_wait3A_378 : memref<1x!tpu.dma_semaphore, #tpu.memory_space<semaphore_mem>> -> memref<!tpu.dma_semaphore, #tpu.memory_space<semaphore_mem>>
    %dma_wait3A_380 = arith.constant 0 : i32
    %dma_wait3A_381 = arith.constant 0 : i32
    %dma_wait3A_382 = tpu.memref_slice %arg9[%dma_wait3A_380, %dma_wait3A_381] : memref<16384x32xf32, #tpu.memory_space<vmem>> -> memref<1x32xf32, #tpu.memory_space<vmem>>
    %dma_wait3A_383 = arith.constant 0 : i32
    %dma_wait3A_384 = arith.constant 0 : i32
    %dma_wait3A_385 = tpu.memref_slice %arg2[%dma_wait3A_383, %dma_wait3A_384] : memref<1000000x32xf32, #tpu.memory_space<hbm>> -> memref<1x32xf32, #tpu.memory_space<hbm>>
    tpu.wait_dma2 semaphore(%dma_wait3A_379 : memref<!tpu.dma_semaphore, #tpu.memory_space<semaphore_mem>>) src(%dma_wait3A_385 : memref<1x32xf32, #tpu.memory_space<hbm>>) dst(%dma_wait3A_382 : memref<1x32xf32, #tpu.memory_space<vmem>>)
    %dma_wait3A_386 = arith.constant 42 : i32
    %dma_wait3A_387 = tpu.memref_slice %arg10[%dma_wait3A_386] : memref<256x!tpu.dma_semaphore, #tpu.memory_space<semaphore_mem>> -> memref<1x!tpu.dma_semaphore, #tpu.memory_space<semaphore_mem>>
    %dma_wait3A_388 = tpu.memref_squeeze %dma_wait3A_387 : memref<1x!tpu.dma_semaphore, #tpu.memory_space<semaphore_mem>> -> memref<!tpu.dma_semaphore, #tpu.memory_space<semaphore_mem>>
    %dma_wait3A_389 = arith.constant 0 : i32
    %dma_wait3A_390 = arith.constant 0 : i32
    %dma_wait3A_391 = tpu.memref_slice %arg9[%dma_wait3A_389, %dma_wait3A_390] : memref<16384x32xf32, #tpu.memory_space<vmem>> -> memref<1x32xf32, #tpu.memory_space<vmem>>
    %dma_wait3A_392 = arith.constant 0 : i32
    %dma_wait3A_393 = arith.constant 0 : i32
    %dma_wait3A_394 = tpu.memref_slice %arg2[%dma_wait3A_392, %dma_wait3A_393] : memref<1000000x32xf32, #tpu.memory_space<hbm>> -> memref<1x32xf32, #tpu.memory_space<hbm>>
    tpu.wait_dma2 semaphore(%dma_wait3A_388 : memref<!tpu.dma_semaphore, #tpu.memory_space<semaphore_mem>>) src(%dma_wait3A_394 : memref<1x32xf32, #tpu.memory_space<hbm>>) dst(%dma_wait3A_391 : memref<1x32xf32, #tpu.memory_space<vmem>>)
    %dma_wait3A_395 = arith.constant 43 : i32
    %dma_wait3A_396 = tpu.memref_slice %arg10[%dma_wait3A_395] : memref<256x!tpu.dma_semaphore, #tpu.memory_space<semaphore_mem>> -> memref<1x!tpu.dma_semaphore, #tpu.memory_space<semaphore_mem>>
    %dma_wait3A_397 = tpu.memref_squeeze %dma_wait3A_396 : memref<1x!tpu.dma_semaphore, #tpu.memory_space<semaphore_mem>> -> memref<!tpu.dma_semaphore, #tpu.memory_space<semaphore_mem>>
    %dma_wait3A_398 = arith.constant 0 : i32
    %dma_wait3A_399 = arith.constant 0 : i32
    %dma_wait3A_400 = tpu.memref_slice %arg9[%dma_wait3A_398, %dma_wait3A_399] : memref<16384x32xf32, #tpu.memory_space<vmem>> -> memref<1x32xf32, #tpu.memory_space<vmem>>
    %dma_wait3A_401 = arith.constant 0 : i32
    %dma_wait3A_402 = arith.constant 0 : i32
    %dma_wait3A_403 = tpu.memref_slice %arg2[%dma_wait3A_401, %dma_wait3A_402] : memref<1000000x32xf32, #tpu.memory_space<hbm>> -> memref<1x32xf32, #tpu.memory_space<hbm>>
    tpu.wait_dma2 semaphore(%dma_wait3A_397 : memref<!tpu.dma_semaphore, #tpu.memory_space<semaphore_mem>>) src(%dma_wait3A_403 : memref<1x32xf32, #tpu.memory_space<hbm>>) dst(%dma_wait3A_400 : memref<1x32xf32, #tpu.memory_space<vmem>>)
    %dma_wait3A_404 = arith.constant 44 : i32
    %dma_wait3A_405 = tpu.memref_slice %arg10[%dma_wait3A_404] : memref<256x!tpu.dma_semaphore, #tpu.memory_space<semaphore_mem>> -> memref<1x!tpu.dma_semaphore, #tpu.memory_space<semaphore_mem>>
    %dma_wait3A_406 = tpu.memref_squeeze %dma_wait3A_405 : memref<1x!tpu.dma_semaphore, #tpu.memory_space<semaphore_mem>> -> memref<!tpu.dma_semaphore, #tpu.memory_space<semaphore_mem>>
    %dma_wait3A_407 = arith.constant 0 : i32
    %dma_wait3A_408 = arith.constant 0 : i32
    %dma_wait3A_409 = tpu.memref_slice %arg9[%dma_wait3A_407, %dma_wait3A_408] : memref<16384x32xf32, #tpu.memory_space<vmem>> -> memref<1x32xf32, #tpu.memory_space<vmem>>
    %dma_wait3A_410 = arith.constant 0 : i32
    %dma_wait3A_411 = arith.constant 0 : i32
    %dma_wait3A_412 = tpu.memref_slice %arg2[%dma_wait3A_410, %dma_wait3A_411] : memref<1000000x32xf32, #tpu.memory_space<hbm>> -> memref<1x32xf32, #tpu.memory_space<hbm>>
    tpu.wait_dma2 semaphore(%dma_wait3A_406 : memref<!tpu.dma_semaphore, #tpu.memory_space<semaphore_mem>>) src(%dma_wait3A_412 : memref<1x32xf32, #tpu.memory_space<hbm>>) dst(%dma_wait3A_409 : memref<1x32xf32, #tpu.memory_space<vmem>>)
    %dma_wait3A_413 = arith.constant 45 : i32
    %dma_wait3A_414 = tpu.memref_slice %arg10[%dma_wait3A_413] : memref<256x!tpu.dma_semaphore, #tpu.memory_space<semaphore_mem>> -> memref<1x!tpu.dma_semaphore, #tpu.memory_space<semaphore_mem>>
    %dma_wait3A_415 = tpu.memref_squeeze %dma_wait3A_414 : memref<1x!tpu.dma_semaphore, #tpu.memory_space<semaphore_mem>> -> memref<!tpu.dma_semaphore, #tpu.memory_space<semaphore_mem>>
    %dma_wait3A_416 = arith.constant 0 : i32
    %dma_wait3A_417 = arith.constant 0 : i32
    %dma_wait3A_418 = tpu.memref_slice %arg9[%dma_wait3A_416, %dma_wait3A_417] : memref<16384x32xf32, #tpu.memory_space<vmem>> -> memref<1x32xf32, #tpu.memory_space<vmem>>
    %dma_wait3A_419 = arith.constant 0 : i32
    %dma_wait3A_420 = arith.constant 0 : i32
    %dma_wait3A_421 = tpu.memref_slice %arg2[%dma_wait3A_419, %dma_wait3A_420] : memref<1000000x32xf32, #tpu.memory_space<hbm>> -> memref<1x32xf32, #tpu.memory_space<hbm>>
    tpu.wait_dma2 semaphore(%dma_wait3A_415 : memref<!tpu.dma_semaphore, #tpu.memory_space<semaphore_mem>>) src(%dma_wait3A_421 : memref<1x32xf32, #tpu.memory_space<hbm>>) dst(%dma_wait3A_418 : memref<1x32xf32, #tpu.memory_space<vmem>>)
    %dma_wait3A_422 = arith.constant 46 : i32
    %dma_wait3A_423 = tpu.memref_slice %arg10[%dma_wait3A_422] : memref<256x!tpu.dma_semaphore, #tpu.memory_space<semaphore_mem>> -> memref<1x!tpu.dma_semaphore, #tpu.memory_space<semaphore_mem>>
    %dma_wait3A_424 = tpu.memref_squeeze %dma_wait3A_423 : memref<1x!tpu.dma_semaphore, #tpu.memory_space<semaphore_mem>> -> memref<!tpu.dma_semaphore, #tpu.memory_space<semaphore_mem>>
    %dma_wait3A_425 = arith.constant 0 : i32
    %dma_wait3A_426 = arith.constant 0 : i32
    %dma_wait3A_427 = tpu.memref_slice %arg9[%dma_wait3A_425, %dma_wait3A_426] : memref<16384x32xf32, #tpu.memory_space<vmem>> -> memref<1x32xf32, #tpu.memory_space<vmem>>
    %dma_wait3A_428 = arith.constant 0 : i32
    %dma_wait3A_429 = arith.constant 0 : i32
    %dma_wait3A_430 = tpu.memref_slice %arg2[%dma_wait3A_428, %dma_wait3A_429] : memref<1000000x32xf32, #tpu.memory_space<hbm>> -> memref<1x32xf32, #tpu.memory_space<hbm>>
    tpu.wait_dma2 semaphore(%dma_wait3A_424 : memref<!tpu.dma_semaphore, #tpu.memory_space<semaphore_mem>>) src(%dma_wait3A_430 : memref<1x32xf32, #tpu.memory_space<hbm>>) dst(%dma_wait3A_427 : memref<1x32xf32, #tpu.memory_space<vmem>>)
    %dma_wait3A_431 = arith.constant 47 : i32
    %dma_wait3A_432 = tpu.memref_slice %arg10[%dma_wait3A_431] : memref<256x!tpu.dma_semaphore, #tpu.memory_space<semaphore_mem>> -> memref<1x!tpu.dma_semaphore, #tpu.memory_space<semaphore_mem>>
    %dma_wait3A_433 = tpu.memref_squeeze %dma_wait3A_432 : memref<1x!tpu.dma_semaphore, #tpu.memory_space<semaphore_mem>> -> memref<!tpu.dma_semaphore, #tpu.memory_space<semaphore_mem>>
    %dma_wait3A_434 = arith.constant 0 : i32
    %dma_wait3A_435 = arith.constant 0 : i32
    %dma_wait3A_436 = tpu.memref_slice %arg9[%dma_wait3A_434, %dma_wait3A_435] : memref<16384x32xf32, #tpu.memory_space<vmem>> -> memref<1x32xf32, #tpu.memory_space<vmem>>
    %dma_wait3A_437 = arith.constant 0 : i32
    %dma_wait3A_438 = arith.constant 0 : i32
    %dma_wait3A_439 = tpu.memref_slice %arg2[%dma_wait3A_437, %dma_wait3A_438] : memref<1000000x32xf32, #tpu.memory_space<hbm>> -> memref<1x32xf32, #tpu.memory_space<hbm>>
    tpu.wait_dma2 semaphore(%dma_wait3A_433 : memref<!tpu.dma_semaphore, #tpu.memory_space<semaphore_mem>>) src(%dma_wait3A_439 : memref<1x32xf32, #tpu.memory_space<hbm>>) dst(%dma_wait3A_436 : memref<1x32xf32, #tpu.memory_space<vmem>>)
    %dma_wait3A_440 = arith.constant 48 : i32
    %dma_wait3A_441 = tpu.memref_slice %arg10[%dma_wait3A_440] : memref<256x!tpu.dma_semaphore, #tpu.memory_space<semaphore_mem>> -> memref<1x!tpu.dma_semaphore, #tpu.memory_space<semaphore_mem>>
    %dma_wait3A_442 = tpu.memref_squeeze %dma_wait3A_441 : memref<1x!tpu.dma_semaphore, #tpu.memory_space<semaphore_mem>> -> memref<!tpu.dma_semaphore, #tpu.memory_space<semaphore_mem>>
    %dma_wait3A_443 = arith.constant 0 : i32
    %dma_wait3A_444 = arith.constant 0 : i32
    %dma_wait3A_445 = tpu.memref_slice %arg9[%dma_wait3A_443, %dma_wait3A_444] : memref<16384x32xf32, #tpu.memory_space<vmem>> -> memref<1x32xf32, #tpu.memory_space<vmem>>
    %dma_wait3A_446 = arith.constant 0 : i32
    %dma_wait3A_447 = arith.constant 0 : i32
    %dma_wait3A_448 = tpu.memref_slice %arg2[%dma_wait3A_446, %dma_wait3A_447] : memref<1000000x32xf32, #tpu.memory_space<hbm>> -> memref<1x32xf32, #tpu.memory_space<hbm>>
    tpu.wait_dma2 semaphore(%dma_wait3A_442 : memref<!tpu.dma_semaphore, #tpu.memory_space<semaphore_mem>>) src(%dma_wait3A_448 : memref<1x32xf32, #tpu.memory_space<hbm>>) dst(%dma_wait3A_445 : memref<1x32xf32, #tpu.memory_space<vmem>>)
    %dma_wait3A_449 = arith.constant 49 : i32
    %dma_wait3A_450 = tpu.memref_slice %arg10[%dma_wait3A_449] : memref<256x!tpu.dma_semaphore, #tpu.memory_space<semaphore_mem>> -> memref<1x!tpu.dma_semaphore, #tpu.memory_space<semaphore_mem>>
    %dma_wait3A_451 = tpu.memref_squeeze %dma_wait3A_450 : memref<1x!tpu.dma_semaphore, #tpu.memory_space<semaphore_mem>> -> memref<!tpu.dma_semaphore, #tpu.memory_space<semaphore_mem>>
    %dma_wait3A_452 = arith.constant 0 : i32
    %dma_wait3A_453 = arith.constant 0 : i32
    %dma_wait3A_454 = tpu.memref_slice %arg9[%dma_wait3A_452, %dma_wait3A_453] : memref<16384x32xf32, #tpu.memory_space<vmem>> -> memref<1x32xf32, #tpu.memory_space<vmem>>
    %dma_wait3A_455 = arith.constant 0 : i32
    %dma_wait3A_456 = arith.constant 0 : i32
    %dma_wait3A_457 = tpu.memref_slice %arg2[%dma_wait3A_455, %dma_wait3A_456] : memref<1000000x32xf32, #tpu.memory_space<hbm>> -> memref<1x32xf32, #tpu.memory_space<hbm>>
    tpu.wait_dma2 semaphore(%dma_wait3A_451 : memref<!tpu.dma_semaphore, #tpu.memory_space<semaphore_mem>>) src(%dma_wait3A_457 : memref<1x32xf32, #tpu.memory_space<hbm>>) dst(%dma_wait3A_454 : memref<1x32xf32, #tpu.memory_space<vmem>>)
    %dma_wait3A_458 = arith.constant 50 : i32
    %dma_wait3A_459 = tpu.memref_slice %arg10[%dma_wait3A_458] : memref<256x!tpu.dma_semaphore, #tpu.memory_space<semaphore_mem>> -> memref<1x!tpu.dma_semaphore, #tpu.memory_space<semaphore_mem>>
    %dma_wait3A_460 = tpu.memref_squeeze %dma_wait3A_459 : memref<1x!tpu.dma_semaphore, #tpu.memory_space<semaphore_mem>> -> memref<!tpu.dma_semaphore, #tpu.memory_space<semaphore_mem>>
    %dma_wait3A_461 = arith.constant 0 : i32
    %dma_wait3A_462 = arith.constant 0 : i32
    %dma_wait3A_463 = tpu.memref_slice %arg9[%dma_wait3A_461, %dma_wait3A_462] : memref<16384x32xf32, #tpu.memory_space<vmem>> -> memref<1x32xf32, #tpu.memory_space<vmem>>
    %dma_wait3A_464 = arith.constant 0 : i32
    %dma_wait3A_465 = arith.constant 0 : i32
    %dma_wait3A_466 = tpu.memref_slice %arg2[%dma_wait3A_464, %dma_wait3A_465] : memref<1000000x32xf32, #tpu.memory_space<hbm>> -> memref<1x32xf32, #tpu.memory_space<hbm>>
    tpu.wait_dma2 semaphore(%dma_wait3A_460 : memref<!tpu.dma_semaphore, #tpu.memory_space<semaphore_mem>>) src(%dma_wait3A_466 : memref<1x32xf32, #tpu.memory_space<hbm>>) dst(%dma_wait3A_463 : memref<1x32xf32, #tpu.memory_space<vmem>>)
    %dma_wait3A_467 = arith.constant 51 : i32
    %dma_wait3A_468 = tpu.memref_slice %arg10[%dma_wait3A_467] : memref<256x!tpu.dma_semaphore, #tpu.memory_space<semaphore_mem>> -> memref<1x!tpu.dma_semaphore, #tpu.memory_space<semaphore_mem>>
    %dma_wait3A_469 = tpu.memref_squeeze %dma_wait3A_468 : memref<1x!tpu.dma_semaphore, #tpu.memory_space<semaphore_mem>> -> memref<!tpu.dma_semaphore, #tpu.memory_space<semaphore_mem>>
    %dma_wait3A_470 = arith.constant 0 : i32
    %dma_wait3A_471 = arith.constant 0 : i32
    %dma_wait3A_472 = tpu.memref_slice %arg9[%dma_wait3A_470, %dma_wait3A_471] : memref<16384x32xf32, #tpu.memory_space<vmem>> -> memref<1x32xf32, #tpu.memory_space<vmem>>
    %dma_wait3A_473 = arith.constant 0 : i32
    %dma_wait3A_474 = arith.constant 0 : i32
    %dma_wait3A_475 = tpu.memref_slice %arg2[%dma_wait3A_473, %dma_wait3A_474] : memref<1000000x32xf32, #tpu.memory_space<hbm>> -> memref<1x32xf32, #tpu.memory_space<hbm>>
    tpu.wait_dma2 semaphore(%dma_wait3A_469 : memref<!tpu.dma_semaphore, #tpu.memory_space<semaphore_mem>>) src(%dma_wait3A_475 : memref<1x32xf32, #tpu.memory_space<hbm>>) dst(%dma_wait3A_472 : memref<1x32xf32, #tpu.memory_space<vmem>>)
    %dma_wait3A_476 = arith.constant 52 : i32
    %dma_wait3A_477 = tpu.memref_slice %arg10[%dma_wait3A_476] : memref<256x!tpu.dma_semaphore, #tpu.memory_space<semaphore_mem>> -> memref<1x!tpu.dma_semaphore, #tpu.memory_space<semaphore_mem>>
    %dma_wait3A_478 = tpu.memref_squeeze %dma_wait3A_477 : memref<1x!tpu.dma_semaphore, #tpu.memory_space<semaphore_mem>> -> memref<!tpu.dma_semaphore, #tpu.memory_space<semaphore_mem>>
    %dma_wait3A_479 = arith.constant 0 : i32
    %dma_wait3A_480 = arith.constant 0 : i32
    %dma_wait3A_481 = tpu.memref_slice %arg9[%dma_wait3A_479, %dma_wait3A_480] : memref<16384x32xf32, #tpu.memory_space<vmem>> -> memref<1x32xf32, #tpu.memory_space<vmem>>
    %dma_wait3A_482 = arith.constant 0 : i32
    %dma_wait3A_483 = arith.constant 0 : i32
    %dma_wait3A_484 = tpu.memref_slice %arg2[%dma_wait3A_482, %dma_wait3A_483] : memref<1000000x32xf32, #tpu.memory_space<hbm>> -> memref<1x32xf32, #tpu.memory_space<hbm>>
    tpu.wait_dma2 semaphore(%dma_wait3A_478 : memref<!tpu.dma_semaphore, #tpu.memory_space<semaphore_mem>>) src(%dma_wait3A_484 : memref<1x32xf32, #tpu.memory_space<hbm>>) dst(%dma_wait3A_481 : memref<1x32xf32, #tpu.memory_space<vmem>>)
    %dma_wait3A_485 = arith.constant 53 : i32
    %dma_wait3A_486 = tpu.memref_slice %arg10[%dma_wait3A_485] : memref<256x!tpu.dma_semaphore, #tpu.memory_space<semaphore_mem>> -> memref<1x!tpu.dma_semaphore, #tpu.memory_space<semaphore_mem>>
    %dma_wait3A_487 = tpu.memref_squeeze %dma_wait3A_486 : memref<1x!tpu.dma_semaphore, #tpu.memory_space<semaphore_mem>> -> memref<!tpu.dma_semaphore, #tpu.memory_space<semaphore_mem>>
    %dma_wait3A_488 = arith.constant 0 : i32
    %dma_wait3A_489 = arith.constant 0 : i32
    %dma_wait3A_490 = tpu.memref_slice %arg9[%dma_wait3A_488, %dma_wait3A_489] : memref<16384x32xf32, #tpu.memory_space<vmem>> -> memref<1x32xf32, #tpu.memory_space<vmem>>
    %dma_wait3A_491 = arith.constant 0 : i32
    %dma_wait3A_492 = arith.constant 0 : i32
    %dma_wait3A_493 = tpu.memref_slice %arg2[%dma_wait3A_491, %dma_wait3A_492] : memref<1000000x32xf32, #tpu.memory_space<hbm>> -> memref<1x32xf32, #tpu.memory_space<hbm>>
    tpu.wait_dma2 semaphore(%dma_wait3A_487 : memref<!tpu.dma_semaphore, #tpu.memory_space<semaphore_mem>>) src(%dma_wait3A_493 : memref<1x32xf32, #tpu.memory_space<hbm>>) dst(%dma_wait3A_490 : memref<1x32xf32, #tpu.memory_space<vmem>>)
    %dma_wait3A_494 = arith.constant 54 : i32
    %dma_wait3A_495 = tpu.memref_slice %arg10[%dma_wait3A_494] : memref<256x!tpu.dma_semaphore, #tpu.memory_space<semaphore_mem>> -> memref<1x!tpu.dma_semaphore, #tpu.memory_space<semaphore_mem>>
    %dma_wait3A_496 = tpu.memref_squeeze %dma_wait3A_495 : memref<1x!tpu.dma_semaphore, #tpu.memory_space<semaphore_mem>> -> memref<!tpu.dma_semaphore, #tpu.memory_space<semaphore_mem>>
    %dma_wait3A_497 = arith.constant 0 : i32
    %dma_wait3A_498 = arith.constant 0 : i32
    %dma_wait3A_499 = tpu.memref_slice %arg9[%dma_wait3A_497, %dma_wait3A_498] : memref<16384x32xf32, #tpu.memory_space<vmem>> -> memref<1x32xf32, #tpu.memory_space<vmem>>
    %dma_wait3A_500 = arith.constant 0 : i32
    %dma_wait3A_501 = arith.constant 0 : i32
    %dma_wait3A_502 = tpu.memref_slice %arg2[%dma_wait3A_500, %dma_wait3A_501] : memref<1000000x32xf32, #tpu.memory_space<hbm>> -> memref<1x32xf32, #tpu.memory_space<hbm>>
    tpu.wait_dma2 semaphore(%dma_wait3A_496 : memref<!tpu.dma_semaphore, #tpu.memory_space<semaphore_mem>>) src(%dma_wait3A_502 : memref<1x32xf32, #tpu.memory_space<hbm>>) dst(%dma_wait3A_499 : memref<1x32xf32, #tpu.memory_space<vmem>>)
    %dma_wait3A_503 = arith.constant 55 : i32
    %dma_wait3A_504 = tpu.memref_slice %arg10[%dma_wait3A_503] : memref<256x!tpu.dma_semaphore, #tpu.memory_space<semaphore_mem>> -> memref<1x!tpu.dma_semaphore, #tpu.memory_space<semaphore_mem>>
    %dma_wait3A_505 = tpu.memref_squeeze %dma_wait3A_504 : memref<1x!tpu.dma_semaphore, #tpu.memory_space<semaphore_mem>> -> memref<!tpu.dma_semaphore, #tpu.memory_space<semaphore_mem>>
    %dma_wait3A_506 = arith.constant 0 : i32
    %dma_wait3A_507 = arith.constant 0 : i32
    %dma_wait3A_508 = tpu.memref_slice %arg9[%dma_wait3A_506, %dma_wait3A_507] : memref<16384x32xf32, #tpu.memory_space<vmem>> -> memref<1x32xf32, #tpu.memory_space<vmem>>
    %dma_wait3A_509 = arith.constant 0 : i32
    %dma_wait3A_510 = arith.constant 0 : i32
    %dma_wait3A_511 = tpu.memref_slice %arg2[%dma_wait3A_509, %dma_wait3A_510] : memref<1000000x32xf32, #tpu.memory_space<hbm>> -> memref<1x32xf32, #tpu.memory_space<hbm>>
    tpu.wait_dma2 semaphore(%dma_wait3A_505 : memref<!tpu.dma_semaphore, #tpu.memory_space<semaphore_mem>>) src(%dma_wait3A_511 : memref<1x32xf32, #tpu.memory_space<hbm>>) dst(%dma_wait3A_508 : memref<1x32xf32, #tpu.memory_space<vmem>>)
    %dma_wait3A_512 = arith.constant 56 : i32
    %dma_wait3A_513 = tpu.memref_slice %arg10[%dma_wait3A_512] : memref<256x!tpu.dma_semaphore, #tpu.memory_space<semaphore_mem>> -> memref<1x!tpu.dma_semaphore, #tpu.memory_space<semaphore_mem>>
    %dma_wait3A_514 = tpu.memref_squeeze %dma_wait3A_513 : memref<1x!tpu.dma_semaphore, #tpu.memory_space<semaphore_mem>> -> memref<!tpu.dma_semaphore, #tpu.memory_space<semaphore_mem>>
    %dma_wait3A_515 = arith.constant 0 : i32
    %dma_wait3A_516 = arith.constant 0 : i32
    %dma_wait3A_517 = tpu.memref_slice %arg9[%dma_wait3A_515, %dma_wait3A_516] : memref<16384x32xf32, #tpu.memory_space<vmem>> -> memref<1x32xf32, #tpu.memory_space<vmem>>
    %dma_wait3A_518 = arith.constant 0 : i32
    %dma_wait3A_519 = arith.constant 0 : i32
    %dma_wait3A_520 = tpu.memref_slice %arg2[%dma_wait3A_518, %dma_wait3A_519] : memref<1000000x32xf32, #tpu.memory_space<hbm>> -> memref<1x32xf32, #tpu.memory_space<hbm>>
    tpu.wait_dma2 semaphore(%dma_wait3A_514 : memref<!tpu.dma_semaphore, #tpu.memory_space<semaphore_mem>>) src(%dma_wait3A_520 : memref<1x32xf32, #tpu.memory_space<hbm>>) dst(%dma_wait3A_517 : memref<1x32xf32, #tpu.memory_space<vmem>>)
    %dma_wait3A_521 = arith.constant 57 : i32
    %dma_wait3A_522 = tpu.memref_slice %arg10[%dma_wait3A_521] : memref<256x!tpu.dma_semaphore, #tpu.memory_space<semaphore_mem>> -> memref<1x!tpu.dma_semaphore, #tpu.memory_space<semaphore_mem>>
    %dma_wait3A_523 = tpu.memref_squeeze %dma_wait3A_522 : memref<1x!tpu.dma_semaphore, #tpu.memory_space<semaphore_mem>> -> memref<!tpu.dma_semaphore, #tpu.memory_space<semaphore_mem>>
    %dma_wait3A_524 = arith.constant 0 : i32
    %dma_wait3A_525 = arith.constant 0 : i32
    %dma_wait3A_526 = tpu.memref_slice %arg9[%dma_wait3A_524, %dma_wait3A_525] : memref<16384x32xf32, #tpu.memory_space<vmem>> -> memref<1x32xf32, #tpu.memory_space<vmem>>
    %dma_wait3A_527 = arith.constant 0 : i32
    %dma_wait3A_528 = arith.constant 0 : i32
    %dma_wait3A_529 = tpu.memref_slice %arg2[%dma_wait3A_527, %dma_wait3A_528] : memref<1000000x32xf32, #tpu.memory_space<hbm>> -> memref<1x32xf32, #tpu.memory_space<hbm>>
    tpu.wait_dma2 semaphore(%dma_wait3A_523 : memref<!tpu.dma_semaphore, #tpu.memory_space<semaphore_mem>>) src(%dma_wait3A_529 : memref<1x32xf32, #tpu.memory_space<hbm>>) dst(%dma_wait3A_526 : memref<1x32xf32, #tpu.memory_space<vmem>>)
    %dma_wait3A_530 = arith.constant 58 : i32
    %dma_wait3A_531 = tpu.memref_slice %arg10[%dma_wait3A_530] : memref<256x!tpu.dma_semaphore, #tpu.memory_space<semaphore_mem>> -> memref<1x!tpu.dma_semaphore, #tpu.memory_space<semaphore_mem>>
    %dma_wait3A_532 = tpu.memref_squeeze %dma_wait3A_531 : memref<1x!tpu.dma_semaphore, #tpu.memory_space<semaphore_mem>> -> memref<!tpu.dma_semaphore, #tpu.memory_space<semaphore_mem>>
    %dma_wait3A_533 = arith.constant 0 : i32
    %dma_wait3A_534 = arith.constant 0 : i32
    %dma_wait3A_535 = tpu.memref_slice %arg9[%dma_wait3A_533, %dma_wait3A_534] : memref<16384x32xf32, #tpu.memory_space<vmem>> -> memref<1x32xf32, #tpu.memory_space<vmem>>
    %dma_wait3A_536 = arith.constant 0 : i32
    %dma_wait3A_537 = arith.constant 0 : i32
    %dma_wait3A_538 = tpu.memref_slice %arg2[%dma_wait3A_536, %dma_wait3A_537] : memref<1000000x32xf32, #tpu.memory_space<hbm>> -> memref<1x32xf32, #tpu.memory_space<hbm>>
    tpu.wait_dma2 semaphore(%dma_wait3A_532 : memref<!tpu.dma_semaphore, #tpu.memory_space<semaphore_mem>>) src(%dma_wait3A_538 : memref<1x32xf32, #tpu.memory_space<hbm>>) dst(%dma_wait3A_535 : memref<1x32xf32, #tpu.memory_space<vmem>>)
    %dma_wait3A_539 = arith.constant 59 : i32
    %dma_wait3A_540 = tpu.memref_slice %arg10[%dma_wait3A_539] : memref<256x!tpu.dma_semaphore, #tpu.memory_space<semaphore_mem>> -> memref<1x!tpu.dma_semaphore, #tpu.memory_space<semaphore_mem>>
    %dma_wait3A_541 = tpu.memref_squeeze %dma_wait3A_540 : memref<1x!tpu.dma_semaphore, #tpu.memory_space<semaphore_mem>> -> memref<!tpu.dma_semaphore, #tpu.memory_space<semaphore_mem>>
    %dma_wait3A_542 = arith.constant 0 : i32
    %dma_wait3A_543 = arith.constant 0 : i32
    %dma_wait3A_544 = tpu.memref_slice %arg9[%dma_wait3A_542, %dma_wait3A_543] : memref<16384x32xf32, #tpu.memory_space<vmem>> -> memref<1x32xf32, #tpu.memory_space<vmem>>
    %dma_wait3A_545 = arith.constant 0 : i32
    %dma_wait3A_546 = arith.constant 0 : i32
    %dma_wait3A_547 = tpu.memref_slice %arg2[%dma_wait3A_545, %dma_wait3A_546] : memref<1000000x32xf32, #tpu.memory_space<hbm>> -> memref<1x32xf32, #tpu.memory_space<hbm>>
    tpu.wait_dma2 semaphore(%dma_wait3A_541 : memref<!tpu.dma_semaphore, #tpu.memory_space<semaphore_mem>>) src(%dma_wait3A_547 : memref<1x32xf32, #tpu.memory_space<hbm>>) dst(%dma_wait3A_544 : memref<1x32xf32, #tpu.memory_space<vmem>>)
    %dma_wait3A_548 = arith.constant 60 : i32
    %dma_wait3A_549 = tpu.memref_slice %arg10[%dma_wait3A_548] : memref<256x!tpu.dma_semaphore, #tpu.memory_space<semaphore_mem>> -> memref<1x!tpu.dma_semaphore, #tpu.memory_space<semaphore_mem>>
    %dma_wait3A_550 = tpu.memref_squeeze %dma_wait3A_549 : memref<1x!tpu.dma_semaphore, #tpu.memory_space<semaphore_mem>> -> memref<!tpu.dma_semaphore, #tpu.memory_space<semaphore_mem>>
    %dma_wait3A_551 = arith.constant 0 : i32
    %dma_wait3A_552 = arith.constant 0 : i32
    %dma_wait3A_553 = tpu.memref_slice %arg9[%dma_wait3A_551, %dma_wait3A_552] : memref<16384x32xf32, #tpu.memory_space<vmem>> -> memref<1x32xf32, #tpu.memory_space<vmem>>
    %dma_wait3A_554 = arith.constant 0 : i32
    %dma_wait3A_555 = arith.constant 0 : i32
    %dma_wait3A_556 = tpu.memref_slice %arg2[%dma_wait3A_554, %dma_wait3A_555] : memref<1000000x32xf32, #tpu.memory_space<hbm>> -> memref<1x32xf32, #tpu.memory_space<hbm>>
    tpu.wait_dma2 semaphore(%dma_wait3A_550 : memref<!tpu.dma_semaphore, #tpu.memory_space<semaphore_mem>>) src(%dma_wait3A_556 : memref<1x32xf32, #tpu.memory_space<hbm>>) dst(%dma_wait3A_553 : memref<1x32xf32, #tpu.memory_space<vmem>>)
    %dma_wait3A_557 = arith.constant 61 : i32
    %dma_wait3A_558 = tpu.memref_slice %arg10[%dma_wait3A_557] : memref<256x!tpu.dma_semaphore, #tpu.memory_space<semaphore_mem>> -> memref<1x!tpu.dma_semaphore, #tpu.memory_space<semaphore_mem>>
    %dma_wait3A_559 = tpu.memref_squeeze %dma_wait3A_558 : memref<1x!tpu.dma_semaphore, #tpu.memory_space<semaphore_mem>> -> memref<!tpu.dma_semaphore, #tpu.memory_space<semaphore_mem>>
    %dma_wait3A_560 = arith.constant 0 : i32
    %dma_wait3A_561 = arith.constant 0 : i32
    %dma_wait3A_562 = tpu.memref_slice %arg9[%dma_wait3A_560, %dma_wait3A_561] : memref<16384x32xf32, #tpu.memory_space<vmem>> -> memref<1x32xf32, #tpu.memory_space<vmem>>
    %dma_wait3A_563 = arith.constant 0 : i32
    %dma_wait3A_564 = arith.constant 0 : i32
    %dma_wait3A_565 = tpu.memref_slice %arg2[%dma_wait3A_563, %dma_wait3A_564] : memref<1000000x32xf32, #tpu.memory_space<hbm>> -> memref<1x32xf32, #tpu.memory_space<hbm>>
    tpu.wait_dma2 semaphore(%dma_wait3A_559 : memref<!tpu.dma_semaphore, #tpu.memory_space<semaphore_mem>>) src(%dma_wait3A_565 : memref<1x32xf32, #tpu.memory_space<hbm>>) dst(%dma_wait3A_562 : memref<1x32xf32, #tpu.memory_space<vmem>>)
    %dma_wait3A_566 = arith.constant 62 : i32
    %dma_wait3A_567 = tpu.memref_slice %arg10[%dma_wait3A_566] : memref<256x!tpu.dma_semaphore, #tpu.memory_space<semaphore_mem>> -> memref<1x!tpu.dma_semaphore, #tpu.memory_space<semaphore_mem>>
    %dma_wait3A_568 = tpu.memref_squeeze %dma_wait3A_567 : memref<1x!tpu.dma_semaphore, #tpu.memory_space<semaphore_mem>> -> memref<!tpu.dma_semaphore, #tpu.memory_space<semaphore_mem>>
    %dma_wait3A_569 = arith.constant 0 : i32
    %dma_wait3A_570 = arith.constant 0 : i32
    %dma_wait3A_571 = tpu.memref_slice %arg9[%dma_wait3A_569, %dma_wait3A_570] : memref<16384x32xf32, #tpu.memory_space<vmem>> -> memref<1x32xf32, #tpu.memory_space<vmem>>
    %dma_wait3A_572 = arith.constant 0 : i32
    %dma_wait3A_573 = arith.constant 0 : i32
    %dma_wait3A_574 = tpu.memref_slice %arg2[%dma_wait3A_572, %dma_wait3A_573] : memref<1000000x32xf32, #tpu.memory_space<hbm>> -> memref<1x32xf32, #tpu.memory_space<hbm>>
    tpu.wait_dma2 semaphore(%dma_wait3A_568 : memref<!tpu.dma_semaphore, #tpu.memory_space<semaphore_mem>>) src(%dma_wait3A_574 : memref<1x32xf32, #tpu.memory_space<hbm>>) dst(%dma_wait3A_571 : memref<1x32xf32, #tpu.memory_space<vmem>>)
    %dma_wait3A_575 = arith.constant 63 : i32
    %dma_wait3A_576 = tpu.memref_slice %arg10[%dma_wait3A_575] : memref<256x!tpu.dma_semaphore, #tpu.memory_space<semaphore_mem>> -> memref<1x!tpu.dma_semaphore, #tpu.memory_space<semaphore_mem>>
    %dma_wait3A_577 = tpu.memref_squeeze %dma_wait3A_576 : memref<1x!tpu.dma_semaphore, #tpu.memory_space<semaphore_mem>> -> memref<!tpu.dma_semaphore, #tpu.memory_space<semaphore_mem>>
    %dma_wait3A_578 = arith.constant 0 : i32
    %dma_wait3A_579 = arith.constant 0 : i32
    %dma_wait3A_580 = tpu.memref_slice %arg9[%dma_wait3A_578, %dma_wait3A_579] : memref<16384x32xf32, #tpu.memory_space<vmem>> -> memref<1x32xf32, #tpu.memory_space<vmem>>
    %dma_wait3A_581 = arith.constant 0 : i32
    %dma_wait3A_582 = arith.constant 0 : i32
    %dma_wait3A_583 = tpu.memref_slice %arg2[%dma_wait3A_581, %dma_wait3A_582] : memref<1000000x32xf32, #tpu.memory_space<hbm>> -> memref<1x32xf32, #tpu.memory_space<hbm>>
    tpu.wait_dma2 semaphore(%dma_wait3A_577 : memref<!tpu.dma_semaphore, #tpu.memory_space<semaphore_mem>>) src(%dma_wait3A_583 : memref<1x32xf32, #tpu.memory_space<hbm>>) dst(%dma_wait3A_580 : memref<1x32xf32, #tpu.memory_space<vmem>>)
    %dma_wait3A_584 = arith.constant 64 : i32
    %dma_wait3A_585 = tpu.memref_slice %arg10[%dma_wait3A_584] : memref<256x!tpu.dma_semaphore, #tpu.memory_space<semaphore_mem>> -> memref<1x!tpu.dma_semaphore, #tpu.memory_space<semaphore_mem>>
    %dma_wait3A_586 = tpu.memref_squeeze %dma_wait3A_585 : memref<1x!tpu.dma_semaphore, #tpu.memory_space<semaphore_mem>> -> memref<!tpu.dma_semaphore, #tpu.memory_space<semaphore_mem>>
    %dma_wait3A_587 = arith.constant 0 : i32
    %dma_wait3A_588 = arith.constant 0 : i32
    %dma_wait3A_589 = tpu.memref_slice %arg9[%dma_wait3A_587, %dma_wait3A_588] : memref<16384x32xf32, #tpu.memory_space<vmem>> -> memref<1x32xf32, #tpu.memory_space<vmem>>
    %dma_wait3A_590 = arith.constant 0 : i32
    %dma_wait3A_591 = arith.constant 0 : i32
    %dma_wait3A_592 = tpu.memref_slice %arg2[%dma_wait3A_590, %dma_wait3A_591] : memref<1000000x32xf32, #tpu.memory_space<hbm>> -> memref<1x32xf32, #tpu.memory_space<hbm>>
    tpu.wait_dma2 semaphore(%dma_wait3A_586 : memref<!tpu.dma_semaphore, #tpu.memory_space<semaphore_mem>>) src(%dma_wait3A_592 : memref<1x32xf32, #tpu.memory_space<hbm>>) dst(%dma_wait3A_589 : memref<1x32xf32, #tpu.memory_space<vmem>>)
    %dma_wait3A_593 = arith.constant 65 : i32
    %dma_wait3A_594 = tpu.memref_slice %arg10[%dma_wait3A_593] : memref<256x!tpu.dma_semaphore, #tpu.memory_space<semaphore_mem>> -> memref<1x!tpu.dma_semaphore, #tpu.memory_space<semaphore_mem>>
    %dma_wait3A_595 = tpu.memref_squeeze %dma_wait3A_594 : memref<1x!tpu.dma_semaphore, #tpu.memory_space<semaphore_mem>> -> memref<!tpu.dma_semaphore, #tpu.memory_space<semaphore_mem>>
    %dma_wait3A_596 = arith.constant 0 : i32
    %dma_wait3A_597 = arith.constant 0 : i32
    %dma_wait3A_598 = tpu.memref_slice %arg9[%dma_wait3A_596, %dma_wait3A_597] : memref<16384x32xf32, #tpu.memory_space<vmem>> -> memref<1x32xf32, #tpu.memory_space<vmem>>
    %dma_wait3A_599 = arith.constant 0 : i32
    %dma_wait3A_600 = arith.constant 0 : i32
    %dma_wait3A_601 = tpu.memref_slice %arg2[%dma_wait3A_599, %dma_wait3A_600] : memref<1000000x32xf32, #tpu.memory_space<hbm>> -> memref<1x32xf32, #tpu.memory_space<hbm>>
    tpu.wait_dma2 semaphore(%dma_wait3A_595 : memref<!tpu.dma_semaphore, #tpu.memory_space<semaphore_mem>>) src(%dma_wait3A_601 : memref<1x32xf32, #tpu.memory_space<hbm>>) dst(%dma_wait3A_598 : memref<1x32xf32, #tpu.memory_space<vmem>>)
    %dma_wait3A_602 = arith.constant 66 : i32
    %dma_wait3A_603 = tpu.memref_slice %arg10[%dma_wait3A_602] : memref<256x!tpu.dma_semaphore, #tpu.memory_space<semaphore_mem>> -> memref<1x!tpu.dma_semaphore, #tpu.memory_space<semaphore_mem>>
    %dma_wait3A_604 = tpu.memref_squeeze %dma_wait3A_603 : memref<1x!tpu.dma_semaphore, #tpu.memory_space<semaphore_mem>> -> memref<!tpu.dma_semaphore, #tpu.memory_space<semaphore_mem>>
    %dma_wait3A_605 = arith.constant 0 : i32
    %dma_wait3A_606 = arith.constant 0 : i32
    %dma_wait3A_607 = tpu.memref_slice %arg9[%dma_wait3A_605, %dma_wait3A_606] : memref<16384x32xf32, #tpu.memory_space<vmem>> -> memref<1x32xf32, #tpu.memory_space<vmem>>
    %dma_wait3A_608 = arith.constant 0 : i32
    %dma_wait3A_609 = arith.constant 0 : i32
    %dma_wait3A_610 = tpu.memref_slice %arg2[%dma_wait3A_608, %dma_wait3A_609] : memref<1000000x32xf32, #tpu.memory_space<hbm>> -> memref<1x32xf32, #tpu.memory_space<hbm>>
    tpu.wait_dma2 semaphore(%dma_wait3A_604 : memref<!tpu.dma_semaphore, #tpu.memory_space<semaphore_mem>>) src(%dma_wait3A_610 : memref<1x32xf32, #tpu.memory_space<hbm>>) dst(%dma_wait3A_607 : memref<1x32xf32, #tpu.memory_space<vmem>>)
    %dma_wait3A_611 = arith.constant 67 : i32
    %dma_wait3A_612 = tpu.memref_slice %arg10[%dma_wait3A_611] : memref<256x!tpu.dma_semaphore, #tpu.memory_space<semaphore_mem>> -> memref<1x!tpu.dma_semaphore, #tpu.memory_space<semaphore_mem>>
    %dma_wait3A_613 = tpu.memref_squeeze %dma_wait3A_612 : memref<1x!tpu.dma_semaphore, #tpu.memory_space<semaphore_mem>> -> memref<!tpu.dma_semaphore, #tpu.memory_space<semaphore_mem>>
    %dma_wait3A_614 = arith.constant 0 : i32
    %dma_wait3A_615 = arith.constant 0 : i32
    %dma_wait3A_616 = tpu.memref_slice %arg9[%dma_wait3A_614, %dma_wait3A_615] : memref<16384x32xf32, #tpu.memory_space<vmem>> -> memref<1x32xf32, #tpu.memory_space<vmem>>
    %dma_wait3A_617 = arith.constant 0 : i32
    %dma_wait3A_618 = arith.constant 0 : i32
    %dma_wait3A_619 = tpu.memref_slice %arg2[%dma_wait3A_617, %dma_wait3A_618] : memref<1000000x32xf32, #tpu.memory_space<hbm>> -> memref<1x32xf32, #tpu.memory_space<hbm>>
    tpu.wait_dma2 semaphore(%dma_wait3A_613 : memref<!tpu.dma_semaphore, #tpu.memory_space<semaphore_mem>>) src(%dma_wait3A_619 : memref<1x32xf32, #tpu.memory_space<hbm>>) dst(%dma_wait3A_616 : memref<1x32xf32, #tpu.memory_space<vmem>>)
    %dma_wait3A_620 = arith.constant 68 : i32
    %dma_wait3A_621 = tpu.memref_slice %arg10[%dma_wait3A_620] : memref<256x!tpu.dma_semaphore, #tpu.memory_space<semaphore_mem>> -> memref<1x!tpu.dma_semaphore, #tpu.memory_space<semaphore_mem>>
    %dma_wait3A_622 = tpu.memref_squeeze %dma_wait3A_621 : memref<1x!tpu.dma_semaphore, #tpu.memory_space<semaphore_mem>> -> memref<!tpu.dma_semaphore, #tpu.memory_space<semaphore_mem>>
    %dma_wait3A_623 = arith.constant 0 : i32
    %dma_wait3A_624 = arith.constant 0 : i32
    %dma_wait3A_625 = tpu.memref_slice %arg9[%dma_wait3A_623, %dma_wait3A_624] : memref<16384x32xf32, #tpu.memory_space<vmem>> -> memref<1x32xf32, #tpu.memory_space<vmem>>
    %dma_wait3A_626 = arith.constant 0 : i32
    %dma_wait3A_627 = arith.constant 0 : i32
    %dma_wait3A_628 = tpu.memref_slice %arg2[%dma_wait3A_626, %dma_wait3A_627] : memref<1000000x32xf32, #tpu.memory_space<hbm>> -> memref<1x32xf32, #tpu.memory_space<hbm>>
    tpu.wait_dma2 semaphore(%dma_wait3A_622 : memref<!tpu.dma_semaphore, #tpu.memory_space<semaphore_mem>>) src(%dma_wait3A_628 : memref<1x32xf32, #tpu.memory_space<hbm>>) dst(%dma_wait3A_625 : memref<1x32xf32, #tpu.memory_space<vmem>>)
    %dma_wait3A_629 = arith.constant 69 : i32
    %dma_wait3A_630 = tpu.memref_slice %arg10[%dma_wait3A_629] : memref<256x!tpu.dma_semaphore, #tpu.memory_space<semaphore_mem>> -> memref<1x!tpu.dma_semaphore, #tpu.memory_space<semaphore_mem>>
    %dma_wait3A_631 = tpu.memref_squeeze %dma_wait3A_630 : memref<1x!tpu.dma_semaphore, #tpu.memory_space<semaphore_mem>> -> memref<!tpu.dma_semaphore, #tpu.memory_space<semaphore_mem>>
    %dma_wait3A_632 = arith.constant 0 : i32
    %dma_wait3A_633 = arith.constant 0 : i32
    %dma_wait3A_634 = tpu.memref_slice %arg9[%dma_wait3A_632, %dma_wait3A_633] : memref<16384x32xf32, #tpu.memory_space<vmem>> -> memref<1x32xf32, #tpu.memory_space<vmem>>
    %dma_wait3A_635 = arith.constant 0 : i32
    %dma_wait3A_636 = arith.constant 0 : i32
    %dma_wait3A_637 = tpu.memref_slice %arg2[%dma_wait3A_635, %dma_wait3A_636] : memref<1000000x32xf32, #tpu.memory_space<hbm>> -> memref<1x32xf32, #tpu.memory_space<hbm>>
    tpu.wait_dma2 semaphore(%dma_wait3A_631 : memref<!tpu.dma_semaphore, #tpu.memory_space<semaphore_mem>>) src(%dma_wait3A_637 : memref<1x32xf32, #tpu.memory_space<hbm>>) dst(%dma_wait3A_634 : memref<1x32xf32, #tpu.memory_space<vmem>>)
    %dma_wait3A_638 = arith.constant 70 : i32
    %dma_wait3A_639 = tpu.memref_slice %arg10[%dma_wait3A_638] : memref<256x!tpu.dma_semaphore, #tpu.memory_space<semaphore_mem>> -> memref<1x!tpu.dma_semaphore, #tpu.memory_space<semaphore_mem>>
    %dma_wait3A_640 = tpu.memref_squeeze %dma_wait3A_639 : memref<1x!tpu.dma_semaphore, #tpu.memory_space<semaphore_mem>> -> memref<!tpu.dma_semaphore, #tpu.memory_space<semaphore_mem>>
    %dma_wait3A_641 = arith.constant 0 : i32
    %dma_wait3A_642 = arith.constant 0 : i32
    %dma_wait3A_643 = tpu.memref_slice %arg9[%dma_wait3A_641, %dma_wait3A_642] : memref<16384x32xf32, #tpu.memory_space<vmem>> -> memref<1x32xf32, #tpu.memory_space<vmem>>
    %dma_wait3A_644 = arith.constant 0 : i32
    %dma_wait3A_645 = arith.constant 0 : i32
    %dma_wait3A_646 = tpu.memref_slice %arg2[%dma_wait3A_644, %dma_wait3A_645] : memref<1000000x32xf32, #tpu.memory_space<hbm>> -> memref<1x32xf32, #tpu.memory_space<hbm>>
    tpu.wait_dma2 semaphore(%dma_wait3A_640 : memref<!tpu.dma_semaphore, #tpu.memory_space<semaphore_mem>>) src(%dma_wait3A_646 : memref<1x32xf32, #tpu.memory_space<hbm>>) dst(%dma_wait3A_643 : memref<1x32xf32, #tpu.memory_space<vmem>>)
    %dma_wait3A_647 = arith.constant 71 : i32
    %dma_wait3A_648 = tpu.memref_slice %arg10[%dma_wait3A_647] : memref<256x!tpu.dma_semaphore, #tpu.memory_space<semaphore_mem>> -> memref<1x!tpu.dma_semaphore, #tpu.memory_space<semaphore_mem>>
    %dma_wait3A_649 = tpu.memref_squeeze %dma_wait3A_648 : memref<1x!tpu.dma_semaphore, #tpu.memory_space<semaphore_mem>> -> memref<!tpu.dma_semaphore, #tpu.memory_space<semaphore_mem>>
    %dma_wait3A_650 = arith.constant 0 : i32
    %dma_wait3A_651 = arith.constant 0 : i32
    %dma_wait3A_652 = tpu.memref_slice %arg9[%dma_wait3A_650, %dma_wait3A_651] : memref<16384x32xf32, #tpu.memory_space<vmem>> -> memref<1x32xf32, #tpu.memory_space<vmem>>
    %dma_wait3A_653 = arith.constant 0 : i32
    %dma_wait3A_654 = arith.constant 0 : i32
    %dma_wait3A_655 = tpu.memref_slice %arg2[%dma_wait3A_653, %dma_wait3A_654] : memref<1000000x32xf32, #tpu.memory_space<hbm>> -> memref<1x32xf32, #tpu.memory_space<hbm>>
    tpu.wait_dma2 semaphore(%dma_wait3A_649 : memref<!tpu.dma_semaphore, #tpu.memory_space<semaphore_mem>>) src(%dma_wait3A_655 : memref<1x32xf32, #tpu.memory_space<hbm>>) dst(%dma_wait3A_652 : memref<1x32xf32, #tpu.memory_space<vmem>>)
    %dma_wait3A_656 = arith.constant 72 : i32
    %dma_wait3A_657 = tpu.memref_slice %arg10[%dma_wait3A_656] : memref<256x!tpu.dma_semaphore, #tpu.memory_space<semaphore_mem>> -> memref<1x!tpu.dma_semaphore, #tpu.memory_space<semaphore_mem>>
    %dma_wait3A_658 = tpu.memref_squeeze %dma_wait3A_657 : memref<1x!tpu.dma_semaphore, #tpu.memory_space<semaphore_mem>> -> memref<!tpu.dma_semaphore, #tpu.memory_space<semaphore_mem>>
    %dma_wait3A_659 = arith.constant 0 : i32
    %dma_wait3A_660 = arith.constant 0 : i32
    %dma_wait3A_661 = tpu.memref_slice %arg9[%dma_wait3A_659, %dma_wait3A_660] : memref<16384x32xf32, #tpu.memory_space<vmem>> -> memref<1x32xf32, #tpu.memory_space<vmem>>
    %dma_wait3A_662 = arith.constant 0 : i32
    %dma_wait3A_663 = arith.constant 0 : i32
    %dma_wait3A_664 = tpu.memref_slice %arg2[%dma_wait3A_662, %dma_wait3A_663] : memref<1000000x32xf32, #tpu.memory_space<hbm>> -> memref<1x32xf32, #tpu.memory_space<hbm>>
    tpu.wait_dma2 semaphore(%dma_wait3A_658 : memref<!tpu.dma_semaphore, #tpu.memory_space<semaphore_mem>>) src(%dma_wait3A_664 : memref<1x32xf32, #tpu.memory_space<hbm>>) dst(%dma_wait3A_661 : memref<1x32xf32, #tpu.memory_space<vmem>>)
    %dma_wait3A_665 = arith.constant 73 : i32
    %dma_wait3A_666 = tpu.memref_slice %arg10[%dma_wait3A_665] : memref<256x!tpu.dma_semaphore, #tpu.memory_space<semaphore_mem>> -> memref<1x!tpu.dma_semaphore, #tpu.memory_space<semaphore_mem>>
    %dma_wait3A_667 = tpu.memref_squeeze %dma_wait3A_666 : memref<1x!tpu.dma_semaphore, #tpu.memory_space<semaphore_mem>> -> memref<!tpu.dma_semaphore, #tpu.memory_space<semaphore_mem>>
    %dma_wait3A_668 = arith.constant 0 : i32
    %dma_wait3A_669 = arith.constant 0 : i32
    %dma_wait3A_670 = tpu.memref_slice %arg9[%dma_wait3A_668, %dma_wait3A_669] : memref<16384x32xf32, #tpu.memory_space<vmem>> -> memref<1x32xf32, #tpu.memory_space<vmem>>
    %dma_wait3A_671 = arith.constant 0 : i32
    %dma_wait3A_672 = arith.constant 0 : i32
    %dma_wait3A_673 = tpu.memref_slice %arg2[%dma_wait3A_671, %dma_wait3A_672] : memref<1000000x32xf32, #tpu.memory_space<hbm>> -> memref<1x32xf32, #tpu.memory_space<hbm>>
    tpu.wait_dma2 semaphore(%dma_wait3A_667 : memref<!tpu.dma_semaphore, #tpu.memory_space<semaphore_mem>>) src(%dma_wait3A_673 : memref<1x32xf32, #tpu.memory_space<hbm>>) dst(%dma_wait3A_670 : memref<1x32xf32, #tpu.memory_space<vmem>>)
    %dma_wait3A_674 = arith.constant 74 : i32
    %dma_wait3A_675 = tpu.memref_slice %arg10[%dma_wait3A_674] : memref<256x!tpu.dma_semaphore, #tpu.memory_space<semaphore_mem>> -> memref<1x!tpu.dma_semaphore, #tpu.memory_space<semaphore_mem>>
    %dma_wait3A_676 = tpu.memref_squeeze %dma_wait3A_675 : memref<1x!tpu.dma_semaphore, #tpu.memory_space<semaphore_mem>> -> memref<!tpu.dma_semaphore, #tpu.memory_space<semaphore_mem>>
    %dma_wait3A_677 = arith.constant 0 : i32
    %dma_wait3A_678 = arith.constant 0 : i32
    %dma_wait3A_679 = tpu.memref_slice %arg9[%dma_wait3A_677, %dma_wait3A_678] : memref<16384x32xf32, #tpu.memory_space<vmem>> -> memref<1x32xf32, #tpu.memory_space<vmem>>
    %dma_wait3A_680 = arith.constant 0 : i32
    %dma_wait3A_681 = arith.constant 0 : i32
    %dma_wait3A_682 = tpu.memref_slice %arg2[%dma_wait3A_680, %dma_wait3A_681] : memref<1000000x32xf32, #tpu.memory_space<hbm>> -> memref<1x32xf32, #tpu.memory_space<hbm>>
    tpu.wait_dma2 semaphore(%dma_wait3A_676 : memref<!tpu.dma_semaphore, #tpu.memory_space<semaphore_mem>>) src(%dma_wait3A_682 : memref<1x32xf32, #tpu.memory_space<hbm>>) dst(%dma_wait3A_679 : memref<1x32xf32, #tpu.memory_space<vmem>>)
    %dma_wait3A_683 = arith.constant 75 : i32
    %dma_wait3A_684 = tpu.memref_slice %arg10[%dma_wait3A_683] : memref<256x!tpu.dma_semaphore, #tpu.memory_space<semaphore_mem>> -> memref<1x!tpu.dma_semaphore, #tpu.memory_space<semaphore_mem>>
    %dma_wait3A_685 = tpu.memref_squeeze %dma_wait3A_684 : memref<1x!tpu.dma_semaphore, #tpu.memory_space<semaphore_mem>> -> memref<!tpu.dma_semaphore, #tpu.memory_space<semaphore_mem>>
    %dma_wait3A_686 = arith.constant 0 : i32
    %dma_wait3A_687 = arith.constant 0 : i32
    %dma_wait3A_688 = tpu.memref_slice %arg9[%dma_wait3A_686, %dma_wait3A_687] : memref<16384x32xf32, #tpu.memory_space<vmem>> -> memref<1x32xf32, #tpu.memory_space<vmem>>
    %dma_wait3A_689 = arith.constant 0 : i32
    %dma_wait3A_690 = arith.constant 0 : i32
    %dma_wait3A_691 = tpu.memref_slice %arg2[%dma_wait3A_689, %dma_wait3A_690] : memref<1000000x32xf32, #tpu.memory_space<hbm>> -> memref<1x32xf32, #tpu.memory_space<hbm>>
    tpu.wait_dma2 semaphore(%dma_wait3A_685 : memref<!tpu.dma_semaphore, #tpu.memory_space<semaphore_mem>>) src(%dma_wait3A_691 : memref<1x32xf32, #tpu.memory_space<hbm>>) dst(%dma_wait3A_688 : memref<1x32xf32, #tpu.memory_space<vmem>>)
    %dma_wait3A_692 = arith.constant 76 : i32
    %dma_wait3A_693 = tpu.memref_slice %arg10[%dma_wait3A_692] : memref<256x!tpu.dma_semaphore, #tpu.memory_space<semaphore_mem>> -> memref<1x!tpu.dma_semaphore, #tpu.memory_space<semaphore_mem>>
    %dma_wait3A_694 = tpu.memref_squeeze %dma_wait3A_693 : memref<1x!tpu.dma_semaphore, #tpu.memory_space<semaphore_mem>> -> memref<!tpu.dma_semaphore, #tpu.memory_space<semaphore_mem>>
    %dma_wait3A_695 = arith.constant 0 : i32
    %dma_wait3A_696 = arith.constant 0 : i32
    %dma_wait3A_697 = tpu.memref_slice %arg9[%dma_wait3A_695, %dma_wait3A_696] : memref<16384x32xf32, #tpu.memory_space<vmem>> -> memref<1x32xf32, #tpu.memory_space<vmem>>
    %dma_wait3A_698 = arith.constant 0 : i32
    %dma_wait3A_699 = arith.constant 0 : i32
    %dma_wait3A_700 = tpu.memref_slice %arg2[%dma_wait3A_698, %dma_wait3A_699] : memref<1000000x32xf32, #tpu.memory_space<hbm>> -> memref<1x32xf32, #tpu.memory_space<hbm>>
    tpu.wait_dma2 semaphore(%dma_wait3A_694 : memref<!tpu.dma_semaphore, #tpu.memory_space<semaphore_mem>>) src(%dma_wait3A_700 : memref<1x32xf32, #tpu.memory_space<hbm>>) dst(%dma_wait3A_697 : memref<1x32xf32, #tpu.memory_space<vmem>>)
    %dma_wait3A_701 = arith.constant 77 : i32
    %dma_wait3A_702 = tpu.memref_slice %arg10[%dma_wait3A_701] : memref<256x!tpu.dma_semaphore, #tpu.memory_space<semaphore_mem>> -> memref<1x!tpu.dma_semaphore, #tpu.memory_space<semaphore_mem>>
    %dma_wait3A_703 = tpu.memref_squeeze %dma_wait3A_702 : memref<1x!tpu.dma_semaphore, #tpu.memory_space<semaphore_mem>> -> memref<!tpu.dma_semaphore, #tpu.memory_space<semaphore_mem>>
    %dma_wait3A_704 = arith.constant 0 : i32
    %dma_wait3A_705 = arith.constant 0 : i32
    %dma_wait3A_706 = tpu.memref_slice %arg9[%dma_wait3A_704, %dma_wait3A_705] : memref<16384x32xf32, #tpu.memory_space<vmem>> -> memref<1x32xf32, #tpu.memory_space<vmem>>
    %dma_wait3A_707 = arith.constant 0 : i32
    %dma_wait3A_708 = arith.constant 0 : i32
    %dma_wait3A_709 = tpu.memref_slice %arg2[%dma_wait3A_707, %dma_wait3A_708] : memref<1000000x32xf32, #tpu.memory_space<hbm>> -> memref<1x32xf32, #tpu.memory_space<hbm>>
    tpu.wait_dma2 semaphore(%dma_wait3A_703 : memref<!tpu.dma_semaphore, #tpu.memory_space<semaphore_mem>>) src(%dma_wait3A_709 : memref<1x32xf32, #tpu.memory_space<hbm>>) dst(%dma_wait3A_706 : memref<1x32xf32, #tpu.memory_space<vmem>>)
    %dma_wait3A_710 = arith.constant 78 : i32
    %dma_wait3A_711 = tpu.memref_slice %arg10[%dma_wait3A_710] : memref<256x!tpu.dma_semaphore, #tpu.memory_space<semaphore_mem>> -> memref<1x!tpu.dma_semaphore, #tpu.memory_space<semaphore_mem>>
    %dma_wait3A_712 = tpu.memref_squeeze %dma_wait3A_711 : memref<1x!tpu.dma_semaphore, #tpu.memory_space<semaphore_mem>> -> memref<!tpu.dma_semaphore, #tpu.memory_space<semaphore_mem>>
    %dma_wait3A_713 = arith.constant 0 : i32
    %dma_wait3A_714 = arith.constant 0 : i32
    %dma_wait3A_715 = tpu.memref_slice %arg9[%dma_wait3A_713, %dma_wait3A_714] : memref<16384x32xf32, #tpu.memory_space<vmem>> -> memref<1x32xf32, #tpu.memory_space<vmem>>
    %dma_wait3A_716 = arith.constant 0 : i32
    %dma_wait3A_717 = arith.constant 0 : i32
    %dma_wait3A_718 = tpu.memref_slice %arg2[%dma_wait3A_716, %dma_wait3A_717] : memref<1000000x32xf32, #tpu.memory_space<hbm>> -> memref<1x32xf32, #tpu.memory_space<hbm>>
    tpu.wait_dma2 semaphore(%dma_wait3A_712 : memref<!tpu.dma_semaphore, #tpu.memory_space<semaphore_mem>>) src(%dma_wait3A_718 : memref<1x32xf32, #tpu.memory_space<hbm>>) dst(%dma_wait3A_715 : memref<1x32xf32, #tpu.memory_space<vmem>>)
    %dma_wait3A_719 = arith.constant 79 : i32
    %dma_wait3A_720 = tpu.memref_slice %arg10[%dma_wait3A_719] : memref<256x!tpu.dma_semaphore, #tpu.memory_space<semaphore_mem>> -> memref<1x!tpu.dma_semaphore, #tpu.memory_space<semaphore_mem>>
    %dma_wait3A_721 = tpu.memref_squeeze %dma_wait3A_720 : memref<1x!tpu.dma_semaphore, #tpu.memory_space<semaphore_mem>> -> memref<!tpu.dma_semaphore, #tpu.memory_space<semaphore_mem>>
    %dma_wait3A_722 = arith.constant 0 : i32
    %dma_wait3A_723 = arith.constant 0 : i32
    %dma_wait3A_724 = tpu.memref_slice %arg9[%dma_wait3A_722, %dma_wait3A_723] : memref<16384x32xf32, #tpu.memory_space<vmem>> -> memref<1x32xf32, #tpu.memory_space<vmem>>
    %dma_wait3A_725 = arith.constant 0 : i32
    %dma_wait3A_726 = arith.constant 0 : i32
    %dma_wait3A_727 = tpu.memref_slice %arg2[%dma_wait3A_725, %dma_wait3A_726] : memref<1000000x32xf32, #tpu.memory_space<hbm>> -> memref<1x32xf32, #tpu.memory_space<hbm>>
    tpu.wait_dma2 semaphore(%dma_wait3A_721 : memref<!tpu.dma_semaphore, #tpu.memory_space<semaphore_mem>>) src(%dma_wait3A_727 : memref<1x32xf32, #tpu.memory_space<hbm>>) dst(%dma_wait3A_724 : memref<1x32xf32, #tpu.memory_space<vmem>>)
    %dma_wait3A_728 = arith.constant 80 : i32
    %dma_wait3A_729 = tpu.memref_slice %arg10[%dma_wait3A_728] : memref<256x!tpu.dma_semaphore, #tpu.memory_space<semaphore_mem>> -> memref<1x!tpu.dma_semaphore, #tpu.memory_space<semaphore_mem>>
    %dma_wait3A_730 = tpu.memref_squeeze %dma_wait3A_729 : memref<1x!tpu.dma_semaphore, #tpu.memory_space<semaphore_mem>> -> memref<!tpu.dma_semaphore, #tpu.memory_space<semaphore_mem>>
    %dma_wait3A_731 = arith.constant 0 : i32
    %dma_wait3A_732 = arith.constant 0 : i32
    %dma_wait3A_733 = tpu.memref_slice %arg9[%dma_wait3A_731, %dma_wait3A_732] : memref<16384x32xf32, #tpu.memory_space<vmem>> -> memref<1x32xf32, #tpu.memory_space<vmem>>
    %dma_wait3A_734 = arith.constant 0 : i32
    %dma_wait3A_735 = arith.constant 0 : i32
    %dma_wait3A_736 = tpu.memref_slice %arg2[%dma_wait3A_734, %dma_wait3A_735] : memref<1000000x32xf32, #tpu.memory_space<hbm>> -> memref<1x32xf32, #tpu.memory_space<hbm>>
    tpu.wait_dma2 semaphore(%dma_wait3A_730 : memref<!tpu.dma_semaphore, #tpu.memory_space<semaphore_mem>>) src(%dma_wait3A_736 : memref<1x32xf32, #tpu.memory_space<hbm>>) dst(%dma_wait3A_733 : memref<1x32xf32, #tpu.memory_space<vmem>>)
    %dma_wait3A_737 = arith.constant 81 : i32
    %dma_wait3A_738 = tpu.memref_slice %arg10[%dma_wait3A_737] : memref<256x!tpu.dma_semaphore, #tpu.memory_space<semaphore_mem>> -> memref<1x!tpu.dma_semaphore, #tpu.memory_space<semaphore_mem>>
    %dma_wait3A_739 = tpu.memref_squeeze %dma_wait3A_738 : memref<1x!tpu.dma_semaphore, #tpu.memory_space<semaphore_mem>> -> memref<!tpu.dma_semaphore, #tpu.memory_space<semaphore_mem>>
    %dma_wait3A_740 = arith.constant 0 : i32
    %dma_wait3A_741 = arith.constant 0 : i32
    %dma_wait3A_742 = tpu.memref_slice %arg9[%dma_wait3A_740, %dma_wait3A_741] : memref<16384x32xf32, #tpu.memory_space<vmem>> -> memref<1x32xf32, #tpu.memory_space<vmem>>
    %dma_wait3A_743 = arith.constant 0 : i32
    %dma_wait3A_744 = arith.constant 0 : i32
    %dma_wait3A_745 = tpu.memref_slice %arg2[%dma_wait3A_743, %dma_wait3A_744] : memref<1000000x32xf32, #tpu.memory_space<hbm>> -> memref<1x32xf32, #tpu.memory_space<hbm>>
    tpu.wait_dma2 semaphore(%dma_wait3A_739 : memref<!tpu.dma_semaphore, #tpu.memory_space<semaphore_mem>>) src(%dma_wait3A_745 : memref<1x32xf32, #tpu.memory_space<hbm>>) dst(%dma_wait3A_742 : memref<1x32xf32, #tpu.memory_space<vmem>>)
    %dma_wait3A_746 = arith.constant 82 : i32
    %dma_wait3A_747 = tpu.memref_slice %arg10[%dma_wait3A_746] : memref<256x!tpu.dma_semaphore, #tpu.memory_space<semaphore_mem>> -> memref<1x!tpu.dma_semaphore, #tpu.memory_space<semaphore_mem>>
    %dma_wait3A_748 = tpu.memref_squeeze %dma_wait3A_747 : memref<1x!tpu.dma_semaphore, #tpu.memory_space<semaphore_mem>> -> memref<!tpu.dma_semaphore, #tpu.memory_space<semaphore_mem>>
    %dma_wait3A_749 = arith.constant 0 : i32
    %dma_wait3A_750 = arith.constant 0 : i32
    %dma_wait3A_751 = tpu.memref_slice %arg9[%dma_wait3A_749, %dma_wait3A_750] : memref<16384x32xf32, #tpu.memory_space<vmem>> -> memref<1x32xf32, #tpu.memory_space<vmem>>
    %dma_wait3A_752 = arith.constant 0 : i32
    %dma_wait3A_753 = arith.constant 0 : i32
    %dma_wait3A_754 = tpu.memref_slice %arg2[%dma_wait3A_752, %dma_wait3A_753] : memref<1000000x32xf32, #tpu.memory_space<hbm>> -> memref<1x32xf32, #tpu.memory_space<hbm>>
    tpu.wait_dma2 semaphore(%dma_wait3A_748 : memref<!tpu.dma_semaphore, #tpu.memory_space<semaphore_mem>>) src(%dma_wait3A_754 : memref<1x32xf32, #tpu.memory_space<hbm>>) dst(%dma_wait3A_751 : memref<1x32xf32, #tpu.memory_space<vmem>>)
    %dma_wait3A_755 = arith.constant 83 : i32
    %dma_wait3A_756 = tpu.memref_slice %arg10[%dma_wait3A_755] : memref<256x!tpu.dma_semaphore, #tpu.memory_space<semaphore_mem>> -> memref<1x!tpu.dma_semaphore, #tpu.memory_space<semaphore_mem>>
    %dma_wait3A_757 = tpu.memref_squeeze %dma_wait3A_756 : memref<1x!tpu.dma_semaphore, #tpu.memory_space<semaphore_mem>> -> memref<!tpu.dma_semaphore, #tpu.memory_space<semaphore_mem>>
    %dma_wait3A_758 = arith.constant 0 : i32
    %dma_wait3A_759 = arith.constant 0 : i32
    %dma_wait3A_760 = tpu.memref_slice %arg9[%dma_wait3A_758, %dma_wait3A_759] : memref<16384x32xf32, #tpu.memory_space<vmem>> -> memref<1x32xf32, #tpu.memory_space<vmem>>
    %dma_wait3A_761 = arith.constant 0 : i32
    %dma_wait3A_762 = arith.constant 0 : i32
    %dma_wait3A_763 = tpu.memref_slice %arg2[%dma_wait3A_761, %dma_wait3A_762] : memref<1000000x32xf32, #tpu.memory_space<hbm>> -> memref<1x32xf32, #tpu.memory_space<hbm>>
    tpu.wait_dma2 semaphore(%dma_wait3A_757 : memref<!tpu.dma_semaphore, #tpu.memory_space<semaphore_mem>>) src(%dma_wait3A_763 : memref<1x32xf32, #tpu.memory_space<hbm>>) dst(%dma_wait3A_760 : memref<1x32xf32, #tpu.memory_space<vmem>>)
    %dma_wait3A_764 = arith.constant 84 : i32
    %dma_wait3A_765 = tpu.memref_slice %arg10[%dma_wait3A_764] : memref<256x!tpu.dma_semaphore, #tpu.memory_space<semaphore_mem>> -> memref<1x!tpu.dma_semaphore, #tpu.memory_space<semaphore_mem>>
    %dma_wait3A_766 = tpu.memref_squeeze %dma_wait3A_765 : memref<1x!tpu.dma_semaphore, #tpu.memory_space<semaphore_mem>> -> memref<!tpu.dma_semaphore, #tpu.memory_space<semaphore_mem>>
    %dma_wait3A_767 = arith.constant 0 : i32
    %dma_wait3A_768 = arith.constant 0 : i32
    %dma_wait3A_769 = tpu.memref_slice %arg9[%dma_wait3A_767, %dma_wait3A_768] : memref<16384x32xf32, #tpu.memory_space<vmem>> -> memref<1x32xf32, #tpu.memory_space<vmem>>
    %dma_wait3A_770 = arith.constant 0 : i32
    %dma_wait3A_771 = arith.constant 0 : i32
    %dma_wait3A_772 = tpu.memref_slice %arg2[%dma_wait3A_770, %dma_wait3A_771] : memref<1000000x32xf32, #tpu.memory_space<hbm>> -> memref<1x32xf32, #tpu.memory_space<hbm>>
    tpu.wait_dma2 semaphore(%dma_wait3A_766 : memref<!tpu.dma_semaphore, #tpu.memory_space<semaphore_mem>>) src(%dma_wait3A_772 : memref<1x32xf32, #tpu.memory_space<hbm>>) dst(%dma_wait3A_769 : memref<1x32xf32, #tpu.memory_space<vmem>>)
    %dma_wait3A_773 = arith.constant 85 : i32
    %dma_wait3A_774 = tpu.memref_slice %arg10[%dma_wait3A_773] : memref<256x!tpu.dma_semaphore, #tpu.memory_space<semaphore_mem>> -> memref<1x!tpu.dma_semaphore, #tpu.memory_space<semaphore_mem>>
    %dma_wait3A_775 = tpu.memref_squeeze %dma_wait3A_774 : memref<1x!tpu.dma_semaphore, #tpu.memory_space<semaphore_mem>> -> memref<!tpu.dma_semaphore, #tpu.memory_space<semaphore_mem>>
    %dma_wait3A_776 = arith.constant 0 : i32
    %dma_wait3A_777 = arith.constant 0 : i32
    %dma_wait3A_778 = tpu.memref_slice %arg9[%dma_wait3A_776, %dma_wait3A_777] : memref<16384x32xf32, #tpu.memory_space<vmem>> -> memref<1x32xf32, #tpu.memory_space<vmem>>
    %dma_wait3A_779 = arith.constant 0 : i32
    %dma_wait3A_780 = arith.constant 0 : i32
    %dma_wait3A_781 = tpu.memref_slice %arg2[%dma_wait3A_779, %dma_wait3A_780] : memref<1000000x32xf32, #tpu.memory_space<hbm>> -> memref<1x32xf32, #tpu.memory_space<hbm>>
    tpu.wait_dma2 semaphore(%dma_wait3A_775 : memref<!tpu.dma_semaphore, #tpu.memory_space<semaphore_mem>>) src(%dma_wait3A_781 : memref<1x32xf32, #tpu.memory_space<hbm>>) dst(%dma_wait3A_778 : memref<1x32xf32, #tpu.memory_space<vmem>>)
    %dma_wait3A_782 = arith.constant 86 : i32
    %dma_wait3A_783 = tpu.memref_slice %arg10[%dma_wait3A_782] : memref<256x!tpu.dma_semaphore, #tpu.memory_space<semaphore_mem>> -> memref<1x!tpu.dma_semaphore, #tpu.memory_space<semaphore_mem>>
    %dma_wait3A_784 = tpu.memref_squeeze %dma_wait3A_783 : memref<1x!tpu.dma_semaphore, #tpu.memory_space<semaphore_mem>> -> memref<!tpu.dma_semaphore, #tpu.memory_space<semaphore_mem>>
    %dma_wait3A_785 = arith.constant 0 : i32
    %dma_wait3A_786 = arith.constant 0 : i32
    %dma_wait3A_787 = tpu.memref_slice %arg9[%dma_wait3A_785, %dma_wait3A_786] : memref<16384x32xf32, #tpu.memory_space<vmem>> -> memref<1x32xf32, #tpu.memory_space<vmem>>
    %dma_wait3A_788 = arith.constant 0 : i32
    %dma_wait3A_789 = arith.constant 0 : i32
    %dma_wait3A_790 = tpu.memref_slice %arg2[%dma_wait3A_788, %dma_wait3A_789] : memref<1000000x32xf32, #tpu.memory_space<hbm>> -> memref<1x32xf32, #tpu.memory_space<hbm>>
    tpu.wait_dma2 semaphore(%dma_wait3A_784 : memref<!tpu.dma_semaphore, #tpu.memory_space<semaphore_mem>>) src(%dma_wait3A_790 : memref<1x32xf32, #tpu.memory_space<hbm>>) dst(%dma_wait3A_787 : memref<1x32xf32, #tpu.memory_space<vmem>>)
    %dma_wait3A_791 = arith.constant 87 : i32
    %dma_wait3A_792 = tpu.memref_slice %arg10[%dma_wait3A_791] : memref<256x!tpu.dma_semaphore, #tpu.memory_space<semaphore_mem>> -> memref<1x!tpu.dma_semaphore, #tpu.memory_space<semaphore_mem>>
    %dma_wait3A_793 = tpu.memref_squeeze %dma_wait3A_792 : memref<1x!tpu.dma_semaphore, #tpu.memory_space<semaphore_mem>> -> memref<!tpu.dma_semaphore, #tpu.memory_space<semaphore_mem>>
    %dma_wait3A_794 = arith.constant 0 : i32
    %dma_wait3A_795 = arith.constant 0 : i32
    %dma_wait3A_796 = tpu.memref_slice %arg9[%dma_wait3A_794, %dma_wait3A_795] : memref<16384x32xf32, #tpu.memory_space<vmem>> -> memref<1x32xf32, #tpu.memory_space<vmem>>
    %dma_wait3A_797 = arith.constant 0 : i32
    %dma_wait3A_798 = arith.constant 0 : i32
    %dma_wait3A_799 = tpu.memref_slice %arg2[%dma_wait3A_797, %dma_wait3A_798] : memref<1000000x32xf32, #tpu.memory_space<hbm>> -> memref<1x32xf32, #tpu.memory_space<hbm>>
    tpu.wait_dma2 semaphore(%dma_wait3A_793 : memref<!tpu.dma_semaphore, #tpu.memory_space<semaphore_mem>>) src(%dma_wait3A_799 : memref<1x32xf32, #tpu.memory_space<hbm>>) dst(%dma_wait3A_796 : memref<1x32xf32, #tpu.memory_space<vmem>>)
    %dma_wait3A_800 = arith.constant 88 : i32
    %dma_wait3A_801 = tpu.memref_slice %arg10[%dma_wait3A_800] : memref<256x!tpu.dma_semaphore, #tpu.memory_space<semaphore_mem>> -> memref<1x!tpu.dma_semaphore, #tpu.memory_space<semaphore_mem>>
    %dma_wait3A_802 = tpu.memref_squeeze %dma_wait3A_801 : memref<1x!tpu.dma_semaphore, #tpu.memory_space<semaphore_mem>> -> memref<!tpu.dma_semaphore, #tpu.memory_space<semaphore_mem>>
    %dma_wait3A_803 = arith.constant 0 : i32
    %dma_wait3A_804 = arith.constant 0 : i32
    %dma_wait3A_805 = tpu.memref_slice %arg9[%dma_wait3A_803, %dma_wait3A_804] : memref<16384x32xf32, #tpu.memory_space<vmem>> -> memref<1x32xf32, #tpu.memory_space<vmem>>
    %dma_wait3A_806 = arith.constant 0 : i32
    %dma_wait3A_807 = arith.constant 0 : i32
    %dma_wait3A_808 = tpu.memref_slice %arg2[%dma_wait3A_806, %dma_wait3A_807] : memref<1000000x32xf32, #tpu.memory_space<hbm>> -> memref<1x32xf32, #tpu.memory_space<hbm>>
    tpu.wait_dma2 semaphore(%dma_wait3A_802 : memref<!tpu.dma_semaphore, #tpu.memory_space<semaphore_mem>>) src(%dma_wait3A_808 : memref<1x32xf32, #tpu.memory_space<hbm>>) dst(%dma_wait3A_805 : memref<1x32xf32, #tpu.memory_space<vmem>>)
    %dma_wait3A_809 = arith.constant 89 : i32
    %dma_wait3A_810 = tpu.memref_slice %arg10[%dma_wait3A_809] : memref<256x!tpu.dma_semaphore, #tpu.memory_space<semaphore_mem>> -> memref<1x!tpu.dma_semaphore, #tpu.memory_space<semaphore_mem>>
    %dma_wait3A_811 = tpu.memref_squeeze %dma_wait3A_810 : memref<1x!tpu.dma_semaphore, #tpu.memory_space<semaphore_mem>> -> memref<!tpu.dma_semaphore, #tpu.memory_space<semaphore_mem>>
    %dma_wait3A_812 = arith.constant 0 : i32
    %dma_wait3A_813 = arith.constant 0 : i32
    %dma_wait3A_814 = tpu.memref_slice %arg9[%dma_wait3A_812, %dma_wait3A_813] : memref<16384x32xf32, #tpu.memory_space<vmem>> -> memref<1x32xf32, #tpu.memory_space<vmem>>
    %dma_wait3A_815 = arith.constant 0 : i32
    %dma_wait3A_816 = arith.constant 0 : i32
    %dma_wait3A_817 = tpu.memref_slice %arg2[%dma_wait3A_815, %dma_wait3A_816] : memref<1000000x32xf32, #tpu.memory_space<hbm>> -> memref<1x32xf32, #tpu.memory_space<hbm>>
    tpu.wait_dma2 semaphore(%dma_wait3A_811 : memref<!tpu.dma_semaphore, #tpu.memory_space<semaphore_mem>>) src(%dma_wait3A_817 : memref<1x32xf32, #tpu.memory_space<hbm>>) dst(%dma_wait3A_814 : memref<1x32xf32, #tpu.memory_space<vmem>>)
    %dma_wait3A_818 = arith.constant 90 : i32
    %dma_wait3A_819 = tpu.memref_slice %arg10[%dma_wait3A_818] : memref<256x!tpu.dma_semaphore, #tpu.memory_space<semaphore_mem>> -> memref<1x!tpu.dma_semaphore, #tpu.memory_space<semaphore_mem>>
    %dma_wait3A_820 = tpu.memref_squeeze %dma_wait3A_819 : memref<1x!tpu.dma_semaphore, #tpu.memory_space<semaphore_mem>> -> memref<!tpu.dma_semaphore, #tpu.memory_space<semaphore_mem>>
    %dma_wait3A_821 = arith.constant 0 : i32
    %dma_wait3A_822 = arith.constant 0 : i32
    %dma_wait3A_823 = tpu.memref_slice %arg9[%dma_wait3A_821, %dma_wait3A_822] : memref<16384x32xf32, #tpu.memory_space<vmem>> -> memref<1x32xf32, #tpu.memory_space<vmem>>
    %dma_wait3A_824 = arith.constant 0 : i32
    %dma_wait3A_825 = arith.constant 0 : i32
    %dma_wait3A_826 = tpu.memref_slice %arg2[%dma_wait3A_824, %dma_wait3A_825] : memref<1000000x32xf32, #tpu.memory_space<hbm>> -> memref<1x32xf32, #tpu.memory_space<hbm>>
    tpu.wait_dma2 semaphore(%dma_wait3A_820 : memref<!tpu.dma_semaphore, #tpu.memory_space<semaphore_mem>>) src(%dma_wait3A_826 : memref<1x32xf32, #tpu.memory_space<hbm>>) dst(%dma_wait3A_823 : memref<1x32xf32, #tpu.memory_space<vmem>>)
    %dma_wait3A_827 = arith.constant 91 : i32
    %dma_wait3A_828 = tpu.memref_slice %arg10[%dma_wait3A_827] : memref<256x!tpu.dma_semaphore, #tpu.memory_space<semaphore_mem>> -> memref<1x!tpu.dma_semaphore, #tpu.memory_space<semaphore_mem>>
    %dma_wait3A_829 = tpu.memref_squeeze %dma_wait3A_828 : memref<1x!tpu.dma_semaphore, #tpu.memory_space<semaphore_mem>> -> memref<!tpu.dma_semaphore, #tpu.memory_space<semaphore_mem>>
    %dma_wait3A_830 = arith.constant 0 : i32
    %dma_wait3A_831 = arith.constant 0 : i32
    %dma_wait3A_832 = tpu.memref_slice %arg9[%dma_wait3A_830, %dma_wait3A_831] : memref<16384x32xf32, #tpu.memory_space<vmem>> -> memref<1x32xf32, #tpu.memory_space<vmem>>
    %dma_wait3A_833 = arith.constant 0 : i32
    %dma_wait3A_834 = arith.constant 0 : i32
    %dma_wait3A_835 = tpu.memref_slice %arg2[%dma_wait3A_833, %dma_wait3A_834] : memref<1000000x32xf32, #tpu.memory_space<hbm>> -> memref<1x32xf32, #tpu.memory_space<hbm>>
    tpu.wait_dma2 semaphore(%dma_wait3A_829 : memref<!tpu.dma_semaphore, #tpu.memory_space<semaphore_mem>>) src(%dma_wait3A_835 : memref<1x32xf32, #tpu.memory_space<hbm>>) dst(%dma_wait3A_832 : memref<1x32xf32, #tpu.memory_space<vmem>>)
    %dma_wait3A_836 = arith.constant 92 : i32
    %dma_wait3A_837 = tpu.memref_slice %arg10[%dma_wait3A_836] : memref<256x!tpu.dma_semaphore, #tpu.memory_space<semaphore_mem>> -> memref<1x!tpu.dma_semaphore, #tpu.memory_space<semaphore_mem>>
    %dma_wait3A_838 = tpu.memref_squeeze %dma_wait3A_837 : memref<1x!tpu.dma_semaphore, #tpu.memory_space<semaphore_mem>> -> memref<!tpu.dma_semaphore, #tpu.memory_space<semaphore_mem>>
    %dma_wait3A_839 = arith.constant 0 : i32
    %dma_wait3A_840 = arith.constant 0 : i32
    %dma_wait3A_841 = tpu.memref_slice %arg9[%dma_wait3A_839, %dma_wait3A_840] : memref<16384x32xf32, #tpu.memory_space<vmem>> -> memref<1x32xf32, #tpu.memory_space<vmem>>
    %dma_wait3A_842 = arith.constant 0 : i32
    %dma_wait3A_843 = arith.constant 0 : i32
    %dma_wait3A_844 = tpu.memref_slice %arg2[%dma_wait3A_842, %dma_wait3A_843] : memref<1000000x32xf32, #tpu.memory_space<hbm>> -> memref<1x32xf32, #tpu.memory_space<hbm>>
    tpu.wait_dma2 semaphore(%dma_wait3A_838 : memref<!tpu.dma_semaphore, #tpu.memory_space<semaphore_mem>>) src(%dma_wait3A_844 : memref<1x32xf32, #tpu.memory_space<hbm>>) dst(%dma_wait3A_841 : memref<1x32xf32, #tpu.memory_space<vmem>>)
    %dma_wait3A_845 = arith.constant 93 : i32
    %dma_wait3A_846 = tpu.memref_slice %arg10[%dma_wait3A_845] : memref<256x!tpu.dma_semaphore, #tpu.memory_space<semaphore_mem>> -> memref<1x!tpu.dma_semaphore, #tpu.memory_space<semaphore_mem>>
    %dma_wait3A_847 = tpu.memref_squeeze %dma_wait3A_846 : memref<1x!tpu.dma_semaphore, #tpu.memory_space<semaphore_mem>> -> memref<!tpu.dma_semaphore, #tpu.memory_space<semaphore_mem>>
    %dma_wait3A_848 = arith.constant 0 : i32
    %dma_wait3A_849 = arith.constant 0 : i32
    %dma_wait3A_850 = tpu.memref_slice %arg9[%dma_wait3A_848, %dma_wait3A_849] : memref<16384x32xf32, #tpu.memory_space<vmem>> -> memref<1x32xf32, #tpu.memory_space<vmem>>
    %dma_wait3A_851 = arith.constant 0 : i32
    %dma_wait3A_852 = arith.constant 0 : i32
    %dma_wait3A_853 = tpu.memref_slice %arg2[%dma_wait3A_851, %dma_wait3A_852] : memref<1000000x32xf32, #tpu.memory_space<hbm>> -> memref<1x32xf32, #tpu.memory_space<hbm>>
    tpu.wait_dma2 semaphore(%dma_wait3A_847 : memref<!tpu.dma_semaphore, #tpu.memory_space<semaphore_mem>>) src(%dma_wait3A_853 : memref<1x32xf32, #tpu.memory_space<hbm>>) dst(%dma_wait3A_850 : memref<1x32xf32, #tpu.memory_space<vmem>>)
    %dma_wait3A_854 = arith.constant 94 : i32
    %dma_wait3A_855 = tpu.memref_slice %arg10[%dma_wait3A_854] : memref<256x!tpu.dma_semaphore, #tpu.memory_space<semaphore_mem>> -> memref<1x!tpu.dma_semaphore, #tpu.memory_space<semaphore_mem>>
    %dma_wait3A_856 = tpu.memref_squeeze %dma_wait3A_855 : memref<1x!tpu.dma_semaphore, #tpu.memory_space<semaphore_mem>> -> memref<!tpu.dma_semaphore, #tpu.memory_space<semaphore_mem>>
    %dma_wait3A_857 = arith.constant 0 : i32
    %dma_wait3A_858 = arith.constant 0 : i32
    %dma_wait3A_859 = tpu.memref_slice %arg9[%dma_wait3A_857, %dma_wait3A_858] : memref<16384x32xf32, #tpu.memory_space<vmem>> -> memref<1x32xf32, #tpu.memory_space<vmem>>
    %dma_wait3A_860 = arith.constant 0 : i32
    %dma_wait3A_861 = arith.constant 0 : i32
    %dma_wait3A_862 = tpu.memref_slice %arg2[%dma_wait3A_860, %dma_wait3A_861] : memref<1000000x32xf32, #tpu.memory_space<hbm>> -> memref<1x32xf32, #tpu.memory_space<hbm>>
    tpu.wait_dma2 semaphore(%dma_wait3A_856 : memref<!tpu.dma_semaphore, #tpu.memory_space<semaphore_mem>>) src(%dma_wait3A_862 : memref<1x32xf32, #tpu.memory_space<hbm>>) dst(%dma_wait3A_859 : memref<1x32xf32, #tpu.memory_space<vmem>>)
    %dma_wait3A_863 = arith.constant 95 : i32
    %dma_wait3A_864 = tpu.memref_slice %arg10[%dma_wait3A_863] : memref<256x!tpu.dma_semaphore, #tpu.memory_space<semaphore_mem>> -> memref<1x!tpu.dma_semaphore, #tpu.memory_space<semaphore_mem>>
    %dma_wait3A_865 = tpu.memref_squeeze %dma_wait3A_864 : memref<1x!tpu.dma_semaphore, #tpu.memory_space<semaphore_mem>> -> memref<!tpu.dma_semaphore, #tpu.memory_space<semaphore_mem>>
    %dma_wait3A_866 = arith.constant 0 : i32
    %dma_wait3A_867 = arith.constant 0 : i32
    %dma_wait3A_868 = tpu.memref_slice %arg9[%dma_wait3A_866, %dma_wait3A_867] : memref<16384x32xf32, #tpu.memory_space<vmem>> -> memref<1x32xf32, #tpu.memory_space<vmem>>
    %dma_wait3A_869 = arith.constant 0 : i32
    %dma_wait3A_870 = arith.constant 0 : i32
    %dma_wait3A_871 = tpu.memref_slice %arg2[%dma_wait3A_869, %dma_wait3A_870] : memref<1000000x32xf32, #tpu.memory_space<hbm>> -> memref<1x32xf32, #tpu.memory_space<hbm>>
    tpu.wait_dma2 semaphore(%dma_wait3A_865 : memref<!tpu.dma_semaphore, #tpu.memory_space<semaphore_mem>>) src(%dma_wait3A_871 : memref<1x32xf32, #tpu.memory_space<hbm>>) dst(%dma_wait3A_868 : memref<1x32xf32, #tpu.memory_space<vmem>>)
    %dma_wait3A_872 = arith.constant 96 : i32
    %dma_wait3A_873 = tpu.memref_slice %arg10[%dma_wait3A_872] : memref<256x!tpu.dma_semaphore, #tpu.memory_space<semaphore_mem>> -> memref<1x!tpu.dma_semaphore, #tpu.memory_space<semaphore_mem>>
    %dma_wait3A_874 = tpu.memref_squeeze %dma_wait3A_873 : memref<1x!tpu.dma_semaphore, #tpu.memory_space<semaphore_mem>> -> memref<!tpu.dma_semaphore, #tpu.memory_space<semaphore_mem>>
    %dma_wait3A_875 = arith.constant 0 : i32
    %dma_wait3A_876 = arith.constant 0 : i32
    %dma_wait3A_877 = tpu.memref_slice %arg9[%dma_wait3A_875, %dma_wait3A_876] : memref<16384x32xf32, #tpu.memory_space<vmem>> -> memref<1x32xf32, #tpu.memory_space<vmem>>
    %dma_wait3A_878 = arith.constant 0 : i32
    %dma_wait3A_879 = arith.constant 0 : i32
    %dma_wait3A_880 = tpu.memref_slice %arg2[%dma_wait3A_878, %dma_wait3A_879] : memref<1000000x32xf32, #tpu.memory_space<hbm>> -> memref<1x32xf32, #tpu.memory_space<hbm>>
    tpu.wait_dma2 semaphore(%dma_wait3A_874 : memref<!tpu.dma_semaphore, #tpu.memory_space<semaphore_mem>>) src(%dma_wait3A_880 : memref<1x32xf32, #tpu.memory_space<hbm>>) dst(%dma_wait3A_877 : memref<1x32xf32, #tpu.memory_space<vmem>>)
    %dma_wait3A_881 = arith.constant 97 : i32
    %dma_wait3A_882 = tpu.memref_slice %arg10[%dma_wait3A_881] : memref<256x!tpu.dma_semaphore, #tpu.memory_space<semaphore_mem>> -> memref<1x!tpu.dma_semaphore, #tpu.memory_space<semaphore_mem>>
    %dma_wait3A_883 = tpu.memref_squeeze %dma_wait3A_882 : memref<1x!tpu.dma_semaphore, #tpu.memory_space<semaphore_mem>> -> memref<!tpu.dma_semaphore, #tpu.memory_space<semaphore_mem>>
    %dma_wait3A_884 = arith.constant 0 : i32
    %dma_wait3A_885 = arith.constant 0 : i32
    %dma_wait3A_886 = tpu.memref_slice %arg9[%dma_wait3A_884, %dma_wait3A_885] : memref<16384x32xf32, #tpu.memory_space<vmem>> -> memref<1x32xf32, #tpu.memory_space<vmem>>
    %dma_wait3A_887 = arith.constant 0 : i32
    %dma_wait3A_888 = arith.constant 0 : i32
    %dma_wait3A_889 = tpu.memref_slice %arg2[%dma_wait3A_887, %dma_wait3A_888] : memref<1000000x32xf32, #tpu.memory_space<hbm>> -> memref<1x32xf32, #tpu.memory_space<hbm>>
    tpu.wait_dma2 semaphore(%dma_wait3A_883 : memref<!tpu.dma_semaphore, #tpu.memory_space<semaphore_mem>>) src(%dma_wait3A_889 : memref<1x32xf32, #tpu.memory_space<hbm>>) dst(%dma_wait3A_886 : memref<1x32xf32, #tpu.memory_space<vmem>>)
    %dma_wait3A_890 = arith.constant 98 : i32
    %dma_wait3A_891 = tpu.memref_slice %arg10[%dma_wait3A_890] : memref<256x!tpu.dma_semaphore, #tpu.memory_space<semaphore_mem>> -> memref<1x!tpu.dma_semaphore, #tpu.memory_space<semaphore_mem>>
    %dma_wait3A_892 = tpu.memref_squeeze %dma_wait3A_891 : memref<1x!tpu.dma_semaphore, #tpu.memory_space<semaphore_mem>> -> memref<!tpu.dma_semaphore, #tpu.memory_space<semaphore_mem>>
    %dma_wait3A_893 = arith.constant 0 : i32
    %dma_wait3A_894 = arith.constant 0 : i32
    %dma_wait3A_895 = tpu.memref_slice %arg9[%dma_wait3A_893, %dma_wait3A_894] : memref<16384x32xf32, #tpu.memory_space<vmem>> -> memref<1x32xf32, #tpu.memory_space<vmem>>
    %dma_wait3A_896 = arith.constant 0 : i32
    %dma_wait3A_897 = arith.constant 0 : i32
    %dma_wait3A_898 = tpu.memref_slice %arg2[%dma_wait3A_896, %dma_wait3A_897] : memref<1000000x32xf32, #tpu.memory_space<hbm>> -> memref<1x32xf32, #tpu.memory_space<hbm>>
    tpu.wait_dma2 semaphore(%dma_wait3A_892 : memref<!tpu.dma_semaphore, #tpu.memory_space<semaphore_mem>>) src(%dma_wait3A_898 : memref<1x32xf32, #tpu.memory_space<hbm>>) dst(%dma_wait3A_895 : memref<1x32xf32, #tpu.memory_space<vmem>>)
    %dma_wait3A_899 = arith.constant 99 : i32
    %dma_wait3A_900 = tpu.memref_slice %arg10[%dma_wait3A_899] : memref<256x!tpu.dma_semaphore, #tpu.memory_space<semaphore_mem>> -> memref<1x!tpu.dma_semaphore, #tpu.memory_space<semaphore_mem>>
    %dma_wait3A_901 = tpu.memref_squeeze %dma_wait3A_900 : memref<1x!tpu.dma_semaphore, #tpu.memory_space<semaphore_mem>> -> memref<!tpu.dma_semaphore, #tpu.memory_space<semaphore_mem>>
    %dma_wait3A_902 = arith.constant 0 : i32
    %dma_wait3A_903 = arith.constant 0 : i32
    %dma_wait3A_904 = tpu.memref_slice %arg9[%dma_wait3A_902, %dma_wait3A_903] : memref<16384x32xf32, #tpu.memory_space<vmem>> -> memref<1x32xf32, #tpu.memory_space<vmem>>
    %dma_wait3A_905 = arith.constant 0 : i32
    %dma_wait3A_906 = arith.constant 0 : i32
    %dma_wait3A_907 = tpu.memref_slice %arg2[%dma_wait3A_905, %dma_wait3A_906] : memref<1000000x32xf32, #tpu.memory_space<hbm>> -> memref<1x32xf32, #tpu.memory_space<hbm>>
    tpu.wait_dma2 semaphore(%dma_wait3A_901 : memref<!tpu.dma_semaphore, #tpu.memory_space<semaphore_mem>>) src(%dma_wait3A_907 : memref<1x32xf32, #tpu.memory_space<hbm>>) dst(%dma_wait3A_904 : memref<1x32xf32, #tpu.memory_space<vmem>>)
    %dma_wait3A_908 = arith.constant 100 : i32
    %dma_wait3A_909 = tpu.memref_slice %arg10[%dma_wait3A_908] : memref<256x!tpu.dma_semaphore, #tpu.memory_space<semaphore_mem>> -> memref<1x!tpu.dma_semaphore, #tpu.memory_space<semaphore_mem>>
    %dma_wait3A_910 = tpu.memref_squeeze %dma_wait3A_909 : memref<1x!tpu.dma_semaphore, #tpu.memory_space<semaphore_mem>> -> memref<!tpu.dma_semaphore, #tpu.memory_space<semaphore_mem>>
    %dma_wait3A_911 = arith.constant 0 : i32
    %dma_wait3A_912 = arith.constant 0 : i32
    %dma_wait3A_913 = tpu.memref_slice %arg9[%dma_wait3A_911, %dma_wait3A_912] : memref<16384x32xf32, #tpu.memory_space<vmem>> -> memref<1x32xf32, #tpu.memory_space<vmem>>
    %dma_wait3A_914 = arith.constant 0 : i32
    %dma_wait3A_915 = arith.constant 0 : i32
    %dma_wait3A_916 = tpu.memref_slice %arg2[%dma_wait3A_914, %dma_wait3A_915] : memref<1000000x32xf32, #tpu.memory_space<hbm>> -> memref<1x32xf32, #tpu.memory_space<hbm>>
    tpu.wait_dma2 semaphore(%dma_wait3A_910 : memref<!tpu.dma_semaphore, #tpu.memory_space<semaphore_mem>>) src(%dma_wait3A_916 : memref<1x32xf32, #tpu.memory_space<hbm>>) dst(%dma_wait3A_913 : memref<1x32xf32, #tpu.memory_space<vmem>>)
    %dma_wait3A_917 = arith.constant 101 : i32
    %dma_wait3A_918 = tpu.memref_slice %arg10[%dma_wait3A_917] : memref<256x!tpu.dma_semaphore, #tpu.memory_space<semaphore_mem>> -> memref<1x!tpu.dma_semaphore, #tpu.memory_space<semaphore_mem>>
    %dma_wait3A_919 = tpu.memref_squeeze %dma_wait3A_918 : memref<1x!tpu.dma_semaphore, #tpu.memory_space<semaphore_mem>> -> memref<!tpu.dma_semaphore, #tpu.memory_space<semaphore_mem>>
    %dma_wait3A_920 = arith.constant 0 : i32
    %dma_wait3A_921 = arith.constant 0 : i32
    %dma_wait3A_922 = tpu.memref_slice %arg9[%dma_wait3A_920, %dma_wait3A_921] : memref<16384x32xf32, #tpu.memory_space<vmem>> -> memref<1x32xf32, #tpu.memory_space<vmem>>
    %dma_wait3A_923 = arith.constant 0 : i32
    %dma_wait3A_924 = arith.constant 0 : i32
    %dma_wait3A_925 = tpu.memref_slice %arg2[%dma_wait3A_923, %dma_wait3A_924] : memref<1000000x32xf32, #tpu.memory_space<hbm>> -> memref<1x32xf32, #tpu.memory_space<hbm>>
    tpu.wait_dma2 semaphore(%dma_wait3A_919 : memref<!tpu.dma_semaphore, #tpu.memory_space<semaphore_mem>>) src(%dma_wait3A_925 : memref<1x32xf32, #tpu.memory_space<hbm>>) dst(%dma_wait3A_922 : memref<1x32xf32, #tpu.memory_space<vmem>>)
    %dma_wait3A_926 = arith.constant 102 : i32
    %dma_wait3A_927 = tpu.memref_slice %arg10[%dma_wait3A_926] : memref<256x!tpu.dma_semaphore, #tpu.memory_space<semaphore_mem>> -> memref<1x!tpu.dma_semaphore, #tpu.memory_space<semaphore_mem>>
    %dma_wait3A_928 = tpu.memref_squeeze %dma_wait3A_927 : memref<1x!tpu.dma_semaphore, #tpu.memory_space<semaphore_mem>> -> memref<!tpu.dma_semaphore, #tpu.memory_space<semaphore_mem>>
    %dma_wait3A_929 = arith.constant 0 : i32
    %dma_wait3A_930 = arith.constant 0 : i32
    %dma_wait3A_931 = tpu.memref_slice %arg9[%dma_wait3A_929, %dma_wait3A_930] : memref<16384x32xf32, #tpu.memory_space<vmem>> -> memref<1x32xf32, #tpu.memory_space<vmem>>
    %dma_wait3A_932 = arith.constant 0 : i32
    %dma_wait3A_933 = arith.constant 0 : i32
    %dma_wait3A_934 = tpu.memref_slice %arg2[%dma_wait3A_932, %dma_wait3A_933] : memref<1000000x32xf32, #tpu.memory_space<hbm>> -> memref<1x32xf32, #tpu.memory_space<hbm>>
    tpu.wait_dma2 semaphore(%dma_wait3A_928 : memref<!tpu.dma_semaphore, #tpu.memory_space<semaphore_mem>>) src(%dma_wait3A_934 : memref<1x32xf32, #tpu.memory_space<hbm>>) dst(%dma_wait3A_931 : memref<1x32xf32, #tpu.memory_space<vmem>>)
    %dma_wait3A_935 = arith.constant 103 : i32
    %dma_wait3A_936 = tpu.memref_slice %arg10[%dma_wait3A_935] : memref<256x!tpu.dma_semaphore, #tpu.memory_space<semaphore_mem>> -> memref<1x!tpu.dma_semaphore, #tpu.memory_space<semaphore_mem>>
    %dma_wait3A_937 = tpu.memref_squeeze %dma_wait3A_936 : memref<1x!tpu.dma_semaphore, #tpu.memory_space<semaphore_mem>> -> memref<!tpu.dma_semaphore, #tpu.memory_space<semaphore_mem>>
    %dma_wait3A_938 = arith.constant 0 : i32
    %dma_wait3A_939 = arith.constant 0 : i32
    %dma_wait3A_940 = tpu.memref_slice %arg9[%dma_wait3A_938, %dma_wait3A_939] : memref<16384x32xf32, #tpu.memory_space<vmem>> -> memref<1x32xf32, #tpu.memory_space<vmem>>
    %dma_wait3A_941 = arith.constant 0 : i32
    %dma_wait3A_942 = arith.constant 0 : i32
    %dma_wait3A_943 = tpu.memref_slice %arg2[%dma_wait3A_941, %dma_wait3A_942] : memref<1000000x32xf32, #tpu.memory_space<hbm>> -> memref<1x32xf32, #tpu.memory_space<hbm>>
    tpu.wait_dma2 semaphore(%dma_wait3A_937 : memref<!tpu.dma_semaphore, #tpu.memory_space<semaphore_mem>>) src(%dma_wait3A_943 : memref<1x32xf32, #tpu.memory_space<hbm>>) dst(%dma_wait3A_940 : memref<1x32xf32, #tpu.memory_space<vmem>>)
    %dma_wait3A_944 = arith.constant 104 : i32
    %dma_wait3A_945 = tpu.memref_slice %arg10[%dma_wait3A_944] : memref<256x!tpu.dma_semaphore, #tpu.memory_space<semaphore_mem>> -> memref<1x!tpu.dma_semaphore, #tpu.memory_space<semaphore_mem>>
    %dma_wait3A_946 = tpu.memref_squeeze %dma_wait3A_945 : memref<1x!tpu.dma_semaphore, #tpu.memory_space<semaphore_mem>> -> memref<!tpu.dma_semaphore, #tpu.memory_space<semaphore_mem>>
    %dma_wait3A_947 = arith.constant 0 : i32
    %dma_wait3A_948 = arith.constant 0 : i32
    %dma_wait3A_949 = tpu.memref_slice %arg9[%dma_wait3A_947, %dma_wait3A_948] : memref<16384x32xf32, #tpu.memory_space<vmem>> -> memref<1x32xf32, #tpu.memory_space<vmem>>
    %dma_wait3A_950 = arith.constant 0 : i32
    %dma_wait3A_951 = arith.constant 0 : i32
    %dma_wait3A_952 = tpu.memref_slice %arg2[%dma_wait3A_950, %dma_wait3A_951] : memref<1000000x32xf32, #tpu.memory_space<hbm>> -> memref<1x32xf32, #tpu.memory_space<hbm>>
    tpu.wait_dma2 semaphore(%dma_wait3A_946 : memref<!tpu.dma_semaphore, #tpu.memory_space<semaphore_mem>>) src(%dma_wait3A_952 : memref<1x32xf32, #tpu.memory_space<hbm>>) dst(%dma_wait3A_949 : memref<1x32xf32, #tpu.memory_space<vmem>>)
    %dma_wait3A_953 = arith.constant 105 : i32
    %dma_wait3A_954 = tpu.memref_slice %arg10[%dma_wait3A_953] : memref<256x!tpu.dma_semaphore, #tpu.memory_space<semaphore_mem>> -> memref<1x!tpu.dma_semaphore, #tpu.memory_space<semaphore_mem>>
    %dma_wait3A_955 = tpu.memref_squeeze %dma_wait3A_954 : memref<1x!tpu.dma_semaphore, #tpu.memory_space<semaphore_mem>> -> memref<!tpu.dma_semaphore, #tpu.memory_space<semaphore_mem>>
    %dma_wait3A_956 = arith.constant 0 : i32
    %dma_wait3A_957 = arith.constant 0 : i32
    %dma_wait3A_958 = tpu.memref_slice %arg9[%dma_wait3A_956, %dma_wait3A_957] : memref<16384x32xf32, #tpu.memory_space<vmem>> -> memref<1x32xf32, #tpu.memory_space<vmem>>
    %dma_wait3A_959 = arith.constant 0 : i32
    %dma_wait3A_960 = arith.constant 0 : i32
    %dma_wait3A_961 = tpu.memref_slice %arg2[%dma_wait3A_959, %dma_wait3A_960] : memref<1000000x32xf32, #tpu.memory_space<hbm>> -> memref<1x32xf32, #tpu.memory_space<hbm>>
    tpu.wait_dma2 semaphore(%dma_wait3A_955 : memref<!tpu.dma_semaphore, #tpu.memory_space<semaphore_mem>>) src(%dma_wait3A_961 : memref<1x32xf32, #tpu.memory_space<hbm>>) dst(%dma_wait3A_958 : memref<1x32xf32, #tpu.memory_space<vmem>>)
    %dma_wait3A_962 = arith.constant 106 : i32
    %dma_wait3A_963 = tpu.memref_slice %arg10[%dma_wait3A_962] : memref<256x!tpu.dma_semaphore, #tpu.memory_space<semaphore_mem>> -> memref<1x!tpu.dma_semaphore, #tpu.memory_space<semaphore_mem>>
    %dma_wait3A_964 = tpu.memref_squeeze %dma_wait3A_963 : memref<1x!tpu.dma_semaphore, #tpu.memory_space<semaphore_mem>> -> memref<!tpu.dma_semaphore, #tpu.memory_space<semaphore_mem>>
    %dma_wait3A_965 = arith.constant 0 : i32
    %dma_wait3A_966 = arith.constant 0 : i32
    %dma_wait3A_967 = tpu.memref_slice %arg9[%dma_wait3A_965, %dma_wait3A_966] : memref<16384x32xf32, #tpu.memory_space<vmem>> -> memref<1x32xf32, #tpu.memory_space<vmem>>
    %dma_wait3A_968 = arith.constant 0 : i32
    %dma_wait3A_969 = arith.constant 0 : i32
    %dma_wait3A_970 = tpu.memref_slice %arg2[%dma_wait3A_968, %dma_wait3A_969] : memref<1000000x32xf32, #tpu.memory_space<hbm>> -> memref<1x32xf32, #tpu.memory_space<hbm>>
    tpu.wait_dma2 semaphore(%dma_wait3A_964 : memref<!tpu.dma_semaphore, #tpu.memory_space<semaphore_mem>>) src(%dma_wait3A_970 : memref<1x32xf32, #tpu.memory_space<hbm>>) dst(%dma_wait3A_967 : memref<1x32xf32, #tpu.memory_space<vmem>>)
    %dma_wait3A_971 = arith.constant 107 : i32
    %dma_wait3A_972 = tpu.memref_slice %arg10[%dma_wait3A_971] : memref<256x!tpu.dma_semaphore, #tpu.memory_space<semaphore_mem>> -> memref<1x!tpu.dma_semaphore, #tpu.memory_space<semaphore_mem>>
    %dma_wait3A_973 = tpu.memref_squeeze %dma_wait3A_972 : memref<1x!tpu.dma_semaphore, #tpu.memory_space<semaphore_mem>> -> memref<!tpu.dma_semaphore, #tpu.memory_space<semaphore_mem>>
    %dma_wait3A_974 = arith.constant 0 : i32
    %dma_wait3A_975 = arith.constant 0 : i32
    %dma_wait3A_976 = tpu.memref_slice %arg9[%dma_wait3A_974, %dma_wait3A_975] : memref<16384x32xf32, #tpu.memory_space<vmem>> -> memref<1x32xf32, #tpu.memory_space<vmem>>
    %dma_wait3A_977 = arith.constant 0 : i32
    %dma_wait3A_978 = arith.constant 0 : i32
    %dma_wait3A_979 = tpu.memref_slice %arg2[%dma_wait3A_977, %dma_wait3A_978] : memref<1000000x32xf32, #tpu.memory_space<hbm>> -> memref<1x32xf32, #tpu.memory_space<hbm>>
    tpu.wait_dma2 semaphore(%dma_wait3A_973 : memref<!tpu.dma_semaphore, #tpu.memory_space<semaphore_mem>>) src(%dma_wait3A_979 : memref<1x32xf32, #tpu.memory_space<hbm>>) dst(%dma_wait3A_976 : memref<1x32xf32, #tpu.memory_space<vmem>>)
    %dma_wait3A_980 = arith.constant 108 : i32
    %dma_wait3A_981 = tpu.memref_slice %arg10[%dma_wait3A_980] : memref<256x!tpu.dma_semaphore, #tpu.memory_space<semaphore_mem>> -> memref<1x!tpu.dma_semaphore, #tpu.memory_space<semaphore_mem>>
    %dma_wait3A_982 = tpu.memref_squeeze %dma_wait3A_981 : memref<1x!tpu.dma_semaphore, #tpu.memory_space<semaphore_mem>> -> memref<!tpu.dma_semaphore, #tpu.memory_space<semaphore_mem>>
    %dma_wait3A_983 = arith.constant 0 : i32
    %dma_wait3A_984 = arith.constant 0 : i32
    %dma_wait3A_985 = tpu.memref_slice %arg9[%dma_wait3A_983, %dma_wait3A_984] : memref<16384x32xf32, #tpu.memory_space<vmem>> -> memref<1x32xf32, #tpu.memory_space<vmem>>
    %dma_wait3A_986 = arith.constant 0 : i32
    %dma_wait3A_987 = arith.constant 0 : i32
    %dma_wait3A_988 = tpu.memref_slice %arg2[%dma_wait3A_986, %dma_wait3A_987] : memref<1000000x32xf32, #tpu.memory_space<hbm>> -> memref<1x32xf32, #tpu.memory_space<hbm>>
    tpu.wait_dma2 semaphore(%dma_wait3A_982 : memref<!tpu.dma_semaphore, #tpu.memory_space<semaphore_mem>>) src(%dma_wait3A_988 : memref<1x32xf32, #tpu.memory_space<hbm>>) dst(%dma_wait3A_985 : memref<1x32xf32, #tpu.memory_space<vmem>>)
    %dma_wait3A_989 = arith.constant 109 : i32
    %dma_wait3A_990 = tpu.memref_slice %arg10[%dma_wait3A_989] : memref<256x!tpu.dma_semaphore, #tpu.memory_space<semaphore_mem>> -> memref<1x!tpu.dma_semaphore, #tpu.memory_space<semaphore_mem>>
    %dma_wait3A_991 = tpu.memref_squeeze %dma_wait3A_990 : memref<1x!tpu.dma_semaphore, #tpu.memory_space<semaphore_mem>> -> memref<!tpu.dma_semaphore, #tpu.memory_space<semaphore_mem>>
    %dma_wait3A_992 = arith.constant 0 : i32
    %dma_wait3A_993 = arith.constant 0 : i32
    %dma_wait3A_994 = tpu.memref_slice %arg9[%dma_wait3A_992, %dma_wait3A_993] : memref<16384x32xf32, #tpu.memory_space<vmem>> -> memref<1x32xf32, #tpu.memory_space<vmem>>
    %dma_wait3A_995 = arith.constant 0 : i32
    %dma_wait3A_996 = arith.constant 0 : i32
    %dma_wait3A_997 = tpu.memref_slice %arg2[%dma_wait3A_995, %dma_wait3A_996] : memref<1000000x32xf32, #tpu.memory_space<hbm>> -> memref<1x32xf32, #tpu.memory_space<hbm>>
    tpu.wait_dma2 semaphore(%dma_wait3A_991 : memref<!tpu.dma_semaphore, #tpu.memory_space<semaphore_mem>>) src(%dma_wait3A_997 : memref<1x32xf32, #tpu.memory_space<hbm>>) dst(%dma_wait3A_994 : memref<1x32xf32, #tpu.memory_space<vmem>>)
    %dma_wait3A_998 = arith.constant 110 : i32
    %dma_wait3A_999 = tpu.memref_slice %arg10[%dma_wait3A_998] : memref<256x!tpu.dma_semaphore, #tpu.memory_space<semaphore_mem>> -> memref<1x!tpu.dma_semaphore, #tpu.memory_space<semaphore_mem>>
    %dma_wait3A_1000 = tpu.memref_squeeze %dma_wait3A_999 : memref<1x!tpu.dma_semaphore, #tpu.memory_space<semaphore_mem>> -> memref<!tpu.dma_semaphore, #tpu.memory_space<semaphore_mem>>
    %dma_wait3A_1001 = arith.constant 0 : i32
    %dma_wait3A_1002 = arith.constant 0 : i32
    %dma_wait3A_1003 = tpu.memref_slice %arg9[%dma_wait3A_1001, %dma_wait3A_1002] : memref<16384x32xf32, #tpu.memory_space<vmem>> -> memref<1x32xf32, #tpu.memory_space<vmem>>
    %dma_wait3A_1004 = arith.constant 0 : i32
    %dma_wait3A_1005 = arith.constant 0 : i32
    %dma_wait3A_1006 = tpu.memref_slice %arg2[%dma_wait3A_1004, %dma_wait3A_1005] : memref<1000000x32xf32, #tpu.memory_space<hbm>> -> memref<1x32xf32, #tpu.memory_space<hbm>>
    tpu.wait_dma2 semaphore(%dma_wait3A_1000 : memref<!tpu.dma_semaphore, #tpu.memory_space<semaphore_mem>>) src(%dma_wait3A_1006 : memref<1x32xf32, #tpu.memory_space<hbm>>) dst(%dma_wait3A_1003 : memref<1x32xf32, #tpu.memory_space<vmem>>)
    %dma_wait3A_1007 = arith.constant 111 : i32
    %dma_wait3A_1008 = tpu.memref_slice %arg10[%dma_wait3A_1007] : memref<256x!tpu.dma_semaphore, #tpu.memory_space<semaphore_mem>> -> memref<1x!tpu.dma_semaphore, #tpu.memory_space<semaphore_mem>>
    %dma_wait3A_1009 = tpu.memref_squeeze %dma_wait3A_1008 : memref<1x!tpu.dma_semaphore, #tpu.memory_space<semaphore_mem>> -> memref<!tpu.dma_semaphore, #tpu.memory_space<semaphore_mem>>
    %dma_wait3A_1010 = arith.constant 0 : i32
    %dma_wait3A_1011 = arith.constant 0 : i32
    %dma_wait3A_1012 = tpu.memref_slice %arg9[%dma_wait3A_1010, %dma_wait3A_1011] : memref<16384x32xf32, #tpu.memory_space<vmem>> -> memref<1x32xf32, #tpu.memory_space<vmem>>
    %dma_wait3A_1013 = arith.constant 0 : i32
    %dma_wait3A_1014 = arith.constant 0 : i32
    %dma_wait3A_1015 = tpu.memref_slice %arg2[%dma_wait3A_1013, %dma_wait3A_1014] : memref<1000000x32xf32, #tpu.memory_space<hbm>> -> memref<1x32xf32, #tpu.memory_space<hbm>>
    tpu.wait_dma2 semaphore(%dma_wait3A_1009 : memref<!tpu.dma_semaphore, #tpu.memory_space<semaphore_mem>>) src(%dma_wait3A_1015 : memref<1x32xf32, #tpu.memory_space<hbm>>) dst(%dma_wait3A_1012 : memref<1x32xf32, #tpu.memory_space<vmem>>)
    %dma_wait3A_1016 = arith.constant 112 : i32
    %dma_wait3A_1017 = tpu.memref_slice %arg10[%dma_wait3A_1016] : memref<256x!tpu.dma_semaphore, #tpu.memory_space<semaphore_mem>> -> memref<1x!tpu.dma_semaphore, #tpu.memory_space<semaphore_mem>>
    %dma_wait3A_1018 = tpu.memref_squeeze %dma_wait3A_1017 : memref<1x!tpu.dma_semaphore, #tpu.memory_space<semaphore_mem>> -> memref<!tpu.dma_semaphore, #tpu.memory_space<semaphore_mem>>
    %dma_wait3A_1019 = arith.constant 0 : i32
    %dma_wait3A_1020 = arith.constant 0 : i32
    %dma_wait3A_1021 = tpu.memref_slice %arg9[%dma_wait3A_1019, %dma_wait3A_1020] : memref<16384x32xf32, #tpu.memory_space<vmem>> -> memref<1x32xf32, #tpu.memory_space<vmem>>
    %dma_wait3A_1022 = arith.constant 0 : i32
    %dma_wait3A_1023 = arith.constant 0 : i32
    %dma_wait3A_1024 = tpu.memref_slice %arg2[%dma_wait3A_1022, %dma_wait3A_1023] : memref<1000000x32xf32, #tpu.memory_space<hbm>> -> memref<1x32xf32, #tpu.memory_space<hbm>>
    tpu.wait_dma2 semaphore(%dma_wait3A_1018 : memref<!tpu.dma_semaphore, #tpu.memory_space<semaphore_mem>>) src(%dma_wait3A_1024 : memref<1x32xf32, #tpu.memory_space<hbm>>) dst(%dma_wait3A_1021 : memref<1x32xf32, #tpu.memory_space<vmem>>)
    %dma_wait3A_1025 = arith.constant 113 : i32
    %dma_wait3A_1026 = tpu.memref_slice %arg10[%dma_wait3A_1025] : memref<256x!tpu.dma_semaphore, #tpu.memory_space<semaphore_mem>> -> memref<1x!tpu.dma_semaphore, #tpu.memory_space<semaphore_mem>>
    %dma_wait3A_1027 = tpu.memref_squeeze %dma_wait3A_1026 : memref<1x!tpu.dma_semaphore, #tpu.memory_space<semaphore_mem>> -> memref<!tpu.dma_semaphore, #tpu.memory_space<semaphore_mem>>
    %dma_wait3A_1028 = arith.constant 0 : i32
    %dma_wait3A_1029 = arith.constant 0 : i32
    %dma_wait3A_1030 = tpu.memref_slice %arg9[%dma_wait3A_1028, %dma_wait3A_1029] : memref<16384x32xf32, #tpu.memory_space<vmem>> -> memref<1x32xf32, #tpu.memory_space<vmem>>
    %dma_wait3A_1031 = arith.constant 0 : i32
    %dma_wait3A_1032 = arith.constant 0 : i32
    %dma_wait3A_1033 = tpu.memref_slice %arg2[%dma_wait3A_1031, %dma_wait3A_1032] : memref<1000000x32xf32, #tpu.memory_space<hbm>> -> memref<1x32xf32, #tpu.memory_space<hbm>>
    tpu.wait_dma2 semaphore(%dma_wait3A_1027 : memref<!tpu.dma_semaphore, #tpu.memory_space<semaphore_mem>>) src(%dma_wait3A_1033 : memref<1x32xf32, #tpu.memory_space<hbm>>) dst(%dma_wait3A_1030 : memref<1x32xf32, #tpu.memory_space<vmem>>)
    %dma_wait3A_1034 = arith.constant 114 : i32
    %dma_wait3A_1035 = tpu.memref_slice %arg10[%dma_wait3A_1034] : memref<256x!tpu.dma_semaphore, #tpu.memory_space<semaphore_mem>> -> memref<1x!tpu.dma_semaphore, #tpu.memory_space<semaphore_mem>>
    %dma_wait3A_1036 = tpu.memref_squeeze %dma_wait3A_1035 : memref<1x!tpu.dma_semaphore, #tpu.memory_space<semaphore_mem>> -> memref<!tpu.dma_semaphore, #tpu.memory_space<semaphore_mem>>
    %dma_wait3A_1037 = arith.constant 0 : i32
    %dma_wait3A_1038 = arith.constant 0 : i32
    %dma_wait3A_1039 = tpu.memref_slice %arg9[%dma_wait3A_1037, %dma_wait3A_1038] : memref<16384x32xf32, #tpu.memory_space<vmem>> -> memref<1x32xf32, #tpu.memory_space<vmem>>
    %dma_wait3A_1040 = arith.constant 0 : i32
    %dma_wait3A_1041 = arith.constant 0 : i32
    %dma_wait3A_1042 = tpu.memref_slice %arg2[%dma_wait3A_1040, %dma_wait3A_1041] : memref<1000000x32xf32, #tpu.memory_space<hbm>> -> memref<1x32xf32, #tpu.memory_space<hbm>>
    tpu.wait_dma2 semaphore(%dma_wait3A_1036 : memref<!tpu.dma_semaphore, #tpu.memory_space<semaphore_mem>>) src(%dma_wait3A_1042 : memref<1x32xf32, #tpu.memory_space<hbm>>) dst(%dma_wait3A_1039 : memref<1x32xf32, #tpu.memory_space<vmem>>)
    %dma_wait3A_1043 = arith.constant 115 : i32
    %dma_wait3A_1044 = tpu.memref_slice %arg10[%dma_wait3A_1043] : memref<256x!tpu.dma_semaphore, #tpu.memory_space<semaphore_mem>> -> memref<1x!tpu.dma_semaphore, #tpu.memory_space<semaphore_mem>>
    %dma_wait3A_1045 = tpu.memref_squeeze %dma_wait3A_1044 : memref<1x!tpu.dma_semaphore, #tpu.memory_space<semaphore_mem>> -> memref<!tpu.dma_semaphore, #tpu.memory_space<semaphore_mem>>
    %dma_wait3A_1046 = arith.constant 0 : i32
    %dma_wait3A_1047 = arith.constant 0 : i32
    %dma_wait3A_1048 = tpu.memref_slice %arg9[%dma_wait3A_1046, %dma_wait3A_1047] : memref<16384x32xf32, #tpu.memory_space<vmem>> -> memref<1x32xf32, #tpu.memory_space<vmem>>
    %dma_wait3A_1049 = arith.constant 0 : i32
    %dma_wait3A_1050 = arith.constant 0 : i32
    %dma_wait3A_1051 = tpu.memref_slice %arg2[%dma_wait3A_1049, %dma_wait3A_1050] : memref<1000000x32xf32, #tpu.memory_space<hbm>> -> memref<1x32xf32, #tpu.memory_space<hbm>>
    tpu.wait_dma2 semaphore(%dma_wait3A_1045 : memref<!tpu.dma_semaphore, #tpu.memory_space<semaphore_mem>>) src(%dma_wait3A_1051 : memref<1x32xf32, #tpu.memory_space<hbm>>) dst(%dma_wait3A_1048 : memref<1x32xf32, #tpu.memory_space<vmem>>)
    %dma_wait3A_1052 = arith.constant 116 : i32
    %dma_wait3A_1053 = tpu.memref_slice %arg10[%dma_wait3A_1052] : memref<256x!tpu.dma_semaphore, #tpu.memory_space<semaphore_mem>> -> memref<1x!tpu.dma_semaphore, #tpu.memory_space<semaphore_mem>>
    %dma_wait3A_1054 = tpu.memref_squeeze %dma_wait3A_1053 : memref<1x!tpu.dma_semaphore, #tpu.memory_space<semaphore_mem>> -> memref<!tpu.dma_semaphore, #tpu.memory_space<semaphore_mem>>
    %dma_wait3A_1055 = arith.constant 0 : i32
    %dma_wait3A_1056 = arith.constant 0 : i32
    %dma_wait3A_1057 = tpu.memref_slice %arg9[%dma_wait3A_1055, %dma_wait3A_1056] : memref<16384x32xf32, #tpu.memory_space<vmem>> -> memref<1x32xf32, #tpu.memory_space<vmem>>
    %dma_wait3A_1058 = arith.constant 0 : i32
    %dma_wait3A_1059 = arith.constant 0 : i32
    %dma_wait3A_1060 = tpu.memref_slice %arg2[%dma_wait3A_1058, %dma_wait3A_1059] : memref<1000000x32xf32, #tpu.memory_space<hbm>> -> memref<1x32xf32, #tpu.memory_space<hbm>>
    tpu.wait_dma2 semaphore(%dma_wait3A_1054 : memref<!tpu.dma_semaphore, #tpu.memory_space<semaphore_mem>>) src(%dma_wait3A_1060 : memref<1x32xf32, #tpu.memory_space<hbm>>) dst(%dma_wait3A_1057 : memref<1x32xf32, #tpu.memory_space<vmem>>)
    %dma_wait3A_1061 = arith.constant 117 : i32
    %dma_wait3A_1062 = tpu.memref_slice %arg10[%dma_wait3A_1061] : memref<256x!tpu.dma_semaphore, #tpu.memory_space<semaphore_mem>> -> memref<1x!tpu.dma_semaphore, #tpu.memory_space<semaphore_mem>>
    %dma_wait3A_1063 = tpu.memref_squeeze %dma_wait3A_1062 : memref<1x!tpu.dma_semaphore, #tpu.memory_space<semaphore_mem>> -> memref<!tpu.dma_semaphore, #tpu.memory_space<semaphore_mem>>
    %dma_wait3A_1064 = arith.constant 0 : i32
    %dma_wait3A_1065 = arith.constant 0 : i32
    %dma_wait3A_1066 = tpu.memref_slice %arg9[%dma_wait3A_1064, %dma_wait3A_1065] : memref<16384x32xf32, #tpu.memory_space<vmem>> -> memref<1x32xf32, #tpu.memory_space<vmem>>
    %dma_wait3A_1067 = arith.constant 0 : i32
    %dma_wait3A_1068 = arith.constant 0 : i32
    %dma_wait3A_1069 = tpu.memref_slice %arg2[%dma_wait3A_1067, %dma_wait3A_1068] : memref<1000000x32xf32, #tpu.memory_space<hbm>> -> memref<1x32xf32, #tpu.memory_space<hbm>>
    tpu.wait_dma2 semaphore(%dma_wait3A_1063 : memref<!tpu.dma_semaphore, #tpu.memory_space<semaphore_mem>>) src(%dma_wait3A_1069 : memref<1x32xf32, #tpu.memory_space<hbm>>) dst(%dma_wait3A_1066 : memref<1x32xf32, #tpu.memory_space<vmem>>)
    %dma_wait3A_1070 = arith.constant 118 : i32
    %dma_wait3A_1071 = tpu.memref_slice %arg10[%dma_wait3A_1070] : memref<256x!tpu.dma_semaphore, #tpu.memory_space<semaphore_mem>> -> memref<1x!tpu.dma_semaphore, #tpu.memory_space<semaphore_mem>>
    %dma_wait3A_1072 = tpu.memref_squeeze %dma_wait3A_1071 : memref<1x!tpu.dma_semaphore, #tpu.memory_space<semaphore_mem>> -> memref<!tpu.dma_semaphore, #tpu.memory_space<semaphore_mem>>
    %dma_wait3A_1073 = arith.constant 0 : i32
    %dma_wait3A_1074 = arith.constant 0 : i32
    %dma_wait3A_1075 = tpu.memref_slice %arg9[%dma_wait3A_1073, %dma_wait3A_1074] : memref<16384x32xf32, #tpu.memory_space<vmem>> -> memref<1x32xf32, #tpu.memory_space<vmem>>
    %dma_wait3A_1076 = arith.constant 0 : i32
    %dma_wait3A_1077 = arith.constant 0 : i32
    %dma_wait3A_1078 = tpu.memref_slice %arg2[%dma_wait3A_1076, %dma_wait3A_1077] : memref<1000000x32xf32, #tpu.memory_space<hbm>> -> memref<1x32xf32, #tpu.memory_space<hbm>>
    tpu.wait_dma2 semaphore(%dma_wait3A_1072 : memref<!tpu.dma_semaphore, #tpu.memory_space<semaphore_mem>>) src(%dma_wait3A_1078 : memref<1x32xf32, #tpu.memory_space<hbm>>) dst(%dma_wait3A_1075 : memref<1x32xf32, #tpu.memory_space<vmem>>)
    %dma_wait3A_1079 = arith.constant 119 : i32
    %dma_wait3A_1080 = tpu.memref_slice %arg10[%dma_wait3A_1079] : memref<256x!tpu.dma_semaphore, #tpu.memory_space<semaphore_mem>> -> memref<1x!tpu.dma_semaphore, #tpu.memory_space<semaphore_mem>>
    %dma_wait3A_1081 = tpu.memref_squeeze %dma_wait3A_1080 : memref<1x!tpu.dma_semaphore, #tpu.memory_space<semaphore_mem>> -> memref<!tpu.dma_semaphore, #tpu.memory_space<semaphore_mem>>
    %dma_wait3A_1082 = arith.constant 0 : i32
    %dma_wait3A_1083 = arith.constant 0 : i32
    %dma_wait3A_1084 = tpu.memref_slice %arg9[%dma_wait3A_1082, %dma_wait3A_1083] : memref<16384x32xf32, #tpu.memory_space<vmem>> -> memref<1x32xf32, #tpu.memory_space<vmem>>
    %dma_wait3A_1085 = arith.constant 0 : i32
    %dma_wait3A_1086 = arith.constant 0 : i32
    %dma_wait3A_1087 = tpu.memref_slice %arg2[%dma_wait3A_1085, %dma_wait3A_1086] : memref<1000000x32xf32, #tpu.memory_space<hbm>> -> memref<1x32xf32, #tpu.memory_space<hbm>>
    tpu.wait_dma2 semaphore(%dma_wait3A_1081 : memref<!tpu.dma_semaphore, #tpu.memory_space<semaphore_mem>>) src(%dma_wait3A_1087 : memref<1x32xf32, #tpu.memory_space<hbm>>) dst(%dma_wait3A_1084 : memref<1x32xf32, #tpu.memory_space<vmem>>)
    %dma_wait3A_1088 = arith.constant 120 : i32
    %dma_wait3A_1089 = tpu.memref_slice %arg10[%dma_wait3A_1088] : memref<256x!tpu.dma_semaphore, #tpu.memory_space<semaphore_mem>> -> memref<1x!tpu.dma_semaphore, #tpu.memory_space<semaphore_mem>>
    %dma_wait3A_1090 = tpu.memref_squeeze %dma_wait3A_1089 : memref<1x!tpu.dma_semaphore, #tpu.memory_space<semaphore_mem>> -> memref<!tpu.dma_semaphore, #tpu.memory_space<semaphore_mem>>
    %dma_wait3A_1091 = arith.constant 0 : i32
    %dma_wait3A_1092 = arith.constant 0 : i32
    %dma_wait3A_1093 = tpu.memref_slice %arg9[%dma_wait3A_1091, %dma_wait3A_1092] : memref<16384x32xf32, #tpu.memory_space<vmem>> -> memref<1x32xf32, #tpu.memory_space<vmem>>
    %dma_wait3A_1094 = arith.constant 0 : i32
    %dma_wait3A_1095 = arith.constant 0 : i32
    %dma_wait3A_1096 = tpu.memref_slice %arg2[%dma_wait3A_1094, %dma_wait3A_1095] : memref<1000000x32xf32, #tpu.memory_space<hbm>> -> memref<1x32xf32, #tpu.memory_space<hbm>>
    tpu.wait_dma2 semaphore(%dma_wait3A_1090 : memref<!tpu.dma_semaphore, #tpu.memory_space<semaphore_mem>>) src(%dma_wait3A_1096 : memref<1x32xf32, #tpu.memory_space<hbm>>) dst(%dma_wait3A_1093 : memref<1x32xf32, #tpu.memory_space<vmem>>)
    %dma_wait3A_1097 = arith.constant 121 : i32
    %dma_wait3A_1098 = tpu.memref_slice %arg10[%dma_wait3A_1097] : memref<256x!tpu.dma_semaphore, #tpu.memory_space<semaphore_mem>> -> memref<1x!tpu.dma_semaphore, #tpu.memory_space<semaphore_mem>>
    %dma_wait3A_1099 = tpu.memref_squeeze %dma_wait3A_1098 : memref<1x!tpu.dma_semaphore, #tpu.memory_space<semaphore_mem>> -> memref<!tpu.dma_semaphore, #tpu.memory_space<semaphore_mem>>
    %dma_wait3A_1100 = arith.constant 0 : i32
    %dma_wait3A_1101 = arith.constant 0 : i32
    %dma_wait3A_1102 = tpu.memref_slice %arg9[%dma_wait3A_1100, %dma_wait3A_1101] : memref<16384x32xf32, #tpu.memory_space<vmem>> -> memref<1x32xf32, #tpu.memory_space<vmem>>
    %dma_wait3A_1103 = arith.constant 0 : i32
    %dma_wait3A_1104 = arith.constant 0 : i32
    %dma_wait3A_1105 = tpu.memref_slice %arg2[%dma_wait3A_1103, %dma_wait3A_1104] : memref<1000000x32xf32, #tpu.memory_space<hbm>> -> memref<1x32xf32, #tpu.memory_space<hbm>>
    tpu.wait_dma2 semaphore(%dma_wait3A_1099 : memref<!tpu.dma_semaphore, #tpu.memory_space<semaphore_mem>>) src(%dma_wait3A_1105 : memref<1x32xf32, #tpu.memory_space<hbm>>) dst(%dma_wait3A_1102 : memref<1x32xf32, #tpu.memory_space<vmem>>)
    %dma_wait3A_1106 = arith.constant 122 : i32
    %dma_wait3A_1107 = tpu.memref_slice %arg10[%dma_wait3A_1106] : memref<256x!tpu.dma_semaphore, #tpu.memory_space<semaphore_mem>> -> memref<1x!tpu.dma_semaphore, #tpu.memory_space<semaphore_mem>>
    %dma_wait3A_1108 = tpu.memref_squeeze %dma_wait3A_1107 : memref<1x!tpu.dma_semaphore, #tpu.memory_space<semaphore_mem>> -> memref<!tpu.dma_semaphore, #tpu.memory_space<semaphore_mem>>
    %dma_wait3A_1109 = arith.constant 0 : i32
    %dma_wait3A_1110 = arith.constant 0 : i32
    %dma_wait3A_1111 = tpu.memref_slice %arg9[%dma_wait3A_1109, %dma_wait3A_1110] : memref<16384x32xf32, #tpu.memory_space<vmem>> -> memref<1x32xf32, #tpu.memory_space<vmem>>
    %dma_wait3A_1112 = arith.constant 0 : i32
    %dma_wait3A_1113 = arith.constant 0 : i32
    %dma_wait3A_1114 = tpu.memref_slice %arg2[%dma_wait3A_1112, %dma_wait3A_1113] : memref<1000000x32xf32, #tpu.memory_space<hbm>> -> memref<1x32xf32, #tpu.memory_space<hbm>>
    tpu.wait_dma2 semaphore(%dma_wait3A_1108 : memref<!tpu.dma_semaphore, #tpu.memory_space<semaphore_mem>>) src(%dma_wait3A_1114 : memref<1x32xf32, #tpu.memory_space<hbm>>) dst(%dma_wait3A_1111 : memref<1x32xf32, #tpu.memory_space<vmem>>)
    %dma_wait3A_1115 = arith.constant 123 : i32
    %dma_wait3A_1116 = tpu.memref_slice %arg10[%dma_wait3A_1115] : memref<256x!tpu.dma_semaphore, #tpu.memory_space<semaphore_mem>> -> memref<1x!tpu.dma_semaphore, #tpu.memory_space<semaphore_mem>>
    %dma_wait3A_1117 = tpu.memref_squeeze %dma_wait3A_1116 : memref<1x!tpu.dma_semaphore, #tpu.memory_space<semaphore_mem>> -> memref<!tpu.dma_semaphore, #tpu.memory_space<semaphore_mem>>
    %dma_wait3A_1118 = arith.constant 0 : i32
    %dma_wait3A_1119 = arith.constant 0 : i32
    %dma_wait3A_1120 = tpu.memref_slice %arg9[%dma_wait3A_1118, %dma_wait3A_1119] : memref<16384x32xf32, #tpu.memory_space<vmem>> -> memref<1x32xf32, #tpu.memory_space<vmem>>
    %dma_wait3A_1121 = arith.constant 0 : i32
    %dma_wait3A_1122 = arith.constant 0 : i32
    %dma_wait3A_1123 = tpu.memref_slice %arg2[%dma_wait3A_1121, %dma_wait3A_1122] : memref<1000000x32xf32, #tpu.memory_space<hbm>> -> memref<1x32xf32, #tpu.memory_space<hbm>>
    tpu.wait_dma2 semaphore(%dma_wait3A_1117 : memref<!tpu.dma_semaphore, #tpu.memory_space<semaphore_mem>>) src(%dma_wait3A_1123 : memref<1x32xf32, #tpu.memory_space<hbm>>) dst(%dma_wait3A_1120 : memref<1x32xf32, #tpu.memory_space<vmem>>)
    %dma_wait3A_1124 = arith.constant 124 : i32
    %dma_wait3A_1125 = tpu.memref_slice %arg10[%dma_wait3A_1124] : memref<256x!tpu.dma_semaphore, #tpu.memory_space<semaphore_mem>> -> memref<1x!tpu.dma_semaphore, #tpu.memory_space<semaphore_mem>>
    %dma_wait3A_1126 = tpu.memref_squeeze %dma_wait3A_1125 : memref<1x!tpu.dma_semaphore, #tpu.memory_space<semaphore_mem>> -> memref<!tpu.dma_semaphore, #tpu.memory_space<semaphore_mem>>
    %dma_wait3A_1127 = arith.constant 0 : i32
    %dma_wait3A_1128 = arith.constant 0 : i32
    %dma_wait3A_1129 = tpu.memref_slice %arg9[%dma_wait3A_1127, %dma_wait3A_1128] : memref<16384x32xf32, #tpu.memory_space<vmem>> -> memref<1x32xf32, #tpu.memory_space<vmem>>
    %dma_wait3A_1130 = arith.constant 0 : i32
    %dma_wait3A_1131 = arith.constant 0 : i32
    %dma_wait3A_1132 = tpu.memref_slice %arg2[%dma_wait3A_1130, %dma_wait3A_1131] : memref<1000000x32xf32, #tpu.memory_space<hbm>> -> memref<1x32xf32, #tpu.memory_space<hbm>>
    tpu.wait_dma2 semaphore(%dma_wait3A_1126 : memref<!tpu.dma_semaphore, #tpu.memory_space<semaphore_mem>>) src(%dma_wait3A_1132 : memref<1x32xf32, #tpu.memory_space<hbm>>) dst(%dma_wait3A_1129 : memref<1x32xf32, #tpu.memory_space<vmem>>)
    %dma_wait3A_1133 = arith.constant 125 : i32
    %dma_wait3A_1134 = tpu.memref_slice %arg10[%dma_wait3A_1133] : memref<256x!tpu.dma_semaphore, #tpu.memory_space<semaphore_mem>> -> memref<1x!tpu.dma_semaphore, #tpu.memory_space<semaphore_mem>>
    %dma_wait3A_1135 = tpu.memref_squeeze %dma_wait3A_1134 : memref<1x!tpu.dma_semaphore, #tpu.memory_space<semaphore_mem>> -> memref<!tpu.dma_semaphore, #tpu.memory_space<semaphore_mem>>
    %dma_wait3A_1136 = arith.constant 0 : i32
    %dma_wait3A_1137 = arith.constant 0 : i32
    %dma_wait3A_1138 = tpu.memref_slice %arg9[%dma_wait3A_1136, %dma_wait3A_1137] : memref<16384x32xf32, #tpu.memory_space<vmem>> -> memref<1x32xf32, #tpu.memory_space<vmem>>
    %dma_wait3A_1139 = arith.constant 0 : i32
    %dma_wait3A_1140 = arith.constant 0 : i32
    %dma_wait3A_1141 = tpu.memref_slice %arg2[%dma_wait3A_1139, %dma_wait3A_1140] : memref<1000000x32xf32, #tpu.memory_space<hbm>> -> memref<1x32xf32, #tpu.memory_space<hbm>>
    tpu.wait_dma2 semaphore(%dma_wait3A_1135 : memref<!tpu.dma_semaphore, #tpu.memory_space<semaphore_mem>>) src(%dma_wait3A_1141 : memref<1x32xf32, #tpu.memory_space<hbm>>) dst(%dma_wait3A_1138 : memref<1x32xf32, #tpu.memory_space<vmem>>)
    %dma_wait3A_1142 = arith.constant 126 : i32
    %dma_wait3A_1143 = tpu.memref_slice %arg10[%dma_wait3A_1142] : memref<256x!tpu.dma_semaphore, #tpu.memory_space<semaphore_mem>> -> memref<1x!tpu.dma_semaphore, #tpu.memory_space<semaphore_mem>>
    %dma_wait3A_1144 = tpu.memref_squeeze %dma_wait3A_1143 : memref<1x!tpu.dma_semaphore, #tpu.memory_space<semaphore_mem>> -> memref<!tpu.dma_semaphore, #tpu.memory_space<semaphore_mem>>
    %dma_wait3A_1145 = arith.constant 0 : i32
    %dma_wait3A_1146 = arith.constant 0 : i32
    %dma_wait3A_1147 = tpu.memref_slice %arg9[%dma_wait3A_1145, %dma_wait3A_1146] : memref<16384x32xf32, #tpu.memory_space<vmem>> -> memref<1x32xf32, #tpu.memory_space<vmem>>
    %dma_wait3A_1148 = arith.constant 0 : i32
    %dma_wait3A_1149 = arith.constant 0 : i32
    %dma_wait3A_1150 = tpu.memref_slice %arg2[%dma_wait3A_1148, %dma_wait3A_1149] : memref<1000000x32xf32, #tpu.memory_space<hbm>> -> memref<1x32xf32, #tpu.memory_space<hbm>>
    tpu.wait_dma2 semaphore(%dma_wait3A_1144 : memref<!tpu.dma_semaphore, #tpu.memory_space<semaphore_mem>>) src(%dma_wait3A_1150 : memref<1x32xf32, #tpu.memory_space<hbm>>) dst(%dma_wait3A_1147 : memref<1x32xf32, #tpu.memory_space<vmem>>)
    %dma_wait3A_1151 = arith.constant 127 : i32
    %dma_wait3A_1152 = tpu.memref_slice %arg10[%dma_wait3A_1151] : memref<256x!tpu.dma_semaphore, #tpu.memory_space<semaphore_mem>> -> memref<1x!tpu.dma_semaphore, #tpu.memory_space<semaphore_mem>>
    %dma_wait3A_1153 = tpu.memref_squeeze %dma_wait3A_1152 : memref<1x!tpu.dma_semaphore, #tpu.memory_space<semaphore_mem>> -> memref<!tpu.dma_semaphore, #tpu.memory_space<semaphore_mem>>
    %dma_wait3A_1154 = arith.constant 0 : i32
    %dma_wait3A_1155 = arith.constant 0 : i32
    %dma_wait3A_1156 = tpu.memref_slice %arg9[%dma_wait3A_1154, %dma_wait3A_1155] : memref<16384x32xf32, #tpu.memory_space<vmem>> -> memref<1x32xf32, #tpu.memory_space<vmem>>
    %dma_wait3A_1157 = arith.constant 0 : i32
    %dma_wait3A_1158 = arith.constant 0 : i32
    %dma_wait3A_1159 = tpu.memref_slice %arg2[%dma_wait3A_1157, %dma_wait3A_1158] : memref<1000000x32xf32, #tpu.memory_space<hbm>> -> memref<1x32xf32, #tpu.memory_space<hbm>>
    tpu.wait_dma2 semaphore(%dma_wait3A_1153 : memref<!tpu.dma_semaphore, #tpu.memory_space<semaphore_mem>>) src(%dma_wait3A_1159 : memref<1x32xf32, #tpu.memory_space<hbm>>) dst(%dma_wait3A_1156 : memref<1x32xf32, #tpu.memory_space<vmem>>)
    %dma_wait3A_1160 = arith.constant 128 : i32
    %dma_wait3A_1161 = tpu.memref_slice %arg10[%dma_wait3A_1160] : memref<256x!tpu.dma_semaphore, #tpu.memory_space<semaphore_mem>> -> memref<1x!tpu.dma_semaphore, #tpu.memory_space<semaphore_mem>>
    %dma_wait3A_1162 = tpu.memref_squeeze %dma_wait3A_1161 : memref<1x!tpu.dma_semaphore, #tpu.memory_space<semaphore_mem>> -> memref<!tpu.dma_semaphore, #tpu.memory_space<semaphore_mem>>
    %dma_wait3A_1163 = arith.constant 0 : i32
    %dma_wait3A_1164 = arith.constant 0 : i32
    %dma_wait3A_1165 = tpu.memref_slice %arg9[%dma_wait3A_1163, %dma_wait3A_1164] : memref<16384x32xf32, #tpu.memory_space<vmem>> -> memref<1x32xf32, #tpu.memory_space<vmem>>
    %dma_wait3A_1166 = arith.constant 0 : i32
    %dma_wait3A_1167 = arith.constant 0 : i32
    %dma_wait3A_1168 = tpu.memref_slice %arg2[%dma_wait3A_1166, %dma_wait3A_1167] : memref<1000000x32xf32, #tpu.memory_space<hbm>> -> memref<1x32xf32, #tpu.memory_space<hbm>>
    tpu.wait_dma2 semaphore(%dma_wait3A_1162 : memref<!tpu.dma_semaphore, #tpu.memory_space<semaphore_mem>>) src(%dma_wait3A_1168 : memref<1x32xf32, #tpu.memory_space<hbm>>) dst(%dma_wait3A_1165 : memref<1x32xf32, #tpu.memory_space<vmem>>)
    %dma_wait3A_1169 = arith.constant 129 : i32
    %dma_wait3A_1170 = tpu.memref_slice %arg10[%dma_wait3A_1169] : memref<256x!tpu.dma_semaphore, #tpu.memory_space<semaphore_mem>> -> memref<1x!tpu.dma_semaphore, #tpu.memory_space<semaphore_mem>>
    %dma_wait3A_1171 = tpu.memref_squeeze %dma_wait3A_1170 : memref<1x!tpu.dma_semaphore, #tpu.memory_space<semaphore_mem>> -> memref<!tpu.dma_semaphore, #tpu.memory_space<semaphore_mem>>
    %dma_wait3A_1172 = arith.constant 0 : i32
    %dma_wait3A_1173 = arith.constant 0 : i32
    %dma_wait3A_1174 = tpu.memref_slice %arg9[%dma_wait3A_1172, %dma_wait3A_1173] : memref<16384x32xf32, #tpu.memory_space<vmem>> -> memref<1x32xf32, #tpu.memory_space<vmem>>
    %dma_wait3A_1175 = arith.constant 0 : i32
    %dma_wait3A_1176 = arith.constant 0 : i32
    %dma_wait3A_1177 = tpu.memref_slice %arg2[%dma_wait3A_1175, %dma_wait3A_1176] : memref<1000000x32xf32, #tpu.memory_space<hbm>> -> memref<1x32xf32, #tpu.memory_space<hbm>>
    tpu.wait_dma2 semaphore(%dma_wait3A_1171 : memref<!tpu.dma_semaphore, #tpu.memory_space<semaphore_mem>>) src(%dma_wait3A_1177 : memref<1x32xf32, #tpu.memory_space<hbm>>) dst(%dma_wait3A_1174 : memref<1x32xf32, #tpu.memory_space<vmem>>)
    %dma_wait3A_1178 = arith.constant 130 : i32
    %dma_wait3A_1179 = tpu.memref_slice %arg10[%dma_wait3A_1178] : memref<256x!tpu.dma_semaphore, #tpu.memory_space<semaphore_mem>> -> memref<1x!tpu.dma_semaphore, #tpu.memory_space<semaphore_mem>>
    %dma_wait3A_1180 = tpu.memref_squeeze %dma_wait3A_1179 : memref<1x!tpu.dma_semaphore, #tpu.memory_space<semaphore_mem>> -> memref<!tpu.dma_semaphore, #tpu.memory_space<semaphore_mem>>
    %dma_wait3A_1181 = arith.constant 0 : i32
    %dma_wait3A_1182 = arith.constant 0 : i32
    %dma_wait3A_1183 = tpu.memref_slice %arg9[%dma_wait3A_1181, %dma_wait3A_1182] : memref<16384x32xf32, #tpu.memory_space<vmem>> -> memref<1x32xf32, #tpu.memory_space<vmem>>
    %dma_wait3A_1184 = arith.constant 0 : i32
    %dma_wait3A_1185 = arith.constant 0 : i32
    %dma_wait3A_1186 = tpu.memref_slice %arg2[%dma_wait3A_1184, %dma_wait3A_1185] : memref<1000000x32xf32, #tpu.memory_space<hbm>> -> memref<1x32xf32, #tpu.memory_space<hbm>>
    tpu.wait_dma2 semaphore(%dma_wait3A_1180 : memref<!tpu.dma_semaphore, #tpu.memory_space<semaphore_mem>>) src(%dma_wait3A_1186 : memref<1x32xf32, #tpu.memory_space<hbm>>) dst(%dma_wait3A_1183 : memref<1x32xf32, #tpu.memory_space<vmem>>)
    %dma_wait3A_1187 = arith.constant 131 : i32
    %dma_wait3A_1188 = tpu.memref_slice %arg10[%dma_wait3A_1187] : memref<256x!tpu.dma_semaphore, #tpu.memory_space<semaphore_mem>> -> memref<1x!tpu.dma_semaphore, #tpu.memory_space<semaphore_mem>>
    %dma_wait3A_1189 = tpu.memref_squeeze %dma_wait3A_1188 : memref<1x!tpu.dma_semaphore, #tpu.memory_space<semaphore_mem>> -> memref<!tpu.dma_semaphore, #tpu.memory_space<semaphore_mem>>
    %dma_wait3A_1190 = arith.constant 0 : i32
    %dma_wait3A_1191 = arith.constant 0 : i32
    %dma_wait3A_1192 = tpu.memref_slice %arg9[%dma_wait3A_1190, %dma_wait3A_1191] : memref<16384x32xf32, #tpu.memory_space<vmem>> -> memref<1x32xf32, #tpu.memory_space<vmem>>
    %dma_wait3A_1193 = arith.constant 0 : i32
    %dma_wait3A_1194 = arith.constant 0 : i32
    %dma_wait3A_1195 = tpu.memref_slice %arg2[%dma_wait3A_1193, %dma_wait3A_1194] : memref<1000000x32xf32, #tpu.memory_space<hbm>> -> memref<1x32xf32, #tpu.memory_space<hbm>>
    tpu.wait_dma2 semaphore(%dma_wait3A_1189 : memref<!tpu.dma_semaphore, #tpu.memory_space<semaphore_mem>>) src(%dma_wait3A_1195 : memref<1x32xf32, #tpu.memory_space<hbm>>) dst(%dma_wait3A_1192 : memref<1x32xf32, #tpu.memory_space<vmem>>)
    %dma_wait3A_1196 = arith.constant 132 : i32
    %dma_wait3A_1197 = tpu.memref_slice %arg10[%dma_wait3A_1196] : memref<256x!tpu.dma_semaphore, #tpu.memory_space<semaphore_mem>> -> memref<1x!tpu.dma_semaphore, #tpu.memory_space<semaphore_mem>>
    %dma_wait3A_1198 = tpu.memref_squeeze %dma_wait3A_1197 : memref<1x!tpu.dma_semaphore, #tpu.memory_space<semaphore_mem>> -> memref<!tpu.dma_semaphore, #tpu.memory_space<semaphore_mem>>
    %dma_wait3A_1199 = arith.constant 0 : i32
    %dma_wait3A_1200 = arith.constant 0 : i32
    %dma_wait3A_1201 = tpu.memref_slice %arg9[%dma_wait3A_1199, %dma_wait3A_1200] : memref<16384x32xf32, #tpu.memory_space<vmem>> -> memref<1x32xf32, #tpu.memory_space<vmem>>
    %dma_wait3A_1202 = arith.constant 0 : i32
    %dma_wait3A_1203 = arith.constant 0 : i32
    %dma_wait3A_1204 = tpu.memref_slice %arg2[%dma_wait3A_1202, %dma_wait3A_1203] : memref<1000000x32xf32, #tpu.memory_space<hbm>> -> memref<1x32xf32, #tpu.memory_space<hbm>>
    tpu.wait_dma2 semaphore(%dma_wait3A_1198 : memref<!tpu.dma_semaphore, #tpu.memory_space<semaphore_mem>>) src(%dma_wait3A_1204 : memref<1x32xf32, #tpu.memory_space<hbm>>) dst(%dma_wait3A_1201 : memref<1x32xf32, #tpu.memory_space<vmem>>)
    %dma_wait3A_1205 = arith.constant 133 : i32
    %dma_wait3A_1206 = tpu.memref_slice %arg10[%dma_wait3A_1205] : memref<256x!tpu.dma_semaphore, #tpu.memory_space<semaphore_mem>> -> memref<1x!tpu.dma_semaphore, #tpu.memory_space<semaphore_mem>>
    %dma_wait3A_1207 = tpu.memref_squeeze %dma_wait3A_1206 : memref<1x!tpu.dma_semaphore, #tpu.memory_space<semaphore_mem>> -> memref<!tpu.dma_semaphore, #tpu.memory_space<semaphore_mem>>
    %dma_wait3A_1208 = arith.constant 0 : i32
    %dma_wait3A_1209 = arith.constant 0 : i32
    %dma_wait3A_1210 = tpu.memref_slice %arg9[%dma_wait3A_1208, %dma_wait3A_1209] : memref<16384x32xf32, #tpu.memory_space<vmem>> -> memref<1x32xf32, #tpu.memory_space<vmem>>
    %dma_wait3A_1211 = arith.constant 0 : i32
    %dma_wait3A_1212 = arith.constant 0 : i32
    %dma_wait3A_1213 = tpu.memref_slice %arg2[%dma_wait3A_1211, %dma_wait3A_1212] : memref<1000000x32xf32, #tpu.memory_space<hbm>> -> memref<1x32xf32, #tpu.memory_space<hbm>>
    tpu.wait_dma2 semaphore(%dma_wait3A_1207 : memref<!tpu.dma_semaphore, #tpu.memory_space<semaphore_mem>>) src(%dma_wait3A_1213 : memref<1x32xf32, #tpu.memory_space<hbm>>) dst(%dma_wait3A_1210 : memref<1x32xf32, #tpu.memory_space<vmem>>)
    %dma_wait3A_1214 = arith.constant 134 : i32
    %dma_wait3A_1215 = tpu.memref_slice %arg10[%dma_wait3A_1214] : memref<256x!tpu.dma_semaphore, #tpu.memory_space<semaphore_mem>> -> memref<1x!tpu.dma_semaphore, #tpu.memory_space<semaphore_mem>>
    %dma_wait3A_1216 = tpu.memref_squeeze %dma_wait3A_1215 : memref<1x!tpu.dma_semaphore, #tpu.memory_space<semaphore_mem>> -> memref<!tpu.dma_semaphore, #tpu.memory_space<semaphore_mem>>
    %dma_wait3A_1217 = arith.constant 0 : i32
    %dma_wait3A_1218 = arith.constant 0 : i32
    %dma_wait3A_1219 = tpu.memref_slice %arg9[%dma_wait3A_1217, %dma_wait3A_1218] : memref<16384x32xf32, #tpu.memory_space<vmem>> -> memref<1x32xf32, #tpu.memory_space<vmem>>
    %dma_wait3A_1220 = arith.constant 0 : i32
    %dma_wait3A_1221 = arith.constant 0 : i32
    %dma_wait3A_1222 = tpu.memref_slice %arg2[%dma_wait3A_1220, %dma_wait3A_1221] : memref<1000000x32xf32, #tpu.memory_space<hbm>> -> memref<1x32xf32, #tpu.memory_space<hbm>>
    tpu.wait_dma2 semaphore(%dma_wait3A_1216 : memref<!tpu.dma_semaphore, #tpu.memory_space<semaphore_mem>>) src(%dma_wait3A_1222 : memref<1x32xf32, #tpu.memory_space<hbm>>) dst(%dma_wait3A_1219 : memref<1x32xf32, #tpu.memory_space<vmem>>)
    %dma_wait3A_1223 = arith.constant 135 : i32
    %dma_wait3A_1224 = tpu.memref_slice %arg10[%dma_wait3A_1223] : memref<256x!tpu.dma_semaphore, #tpu.memory_space<semaphore_mem>> -> memref<1x!tpu.dma_semaphore, #tpu.memory_space<semaphore_mem>>
    %dma_wait3A_1225 = tpu.memref_squeeze %dma_wait3A_1224 : memref<1x!tpu.dma_semaphore, #tpu.memory_space<semaphore_mem>> -> memref<!tpu.dma_semaphore, #tpu.memory_space<semaphore_mem>>
    %dma_wait3A_1226 = arith.constant 0 : i32
    %dma_wait3A_1227 = arith.constant 0 : i32
    %dma_wait3A_1228 = tpu.memref_slice %arg9[%dma_wait3A_1226, %dma_wait3A_1227] : memref<16384x32xf32, #tpu.memory_space<vmem>> -> memref<1x32xf32, #tpu.memory_space<vmem>>
    %dma_wait3A_1229 = arith.constant 0 : i32
    %dma_wait3A_1230 = arith.constant 0 : i32
    %dma_wait3A_1231 = tpu.memref_slice %arg2[%dma_wait3A_1229, %dma_wait3A_1230] : memref<1000000x32xf32, #tpu.memory_space<hbm>> -> memref<1x32xf32, #tpu.memory_space<hbm>>
    tpu.wait_dma2 semaphore(%dma_wait3A_1225 : memref<!tpu.dma_semaphore, #tpu.memory_space<semaphore_mem>>) src(%dma_wait3A_1231 : memref<1x32xf32, #tpu.memory_space<hbm>>) dst(%dma_wait3A_1228 : memref<1x32xf32, #tpu.memory_space<vmem>>)
    %dma_wait3A_1232 = arith.constant 136 : i32
    %dma_wait3A_1233 = tpu.memref_slice %arg10[%dma_wait3A_1232] : memref<256x!tpu.dma_semaphore, #tpu.memory_space<semaphore_mem>> -> memref<1x!tpu.dma_semaphore, #tpu.memory_space<semaphore_mem>>
    %dma_wait3A_1234 = tpu.memref_squeeze %dma_wait3A_1233 : memref<1x!tpu.dma_semaphore, #tpu.memory_space<semaphore_mem>> -> memref<!tpu.dma_semaphore, #tpu.memory_space<semaphore_mem>>
    %dma_wait3A_1235 = arith.constant 0 : i32
    %dma_wait3A_1236 = arith.constant 0 : i32
    %dma_wait3A_1237 = tpu.memref_slice %arg9[%dma_wait3A_1235, %dma_wait3A_1236] : memref<16384x32xf32, #tpu.memory_space<vmem>> -> memref<1x32xf32, #tpu.memory_space<vmem>>
    %dma_wait3A_1238 = arith.constant 0 : i32
    %dma_wait3A_1239 = arith.constant 0 : i32
    %dma_wait3A_1240 = tpu.memref_slice %arg2[%dma_wait3A_1238, %dma_wait3A_1239] : memref<1000000x32xf32, #tpu.memory_space<hbm>> -> memref<1x32xf32, #tpu.memory_space<hbm>>
    tpu.wait_dma2 semaphore(%dma_wait3A_1234 : memref<!tpu.dma_semaphore, #tpu.memory_space<semaphore_mem>>) src(%dma_wait3A_1240 : memref<1x32xf32, #tpu.memory_space<hbm>>) dst(%dma_wait3A_1237 : memref<1x32xf32, #tpu.memory_space<vmem>>)
    %dma_wait3A_1241 = arith.constant 137 : i32
    %dma_wait3A_1242 = tpu.memref_slice %arg10[%dma_wait3A_1241] : memref<256x!tpu.dma_semaphore, #tpu.memory_space<semaphore_mem>> -> memref<1x!tpu.dma_semaphore, #tpu.memory_space<semaphore_mem>>
    %dma_wait3A_1243 = tpu.memref_squeeze %dma_wait3A_1242 : memref<1x!tpu.dma_semaphore, #tpu.memory_space<semaphore_mem>> -> memref<!tpu.dma_semaphore, #tpu.memory_space<semaphore_mem>>
    %dma_wait3A_1244 = arith.constant 0 : i32
    %dma_wait3A_1245 = arith.constant 0 : i32
    %dma_wait3A_1246 = tpu.memref_slice %arg9[%dma_wait3A_1244, %dma_wait3A_1245] : memref<16384x32xf32, #tpu.memory_space<vmem>> -> memref<1x32xf32, #tpu.memory_space<vmem>>
    %dma_wait3A_1247 = arith.constant 0 : i32
    %dma_wait3A_1248 = arith.constant 0 : i32
    %dma_wait3A_1249 = tpu.memref_slice %arg2[%dma_wait3A_1247, %dma_wait3A_1248] : memref<1000000x32xf32, #tpu.memory_space<hbm>> -> memref<1x32xf32, #tpu.memory_space<hbm>>
    tpu.wait_dma2 semaphore(%dma_wait3A_1243 : memref<!tpu.dma_semaphore, #tpu.memory_space<semaphore_mem>>) src(%dma_wait3A_1249 : memref<1x32xf32, #tpu.memory_space<hbm>>) dst(%dma_wait3A_1246 : memref<1x32xf32, #tpu.memory_space<vmem>>)
    %dma_wait3A_1250 = arith.constant 138 : i32
    %dma_wait3A_1251 = tpu.memref_slice %arg10[%dma_wait3A_1250] : memref<256x!tpu.dma_semaphore, #tpu.memory_space<semaphore_mem>> -> memref<1x!tpu.dma_semaphore, #tpu.memory_space<semaphore_mem>>
    %dma_wait3A_1252 = tpu.memref_squeeze %dma_wait3A_1251 : memref<1x!tpu.dma_semaphore, #tpu.memory_space<semaphore_mem>> -> memref<!tpu.dma_semaphore, #tpu.memory_space<semaphore_mem>>
    %dma_wait3A_1253 = arith.constant 0 : i32
    %dma_wait3A_1254 = arith.constant 0 : i32
    %dma_wait3A_1255 = tpu.memref_slice %arg9[%dma_wait3A_1253, %dma_wait3A_1254] : memref<16384x32xf32, #tpu.memory_space<vmem>> -> memref<1x32xf32, #tpu.memory_space<vmem>>
    %dma_wait3A_1256 = arith.constant 0 : i32
    %dma_wait3A_1257 = arith.constant 0 : i32
    %dma_wait3A_1258 = tpu.memref_slice %arg2[%dma_wait3A_1256, %dma_wait3A_1257] : memref<1000000x32xf32, #tpu.memory_space<hbm>> -> memref<1x32xf32, #tpu.memory_space<hbm>>
    tpu.wait_dma2 semaphore(%dma_wait3A_1252 : memref<!tpu.dma_semaphore, #tpu.memory_space<semaphore_mem>>) src(%dma_wait3A_1258 : memref<1x32xf32, #tpu.memory_space<hbm>>) dst(%dma_wait3A_1255 : memref<1x32xf32, #tpu.memory_space<vmem>>)
    %dma_wait3A_1259 = arith.constant 139 : i32
    %dma_wait3A_1260 = tpu.memref_slice %arg10[%dma_wait3A_1259] : memref<256x!tpu.dma_semaphore, #tpu.memory_space<semaphore_mem>> -> memref<1x!tpu.dma_semaphore, #tpu.memory_space<semaphore_mem>>
    %dma_wait3A_1261 = tpu.memref_squeeze %dma_wait3A_1260 : memref<1x!tpu.dma_semaphore, #tpu.memory_space<semaphore_mem>> -> memref<!tpu.dma_semaphore, #tpu.memory_space<semaphore_mem>>
    %dma_wait3A_1262 = arith.constant 0 : i32
    %dma_wait3A_1263 = arith.constant 0 : i32
    %dma_wait3A_1264 = tpu.memref_slice %arg9[%dma_wait3A_1262, %dma_wait3A_1263] : memref<16384x32xf32, #tpu.memory_space<vmem>> -> memref<1x32xf32, #tpu.memory_space<vmem>>
    %dma_wait3A_1265 = arith.constant 0 : i32
    %dma_wait3A_1266 = arith.constant 0 : i32
    %dma_wait3A_1267 = tpu.memref_slice %arg2[%dma_wait3A_1265, %dma_wait3A_1266] : memref<1000000x32xf32, #tpu.memory_space<hbm>> -> memref<1x32xf32, #tpu.memory_space<hbm>>
    tpu.wait_dma2 semaphore(%dma_wait3A_1261 : memref<!tpu.dma_semaphore, #tpu.memory_space<semaphore_mem>>) src(%dma_wait3A_1267 : memref<1x32xf32, #tpu.memory_space<hbm>>) dst(%dma_wait3A_1264 : memref<1x32xf32, #tpu.memory_space<vmem>>)
    %dma_wait3A_1268 = arith.constant 140 : i32
    %dma_wait3A_1269 = tpu.memref_slice %arg10[%dma_wait3A_1268] : memref<256x!tpu.dma_semaphore, #tpu.memory_space<semaphore_mem>> -> memref<1x!tpu.dma_semaphore, #tpu.memory_space<semaphore_mem>>
    %dma_wait3A_1270 = tpu.memref_squeeze %dma_wait3A_1269 : memref<1x!tpu.dma_semaphore, #tpu.memory_space<semaphore_mem>> -> memref<!tpu.dma_semaphore, #tpu.memory_space<semaphore_mem>>
    %dma_wait3A_1271 = arith.constant 0 : i32
    %dma_wait3A_1272 = arith.constant 0 : i32
    %dma_wait3A_1273 = tpu.memref_slice %arg9[%dma_wait3A_1271, %dma_wait3A_1272] : memref<16384x32xf32, #tpu.memory_space<vmem>> -> memref<1x32xf32, #tpu.memory_space<vmem>>
    %dma_wait3A_1274 = arith.constant 0 : i32
    %dma_wait3A_1275 = arith.constant 0 : i32
    %dma_wait3A_1276 = tpu.memref_slice %arg2[%dma_wait3A_1274, %dma_wait3A_1275] : memref<1000000x32xf32, #tpu.memory_space<hbm>> -> memref<1x32xf32, #tpu.memory_space<hbm>>
    tpu.wait_dma2 semaphore(%dma_wait3A_1270 : memref<!tpu.dma_semaphore, #tpu.memory_space<semaphore_mem>>) src(%dma_wait3A_1276 : memref<1x32xf32, #tpu.memory_space<hbm>>) dst(%dma_wait3A_1273 : memref<1x32xf32, #tpu.memory_space<vmem>>)
    %dma_wait3A_1277 = arith.constant 141 : i32
    %dma_wait3A_1278 = tpu.memref_slice %arg10[%dma_wait3A_1277] : memref<256x!tpu.dma_semaphore, #tpu.memory_space<semaphore_mem>> -> memref<1x!tpu.dma_semaphore, #tpu.memory_space<semaphore_mem>>
    %dma_wait3A_1279 = tpu.memref_squeeze %dma_wait3A_1278 : memref<1x!tpu.dma_semaphore, #tpu.memory_space<semaphore_mem>> -> memref<!tpu.dma_semaphore, #tpu.memory_space<semaphore_mem>>
    %dma_wait3A_1280 = arith.constant 0 : i32
    %dma_wait3A_1281 = arith.constant 0 : i32
    %dma_wait3A_1282 = tpu.memref_slice %arg9[%dma_wait3A_1280, %dma_wait3A_1281] : memref<16384x32xf32, #tpu.memory_space<vmem>> -> memref<1x32xf32, #tpu.memory_space<vmem>>
    %dma_wait3A_1283 = arith.constant 0 : i32
    %dma_wait3A_1284 = arith.constant 0 : i32
    %dma_wait3A_1285 = tpu.memref_slice %arg2[%dma_wait3A_1283, %dma_wait3A_1284] : memref<1000000x32xf32, #tpu.memory_space<hbm>> -> memref<1x32xf32, #tpu.memory_space<hbm>>
    tpu.wait_dma2 semaphore(%dma_wait3A_1279 : memref<!tpu.dma_semaphore, #tpu.memory_space<semaphore_mem>>) src(%dma_wait3A_1285 : memref<1x32xf32, #tpu.memory_space<hbm>>) dst(%dma_wait3A_1282 : memref<1x32xf32, #tpu.memory_space<vmem>>)
    %dma_wait3A_1286 = arith.constant 142 : i32
    %dma_wait3A_1287 = tpu.memref_slice %arg10[%dma_wait3A_1286] : memref<256x!tpu.dma_semaphore, #tpu.memory_space<semaphore_mem>> -> memref<1x!tpu.dma_semaphore, #tpu.memory_space<semaphore_mem>>
    %dma_wait3A_1288 = tpu.memref_squeeze %dma_wait3A_1287 : memref<1x!tpu.dma_semaphore, #tpu.memory_space<semaphore_mem>> -> memref<!tpu.dma_semaphore, #tpu.memory_space<semaphore_mem>>
    %dma_wait3A_1289 = arith.constant 0 : i32
    %dma_wait3A_1290 = arith.constant 0 : i32
    %dma_wait3A_1291 = tpu.memref_slice %arg9[%dma_wait3A_1289, %dma_wait3A_1290] : memref<16384x32xf32, #tpu.memory_space<vmem>> -> memref<1x32xf32, #tpu.memory_space<vmem>>
    %dma_wait3A_1292 = arith.constant 0 : i32
    %dma_wait3A_1293 = arith.constant 0 : i32
    %dma_wait3A_1294 = tpu.memref_slice %arg2[%dma_wait3A_1292, %dma_wait3A_1293] : memref<1000000x32xf32, #tpu.memory_space<hbm>> -> memref<1x32xf32, #tpu.memory_space<hbm>>
    tpu.wait_dma2 semaphore(%dma_wait3A_1288 : memref<!tpu.dma_semaphore, #tpu.memory_space<semaphore_mem>>) src(%dma_wait3A_1294 : memref<1x32xf32, #tpu.memory_space<hbm>>) dst(%dma_wait3A_1291 : memref<1x32xf32, #tpu.memory_space<vmem>>)
    %dma_wait3A_1295 = arith.constant 143 : i32
    %dma_wait3A_1296 = tpu.memref_slice %arg10[%dma_wait3A_1295] : memref<256x!tpu.dma_semaphore, #tpu.memory_space<semaphore_mem>> -> memref<1x!tpu.dma_semaphore, #tpu.memory_space<semaphore_mem>>
    %dma_wait3A_1297 = tpu.memref_squeeze %dma_wait3A_1296 : memref<1x!tpu.dma_semaphore, #tpu.memory_space<semaphore_mem>> -> memref<!tpu.dma_semaphore, #tpu.memory_space<semaphore_mem>>
    %dma_wait3A_1298 = arith.constant 0 : i32
    %dma_wait3A_1299 = arith.constant 0 : i32
    %dma_wait3A_1300 = tpu.memref_slice %arg9[%dma_wait3A_1298, %dma_wait3A_1299] : memref<16384x32xf32, #tpu.memory_space<vmem>> -> memref<1x32xf32, #tpu.memory_space<vmem>>
    %dma_wait3A_1301 = arith.constant 0 : i32
    %dma_wait3A_1302 = arith.constant 0 : i32
    %dma_wait3A_1303 = tpu.memref_slice %arg2[%dma_wait3A_1301, %dma_wait3A_1302] : memref<1000000x32xf32, #tpu.memory_space<hbm>> -> memref<1x32xf32, #tpu.memory_space<hbm>>
    tpu.wait_dma2 semaphore(%dma_wait3A_1297 : memref<!tpu.dma_semaphore, #tpu.memory_space<semaphore_mem>>) src(%dma_wait3A_1303 : memref<1x32xf32, #tpu.memory_space<hbm>>) dst(%dma_wait3A_1300 : memref<1x32xf32, #tpu.memory_space<vmem>>)
    %dma_wait3A_1304 = arith.constant 144 : i32
    %dma_wait3A_1305 = tpu.memref_slice %arg10[%dma_wait3A_1304] : memref<256x!tpu.dma_semaphore, #tpu.memory_space<semaphore_mem>> -> memref<1x!tpu.dma_semaphore, #tpu.memory_space<semaphore_mem>>
    %dma_wait3A_1306 = tpu.memref_squeeze %dma_wait3A_1305 : memref<1x!tpu.dma_semaphore, #tpu.memory_space<semaphore_mem>> -> memref<!tpu.dma_semaphore, #tpu.memory_space<semaphore_mem>>
    %dma_wait3A_1307 = arith.constant 0 : i32
    %dma_wait3A_1308 = arith.constant 0 : i32
    %dma_wait3A_1309 = tpu.memref_slice %arg9[%dma_wait3A_1307, %dma_wait3A_1308] : memref<16384x32xf32, #tpu.memory_space<vmem>> -> memref<1x32xf32, #tpu.memory_space<vmem>>
    %dma_wait3A_1310 = arith.constant 0 : i32
    %dma_wait3A_1311 = arith.constant 0 : i32
    %dma_wait3A_1312 = tpu.memref_slice %arg2[%dma_wait3A_1310, %dma_wait3A_1311] : memref<1000000x32xf32, #tpu.memory_space<hbm>> -> memref<1x32xf32, #tpu.memory_space<hbm>>
    tpu.wait_dma2 semaphore(%dma_wait3A_1306 : memref<!tpu.dma_semaphore, #tpu.memory_space<semaphore_mem>>) src(%dma_wait3A_1312 : memref<1x32xf32, #tpu.memory_space<hbm>>) dst(%dma_wait3A_1309 : memref<1x32xf32, #tpu.memory_space<vmem>>)
    %dma_wait3A_1313 = arith.constant 145 : i32
    %dma_wait3A_1314 = tpu.memref_slice %arg10[%dma_wait3A_1313] : memref<256x!tpu.dma_semaphore, #tpu.memory_space<semaphore_mem>> -> memref<1x!tpu.dma_semaphore, #tpu.memory_space<semaphore_mem>>
    %dma_wait3A_1315 = tpu.memref_squeeze %dma_wait3A_1314 : memref<1x!tpu.dma_semaphore, #tpu.memory_space<semaphore_mem>> -> memref<!tpu.dma_semaphore, #tpu.memory_space<semaphore_mem>>
    %dma_wait3A_1316 = arith.constant 0 : i32
    %dma_wait3A_1317 = arith.constant 0 : i32
    %dma_wait3A_1318 = tpu.memref_slice %arg9[%dma_wait3A_1316, %dma_wait3A_1317] : memref<16384x32xf32, #tpu.memory_space<vmem>> -> memref<1x32xf32, #tpu.memory_space<vmem>>
    %dma_wait3A_1319 = arith.constant 0 : i32
    %dma_wait3A_1320 = arith.constant 0 : i32
    %dma_wait3A_1321 = tpu.memref_slice %arg2[%dma_wait3A_1319, %dma_wait3A_1320] : memref<1000000x32xf32, #tpu.memory_space<hbm>> -> memref<1x32xf32, #tpu.memory_space<hbm>>
    tpu.wait_dma2 semaphore(%dma_wait3A_1315 : memref<!tpu.dma_semaphore, #tpu.memory_space<semaphore_mem>>) src(%dma_wait3A_1321 : memref<1x32xf32, #tpu.memory_space<hbm>>) dst(%dma_wait3A_1318 : memref<1x32xf32, #tpu.memory_space<vmem>>)
    %dma_wait3A_1322 = arith.constant 146 : i32
    %dma_wait3A_1323 = tpu.memref_slice %arg10[%dma_wait3A_1322] : memref<256x!tpu.dma_semaphore, #tpu.memory_space<semaphore_mem>> -> memref<1x!tpu.dma_semaphore, #tpu.memory_space<semaphore_mem>>
    %dma_wait3A_1324 = tpu.memref_squeeze %dma_wait3A_1323 : memref<1x!tpu.dma_semaphore, #tpu.memory_space<semaphore_mem>> -> memref<!tpu.dma_semaphore, #tpu.memory_space<semaphore_mem>>
    %dma_wait3A_1325 = arith.constant 0 : i32
    %dma_wait3A_1326 = arith.constant 0 : i32
    %dma_wait3A_1327 = tpu.memref_slice %arg9[%dma_wait3A_1325, %dma_wait3A_1326] : memref<16384x32xf32, #tpu.memory_space<vmem>> -> memref<1x32xf32, #tpu.memory_space<vmem>>
    %dma_wait3A_1328 = arith.constant 0 : i32
    %dma_wait3A_1329 = arith.constant 0 : i32
    %dma_wait3A_1330 = tpu.memref_slice %arg2[%dma_wait3A_1328, %dma_wait3A_1329] : memref<1000000x32xf32, #tpu.memory_space<hbm>> -> memref<1x32xf32, #tpu.memory_space<hbm>>
    tpu.wait_dma2 semaphore(%dma_wait3A_1324 : memref<!tpu.dma_semaphore, #tpu.memory_space<semaphore_mem>>) src(%dma_wait3A_1330 : memref<1x32xf32, #tpu.memory_space<hbm>>) dst(%dma_wait3A_1327 : memref<1x32xf32, #tpu.memory_space<vmem>>)
    %dma_wait3A_1331 = arith.constant 147 : i32
    %dma_wait3A_1332 = tpu.memref_slice %arg10[%dma_wait3A_1331] : memref<256x!tpu.dma_semaphore, #tpu.memory_space<semaphore_mem>> -> memref<1x!tpu.dma_semaphore, #tpu.memory_space<semaphore_mem>>
    %dma_wait3A_1333 = tpu.memref_squeeze %dma_wait3A_1332 : memref<1x!tpu.dma_semaphore, #tpu.memory_space<semaphore_mem>> -> memref<!tpu.dma_semaphore, #tpu.memory_space<semaphore_mem>>
    %dma_wait3A_1334 = arith.constant 0 : i32
    %dma_wait3A_1335 = arith.constant 0 : i32
    %dma_wait3A_1336 = tpu.memref_slice %arg9[%dma_wait3A_1334, %dma_wait3A_1335] : memref<16384x32xf32, #tpu.memory_space<vmem>> -> memref<1x32xf32, #tpu.memory_space<vmem>>
    %dma_wait3A_1337 = arith.constant 0 : i32
    %dma_wait3A_1338 = arith.constant 0 : i32
    %dma_wait3A_1339 = tpu.memref_slice %arg2[%dma_wait3A_1337, %dma_wait3A_1338] : memref<1000000x32xf32, #tpu.memory_space<hbm>> -> memref<1x32xf32, #tpu.memory_space<hbm>>
    tpu.wait_dma2 semaphore(%dma_wait3A_1333 : memref<!tpu.dma_semaphore, #tpu.memory_space<semaphore_mem>>) src(%dma_wait3A_1339 : memref<1x32xf32, #tpu.memory_space<hbm>>) dst(%dma_wait3A_1336 : memref<1x32xf32, #tpu.memory_space<vmem>>)
    %dma_wait3A_1340 = arith.constant 148 : i32
    %dma_wait3A_1341 = tpu.memref_slice %arg10[%dma_wait3A_1340] : memref<256x!tpu.dma_semaphore, #tpu.memory_space<semaphore_mem>> -> memref<1x!tpu.dma_semaphore, #tpu.memory_space<semaphore_mem>>
    %dma_wait3A_1342 = tpu.memref_squeeze %dma_wait3A_1341 : memref<1x!tpu.dma_semaphore, #tpu.memory_space<semaphore_mem>> -> memref<!tpu.dma_semaphore, #tpu.memory_space<semaphore_mem>>
    %dma_wait3A_1343 = arith.constant 0 : i32
    %dma_wait3A_1344 = arith.constant 0 : i32
    %dma_wait3A_1345 = tpu.memref_slice %arg9[%dma_wait3A_1343, %dma_wait3A_1344] : memref<16384x32xf32, #tpu.memory_space<vmem>> -> memref<1x32xf32, #tpu.memory_space<vmem>>
    %dma_wait3A_1346 = arith.constant 0 : i32
    %dma_wait3A_1347 = arith.constant 0 : i32
    %dma_wait3A_1348 = tpu.memref_slice %arg2[%dma_wait3A_1346, %dma_wait3A_1347] : memref<1000000x32xf32, #tpu.memory_space<hbm>> -> memref<1x32xf32, #tpu.memory_space<hbm>>
    tpu.wait_dma2 semaphore(%dma_wait3A_1342 : memref<!tpu.dma_semaphore, #tpu.memory_space<semaphore_mem>>) src(%dma_wait3A_1348 : memref<1x32xf32, #tpu.memory_space<hbm>>) dst(%dma_wait3A_1345 : memref<1x32xf32, #tpu.memory_space<vmem>>)
    %dma_wait3A_1349 = arith.constant 149 : i32
    %dma_wait3A_1350 = tpu.memref_slice %arg10[%dma_wait3A_1349] : memref<256x!tpu.dma_semaphore, #tpu.memory_space<semaphore_mem>> -> memref<1x!tpu.dma_semaphore, #tpu.memory_space<semaphore_mem>>
    %dma_wait3A_1351 = tpu.memref_squeeze %dma_wait3A_1350 : memref<1x!tpu.dma_semaphore, #tpu.memory_space<semaphore_mem>> -> memref<!tpu.dma_semaphore, #tpu.memory_space<semaphore_mem>>
    %dma_wait3A_1352 = arith.constant 0 : i32
    %dma_wait3A_1353 = arith.constant 0 : i32
    %dma_wait3A_1354 = tpu.memref_slice %arg9[%dma_wait3A_1352, %dma_wait3A_1353] : memref<16384x32xf32, #tpu.memory_space<vmem>> -> memref<1x32xf32, #tpu.memory_space<vmem>>
    %dma_wait3A_1355 = arith.constant 0 : i32
    %dma_wait3A_1356 = arith.constant 0 : i32
    %dma_wait3A_1357 = tpu.memref_slice %arg2[%dma_wait3A_1355, %dma_wait3A_1356] : memref<1000000x32xf32, #tpu.memory_space<hbm>> -> memref<1x32xf32, #tpu.memory_space<hbm>>
    tpu.wait_dma2 semaphore(%dma_wait3A_1351 : memref<!tpu.dma_semaphore, #tpu.memory_space<semaphore_mem>>) src(%dma_wait3A_1357 : memref<1x32xf32, #tpu.memory_space<hbm>>) dst(%dma_wait3A_1354 : memref<1x32xf32, #tpu.memory_space<vmem>>)
    %dma_wait3A_1358 = arith.constant 150 : i32
    %dma_wait3A_1359 = tpu.memref_slice %arg10[%dma_wait3A_1358] : memref<256x!tpu.dma_semaphore, #tpu.memory_space<semaphore_mem>> -> memref<1x!tpu.dma_semaphore, #tpu.memory_space<semaphore_mem>>
    %dma_wait3A_1360 = tpu.memref_squeeze %dma_wait3A_1359 : memref<1x!tpu.dma_semaphore, #tpu.memory_space<semaphore_mem>> -> memref<!tpu.dma_semaphore, #tpu.memory_space<semaphore_mem>>
    %dma_wait3A_1361 = arith.constant 0 : i32
    %dma_wait3A_1362 = arith.constant 0 : i32
    %dma_wait3A_1363 = tpu.memref_slice %arg9[%dma_wait3A_1361, %dma_wait3A_1362] : memref<16384x32xf32, #tpu.memory_space<vmem>> -> memref<1x32xf32, #tpu.memory_space<vmem>>
    %dma_wait3A_1364 = arith.constant 0 : i32
    %dma_wait3A_1365 = arith.constant 0 : i32
    %dma_wait3A_1366 = tpu.memref_slice %arg2[%dma_wait3A_1364, %dma_wait3A_1365] : memref<1000000x32xf32, #tpu.memory_space<hbm>> -> memref<1x32xf32, #tpu.memory_space<hbm>>
    tpu.wait_dma2 semaphore(%dma_wait3A_1360 : memref<!tpu.dma_semaphore, #tpu.memory_space<semaphore_mem>>) src(%dma_wait3A_1366 : memref<1x32xf32, #tpu.memory_space<hbm>>) dst(%dma_wait3A_1363 : memref<1x32xf32, #tpu.memory_space<vmem>>)
    %dma_wait3A_1367 = arith.constant 151 : i32
    %dma_wait3A_1368 = tpu.memref_slice %arg10[%dma_wait3A_1367] : memref<256x!tpu.dma_semaphore, #tpu.memory_space<semaphore_mem>> -> memref<1x!tpu.dma_semaphore, #tpu.memory_space<semaphore_mem>>
    %dma_wait3A_1369 = tpu.memref_squeeze %dma_wait3A_1368 : memref<1x!tpu.dma_semaphore, #tpu.memory_space<semaphore_mem>> -> memref<!tpu.dma_semaphore, #tpu.memory_space<semaphore_mem>>
    %dma_wait3A_1370 = arith.constant 0 : i32
    %dma_wait3A_1371 = arith.constant 0 : i32
    %dma_wait3A_1372 = tpu.memref_slice %arg9[%dma_wait3A_1370, %dma_wait3A_1371] : memref<16384x32xf32, #tpu.memory_space<vmem>> -> memref<1x32xf32, #tpu.memory_space<vmem>>
    %dma_wait3A_1373 = arith.constant 0 : i32
    %dma_wait3A_1374 = arith.constant 0 : i32
    %dma_wait3A_1375 = tpu.memref_slice %arg2[%dma_wait3A_1373, %dma_wait3A_1374] : memref<1000000x32xf32, #tpu.memory_space<hbm>> -> memref<1x32xf32, #tpu.memory_space<hbm>>
    tpu.wait_dma2 semaphore(%dma_wait3A_1369 : memref<!tpu.dma_semaphore, #tpu.memory_space<semaphore_mem>>) src(%dma_wait3A_1375 : memref<1x32xf32, #tpu.memory_space<hbm>>) dst(%dma_wait3A_1372 : memref<1x32xf32, #tpu.memory_space<vmem>>)
    %dma_wait3A_1376 = arith.constant 152 : i32
    %dma_wait3A_1377 = tpu.memref_slice %arg10[%dma_wait3A_1376] : memref<256x!tpu.dma_semaphore, #tpu.memory_space<semaphore_mem>> -> memref<1x!tpu.dma_semaphore, #tpu.memory_space<semaphore_mem>>
    %dma_wait3A_1378 = tpu.memref_squeeze %dma_wait3A_1377 : memref<1x!tpu.dma_semaphore, #tpu.memory_space<semaphore_mem>> -> memref<!tpu.dma_semaphore, #tpu.memory_space<semaphore_mem>>
    %dma_wait3A_1379 = arith.constant 0 : i32
    %dma_wait3A_1380 = arith.constant 0 : i32
    %dma_wait3A_1381 = tpu.memref_slice %arg9[%dma_wait3A_1379, %dma_wait3A_1380] : memref<16384x32xf32, #tpu.memory_space<vmem>> -> memref<1x32xf32, #tpu.memory_space<vmem>>
    %dma_wait3A_1382 = arith.constant 0 : i32
    %dma_wait3A_1383 = arith.constant 0 : i32
    %dma_wait3A_1384 = tpu.memref_slice %arg2[%dma_wait3A_1382, %dma_wait3A_1383] : memref<1000000x32xf32, #tpu.memory_space<hbm>> -> memref<1x32xf32, #tpu.memory_space<hbm>>
    tpu.wait_dma2 semaphore(%dma_wait3A_1378 : memref<!tpu.dma_semaphore, #tpu.memory_space<semaphore_mem>>) src(%dma_wait3A_1384 : memref<1x32xf32, #tpu.memory_space<hbm>>) dst(%dma_wait3A_1381 : memref<1x32xf32, #tpu.memory_space<vmem>>)
    %dma_wait3A_1385 = arith.constant 153 : i32
    %dma_wait3A_1386 = tpu.memref_slice %arg10[%dma_wait3A_1385] : memref<256x!tpu.dma_semaphore, #tpu.memory_space<semaphore_mem>> -> memref<1x!tpu.dma_semaphore, #tpu.memory_space<semaphore_mem>>
    %dma_wait3A_1387 = tpu.memref_squeeze %dma_wait3A_1386 : memref<1x!tpu.dma_semaphore, #tpu.memory_space<semaphore_mem>> -> memref<!tpu.dma_semaphore, #tpu.memory_space<semaphore_mem>>
    %dma_wait3A_1388 = arith.constant 0 : i32
    %dma_wait3A_1389 = arith.constant 0 : i32
    %dma_wait3A_1390 = tpu.memref_slice %arg9[%dma_wait3A_1388, %dma_wait3A_1389] : memref<16384x32xf32, #tpu.memory_space<vmem>> -> memref<1x32xf32, #tpu.memory_space<vmem>>
    %dma_wait3A_1391 = arith.constant 0 : i32
    %dma_wait3A_1392 = arith.constant 0 : i32
    %dma_wait3A_1393 = tpu.memref_slice %arg2[%dma_wait3A_1391, %dma_wait3A_1392] : memref<1000000x32xf32, #tpu.memory_space<hbm>> -> memref<1x32xf32, #tpu.memory_space<hbm>>
    tpu.wait_dma2 semaphore(%dma_wait3A_1387 : memref<!tpu.dma_semaphore, #tpu.memory_space<semaphore_mem>>) src(%dma_wait3A_1393 : memref<1x32xf32, #tpu.memory_space<hbm>>) dst(%dma_wait3A_1390 : memref<1x32xf32, #tpu.memory_space<vmem>>)
    %dma_wait3A_1394 = arith.constant 154 : i32
    %dma_wait3A_1395 = tpu.memref_slice %arg10[%dma_wait3A_1394] : memref<256x!tpu.dma_semaphore, #tpu.memory_space<semaphore_mem>> -> memref<1x!tpu.dma_semaphore, #tpu.memory_space<semaphore_mem>>
    %dma_wait3A_1396 = tpu.memref_squeeze %dma_wait3A_1395 : memref<1x!tpu.dma_semaphore, #tpu.memory_space<semaphore_mem>> -> memref<!tpu.dma_semaphore, #tpu.memory_space<semaphore_mem>>
    %dma_wait3A_1397 = arith.constant 0 : i32
    %dma_wait3A_1398 = arith.constant 0 : i32
    %dma_wait3A_1399 = tpu.memref_slice %arg9[%dma_wait3A_1397, %dma_wait3A_1398] : memref<16384x32xf32, #tpu.memory_space<vmem>> -> memref<1x32xf32, #tpu.memory_space<vmem>>
    %dma_wait3A_1400 = arith.constant 0 : i32
    %dma_wait3A_1401 = arith.constant 0 : i32
    %dma_wait3A_1402 = tpu.memref_slice %arg2[%dma_wait3A_1400, %dma_wait3A_1401] : memref<1000000x32xf32, #tpu.memory_space<hbm>> -> memref<1x32xf32, #tpu.memory_space<hbm>>
    tpu.wait_dma2 semaphore(%dma_wait3A_1396 : memref<!tpu.dma_semaphore, #tpu.memory_space<semaphore_mem>>) src(%dma_wait3A_1402 : memref<1x32xf32, #tpu.memory_space<hbm>>) dst(%dma_wait3A_1399 : memref<1x32xf32, #tpu.memory_space<vmem>>)
    %dma_wait3A_1403 = arith.constant 155 : i32
    %dma_wait3A_1404 = tpu.memref_slice %arg10[%dma_wait3A_1403] : memref<256x!tpu.dma_semaphore, #tpu.memory_space<semaphore_mem>> -> memref<1x!tpu.dma_semaphore, #tpu.memory_space<semaphore_mem>>
    %dma_wait3A_1405 = tpu.memref_squeeze %dma_wait3A_1404 : memref<1x!tpu.dma_semaphore, #tpu.memory_space<semaphore_mem>> -> memref<!tpu.dma_semaphore, #tpu.memory_space<semaphore_mem>>
    %dma_wait3A_1406 = arith.constant 0 : i32
    %dma_wait3A_1407 = arith.constant 0 : i32
    %dma_wait3A_1408 = tpu.memref_slice %arg9[%dma_wait3A_1406, %dma_wait3A_1407] : memref<16384x32xf32, #tpu.memory_space<vmem>> -> memref<1x32xf32, #tpu.memory_space<vmem>>
    %dma_wait3A_1409 = arith.constant 0 : i32
    %dma_wait3A_1410 = arith.constant 0 : i32
    %dma_wait3A_1411 = tpu.memref_slice %arg2[%dma_wait3A_1409, %dma_wait3A_1410] : memref<1000000x32xf32, #tpu.memory_space<hbm>> -> memref<1x32xf32, #tpu.memory_space<hbm>>
    tpu.wait_dma2 semaphore(%dma_wait3A_1405 : memref<!tpu.dma_semaphore, #tpu.memory_space<semaphore_mem>>) src(%dma_wait3A_1411 : memref<1x32xf32, #tpu.memory_space<hbm>>) dst(%dma_wait3A_1408 : memref<1x32xf32, #tpu.memory_space<vmem>>)
    %dma_wait3A_1412 = arith.constant 156 : i32
    %dma_wait3A_1413 = tpu.memref_slice %arg10[%dma_wait3A_1412] : memref<256x!tpu.dma_semaphore, #tpu.memory_space<semaphore_mem>> -> memref<1x!tpu.dma_semaphore, #tpu.memory_space<semaphore_mem>>
    %dma_wait3A_1414 = tpu.memref_squeeze %dma_wait3A_1413 : memref<1x!tpu.dma_semaphore, #tpu.memory_space<semaphore_mem>> -> memref<!tpu.dma_semaphore, #tpu.memory_space<semaphore_mem>>
    %dma_wait3A_1415 = arith.constant 0 : i32
    %dma_wait3A_1416 = arith.constant 0 : i32
    %dma_wait3A_1417 = tpu.memref_slice %arg9[%dma_wait3A_1415, %dma_wait3A_1416] : memref<16384x32xf32, #tpu.memory_space<vmem>> -> memref<1x32xf32, #tpu.memory_space<vmem>>
    %dma_wait3A_1418 = arith.constant 0 : i32
    %dma_wait3A_1419 = arith.constant 0 : i32
    %dma_wait3A_1420 = tpu.memref_slice %arg2[%dma_wait3A_1418, %dma_wait3A_1419] : memref<1000000x32xf32, #tpu.memory_space<hbm>> -> memref<1x32xf32, #tpu.memory_space<hbm>>
    tpu.wait_dma2 semaphore(%dma_wait3A_1414 : memref<!tpu.dma_semaphore, #tpu.memory_space<semaphore_mem>>) src(%dma_wait3A_1420 : memref<1x32xf32, #tpu.memory_space<hbm>>) dst(%dma_wait3A_1417 : memref<1x32xf32, #tpu.memory_space<vmem>>)
    %dma_wait3A_1421 = arith.constant 157 : i32
    %dma_wait3A_1422 = tpu.memref_slice %arg10[%dma_wait3A_1421] : memref<256x!tpu.dma_semaphore, #tpu.memory_space<semaphore_mem>> -> memref<1x!tpu.dma_semaphore, #tpu.memory_space<semaphore_mem>>
    %dma_wait3A_1423 = tpu.memref_squeeze %dma_wait3A_1422 : memref<1x!tpu.dma_semaphore, #tpu.memory_space<semaphore_mem>> -> memref<!tpu.dma_semaphore, #tpu.memory_space<semaphore_mem>>
    %dma_wait3A_1424 = arith.constant 0 : i32
    %dma_wait3A_1425 = arith.constant 0 : i32
    %dma_wait3A_1426 = tpu.memref_slice %arg9[%dma_wait3A_1424, %dma_wait3A_1425] : memref<16384x32xf32, #tpu.memory_space<vmem>> -> memref<1x32xf32, #tpu.memory_space<vmem>>
    %dma_wait3A_1427 = arith.constant 0 : i32
    %dma_wait3A_1428 = arith.constant 0 : i32
    %dma_wait3A_1429 = tpu.memref_slice %arg2[%dma_wait3A_1427, %dma_wait3A_1428] : memref<1000000x32xf32, #tpu.memory_space<hbm>> -> memref<1x32xf32, #tpu.memory_space<hbm>>
    tpu.wait_dma2 semaphore(%dma_wait3A_1423 : memref<!tpu.dma_semaphore, #tpu.memory_space<semaphore_mem>>) src(%dma_wait3A_1429 : memref<1x32xf32, #tpu.memory_space<hbm>>) dst(%dma_wait3A_1426 : memref<1x32xf32, #tpu.memory_space<vmem>>)
    %dma_wait3A_1430 = arith.constant 158 : i32
    %dma_wait3A_1431 = tpu.memref_slice %arg10[%dma_wait3A_1430] : memref<256x!tpu.dma_semaphore, #tpu.memory_space<semaphore_mem>> -> memref<1x!tpu.dma_semaphore, #tpu.memory_space<semaphore_mem>>
    %dma_wait3A_1432 = tpu.memref_squeeze %dma_wait3A_1431 : memref<1x!tpu.dma_semaphore, #tpu.memory_space<semaphore_mem>> -> memref<!tpu.dma_semaphore, #tpu.memory_space<semaphore_mem>>
    %dma_wait3A_1433 = arith.constant 0 : i32
    %dma_wait3A_1434 = arith.constant 0 : i32
    %dma_wait3A_1435 = tpu.memref_slice %arg9[%dma_wait3A_1433, %dma_wait3A_1434] : memref<16384x32xf32, #tpu.memory_space<vmem>> -> memref<1x32xf32, #tpu.memory_space<vmem>>
    %dma_wait3A_1436 = arith.constant 0 : i32
    %dma_wait3A_1437 = arith.constant 0 : i32
    %dma_wait3A_1438 = tpu.memref_slice %arg2[%dma_wait3A_1436, %dma_wait3A_1437] : memref<1000000x32xf32, #tpu.memory_space<hbm>> -> memref<1x32xf32, #tpu.memory_space<hbm>>
    tpu.wait_dma2 semaphore(%dma_wait3A_1432 : memref<!tpu.dma_semaphore, #tpu.memory_space<semaphore_mem>>) src(%dma_wait3A_1438 : memref<1x32xf32, #tpu.memory_space<hbm>>) dst(%dma_wait3A_1435 : memref<1x32xf32, #tpu.memory_space<vmem>>)
    %dma_wait3A_1439 = arith.constant 159 : i32
    %dma_wait3A_1440 = tpu.memref_slice %arg10[%dma_wait3A_1439] : memref<256x!tpu.dma_semaphore, #tpu.memory_space<semaphore_mem>> -> memref<1x!tpu.dma_semaphore, #tpu.memory_space<semaphore_mem>>
    %dma_wait3A_1441 = tpu.memref_squeeze %dma_wait3A_1440 : memref<1x!tpu.dma_semaphore, #tpu.memory_space<semaphore_mem>> -> memref<!tpu.dma_semaphore, #tpu.memory_space<semaphore_mem>>
    %dma_wait3A_1442 = arith.constant 0 : i32
    %dma_wait3A_1443 = arith.constant 0 : i32
    %dma_wait3A_1444 = tpu.memref_slice %arg9[%dma_wait3A_1442, %dma_wait3A_1443] : memref<16384x32xf32, #tpu.memory_space<vmem>> -> memref<1x32xf32, #tpu.memory_space<vmem>>
    %dma_wait3A_1445 = arith.constant 0 : i32
    %dma_wait3A_1446 = arith.constant 0 : i32
    %dma_wait3A_1447 = tpu.memref_slice %arg2[%dma_wait3A_1445, %dma_wait3A_1446] : memref<1000000x32xf32, #tpu.memory_space<hbm>> -> memref<1x32xf32, #tpu.memory_space<hbm>>
    tpu.wait_dma2 semaphore(%dma_wait3A_1441 : memref<!tpu.dma_semaphore, #tpu.memory_space<semaphore_mem>>) src(%dma_wait3A_1447 : memref<1x32xf32, #tpu.memory_space<hbm>>) dst(%dma_wait3A_1444 : memref<1x32xf32, #tpu.memory_space<vmem>>)
    %dma_wait3A_1448 = arith.constant 160 : i32
    %dma_wait3A_1449 = tpu.memref_slice %arg10[%dma_wait3A_1448] : memref<256x!tpu.dma_semaphore, #tpu.memory_space<semaphore_mem>> -> memref<1x!tpu.dma_semaphore, #tpu.memory_space<semaphore_mem>>
    %dma_wait3A_1450 = tpu.memref_squeeze %dma_wait3A_1449 : memref<1x!tpu.dma_semaphore, #tpu.memory_space<semaphore_mem>> -> memref<!tpu.dma_semaphore, #tpu.memory_space<semaphore_mem>>
    %dma_wait3A_1451 = arith.constant 0 : i32
    %dma_wait3A_1452 = arith.constant 0 : i32
    %dma_wait3A_1453 = tpu.memref_slice %arg9[%dma_wait3A_1451, %dma_wait3A_1452] : memref<16384x32xf32, #tpu.memory_space<vmem>> -> memref<1x32xf32, #tpu.memory_space<vmem>>
    %dma_wait3A_1454 = arith.constant 0 : i32
    %dma_wait3A_1455 = arith.constant 0 : i32
    %dma_wait3A_1456 = tpu.memref_slice %arg2[%dma_wait3A_1454, %dma_wait3A_1455] : memref<1000000x32xf32, #tpu.memory_space<hbm>> -> memref<1x32xf32, #tpu.memory_space<hbm>>
    tpu.wait_dma2 semaphore(%dma_wait3A_1450 : memref<!tpu.dma_semaphore, #tpu.memory_space<semaphore_mem>>) src(%dma_wait3A_1456 : memref<1x32xf32, #tpu.memory_space<hbm>>) dst(%dma_wait3A_1453 : memref<1x32xf32, #tpu.memory_space<vmem>>)
    %dma_wait3A_1457 = arith.constant 161 : i32
    %dma_wait3A_1458 = tpu.memref_slice %arg10[%dma_wait3A_1457] : memref<256x!tpu.dma_semaphore, #tpu.memory_space<semaphore_mem>> -> memref<1x!tpu.dma_semaphore, #tpu.memory_space<semaphore_mem>>
    %dma_wait3A_1459 = tpu.memref_squeeze %dma_wait3A_1458 : memref<1x!tpu.dma_semaphore, #tpu.memory_space<semaphore_mem>> -> memref<!tpu.dma_semaphore, #tpu.memory_space<semaphore_mem>>
    %dma_wait3A_1460 = arith.constant 0 : i32
    %dma_wait3A_1461 = arith.constant 0 : i32
    %dma_wait3A_1462 = tpu.memref_slice %arg9[%dma_wait3A_1460, %dma_wait3A_1461] : memref<16384x32xf32, #tpu.memory_space<vmem>> -> memref<1x32xf32, #tpu.memory_space<vmem>>
    %dma_wait3A_1463 = arith.constant 0 : i32
    %dma_wait3A_1464 = arith.constant 0 : i32
    %dma_wait3A_1465 = tpu.memref_slice %arg2[%dma_wait3A_1463, %dma_wait3A_1464] : memref<1000000x32xf32, #tpu.memory_space<hbm>> -> memref<1x32xf32, #tpu.memory_space<hbm>>
    tpu.wait_dma2 semaphore(%dma_wait3A_1459 : memref<!tpu.dma_semaphore, #tpu.memory_space<semaphore_mem>>) src(%dma_wait3A_1465 : memref<1x32xf32, #tpu.memory_space<hbm>>) dst(%dma_wait3A_1462 : memref<1x32xf32, #tpu.memory_space<vmem>>)
    %dma_wait3A_1466 = arith.constant 162 : i32
    %dma_wait3A_1467 = tpu.memref_slice %arg10[%dma_wait3A_1466] : memref<256x!tpu.dma_semaphore, #tpu.memory_space<semaphore_mem>> -> memref<1x!tpu.dma_semaphore, #tpu.memory_space<semaphore_mem>>
    %dma_wait3A_1468 = tpu.memref_squeeze %dma_wait3A_1467 : memref<1x!tpu.dma_semaphore, #tpu.memory_space<semaphore_mem>> -> memref<!tpu.dma_semaphore, #tpu.memory_space<semaphore_mem>>
    %dma_wait3A_1469 = arith.constant 0 : i32
    %dma_wait3A_1470 = arith.constant 0 : i32
    %dma_wait3A_1471 = tpu.memref_slice %arg9[%dma_wait3A_1469, %dma_wait3A_1470] : memref<16384x32xf32, #tpu.memory_space<vmem>> -> memref<1x32xf32, #tpu.memory_space<vmem>>
    %dma_wait3A_1472 = arith.constant 0 : i32
    %dma_wait3A_1473 = arith.constant 0 : i32
    %dma_wait3A_1474 = tpu.memref_slice %arg2[%dma_wait3A_1472, %dma_wait3A_1473] : memref<1000000x32xf32, #tpu.memory_space<hbm>> -> memref<1x32xf32, #tpu.memory_space<hbm>>
    tpu.wait_dma2 semaphore(%dma_wait3A_1468 : memref<!tpu.dma_semaphore, #tpu.memory_space<semaphore_mem>>) src(%dma_wait3A_1474 : memref<1x32xf32, #tpu.memory_space<hbm>>) dst(%dma_wait3A_1471 : memref<1x32xf32, #tpu.memory_space<vmem>>)
    %dma_wait3A_1475 = arith.constant 163 : i32
    %dma_wait3A_1476 = tpu.memref_slice %arg10[%dma_wait3A_1475] : memref<256x!tpu.dma_semaphore, #tpu.memory_space<semaphore_mem>> -> memref<1x!tpu.dma_semaphore, #tpu.memory_space<semaphore_mem>>
    %dma_wait3A_1477 = tpu.memref_squeeze %dma_wait3A_1476 : memref<1x!tpu.dma_semaphore, #tpu.memory_space<semaphore_mem>> -> memref<!tpu.dma_semaphore, #tpu.memory_space<semaphore_mem>>
    %dma_wait3A_1478 = arith.constant 0 : i32
    %dma_wait3A_1479 = arith.constant 0 : i32
    %dma_wait3A_1480 = tpu.memref_slice %arg9[%dma_wait3A_1478, %dma_wait3A_1479] : memref<16384x32xf32, #tpu.memory_space<vmem>> -> memref<1x32xf32, #tpu.memory_space<vmem>>
    %dma_wait3A_1481 = arith.constant 0 : i32
    %dma_wait3A_1482 = arith.constant 0 : i32
    %dma_wait3A_1483 = tpu.memref_slice %arg2[%dma_wait3A_1481, %dma_wait3A_1482] : memref<1000000x32xf32, #tpu.memory_space<hbm>> -> memref<1x32xf32, #tpu.memory_space<hbm>>
    tpu.wait_dma2 semaphore(%dma_wait3A_1477 : memref<!tpu.dma_semaphore, #tpu.memory_space<semaphore_mem>>) src(%dma_wait3A_1483 : memref<1x32xf32, #tpu.memory_space<hbm>>) dst(%dma_wait3A_1480 : memref<1x32xf32, #tpu.memory_space<vmem>>)
    %dma_wait3A_1484 = arith.constant 164 : i32
    %dma_wait3A_1485 = tpu.memref_slice %arg10[%dma_wait3A_1484] : memref<256x!tpu.dma_semaphore, #tpu.memory_space<semaphore_mem>> -> memref<1x!tpu.dma_semaphore, #tpu.memory_space<semaphore_mem>>
    %dma_wait3A_1486 = tpu.memref_squeeze %dma_wait3A_1485 : memref<1x!tpu.dma_semaphore, #tpu.memory_space<semaphore_mem>> -> memref<!tpu.dma_semaphore, #tpu.memory_space<semaphore_mem>>
    %dma_wait3A_1487 = arith.constant 0 : i32
    %dma_wait3A_1488 = arith.constant 0 : i32
    %dma_wait3A_1489 = tpu.memref_slice %arg9[%dma_wait3A_1487, %dma_wait3A_1488] : memref<16384x32xf32, #tpu.memory_space<vmem>> -> memref<1x32xf32, #tpu.memory_space<vmem>>
    %dma_wait3A_1490 = arith.constant 0 : i32
    %dma_wait3A_1491 = arith.constant 0 : i32
    %dma_wait3A_1492 = tpu.memref_slice %arg2[%dma_wait3A_1490, %dma_wait3A_1491] : memref<1000000x32xf32, #tpu.memory_space<hbm>> -> memref<1x32xf32, #tpu.memory_space<hbm>>
    tpu.wait_dma2 semaphore(%dma_wait3A_1486 : memref<!tpu.dma_semaphore, #tpu.memory_space<semaphore_mem>>) src(%dma_wait3A_1492 : memref<1x32xf32, #tpu.memory_space<hbm>>) dst(%dma_wait3A_1489 : memref<1x32xf32, #tpu.memory_space<vmem>>)
    %dma_wait3A_1493 = arith.constant 165 : i32
    %dma_wait3A_1494 = tpu.memref_slice %arg10[%dma_wait3A_1493] : memref<256x!tpu.dma_semaphore, #tpu.memory_space<semaphore_mem>> -> memref<1x!tpu.dma_semaphore, #tpu.memory_space<semaphore_mem>>
    %dma_wait3A_1495 = tpu.memref_squeeze %dma_wait3A_1494 : memref<1x!tpu.dma_semaphore, #tpu.memory_space<semaphore_mem>> -> memref<!tpu.dma_semaphore, #tpu.memory_space<semaphore_mem>>
    %dma_wait3A_1496 = arith.constant 0 : i32
    %dma_wait3A_1497 = arith.constant 0 : i32
    %dma_wait3A_1498 = tpu.memref_slice %arg9[%dma_wait3A_1496, %dma_wait3A_1497] : memref<16384x32xf32, #tpu.memory_space<vmem>> -> memref<1x32xf32, #tpu.memory_space<vmem>>
    %dma_wait3A_1499 = arith.constant 0 : i32
    %dma_wait3A_1500 = arith.constant 0 : i32
    %dma_wait3A_1501 = tpu.memref_slice %arg2[%dma_wait3A_1499, %dma_wait3A_1500] : memref<1000000x32xf32, #tpu.memory_space<hbm>> -> memref<1x32xf32, #tpu.memory_space<hbm>>
    tpu.wait_dma2 semaphore(%dma_wait3A_1495 : memref<!tpu.dma_semaphore, #tpu.memory_space<semaphore_mem>>) src(%dma_wait3A_1501 : memref<1x32xf32, #tpu.memory_space<hbm>>) dst(%dma_wait3A_1498 : memref<1x32xf32, #tpu.memory_space<vmem>>)
    %dma_wait3A_1502 = arith.constant 166 : i32
    %dma_wait3A_1503 = tpu.memref_slice %arg10[%dma_wait3A_1502] : memref<256x!tpu.dma_semaphore, #tpu.memory_space<semaphore_mem>> -> memref<1x!tpu.dma_semaphore, #tpu.memory_space<semaphore_mem>>
    %dma_wait3A_1504 = tpu.memref_squeeze %dma_wait3A_1503 : memref<1x!tpu.dma_semaphore, #tpu.memory_space<semaphore_mem>> -> memref<!tpu.dma_semaphore, #tpu.memory_space<semaphore_mem>>
    %dma_wait3A_1505 = arith.constant 0 : i32
    %dma_wait3A_1506 = arith.constant 0 : i32
    %dma_wait3A_1507 = tpu.memref_slice %arg9[%dma_wait3A_1505, %dma_wait3A_1506] : memref<16384x32xf32, #tpu.memory_space<vmem>> -> memref<1x32xf32, #tpu.memory_space<vmem>>
    %dma_wait3A_1508 = arith.constant 0 : i32
    %dma_wait3A_1509 = arith.constant 0 : i32
    %dma_wait3A_1510 = tpu.memref_slice %arg2[%dma_wait3A_1508, %dma_wait3A_1509] : memref<1000000x32xf32, #tpu.memory_space<hbm>> -> memref<1x32xf32, #tpu.memory_space<hbm>>
    tpu.wait_dma2 semaphore(%dma_wait3A_1504 : memref<!tpu.dma_semaphore, #tpu.memory_space<semaphore_mem>>) src(%dma_wait3A_1510 : memref<1x32xf32, #tpu.memory_space<hbm>>) dst(%dma_wait3A_1507 : memref<1x32xf32, #tpu.memory_space<vmem>>)
    %dma_wait3A_1511 = arith.constant 167 : i32
    %dma_wait3A_1512 = tpu.memref_slice %arg10[%dma_wait3A_1511] : memref<256x!tpu.dma_semaphore, #tpu.memory_space<semaphore_mem>> -> memref<1x!tpu.dma_semaphore, #tpu.memory_space<semaphore_mem>>
    %dma_wait3A_1513 = tpu.memref_squeeze %dma_wait3A_1512 : memref<1x!tpu.dma_semaphore, #tpu.memory_space<semaphore_mem>> -> memref<!tpu.dma_semaphore, #tpu.memory_space<semaphore_mem>>
    %dma_wait3A_1514 = arith.constant 0 : i32
    %dma_wait3A_1515 = arith.constant 0 : i32
    %dma_wait3A_1516 = tpu.memref_slice %arg9[%dma_wait3A_1514, %dma_wait3A_1515] : memref<16384x32xf32, #tpu.memory_space<vmem>> -> memref<1x32xf32, #tpu.memory_space<vmem>>
    %dma_wait3A_1517 = arith.constant 0 : i32
    %dma_wait3A_1518 = arith.constant 0 : i32
    %dma_wait3A_1519 = tpu.memref_slice %arg2[%dma_wait3A_1517, %dma_wait3A_1518] : memref<1000000x32xf32, #tpu.memory_space<hbm>> -> memref<1x32xf32, #tpu.memory_space<hbm>>
    tpu.wait_dma2 semaphore(%dma_wait3A_1513 : memref<!tpu.dma_semaphore, #tpu.memory_space<semaphore_mem>>) src(%dma_wait3A_1519 : memref<1x32xf32, #tpu.memory_space<hbm>>) dst(%dma_wait3A_1516 : memref<1x32xf32, #tpu.memory_space<vmem>>)
    %dma_wait3A_1520 = arith.constant 168 : i32
    %dma_wait3A_1521 = tpu.memref_slice %arg10[%dma_wait3A_1520] : memref<256x!tpu.dma_semaphore, #tpu.memory_space<semaphore_mem>> -> memref<1x!tpu.dma_semaphore, #tpu.memory_space<semaphore_mem>>
    %dma_wait3A_1522 = tpu.memref_squeeze %dma_wait3A_1521 : memref<1x!tpu.dma_semaphore, #tpu.memory_space<semaphore_mem>> -> memref<!tpu.dma_semaphore, #tpu.memory_space<semaphore_mem>>
    %dma_wait3A_1523 = arith.constant 0 : i32
    %dma_wait3A_1524 = arith.constant 0 : i32
    %dma_wait3A_1525 = tpu.memref_slice %arg9[%dma_wait3A_1523, %dma_wait3A_1524] : memref<16384x32xf32, #tpu.memory_space<vmem>> -> memref<1x32xf32, #tpu.memory_space<vmem>>
    %dma_wait3A_1526 = arith.constant 0 : i32
    %dma_wait3A_1527 = arith.constant 0 : i32
    %dma_wait3A_1528 = tpu.memref_slice %arg2[%dma_wait3A_1526, %dma_wait3A_1527] : memref<1000000x32xf32, #tpu.memory_space<hbm>> -> memref<1x32xf32, #tpu.memory_space<hbm>>
    tpu.wait_dma2 semaphore(%dma_wait3A_1522 : memref<!tpu.dma_semaphore, #tpu.memory_space<semaphore_mem>>) src(%dma_wait3A_1528 : memref<1x32xf32, #tpu.memory_space<hbm>>) dst(%dma_wait3A_1525 : memref<1x32xf32, #tpu.memory_space<vmem>>)
    %dma_wait3A_1529 = arith.constant 169 : i32
    %dma_wait3A_1530 = tpu.memref_slice %arg10[%dma_wait3A_1529] : memref<256x!tpu.dma_semaphore, #tpu.memory_space<semaphore_mem>> -> memref<1x!tpu.dma_semaphore, #tpu.memory_space<semaphore_mem>>
    %dma_wait3A_1531 = tpu.memref_squeeze %dma_wait3A_1530 : memref<1x!tpu.dma_semaphore, #tpu.memory_space<semaphore_mem>> -> memref<!tpu.dma_semaphore, #tpu.memory_space<semaphore_mem>>
    %dma_wait3A_1532 = arith.constant 0 : i32
    %dma_wait3A_1533 = arith.constant 0 : i32
    %dma_wait3A_1534 = tpu.memref_slice %arg9[%dma_wait3A_1532, %dma_wait3A_1533] : memref<16384x32xf32, #tpu.memory_space<vmem>> -> memref<1x32xf32, #tpu.memory_space<vmem>>
    %dma_wait3A_1535 = arith.constant 0 : i32
    %dma_wait3A_1536 = arith.constant 0 : i32
    %dma_wait3A_1537 = tpu.memref_slice %arg2[%dma_wait3A_1535, %dma_wait3A_1536] : memref<1000000x32xf32, #tpu.memory_space<hbm>> -> memref<1x32xf32, #tpu.memory_space<hbm>>
    tpu.wait_dma2 semaphore(%dma_wait3A_1531 : memref<!tpu.dma_semaphore, #tpu.memory_space<semaphore_mem>>) src(%dma_wait3A_1537 : memref<1x32xf32, #tpu.memory_space<hbm>>) dst(%dma_wait3A_1534 : memref<1x32xf32, #tpu.memory_space<vmem>>)
    %dma_wait3A_1538 = arith.constant 170 : i32
    %dma_wait3A_1539 = tpu.memref_slice %arg10[%dma_wait3A_1538] : memref<256x!tpu.dma_semaphore, #tpu.memory_space<semaphore_mem>> -> memref<1x!tpu.dma_semaphore, #tpu.memory_space<semaphore_mem>>
    %dma_wait3A_1540 = tpu.memref_squeeze %dma_wait3A_1539 : memref<1x!tpu.dma_semaphore, #tpu.memory_space<semaphore_mem>> -> memref<!tpu.dma_semaphore, #tpu.memory_space<semaphore_mem>>
    %dma_wait3A_1541 = arith.constant 0 : i32
    %dma_wait3A_1542 = arith.constant 0 : i32
    %dma_wait3A_1543 = tpu.memref_slice %arg9[%dma_wait3A_1541, %dma_wait3A_1542] : memref<16384x32xf32, #tpu.memory_space<vmem>> -> memref<1x32xf32, #tpu.memory_space<vmem>>
    %dma_wait3A_1544 = arith.constant 0 : i32
    %dma_wait3A_1545 = arith.constant 0 : i32
    %dma_wait3A_1546 = tpu.memref_slice %arg2[%dma_wait3A_1544, %dma_wait3A_1545] : memref<1000000x32xf32, #tpu.memory_space<hbm>> -> memref<1x32xf32, #tpu.memory_space<hbm>>
    tpu.wait_dma2 semaphore(%dma_wait3A_1540 : memref<!tpu.dma_semaphore, #tpu.memory_space<semaphore_mem>>) src(%dma_wait3A_1546 : memref<1x32xf32, #tpu.memory_space<hbm>>) dst(%dma_wait3A_1543 : memref<1x32xf32, #tpu.memory_space<vmem>>)
    %dma_wait3A_1547 = arith.constant 171 : i32
    %dma_wait3A_1548 = tpu.memref_slice %arg10[%dma_wait3A_1547] : memref<256x!tpu.dma_semaphore, #tpu.memory_space<semaphore_mem>> -> memref<1x!tpu.dma_semaphore, #tpu.memory_space<semaphore_mem>>
    %dma_wait3A_1549 = tpu.memref_squeeze %dma_wait3A_1548 : memref<1x!tpu.dma_semaphore, #tpu.memory_space<semaphore_mem>> -> memref<!tpu.dma_semaphore, #tpu.memory_space<semaphore_mem>>
    %dma_wait3A_1550 = arith.constant 0 : i32
    %dma_wait3A_1551 = arith.constant 0 : i32
    %dma_wait3A_1552 = tpu.memref_slice %arg9[%dma_wait3A_1550, %dma_wait3A_1551] : memref<16384x32xf32, #tpu.memory_space<vmem>> -> memref<1x32xf32, #tpu.memory_space<vmem>>
    %dma_wait3A_1553 = arith.constant 0 : i32
    %dma_wait3A_1554 = arith.constant 0 : i32
    %dma_wait3A_1555 = tpu.memref_slice %arg2[%dma_wait3A_1553, %dma_wait3A_1554] : memref<1000000x32xf32, #tpu.memory_space<hbm>> -> memref<1x32xf32, #tpu.memory_space<hbm>>
    tpu.wait_dma2 semaphore(%dma_wait3A_1549 : memref<!tpu.dma_semaphore, #tpu.memory_space<semaphore_mem>>) src(%dma_wait3A_1555 : memref<1x32xf32, #tpu.memory_space<hbm>>) dst(%dma_wait3A_1552 : memref<1x32xf32, #tpu.memory_space<vmem>>)
    %dma_wait3A_1556 = arith.constant 172 : i32
    %dma_wait3A_1557 = tpu.memref_slice %arg10[%dma_wait3A_1556] : memref<256x!tpu.dma_semaphore, #tpu.memory_space<semaphore_mem>> -> memref<1x!tpu.dma_semaphore, #tpu.memory_space<semaphore_mem>>
    %dma_wait3A_1558 = tpu.memref_squeeze %dma_wait3A_1557 : memref<1x!tpu.dma_semaphore, #tpu.memory_space<semaphore_mem>> -> memref<!tpu.dma_semaphore, #tpu.memory_space<semaphore_mem>>
    %dma_wait3A_1559 = arith.constant 0 : i32
    %dma_wait3A_1560 = arith.constant 0 : i32
    %dma_wait3A_1561 = tpu.memref_slice %arg9[%dma_wait3A_1559, %dma_wait3A_1560] : memref<16384x32xf32, #tpu.memory_space<vmem>> -> memref<1x32xf32, #tpu.memory_space<vmem>>
    %dma_wait3A_1562 = arith.constant 0 : i32
    %dma_wait3A_1563 = arith.constant 0 : i32
    %dma_wait3A_1564 = tpu.memref_slice %arg2[%dma_wait3A_1562, %dma_wait3A_1563] : memref<1000000x32xf32, #tpu.memory_space<hbm>> -> memref<1x32xf32, #tpu.memory_space<hbm>>
    tpu.wait_dma2 semaphore(%dma_wait3A_1558 : memref<!tpu.dma_semaphore, #tpu.memory_space<semaphore_mem>>) src(%dma_wait3A_1564 : memref<1x32xf32, #tpu.memory_space<hbm>>) dst(%dma_wait3A_1561 : memref<1x32xf32, #tpu.memory_space<vmem>>)
    %dma_wait3A_1565 = arith.constant 173 : i32
    %dma_wait3A_1566 = tpu.memref_slice %arg10[%dma_wait3A_1565] : memref<256x!tpu.dma_semaphore, #tpu.memory_space<semaphore_mem>> -> memref<1x!tpu.dma_semaphore, #tpu.memory_space<semaphore_mem>>
    %dma_wait3A_1567 = tpu.memref_squeeze %dma_wait3A_1566 : memref<1x!tpu.dma_semaphore, #tpu.memory_space<semaphore_mem>> -> memref<!tpu.dma_semaphore, #tpu.memory_space<semaphore_mem>>
    %dma_wait3A_1568 = arith.constant 0 : i32
    %dma_wait3A_1569 = arith.constant 0 : i32
    %dma_wait3A_1570 = tpu.memref_slice %arg9[%dma_wait3A_1568, %dma_wait3A_1569] : memref<16384x32xf32, #tpu.memory_space<vmem>> -> memref<1x32xf32, #tpu.memory_space<vmem>>
    %dma_wait3A_1571 = arith.constant 0 : i32
    %dma_wait3A_1572 = arith.constant 0 : i32
    %dma_wait3A_1573 = tpu.memref_slice %arg2[%dma_wait3A_1571, %dma_wait3A_1572] : memref<1000000x32xf32, #tpu.memory_space<hbm>> -> memref<1x32xf32, #tpu.memory_space<hbm>>
    tpu.wait_dma2 semaphore(%dma_wait3A_1567 : memref<!tpu.dma_semaphore, #tpu.memory_space<semaphore_mem>>) src(%dma_wait3A_1573 : memref<1x32xf32, #tpu.memory_space<hbm>>) dst(%dma_wait3A_1570 : memref<1x32xf32, #tpu.memory_space<vmem>>)
    %dma_wait3A_1574 = arith.constant 174 : i32
    %dma_wait3A_1575 = tpu.memref_slice %arg10[%dma_wait3A_1574] : memref<256x!tpu.dma_semaphore, #tpu.memory_space<semaphore_mem>> -> memref<1x!tpu.dma_semaphore, #tpu.memory_space<semaphore_mem>>
    %dma_wait3A_1576 = tpu.memref_squeeze %dma_wait3A_1575 : memref<1x!tpu.dma_semaphore, #tpu.memory_space<semaphore_mem>> -> memref<!tpu.dma_semaphore, #tpu.memory_space<semaphore_mem>>
    %dma_wait3A_1577 = arith.constant 0 : i32
    %dma_wait3A_1578 = arith.constant 0 : i32
    %dma_wait3A_1579 = tpu.memref_slice %arg9[%dma_wait3A_1577, %dma_wait3A_1578] : memref<16384x32xf32, #tpu.memory_space<vmem>> -> memref<1x32xf32, #tpu.memory_space<vmem>>
    %dma_wait3A_1580 = arith.constant 0 : i32
    %dma_wait3A_1581 = arith.constant 0 : i32
    %dma_wait3A_1582 = tpu.memref_slice %arg2[%dma_wait3A_1580, %dma_wait3A_1581] : memref<1000000x32xf32, #tpu.memory_space<hbm>> -> memref<1x32xf32, #tpu.memory_space<hbm>>
    tpu.wait_dma2 semaphore(%dma_wait3A_1576 : memref<!tpu.dma_semaphore, #tpu.memory_space<semaphore_mem>>) src(%dma_wait3A_1582 : memref<1x32xf32, #tpu.memory_space<hbm>>) dst(%dma_wait3A_1579 : memref<1x32xf32, #tpu.memory_space<vmem>>)
    %dma_wait3A_1583 = arith.constant 175 : i32
    %dma_wait3A_1584 = tpu.memref_slice %arg10[%dma_wait3A_1583] : memref<256x!tpu.dma_semaphore, #tpu.memory_space<semaphore_mem>> -> memref<1x!tpu.dma_semaphore, #tpu.memory_space<semaphore_mem>>
    %dma_wait3A_1585 = tpu.memref_squeeze %dma_wait3A_1584 : memref<1x!tpu.dma_semaphore, #tpu.memory_space<semaphore_mem>> -> memref<!tpu.dma_semaphore, #tpu.memory_space<semaphore_mem>>
    %dma_wait3A_1586 = arith.constant 0 : i32
    %dma_wait3A_1587 = arith.constant 0 : i32
    %dma_wait3A_1588 = tpu.memref_slice %arg9[%dma_wait3A_1586, %dma_wait3A_1587] : memref<16384x32xf32, #tpu.memory_space<vmem>> -> memref<1x32xf32, #tpu.memory_space<vmem>>
    %dma_wait3A_1589 = arith.constant 0 : i32
    %dma_wait3A_1590 = arith.constant 0 : i32
    %dma_wait3A_1591 = tpu.memref_slice %arg2[%dma_wait3A_1589, %dma_wait3A_1590] : memref<1000000x32xf32, #tpu.memory_space<hbm>> -> memref<1x32xf32, #tpu.memory_space<hbm>>
    tpu.wait_dma2 semaphore(%dma_wait3A_1585 : memref<!tpu.dma_semaphore, #tpu.memory_space<semaphore_mem>>) src(%dma_wait3A_1591 : memref<1x32xf32, #tpu.memory_space<hbm>>) dst(%dma_wait3A_1588 : memref<1x32xf32, #tpu.memory_space<vmem>>)
    %dma_wait3A_1592 = arith.constant 176 : i32
    %dma_wait3A_1593 = tpu.memref_slice %arg10[%dma_wait3A_1592] : memref<256x!tpu.dma_semaphore, #tpu.memory_space<semaphore_mem>> -> memref<1x!tpu.dma_semaphore, #tpu.memory_space<semaphore_mem>>
    %dma_wait3A_1594 = tpu.memref_squeeze %dma_wait3A_1593 : memref<1x!tpu.dma_semaphore, #tpu.memory_space<semaphore_mem>> -> memref<!tpu.dma_semaphore, #tpu.memory_space<semaphore_mem>>
    %dma_wait3A_1595 = arith.constant 0 : i32
    %dma_wait3A_1596 = arith.constant 0 : i32
    %dma_wait3A_1597 = tpu.memref_slice %arg9[%dma_wait3A_1595, %dma_wait3A_1596] : memref<16384x32xf32, #tpu.memory_space<vmem>> -> memref<1x32xf32, #tpu.memory_space<vmem>>
    %dma_wait3A_1598 = arith.constant 0 : i32
    %dma_wait3A_1599 = arith.constant 0 : i32
    %dma_wait3A_1600 = tpu.memref_slice %arg2[%dma_wait3A_1598, %dma_wait3A_1599] : memref<1000000x32xf32, #tpu.memory_space<hbm>> -> memref<1x32xf32, #tpu.memory_space<hbm>>
    tpu.wait_dma2 semaphore(%dma_wait3A_1594 : memref<!tpu.dma_semaphore, #tpu.memory_space<semaphore_mem>>) src(%dma_wait3A_1600 : memref<1x32xf32, #tpu.memory_space<hbm>>) dst(%dma_wait3A_1597 : memref<1x32xf32, #tpu.memory_space<vmem>>)
    %dma_wait3A_1601 = arith.constant 177 : i32
    %dma_wait3A_1602 = tpu.memref_slice %arg10[%dma_wait3A_1601] : memref<256x!tpu.dma_semaphore, #tpu.memory_space<semaphore_mem>> -> memref<1x!tpu.dma_semaphore, #tpu.memory_space<semaphore_mem>>
    %dma_wait3A_1603 = tpu.memref_squeeze %dma_wait3A_1602 : memref<1x!tpu.dma_semaphore, #tpu.memory_space<semaphore_mem>> -> memref<!tpu.dma_semaphore, #tpu.memory_space<semaphore_mem>>
    %dma_wait3A_1604 = arith.constant 0 : i32
    %dma_wait3A_1605 = arith.constant 0 : i32
    %dma_wait3A_1606 = tpu.memref_slice %arg9[%dma_wait3A_1604, %dma_wait3A_1605] : memref<16384x32xf32, #tpu.memory_space<vmem>> -> memref<1x32xf32, #tpu.memory_space<vmem>>
    %dma_wait3A_1607 = arith.constant 0 : i32
    %dma_wait3A_1608 = arith.constant 0 : i32
    %dma_wait3A_1609 = tpu.memref_slice %arg2[%dma_wait3A_1607, %dma_wait3A_1608] : memref<1000000x32xf32, #tpu.memory_space<hbm>> -> memref<1x32xf32, #tpu.memory_space<hbm>>
    tpu.wait_dma2 semaphore(%dma_wait3A_1603 : memref<!tpu.dma_semaphore, #tpu.memory_space<semaphore_mem>>) src(%dma_wait3A_1609 : memref<1x32xf32, #tpu.memory_space<hbm>>) dst(%dma_wait3A_1606 : memref<1x32xf32, #tpu.memory_space<vmem>>)
    %dma_wait3A_1610 = arith.constant 178 : i32
    %dma_wait3A_1611 = tpu.memref_slice %arg10[%dma_wait3A_1610] : memref<256x!tpu.dma_semaphore, #tpu.memory_space<semaphore_mem>> -> memref<1x!tpu.dma_semaphore, #tpu.memory_space<semaphore_mem>>
    %dma_wait3A_1612 = tpu.memref_squeeze %dma_wait3A_1611 : memref<1x!tpu.dma_semaphore, #tpu.memory_space<semaphore_mem>> -> memref<!tpu.dma_semaphore, #tpu.memory_space<semaphore_mem>>
    %dma_wait3A_1613 = arith.constant 0 : i32
    %dma_wait3A_1614 = arith.constant 0 : i32
    %dma_wait3A_1615 = tpu.memref_slice %arg9[%dma_wait3A_1613, %dma_wait3A_1614] : memref<16384x32xf32, #tpu.memory_space<vmem>> -> memref<1x32xf32, #tpu.memory_space<vmem>>
    %dma_wait3A_1616 = arith.constant 0 : i32
    %dma_wait3A_1617 = arith.constant 0 : i32
    %dma_wait3A_1618 = tpu.memref_slice %arg2[%dma_wait3A_1616, %dma_wait3A_1617] : memref<1000000x32xf32, #tpu.memory_space<hbm>> -> memref<1x32xf32, #tpu.memory_space<hbm>>
    tpu.wait_dma2 semaphore(%dma_wait3A_1612 : memref<!tpu.dma_semaphore, #tpu.memory_space<semaphore_mem>>) src(%dma_wait3A_1618 : memref<1x32xf32, #tpu.memory_space<hbm>>) dst(%dma_wait3A_1615 : memref<1x32xf32, #tpu.memory_space<vmem>>)
    %dma_wait3A_1619 = arith.constant 179 : i32
    %dma_wait3A_1620 = tpu.memref_slice %arg10[%dma_wait3A_1619] : memref<256x!tpu.dma_semaphore, #tpu.memory_space<semaphore_mem>> -> memref<1x!tpu.dma_semaphore, #tpu.memory_space<semaphore_mem>>
    %dma_wait3A_1621 = tpu.memref_squeeze %dma_wait3A_1620 : memref<1x!tpu.dma_semaphore, #tpu.memory_space<semaphore_mem>> -> memref<!tpu.dma_semaphore, #tpu.memory_space<semaphore_mem>>
    %dma_wait3A_1622 = arith.constant 0 : i32
    %dma_wait3A_1623 = arith.constant 0 : i32
    %dma_wait3A_1624 = tpu.memref_slice %arg9[%dma_wait3A_1622, %dma_wait3A_1623] : memref<16384x32xf32, #tpu.memory_space<vmem>> -> memref<1x32xf32, #tpu.memory_space<vmem>>
    %dma_wait3A_1625 = arith.constant 0 : i32
    %dma_wait3A_1626 = arith.constant 0 : i32
    %dma_wait3A_1627 = tpu.memref_slice %arg2[%dma_wait3A_1625, %dma_wait3A_1626] : memref<1000000x32xf32, #tpu.memory_space<hbm>> -> memref<1x32xf32, #tpu.memory_space<hbm>>
    tpu.wait_dma2 semaphore(%dma_wait3A_1621 : memref<!tpu.dma_semaphore, #tpu.memory_space<semaphore_mem>>) src(%dma_wait3A_1627 : memref<1x32xf32, #tpu.memory_space<hbm>>) dst(%dma_wait3A_1624 : memref<1x32xf32, #tpu.memory_space<vmem>>)
    %dma_wait3A_1628 = arith.constant 180 : i32
    %dma_wait3A_1629 = tpu.memref_slice %arg10[%dma_wait3A_1628] : memref<256x!tpu.dma_semaphore, #tpu.memory_space<semaphore_mem>> -> memref<1x!tpu.dma_semaphore, #tpu.memory_space<semaphore_mem>>
    %dma_wait3A_1630 = tpu.memref_squeeze %dma_wait3A_1629 : memref<1x!tpu.dma_semaphore, #tpu.memory_space<semaphore_mem>> -> memref<!tpu.dma_semaphore, #tpu.memory_space<semaphore_mem>>
    %dma_wait3A_1631 = arith.constant 0 : i32
    %dma_wait3A_1632 = arith.constant 0 : i32
    %dma_wait3A_1633 = tpu.memref_slice %arg9[%dma_wait3A_1631, %dma_wait3A_1632] : memref<16384x32xf32, #tpu.memory_space<vmem>> -> memref<1x32xf32, #tpu.memory_space<vmem>>
    %dma_wait3A_1634 = arith.constant 0 : i32
    %dma_wait3A_1635 = arith.constant 0 : i32
    %dma_wait3A_1636 = tpu.memref_slice %arg2[%dma_wait3A_1634, %dma_wait3A_1635] : memref<1000000x32xf32, #tpu.memory_space<hbm>> -> memref<1x32xf32, #tpu.memory_space<hbm>>
    tpu.wait_dma2 semaphore(%dma_wait3A_1630 : memref<!tpu.dma_semaphore, #tpu.memory_space<semaphore_mem>>) src(%dma_wait3A_1636 : memref<1x32xf32, #tpu.memory_space<hbm>>) dst(%dma_wait3A_1633 : memref<1x32xf32, #tpu.memory_space<vmem>>)
    %dma_wait3A_1637 = arith.constant 181 : i32
    %dma_wait3A_1638 = tpu.memref_slice %arg10[%dma_wait3A_1637] : memref<256x!tpu.dma_semaphore, #tpu.memory_space<semaphore_mem>> -> memref<1x!tpu.dma_semaphore, #tpu.memory_space<semaphore_mem>>
    %dma_wait3A_1639 = tpu.memref_squeeze %dma_wait3A_1638 : memref<1x!tpu.dma_semaphore, #tpu.memory_space<semaphore_mem>> -> memref<!tpu.dma_semaphore, #tpu.memory_space<semaphore_mem>>
    %dma_wait3A_1640 = arith.constant 0 : i32
    %dma_wait3A_1641 = arith.constant 0 : i32
    %dma_wait3A_1642 = tpu.memref_slice %arg9[%dma_wait3A_1640, %dma_wait3A_1641] : memref<16384x32xf32, #tpu.memory_space<vmem>> -> memref<1x32xf32, #tpu.memory_space<vmem>>
    %dma_wait3A_1643 = arith.constant 0 : i32
    %dma_wait3A_1644 = arith.constant 0 : i32
    %dma_wait3A_1645 = tpu.memref_slice %arg2[%dma_wait3A_1643, %dma_wait3A_1644] : memref<1000000x32xf32, #tpu.memory_space<hbm>> -> memref<1x32xf32, #tpu.memory_space<hbm>>
    tpu.wait_dma2 semaphore(%dma_wait3A_1639 : memref<!tpu.dma_semaphore, #tpu.memory_space<semaphore_mem>>) src(%dma_wait3A_1645 : memref<1x32xf32, #tpu.memory_space<hbm>>) dst(%dma_wait3A_1642 : memref<1x32xf32, #tpu.memory_space<vmem>>)
    %dma_wait3A_1646 = arith.constant 182 : i32
    %dma_wait3A_1647 = tpu.memref_slice %arg10[%dma_wait3A_1646] : memref<256x!tpu.dma_semaphore, #tpu.memory_space<semaphore_mem>> -> memref<1x!tpu.dma_semaphore, #tpu.memory_space<semaphore_mem>>
    %dma_wait3A_1648 = tpu.memref_squeeze %dma_wait3A_1647 : memref<1x!tpu.dma_semaphore, #tpu.memory_space<semaphore_mem>> -> memref<!tpu.dma_semaphore, #tpu.memory_space<semaphore_mem>>
    %dma_wait3A_1649 = arith.constant 0 : i32
    %dma_wait3A_1650 = arith.constant 0 : i32
    %dma_wait3A_1651 = tpu.memref_slice %arg9[%dma_wait3A_1649, %dma_wait3A_1650] : memref<16384x32xf32, #tpu.memory_space<vmem>> -> memref<1x32xf32, #tpu.memory_space<vmem>>
    %dma_wait3A_1652 = arith.constant 0 : i32
    %dma_wait3A_1653 = arith.constant 0 : i32
    %dma_wait3A_1654 = tpu.memref_slice %arg2[%dma_wait3A_1652, %dma_wait3A_1653] : memref<1000000x32xf32, #tpu.memory_space<hbm>> -> memref<1x32xf32, #tpu.memory_space<hbm>>
    tpu.wait_dma2 semaphore(%dma_wait3A_1648 : memref<!tpu.dma_semaphore, #tpu.memory_space<semaphore_mem>>) src(%dma_wait3A_1654 : memref<1x32xf32, #tpu.memory_space<hbm>>) dst(%dma_wait3A_1651 : memref<1x32xf32, #tpu.memory_space<vmem>>)
    %dma_wait3A_1655 = arith.constant 183 : i32
    %dma_wait3A_1656 = tpu.memref_slice %arg10[%dma_wait3A_1655] : memref<256x!tpu.dma_semaphore, #tpu.memory_space<semaphore_mem>> -> memref<1x!tpu.dma_semaphore, #tpu.memory_space<semaphore_mem>>
    %dma_wait3A_1657 = tpu.memref_squeeze %dma_wait3A_1656 : memref<1x!tpu.dma_semaphore, #tpu.memory_space<semaphore_mem>> -> memref<!tpu.dma_semaphore, #tpu.memory_space<semaphore_mem>>
    %dma_wait3A_1658 = arith.constant 0 : i32
    %dma_wait3A_1659 = arith.constant 0 : i32
    %dma_wait3A_1660 = tpu.memref_slice %arg9[%dma_wait3A_1658, %dma_wait3A_1659] : memref<16384x32xf32, #tpu.memory_space<vmem>> -> memref<1x32xf32, #tpu.memory_space<vmem>>
    %dma_wait3A_1661 = arith.constant 0 : i32
    %dma_wait3A_1662 = arith.constant 0 : i32
    %dma_wait3A_1663 = tpu.memref_slice %arg2[%dma_wait3A_1661, %dma_wait3A_1662] : memref<1000000x32xf32, #tpu.memory_space<hbm>> -> memref<1x32xf32, #tpu.memory_space<hbm>>
    tpu.wait_dma2 semaphore(%dma_wait3A_1657 : memref<!tpu.dma_semaphore, #tpu.memory_space<semaphore_mem>>) src(%dma_wait3A_1663 : memref<1x32xf32, #tpu.memory_space<hbm>>) dst(%dma_wait3A_1660 : memref<1x32xf32, #tpu.memory_space<vmem>>)
    %dma_wait3A_1664 = arith.constant 184 : i32
    %dma_wait3A_1665 = tpu.memref_slice %arg10[%dma_wait3A_1664] : memref<256x!tpu.dma_semaphore, #tpu.memory_space<semaphore_mem>> -> memref<1x!tpu.dma_semaphore, #tpu.memory_space<semaphore_mem>>
    %dma_wait3A_1666 = tpu.memref_squeeze %dma_wait3A_1665 : memref<1x!tpu.dma_semaphore, #tpu.memory_space<semaphore_mem>> -> memref<!tpu.dma_semaphore, #tpu.memory_space<semaphore_mem>>
    %dma_wait3A_1667 = arith.constant 0 : i32
    %dma_wait3A_1668 = arith.constant 0 : i32
    %dma_wait3A_1669 = tpu.memref_slice %arg9[%dma_wait3A_1667, %dma_wait3A_1668] : memref<16384x32xf32, #tpu.memory_space<vmem>> -> memref<1x32xf32, #tpu.memory_space<vmem>>
    %dma_wait3A_1670 = arith.constant 0 : i32
    %dma_wait3A_1671 = arith.constant 0 : i32
    %dma_wait3A_1672 = tpu.memref_slice %arg2[%dma_wait3A_1670, %dma_wait3A_1671] : memref<1000000x32xf32, #tpu.memory_space<hbm>> -> memref<1x32xf32, #tpu.memory_space<hbm>>
    tpu.wait_dma2 semaphore(%dma_wait3A_1666 : memref<!tpu.dma_semaphore, #tpu.memory_space<semaphore_mem>>) src(%dma_wait3A_1672 : memref<1x32xf32, #tpu.memory_space<hbm>>) dst(%dma_wait3A_1669 : memref<1x32xf32, #tpu.memory_space<vmem>>)
    %dma_wait3A_1673 = arith.constant 185 : i32
    %dma_wait3A_1674 = tpu.memref_slice %arg10[%dma_wait3A_1673] : memref<256x!tpu.dma_semaphore, #tpu.memory_space<semaphore_mem>> -> memref<1x!tpu.dma_semaphore, #tpu.memory_space<semaphore_mem>>
    %dma_wait3A_1675 = tpu.memref_squeeze %dma_wait3A_1674 : memref<1x!tpu.dma_semaphore, #tpu.memory_space<semaphore_mem>> -> memref<!tpu.dma_semaphore, #tpu.memory_space<semaphore_mem>>
    %dma_wait3A_1676 = arith.constant 0 : i32
    %dma_wait3A_1677 = arith.constant 0 : i32
    %dma_wait3A_1678 = tpu.memref_slice %arg9[%dma_wait3A_1676, %dma_wait3A_1677] : memref<16384x32xf32, #tpu.memory_space<vmem>> -> memref<1x32xf32, #tpu.memory_space<vmem>>
    %dma_wait3A_1679 = arith.constant 0 : i32
    %dma_wait3A_1680 = arith.constant 0 : i32
    %dma_wait3A_1681 = tpu.memref_slice %arg2[%dma_wait3A_1679, %dma_wait3A_1680] : memref<1000000x32xf32, #tpu.memory_space<hbm>> -> memref<1x32xf32, #tpu.memory_space<hbm>>
    tpu.wait_dma2 semaphore(%dma_wait3A_1675 : memref<!tpu.dma_semaphore, #tpu.memory_space<semaphore_mem>>) src(%dma_wait3A_1681 : memref<1x32xf32, #tpu.memory_space<hbm>>) dst(%dma_wait3A_1678 : memref<1x32xf32, #tpu.memory_space<vmem>>)
    %dma_wait3A_1682 = arith.constant 186 : i32
    %dma_wait3A_1683 = tpu.memref_slice %arg10[%dma_wait3A_1682] : memref<256x!tpu.dma_semaphore, #tpu.memory_space<semaphore_mem>> -> memref<1x!tpu.dma_semaphore, #tpu.memory_space<semaphore_mem>>
    %dma_wait3A_1684 = tpu.memref_squeeze %dma_wait3A_1683 : memref<1x!tpu.dma_semaphore, #tpu.memory_space<semaphore_mem>> -> memref<!tpu.dma_semaphore, #tpu.memory_space<semaphore_mem>>
    %dma_wait3A_1685 = arith.constant 0 : i32
    %dma_wait3A_1686 = arith.constant 0 : i32
    %dma_wait3A_1687 = tpu.memref_slice %arg9[%dma_wait3A_1685, %dma_wait3A_1686] : memref<16384x32xf32, #tpu.memory_space<vmem>> -> memref<1x32xf32, #tpu.memory_space<vmem>>
    %dma_wait3A_1688 = arith.constant 0 : i32
    %dma_wait3A_1689 = arith.constant 0 : i32
    %dma_wait3A_1690 = tpu.memref_slice %arg2[%dma_wait3A_1688, %dma_wait3A_1689] : memref<1000000x32xf32, #tpu.memory_space<hbm>> -> memref<1x32xf32, #tpu.memory_space<hbm>>
    tpu.wait_dma2 semaphore(%dma_wait3A_1684 : memref<!tpu.dma_semaphore, #tpu.memory_space<semaphore_mem>>) src(%dma_wait3A_1690 : memref<1x32xf32, #tpu.memory_space<hbm>>) dst(%dma_wait3A_1687 : memref<1x32xf32, #tpu.memory_space<vmem>>)
    %dma_wait3A_1691 = arith.constant 187 : i32
    %dma_wait3A_1692 = tpu.memref_slice %arg10[%dma_wait3A_1691] : memref<256x!tpu.dma_semaphore, #tpu.memory_space<semaphore_mem>> -> memref<1x!tpu.dma_semaphore, #tpu.memory_space<semaphore_mem>>
    %dma_wait3A_1693 = tpu.memref_squeeze %dma_wait3A_1692 : memref<1x!tpu.dma_semaphore, #tpu.memory_space<semaphore_mem>> -> memref<!tpu.dma_semaphore, #tpu.memory_space<semaphore_mem>>
    %dma_wait3A_1694 = arith.constant 0 : i32
    %dma_wait3A_1695 = arith.constant 0 : i32
    %dma_wait3A_1696 = tpu.memref_slice %arg9[%dma_wait3A_1694, %dma_wait3A_1695] : memref<16384x32xf32, #tpu.memory_space<vmem>> -> memref<1x32xf32, #tpu.memory_space<vmem>>
    %dma_wait3A_1697 = arith.constant 0 : i32
    %dma_wait3A_1698 = arith.constant 0 : i32
    %dma_wait3A_1699 = tpu.memref_slice %arg2[%dma_wait3A_1697, %dma_wait3A_1698] : memref<1000000x32xf32, #tpu.memory_space<hbm>> -> memref<1x32xf32, #tpu.memory_space<hbm>>
    tpu.wait_dma2 semaphore(%dma_wait3A_1693 : memref<!tpu.dma_semaphore, #tpu.memory_space<semaphore_mem>>) src(%dma_wait3A_1699 : memref<1x32xf32, #tpu.memory_space<hbm>>) dst(%dma_wait3A_1696 : memref<1x32xf32, #tpu.memory_space<vmem>>)
    %dma_wait3A_1700 = arith.constant 188 : i32
    %dma_wait3A_1701 = tpu.memref_slice %arg10[%dma_wait3A_1700] : memref<256x!tpu.dma_semaphore, #tpu.memory_space<semaphore_mem>> -> memref<1x!tpu.dma_semaphore, #tpu.memory_space<semaphore_mem>>
    %dma_wait3A_1702 = tpu.memref_squeeze %dma_wait3A_1701 : memref<1x!tpu.dma_semaphore, #tpu.memory_space<semaphore_mem>> -> memref<!tpu.dma_semaphore, #tpu.memory_space<semaphore_mem>>
    %dma_wait3A_1703 = arith.constant 0 : i32
    %dma_wait3A_1704 = arith.constant 0 : i32
    %dma_wait3A_1705 = tpu.memref_slice %arg9[%dma_wait3A_1703, %dma_wait3A_1704] : memref<16384x32xf32, #tpu.memory_space<vmem>> -> memref<1x32xf32, #tpu.memory_space<vmem>>
    %dma_wait3A_1706 = arith.constant 0 : i32
    %dma_wait3A_1707 = arith.constant 0 : i32
    %dma_wait3A_1708 = tpu.memref_slice %arg2[%dma_wait3A_1706, %dma_wait3A_1707] : memref<1000000x32xf32, #tpu.memory_space<hbm>> -> memref<1x32xf32, #tpu.memory_space<hbm>>
    tpu.wait_dma2 semaphore(%dma_wait3A_1702 : memref<!tpu.dma_semaphore, #tpu.memory_space<semaphore_mem>>) src(%dma_wait3A_1708 : memref<1x32xf32, #tpu.memory_space<hbm>>) dst(%dma_wait3A_1705 : memref<1x32xf32, #tpu.memory_space<vmem>>)
    %dma_wait3A_1709 = arith.constant 189 : i32
    %dma_wait3A_1710 = tpu.memref_slice %arg10[%dma_wait3A_1709] : memref<256x!tpu.dma_semaphore, #tpu.memory_space<semaphore_mem>> -> memref<1x!tpu.dma_semaphore, #tpu.memory_space<semaphore_mem>>
    %dma_wait3A_1711 = tpu.memref_squeeze %dma_wait3A_1710 : memref<1x!tpu.dma_semaphore, #tpu.memory_space<semaphore_mem>> -> memref<!tpu.dma_semaphore, #tpu.memory_space<semaphore_mem>>
    %dma_wait3A_1712 = arith.constant 0 : i32
    %dma_wait3A_1713 = arith.constant 0 : i32
    %dma_wait3A_1714 = tpu.memref_slice %arg9[%dma_wait3A_1712, %dma_wait3A_1713] : memref<16384x32xf32, #tpu.memory_space<vmem>> -> memref<1x32xf32, #tpu.memory_space<vmem>>
    %dma_wait3A_1715 = arith.constant 0 : i32
    %dma_wait3A_1716 = arith.constant 0 : i32
    %dma_wait3A_1717 = tpu.memref_slice %arg2[%dma_wait3A_1715, %dma_wait3A_1716] : memref<1000000x32xf32, #tpu.memory_space<hbm>> -> memref<1x32xf32, #tpu.memory_space<hbm>>
    tpu.wait_dma2 semaphore(%dma_wait3A_1711 : memref<!tpu.dma_semaphore, #tpu.memory_space<semaphore_mem>>) src(%dma_wait3A_1717 : memref<1x32xf32, #tpu.memory_space<hbm>>) dst(%dma_wait3A_1714 : memref<1x32xf32, #tpu.memory_space<vmem>>)
    %dma_wait3A_1718 = arith.constant 190 : i32
    %dma_wait3A_1719 = tpu.memref_slice %arg10[%dma_wait3A_1718] : memref<256x!tpu.dma_semaphore, #tpu.memory_space<semaphore_mem>> -> memref<1x!tpu.dma_semaphore, #tpu.memory_space<semaphore_mem>>
    %dma_wait3A_1720 = tpu.memref_squeeze %dma_wait3A_1719 : memref<1x!tpu.dma_semaphore, #tpu.memory_space<semaphore_mem>> -> memref<!tpu.dma_semaphore, #tpu.memory_space<semaphore_mem>>
    %dma_wait3A_1721 = arith.constant 0 : i32
    %dma_wait3A_1722 = arith.constant 0 : i32
    %dma_wait3A_1723 = tpu.memref_slice %arg9[%dma_wait3A_1721, %dma_wait3A_1722] : memref<16384x32xf32, #tpu.memory_space<vmem>> -> memref<1x32xf32, #tpu.memory_space<vmem>>
    %dma_wait3A_1724 = arith.constant 0 : i32
    %dma_wait3A_1725 = arith.constant 0 : i32
    %dma_wait3A_1726 = tpu.memref_slice %arg2[%dma_wait3A_1724, %dma_wait3A_1725] : memref<1000000x32xf32, #tpu.memory_space<hbm>> -> memref<1x32xf32, #tpu.memory_space<hbm>>
    tpu.wait_dma2 semaphore(%dma_wait3A_1720 : memref<!tpu.dma_semaphore, #tpu.memory_space<semaphore_mem>>) src(%dma_wait3A_1726 : memref<1x32xf32, #tpu.memory_space<hbm>>) dst(%dma_wait3A_1723 : memref<1x32xf32, #tpu.memory_space<vmem>>)
    %dma_wait3A_1727 = arith.constant 191 : i32
    %dma_wait3A_1728 = tpu.memref_slice %arg10[%dma_wait3A_1727] : memref<256x!tpu.dma_semaphore, #tpu.memory_space<semaphore_mem>> -> memref<1x!tpu.dma_semaphore, #tpu.memory_space<semaphore_mem>>
    %dma_wait3A_1729 = tpu.memref_squeeze %dma_wait3A_1728 : memref<1x!tpu.dma_semaphore, #tpu.memory_space<semaphore_mem>> -> memref<!tpu.dma_semaphore, #tpu.memory_space<semaphore_mem>>
    %dma_wait3A_1730 = arith.constant 0 : i32
    %dma_wait3A_1731 = arith.constant 0 : i32
    %dma_wait3A_1732 = tpu.memref_slice %arg9[%dma_wait3A_1730, %dma_wait3A_1731] : memref<16384x32xf32, #tpu.memory_space<vmem>> -> memref<1x32xf32, #tpu.memory_space<vmem>>
    %dma_wait3A_1733 = arith.constant 0 : i32
    %dma_wait3A_1734 = arith.constant 0 : i32
    %dma_wait3A_1735 = tpu.memref_slice %arg2[%dma_wait3A_1733, %dma_wait3A_1734] : memref<1000000x32xf32, #tpu.memory_space<hbm>> -> memref<1x32xf32, #tpu.memory_space<hbm>>
    tpu.wait_dma2 semaphore(%dma_wait3A_1729 : memref<!tpu.dma_semaphore, #tpu.memory_space<semaphore_mem>>) src(%dma_wait3A_1735 : memref<1x32xf32, #tpu.memory_space<hbm>>) dst(%dma_wait3A_1732 : memref<1x32xf32, #tpu.memory_space<vmem>>)
    %dma_wait3A_1736 = arith.constant 192 : i32
    %dma_wait3A_1737 = tpu.memref_slice %arg10[%dma_wait3A_1736] : memref<256x!tpu.dma_semaphore, #tpu.memory_space<semaphore_mem>> -> memref<1x!tpu.dma_semaphore, #tpu.memory_space<semaphore_mem>>
    %dma_wait3A_1738 = tpu.memref_squeeze %dma_wait3A_1737 : memref<1x!tpu.dma_semaphore, #tpu.memory_space<semaphore_mem>> -> memref<!tpu.dma_semaphore, #tpu.memory_space<semaphore_mem>>
    %dma_wait3A_1739 = arith.constant 0 : i32
    %dma_wait3A_1740 = arith.constant 0 : i32
    %dma_wait3A_1741 = tpu.memref_slice %arg9[%dma_wait3A_1739, %dma_wait3A_1740] : memref<16384x32xf32, #tpu.memory_space<vmem>> -> memref<1x32xf32, #tpu.memory_space<vmem>>
    %dma_wait3A_1742 = arith.constant 0 : i32
    %dma_wait3A_1743 = arith.constant 0 : i32
    %dma_wait3A_1744 = tpu.memref_slice %arg2[%dma_wait3A_1742, %dma_wait3A_1743] : memref<1000000x32xf32, #tpu.memory_space<hbm>> -> memref<1x32xf32, #tpu.memory_space<hbm>>
    tpu.wait_dma2 semaphore(%dma_wait3A_1738 : memref<!tpu.dma_semaphore, #tpu.memory_space<semaphore_mem>>) src(%dma_wait3A_1744 : memref<1x32xf32, #tpu.memory_space<hbm>>) dst(%dma_wait3A_1741 : memref<1x32xf32, #tpu.memory_space<vmem>>)
    %dma_wait3A_1745 = arith.constant 193 : i32
    %dma_wait3A_1746 = tpu.memref_slice %arg10[%dma_wait3A_1745] : memref<256x!tpu.dma_semaphore, #tpu.memory_space<semaphore_mem>> -> memref<1x!tpu.dma_semaphore, #tpu.memory_space<semaphore_mem>>
    %dma_wait3A_1747 = tpu.memref_squeeze %dma_wait3A_1746 : memref<1x!tpu.dma_semaphore, #tpu.memory_space<semaphore_mem>> -> memref<!tpu.dma_semaphore, #tpu.memory_space<semaphore_mem>>
    %dma_wait3A_1748 = arith.constant 0 : i32
    %dma_wait3A_1749 = arith.constant 0 : i32
    %dma_wait3A_1750 = tpu.memref_slice %arg9[%dma_wait3A_1748, %dma_wait3A_1749] : memref<16384x32xf32, #tpu.memory_space<vmem>> -> memref<1x32xf32, #tpu.memory_space<vmem>>
    %dma_wait3A_1751 = arith.constant 0 : i32
    %dma_wait3A_1752 = arith.constant 0 : i32
    %dma_wait3A_1753 = tpu.memref_slice %arg2[%dma_wait3A_1751, %dma_wait3A_1752] : memref<1000000x32xf32, #tpu.memory_space<hbm>> -> memref<1x32xf32, #tpu.memory_space<hbm>>
    tpu.wait_dma2 semaphore(%dma_wait3A_1747 : memref<!tpu.dma_semaphore, #tpu.memory_space<semaphore_mem>>) src(%dma_wait3A_1753 : memref<1x32xf32, #tpu.memory_space<hbm>>) dst(%dma_wait3A_1750 : memref<1x32xf32, #tpu.memory_space<vmem>>)
    %dma_wait3A_1754 = arith.constant 194 : i32
    %dma_wait3A_1755 = tpu.memref_slice %arg10[%dma_wait3A_1754] : memref<256x!tpu.dma_semaphore, #tpu.memory_space<semaphore_mem>> -> memref<1x!tpu.dma_semaphore, #tpu.memory_space<semaphore_mem>>
    %dma_wait3A_1756 = tpu.memref_squeeze %dma_wait3A_1755 : memref<1x!tpu.dma_semaphore, #tpu.memory_space<semaphore_mem>> -> memref<!tpu.dma_semaphore, #tpu.memory_space<semaphore_mem>>
    %dma_wait3A_1757 = arith.constant 0 : i32
    %dma_wait3A_1758 = arith.constant 0 : i32
    %dma_wait3A_1759 = tpu.memref_slice %arg9[%dma_wait3A_1757, %dma_wait3A_1758] : memref<16384x32xf32, #tpu.memory_space<vmem>> -> memref<1x32xf32, #tpu.memory_space<vmem>>
    %dma_wait3A_1760 = arith.constant 0 : i32
    %dma_wait3A_1761 = arith.constant 0 : i32
    %dma_wait3A_1762 = tpu.memref_slice %arg2[%dma_wait3A_1760, %dma_wait3A_1761] : memref<1000000x32xf32, #tpu.memory_space<hbm>> -> memref<1x32xf32, #tpu.memory_space<hbm>>
    tpu.wait_dma2 semaphore(%dma_wait3A_1756 : memref<!tpu.dma_semaphore, #tpu.memory_space<semaphore_mem>>) src(%dma_wait3A_1762 : memref<1x32xf32, #tpu.memory_space<hbm>>) dst(%dma_wait3A_1759 : memref<1x32xf32, #tpu.memory_space<vmem>>)
    %dma_wait3A_1763 = arith.constant 195 : i32
    %dma_wait3A_1764 = tpu.memref_slice %arg10[%dma_wait3A_1763] : memref<256x!tpu.dma_semaphore, #tpu.memory_space<semaphore_mem>> -> memref<1x!tpu.dma_semaphore, #tpu.memory_space<semaphore_mem>>
    %dma_wait3A_1765 = tpu.memref_squeeze %dma_wait3A_1764 : memref<1x!tpu.dma_semaphore, #tpu.memory_space<semaphore_mem>> -> memref<!tpu.dma_semaphore, #tpu.memory_space<semaphore_mem>>
    %dma_wait3A_1766 = arith.constant 0 : i32
    %dma_wait3A_1767 = arith.constant 0 : i32
    %dma_wait3A_1768 = tpu.memref_slice %arg9[%dma_wait3A_1766, %dma_wait3A_1767] : memref<16384x32xf32, #tpu.memory_space<vmem>> -> memref<1x32xf32, #tpu.memory_space<vmem>>
    %dma_wait3A_1769 = arith.constant 0 : i32
    %dma_wait3A_1770 = arith.constant 0 : i32
    %dma_wait3A_1771 = tpu.memref_slice %arg2[%dma_wait3A_1769, %dma_wait3A_1770] : memref<1000000x32xf32, #tpu.memory_space<hbm>> -> memref<1x32xf32, #tpu.memory_space<hbm>>
    tpu.wait_dma2 semaphore(%dma_wait3A_1765 : memref<!tpu.dma_semaphore, #tpu.memory_space<semaphore_mem>>) src(%dma_wait3A_1771 : memref<1x32xf32, #tpu.memory_space<hbm>>) dst(%dma_wait3A_1768 : memref<1x32xf32, #tpu.memory_space<vmem>>)
    %dma_wait3A_1772 = arith.constant 196 : i32
    %dma_wait3A_1773 = tpu.memref_slice %arg10[%dma_wait3A_1772] : memref<256x!tpu.dma_semaphore, #tpu.memory_space<semaphore_mem>> -> memref<1x!tpu.dma_semaphore, #tpu.memory_space<semaphore_mem>>
    %dma_wait3A_1774 = tpu.memref_squeeze %dma_wait3A_1773 : memref<1x!tpu.dma_semaphore, #tpu.memory_space<semaphore_mem>> -> memref<!tpu.dma_semaphore, #tpu.memory_space<semaphore_mem>>
    %dma_wait3A_1775 = arith.constant 0 : i32
    %dma_wait3A_1776 = arith.constant 0 : i32
    %dma_wait3A_1777 = tpu.memref_slice %arg9[%dma_wait3A_1775, %dma_wait3A_1776] : memref<16384x32xf32, #tpu.memory_space<vmem>> -> memref<1x32xf32, #tpu.memory_space<vmem>>
    %dma_wait3A_1778 = arith.constant 0 : i32
    %dma_wait3A_1779 = arith.constant 0 : i32
    %dma_wait3A_1780 = tpu.memref_slice %arg2[%dma_wait3A_1778, %dma_wait3A_1779] : memref<1000000x32xf32, #tpu.memory_space<hbm>> -> memref<1x32xf32, #tpu.memory_space<hbm>>
    tpu.wait_dma2 semaphore(%dma_wait3A_1774 : memref<!tpu.dma_semaphore, #tpu.memory_space<semaphore_mem>>) src(%dma_wait3A_1780 : memref<1x32xf32, #tpu.memory_space<hbm>>) dst(%dma_wait3A_1777 : memref<1x32xf32, #tpu.memory_space<vmem>>)
    %dma_wait3A_1781 = arith.constant 197 : i32
    %dma_wait3A_1782 = tpu.memref_slice %arg10[%dma_wait3A_1781] : memref<256x!tpu.dma_semaphore, #tpu.memory_space<semaphore_mem>> -> memref<1x!tpu.dma_semaphore, #tpu.memory_space<semaphore_mem>>
    %dma_wait3A_1783 = tpu.memref_squeeze %dma_wait3A_1782 : memref<1x!tpu.dma_semaphore, #tpu.memory_space<semaphore_mem>> -> memref<!tpu.dma_semaphore, #tpu.memory_space<semaphore_mem>>
    %dma_wait3A_1784 = arith.constant 0 : i32
    %dma_wait3A_1785 = arith.constant 0 : i32
    %dma_wait3A_1786 = tpu.memref_slice %arg9[%dma_wait3A_1784, %dma_wait3A_1785] : memref<16384x32xf32, #tpu.memory_space<vmem>> -> memref<1x32xf32, #tpu.memory_space<vmem>>
    %dma_wait3A_1787 = arith.constant 0 : i32
    %dma_wait3A_1788 = arith.constant 0 : i32
    %dma_wait3A_1789 = tpu.memref_slice %arg2[%dma_wait3A_1787, %dma_wait3A_1788] : memref<1000000x32xf32, #tpu.memory_space<hbm>> -> memref<1x32xf32, #tpu.memory_space<hbm>>
    tpu.wait_dma2 semaphore(%dma_wait3A_1783 : memref<!tpu.dma_semaphore, #tpu.memory_space<semaphore_mem>>) src(%dma_wait3A_1789 : memref<1x32xf32, #tpu.memory_space<hbm>>) dst(%dma_wait3A_1786 : memref<1x32xf32, #tpu.memory_space<vmem>>)
    %dma_wait3A_1790 = arith.constant 198 : i32
    %dma_wait3A_1791 = tpu.memref_slice %arg10[%dma_wait3A_1790] : memref<256x!tpu.dma_semaphore, #tpu.memory_space<semaphore_mem>> -> memref<1x!tpu.dma_semaphore, #tpu.memory_space<semaphore_mem>>
    %dma_wait3A_1792 = tpu.memref_squeeze %dma_wait3A_1791 : memref<1x!tpu.dma_semaphore, #tpu.memory_space<semaphore_mem>> -> memref<!tpu.dma_semaphore, #tpu.memory_space<semaphore_mem>>
    %dma_wait3A_1793 = arith.constant 0 : i32
    %dma_wait3A_1794 = arith.constant 0 : i32
    %dma_wait3A_1795 = tpu.memref_slice %arg9[%dma_wait3A_1793, %dma_wait3A_1794] : memref<16384x32xf32, #tpu.memory_space<vmem>> -> memref<1x32xf32, #tpu.memory_space<vmem>>
    %dma_wait3A_1796 = arith.constant 0 : i32
    %dma_wait3A_1797 = arith.constant 0 : i32
    %dma_wait3A_1798 = tpu.memref_slice %arg2[%dma_wait3A_1796, %dma_wait3A_1797] : memref<1000000x32xf32, #tpu.memory_space<hbm>> -> memref<1x32xf32, #tpu.memory_space<hbm>>
    tpu.wait_dma2 semaphore(%dma_wait3A_1792 : memref<!tpu.dma_semaphore, #tpu.memory_space<semaphore_mem>>) src(%dma_wait3A_1798 : memref<1x32xf32, #tpu.memory_space<hbm>>) dst(%dma_wait3A_1795 : memref<1x32xf32, #tpu.memory_space<vmem>>)
    %dma_wait3A_1799 = arith.constant 199 : i32
    %dma_wait3A_1800 = tpu.memref_slice %arg10[%dma_wait3A_1799] : memref<256x!tpu.dma_semaphore, #tpu.memory_space<semaphore_mem>> -> memref<1x!tpu.dma_semaphore, #tpu.memory_space<semaphore_mem>>
    %dma_wait3A_1801 = tpu.memref_squeeze %dma_wait3A_1800 : memref<1x!tpu.dma_semaphore, #tpu.memory_space<semaphore_mem>> -> memref<!tpu.dma_semaphore, #tpu.memory_space<semaphore_mem>>
    %dma_wait3A_1802 = arith.constant 0 : i32
    %dma_wait3A_1803 = arith.constant 0 : i32
    %dma_wait3A_1804 = tpu.memref_slice %arg9[%dma_wait3A_1802, %dma_wait3A_1803] : memref<16384x32xf32, #tpu.memory_space<vmem>> -> memref<1x32xf32, #tpu.memory_space<vmem>>
    %dma_wait3A_1805 = arith.constant 0 : i32
    %dma_wait3A_1806 = arith.constant 0 : i32
    %dma_wait3A_1807 = tpu.memref_slice %arg2[%dma_wait3A_1805, %dma_wait3A_1806] : memref<1000000x32xf32, #tpu.memory_space<hbm>> -> memref<1x32xf32, #tpu.memory_space<hbm>>
    tpu.wait_dma2 semaphore(%dma_wait3A_1801 : memref<!tpu.dma_semaphore, #tpu.memory_space<semaphore_mem>>) src(%dma_wait3A_1807 : memref<1x32xf32, #tpu.memory_space<hbm>>) dst(%dma_wait3A_1804 : memref<1x32xf32, #tpu.memory_space<vmem>>)
    %dma_wait3A_1808 = arith.constant 200 : i32
    %dma_wait3A_1809 = tpu.memref_slice %arg10[%dma_wait3A_1808] : memref<256x!tpu.dma_semaphore, #tpu.memory_space<semaphore_mem>> -> memref<1x!tpu.dma_semaphore, #tpu.memory_space<semaphore_mem>>
    %dma_wait3A_1810 = tpu.memref_squeeze %dma_wait3A_1809 : memref<1x!tpu.dma_semaphore, #tpu.memory_space<semaphore_mem>> -> memref<!tpu.dma_semaphore, #tpu.memory_space<semaphore_mem>>
    %dma_wait3A_1811 = arith.constant 0 : i32
    %dma_wait3A_1812 = arith.constant 0 : i32
    %dma_wait3A_1813 = tpu.memref_slice %arg9[%dma_wait3A_1811, %dma_wait3A_1812] : memref<16384x32xf32, #tpu.memory_space<vmem>> -> memref<1x32xf32, #tpu.memory_space<vmem>>
    %dma_wait3A_1814 = arith.constant 0 : i32
    %dma_wait3A_1815 = arith.constant 0 : i32
    %dma_wait3A_1816 = tpu.memref_slice %arg2[%dma_wait3A_1814, %dma_wait3A_1815] : memref<1000000x32xf32, #tpu.memory_space<hbm>> -> memref<1x32xf32, #tpu.memory_space<hbm>>
    tpu.wait_dma2 semaphore(%dma_wait3A_1810 : memref<!tpu.dma_semaphore, #tpu.memory_space<semaphore_mem>>) src(%dma_wait3A_1816 : memref<1x32xf32, #tpu.memory_space<hbm>>) dst(%dma_wait3A_1813 : memref<1x32xf32, #tpu.memory_space<vmem>>)
    %dma_wait3A_1817 = arith.constant 201 : i32
    %dma_wait3A_1818 = tpu.memref_slice %arg10[%dma_wait3A_1817] : memref<256x!tpu.dma_semaphore, #tpu.memory_space<semaphore_mem>> -> memref<1x!tpu.dma_semaphore, #tpu.memory_space<semaphore_mem>>
    %dma_wait3A_1819 = tpu.memref_squeeze %dma_wait3A_1818 : memref<1x!tpu.dma_semaphore, #tpu.memory_space<semaphore_mem>> -> memref<!tpu.dma_semaphore, #tpu.memory_space<semaphore_mem>>
    %dma_wait3A_1820 = arith.constant 0 : i32
    %dma_wait3A_1821 = arith.constant 0 : i32
    %dma_wait3A_1822 = tpu.memref_slice %arg9[%dma_wait3A_1820, %dma_wait3A_1821] : memref<16384x32xf32, #tpu.memory_space<vmem>> -> memref<1x32xf32, #tpu.memory_space<vmem>>
    %dma_wait3A_1823 = arith.constant 0 : i32
    %dma_wait3A_1824 = arith.constant 0 : i32
    %dma_wait3A_1825 = tpu.memref_slice %arg2[%dma_wait3A_1823, %dma_wait3A_1824] : memref<1000000x32xf32, #tpu.memory_space<hbm>> -> memref<1x32xf32, #tpu.memory_space<hbm>>
    tpu.wait_dma2 semaphore(%dma_wait3A_1819 : memref<!tpu.dma_semaphore, #tpu.memory_space<semaphore_mem>>) src(%dma_wait3A_1825 : memref<1x32xf32, #tpu.memory_space<hbm>>) dst(%dma_wait3A_1822 : memref<1x32xf32, #tpu.memory_space<vmem>>)
    %dma_wait3A_1826 = arith.constant 202 : i32
    %dma_wait3A_1827 = tpu.memref_slice %arg10[%dma_wait3A_1826] : memref<256x!tpu.dma_semaphore, #tpu.memory_space<semaphore_mem>> -> memref<1x!tpu.dma_semaphore, #tpu.memory_space<semaphore_mem>>
    %dma_wait3A_1828 = tpu.memref_squeeze %dma_wait3A_1827 : memref<1x!tpu.dma_semaphore, #tpu.memory_space<semaphore_mem>> -> memref<!tpu.dma_semaphore, #tpu.memory_space<semaphore_mem>>
    %dma_wait3A_1829 = arith.constant 0 : i32
    %dma_wait3A_1830 = arith.constant 0 : i32
    %dma_wait3A_1831 = tpu.memref_slice %arg9[%dma_wait3A_1829, %dma_wait3A_1830] : memref<16384x32xf32, #tpu.memory_space<vmem>> -> memref<1x32xf32, #tpu.memory_space<vmem>>
    %dma_wait3A_1832 = arith.constant 0 : i32
    %dma_wait3A_1833 = arith.constant 0 : i32
    %dma_wait3A_1834 = tpu.memref_slice %arg2[%dma_wait3A_1832, %dma_wait3A_1833] : memref<1000000x32xf32, #tpu.memory_space<hbm>> -> memref<1x32xf32, #tpu.memory_space<hbm>>
    tpu.wait_dma2 semaphore(%dma_wait3A_1828 : memref<!tpu.dma_semaphore, #tpu.memory_space<semaphore_mem>>) src(%dma_wait3A_1834 : memref<1x32xf32, #tpu.memory_space<hbm>>) dst(%dma_wait3A_1831 : memref<1x32xf32, #tpu.memory_space<vmem>>)
    %dma_wait3A_1835 = arith.constant 203 : i32
    %dma_wait3A_1836 = tpu.memref_slice %arg10[%dma_wait3A_1835] : memref<256x!tpu.dma_semaphore, #tpu.memory_space<semaphore_mem>> -> memref<1x!tpu.dma_semaphore, #tpu.memory_space<semaphore_mem>>
    %dma_wait3A_1837 = tpu.memref_squeeze %dma_wait3A_1836 : memref<1x!tpu.dma_semaphore, #tpu.memory_space<semaphore_mem>> -> memref<!tpu.dma_semaphore, #tpu.memory_space<semaphore_mem>>
    %dma_wait3A_1838 = arith.constant 0 : i32
    %dma_wait3A_1839 = arith.constant 0 : i32
    %dma_wait3A_1840 = tpu.memref_slice %arg9[%dma_wait3A_1838, %dma_wait3A_1839] : memref<16384x32xf32, #tpu.memory_space<vmem>> -> memref<1x32xf32, #tpu.memory_space<vmem>>
    %dma_wait3A_1841 = arith.constant 0 : i32
    %dma_wait3A_1842 = arith.constant 0 : i32
    %dma_wait3A_1843 = tpu.memref_slice %arg2[%dma_wait3A_1841, %dma_wait3A_1842] : memref<1000000x32xf32, #tpu.memory_space<hbm>> -> memref<1x32xf32, #tpu.memory_space<hbm>>
    tpu.wait_dma2 semaphore(%dma_wait3A_1837 : memref<!tpu.dma_semaphore, #tpu.memory_space<semaphore_mem>>) src(%dma_wait3A_1843 : memref<1x32xf32, #tpu.memory_space<hbm>>) dst(%dma_wait3A_1840 : memref<1x32xf32, #tpu.memory_space<vmem>>)
    %dma_wait3A_1844 = arith.constant 204 : i32
    %dma_wait3A_1845 = tpu.memref_slice %arg10[%dma_wait3A_1844] : memref<256x!tpu.dma_semaphore, #tpu.memory_space<semaphore_mem>> -> memref<1x!tpu.dma_semaphore, #tpu.memory_space<semaphore_mem>>
    %dma_wait3A_1846 = tpu.memref_squeeze %dma_wait3A_1845 : memref<1x!tpu.dma_semaphore, #tpu.memory_space<semaphore_mem>> -> memref<!tpu.dma_semaphore, #tpu.memory_space<semaphore_mem>>
    %dma_wait3A_1847 = arith.constant 0 : i32
    %dma_wait3A_1848 = arith.constant 0 : i32
    %dma_wait3A_1849 = tpu.memref_slice %arg9[%dma_wait3A_1847, %dma_wait3A_1848] : memref<16384x32xf32, #tpu.memory_space<vmem>> -> memref<1x32xf32, #tpu.memory_space<vmem>>
    %dma_wait3A_1850 = arith.constant 0 : i32
    %dma_wait3A_1851 = arith.constant 0 : i32
    %dma_wait3A_1852 = tpu.memref_slice %arg2[%dma_wait3A_1850, %dma_wait3A_1851] : memref<1000000x32xf32, #tpu.memory_space<hbm>> -> memref<1x32xf32, #tpu.memory_space<hbm>>
    tpu.wait_dma2 semaphore(%dma_wait3A_1846 : memref<!tpu.dma_semaphore, #tpu.memory_space<semaphore_mem>>) src(%dma_wait3A_1852 : memref<1x32xf32, #tpu.memory_space<hbm>>) dst(%dma_wait3A_1849 : memref<1x32xf32, #tpu.memory_space<vmem>>)
    %dma_wait3A_1853 = arith.constant 205 : i32
    %dma_wait3A_1854 = tpu.memref_slice %arg10[%dma_wait3A_1853] : memref<256x!tpu.dma_semaphore, #tpu.memory_space<semaphore_mem>> -> memref<1x!tpu.dma_semaphore, #tpu.memory_space<semaphore_mem>>
    %dma_wait3A_1855 = tpu.memref_squeeze %dma_wait3A_1854 : memref<1x!tpu.dma_semaphore, #tpu.memory_space<semaphore_mem>> -> memref<!tpu.dma_semaphore, #tpu.memory_space<semaphore_mem>>
    %dma_wait3A_1856 = arith.constant 0 : i32
    %dma_wait3A_1857 = arith.constant 0 : i32
    %dma_wait3A_1858 = tpu.memref_slice %arg9[%dma_wait3A_1856, %dma_wait3A_1857] : memref<16384x32xf32, #tpu.memory_space<vmem>> -> memref<1x32xf32, #tpu.memory_space<vmem>>
    %dma_wait3A_1859 = arith.constant 0 : i32
    %dma_wait3A_1860 = arith.constant 0 : i32
    %dma_wait3A_1861 = tpu.memref_slice %arg2[%dma_wait3A_1859, %dma_wait3A_1860] : memref<1000000x32xf32, #tpu.memory_space<hbm>> -> memref<1x32xf32, #tpu.memory_space<hbm>>
    tpu.wait_dma2 semaphore(%dma_wait3A_1855 : memref<!tpu.dma_semaphore, #tpu.memory_space<semaphore_mem>>) src(%dma_wait3A_1861 : memref<1x32xf32, #tpu.memory_space<hbm>>) dst(%dma_wait3A_1858 : memref<1x32xf32, #tpu.memory_space<vmem>>)
    %dma_wait3A_1862 = arith.constant 206 : i32
    %dma_wait3A_1863 = tpu.memref_slice %arg10[%dma_wait3A_1862] : memref<256x!tpu.dma_semaphore, #tpu.memory_space<semaphore_mem>> -> memref<1x!tpu.dma_semaphore, #tpu.memory_space<semaphore_mem>>
    %dma_wait3A_1864 = tpu.memref_squeeze %dma_wait3A_1863 : memref<1x!tpu.dma_semaphore, #tpu.memory_space<semaphore_mem>> -> memref<!tpu.dma_semaphore, #tpu.memory_space<semaphore_mem>>
    %dma_wait3A_1865 = arith.constant 0 : i32
    %dma_wait3A_1866 = arith.constant 0 : i32
    %dma_wait3A_1867 = tpu.memref_slice %arg9[%dma_wait3A_1865, %dma_wait3A_1866] : memref<16384x32xf32, #tpu.memory_space<vmem>> -> memref<1x32xf32, #tpu.memory_space<vmem>>
    %dma_wait3A_1868 = arith.constant 0 : i32
    %dma_wait3A_1869 = arith.constant 0 : i32
    %dma_wait3A_1870 = tpu.memref_slice %arg2[%dma_wait3A_1868, %dma_wait3A_1869] : memref<1000000x32xf32, #tpu.memory_space<hbm>> -> memref<1x32xf32, #tpu.memory_space<hbm>>
    tpu.wait_dma2 semaphore(%dma_wait3A_1864 : memref<!tpu.dma_semaphore, #tpu.memory_space<semaphore_mem>>) src(%dma_wait3A_1870 : memref<1x32xf32, #tpu.memory_space<hbm>>) dst(%dma_wait3A_1867 : memref<1x32xf32, #tpu.memory_space<vmem>>)
    %dma_wait3A_1871 = arith.constant 207 : i32
    %dma_wait3A_1872 = tpu.memref_slice %arg10[%dma_wait3A_1871] : memref<256x!tpu.dma_semaphore, #tpu.memory_space<semaphore_mem>> -> memref<1x!tpu.dma_semaphore, #tpu.memory_space<semaphore_mem>>
    %dma_wait3A_1873 = tpu.memref_squeeze %dma_wait3A_1872 : memref<1x!tpu.dma_semaphore, #tpu.memory_space<semaphore_mem>> -> memref<!tpu.dma_semaphore, #tpu.memory_space<semaphore_mem>>
    %dma_wait3A_1874 = arith.constant 0 : i32
    %dma_wait3A_1875 = arith.constant 0 : i32
    %dma_wait3A_1876 = tpu.memref_slice %arg9[%dma_wait3A_1874, %dma_wait3A_1875] : memref<16384x32xf32, #tpu.memory_space<vmem>> -> memref<1x32xf32, #tpu.memory_space<vmem>>
    %dma_wait3A_1877 = arith.constant 0 : i32
    %dma_wait3A_1878 = arith.constant 0 : i32
    %dma_wait3A_1879 = tpu.memref_slice %arg2[%dma_wait3A_1877, %dma_wait3A_1878] : memref<1000000x32xf32, #tpu.memory_space<hbm>> -> memref<1x32xf32, #tpu.memory_space<hbm>>
    tpu.wait_dma2 semaphore(%dma_wait3A_1873 : memref<!tpu.dma_semaphore, #tpu.memory_space<semaphore_mem>>) src(%dma_wait3A_1879 : memref<1x32xf32, #tpu.memory_space<hbm>>) dst(%dma_wait3A_1876 : memref<1x32xf32, #tpu.memory_space<vmem>>)
    %dma_wait3A_1880 = arith.constant 208 : i32
    %dma_wait3A_1881 = tpu.memref_slice %arg10[%dma_wait3A_1880] : memref<256x!tpu.dma_semaphore, #tpu.memory_space<semaphore_mem>> -> memref<1x!tpu.dma_semaphore, #tpu.memory_space<semaphore_mem>>
    %dma_wait3A_1882 = tpu.memref_squeeze %dma_wait3A_1881 : memref<1x!tpu.dma_semaphore, #tpu.memory_space<semaphore_mem>> -> memref<!tpu.dma_semaphore, #tpu.memory_space<semaphore_mem>>
    %dma_wait3A_1883 = arith.constant 0 : i32
    %dma_wait3A_1884 = arith.constant 0 : i32
    %dma_wait3A_1885 = tpu.memref_slice %arg9[%dma_wait3A_1883, %dma_wait3A_1884] : memref<16384x32xf32, #tpu.memory_space<vmem>> -> memref<1x32xf32, #tpu.memory_space<vmem>>
    %dma_wait3A_1886 = arith.constant 0 : i32
    %dma_wait3A_1887 = arith.constant 0 : i32
    %dma_wait3A_1888 = tpu.memref_slice %arg2[%dma_wait3A_1886, %dma_wait3A_1887] : memref<1000000x32xf32, #tpu.memory_space<hbm>> -> memref<1x32xf32, #tpu.memory_space<hbm>>
    tpu.wait_dma2 semaphore(%dma_wait3A_1882 : memref<!tpu.dma_semaphore, #tpu.memory_space<semaphore_mem>>) src(%dma_wait3A_1888 : memref<1x32xf32, #tpu.memory_space<hbm>>) dst(%dma_wait3A_1885 : memref<1x32xf32, #tpu.memory_space<vmem>>)
    %dma_wait3A_1889 = arith.constant 209 : i32
    %dma_wait3A_1890 = tpu.memref_slice %arg10[%dma_wait3A_1889] : memref<256x!tpu.dma_semaphore, #tpu.memory_space<semaphore_mem>> -> memref<1x!tpu.dma_semaphore, #tpu.memory_space<semaphore_mem>>
    %dma_wait3A_1891 = tpu.memref_squeeze %dma_wait3A_1890 : memref<1x!tpu.dma_semaphore, #tpu.memory_space<semaphore_mem>> -> memref<!tpu.dma_semaphore, #tpu.memory_space<semaphore_mem>>
    %dma_wait3A_1892 = arith.constant 0 : i32
    %dma_wait3A_1893 = arith.constant 0 : i32
    %dma_wait3A_1894 = tpu.memref_slice %arg9[%dma_wait3A_1892, %dma_wait3A_1893] : memref<16384x32xf32, #tpu.memory_space<vmem>> -> memref<1x32xf32, #tpu.memory_space<vmem>>
    %dma_wait3A_1895 = arith.constant 0 : i32
    %dma_wait3A_1896 = arith.constant 0 : i32
    %dma_wait3A_1897 = tpu.memref_slice %arg2[%dma_wait3A_1895, %dma_wait3A_1896] : memref<1000000x32xf32, #tpu.memory_space<hbm>> -> memref<1x32xf32, #tpu.memory_space<hbm>>
    tpu.wait_dma2 semaphore(%dma_wait3A_1891 : memref<!tpu.dma_semaphore, #tpu.memory_space<semaphore_mem>>) src(%dma_wait3A_1897 : memref<1x32xf32, #tpu.memory_space<hbm>>) dst(%dma_wait3A_1894 : memref<1x32xf32, #tpu.memory_space<vmem>>)
    %dma_wait3A_1898 = arith.constant 210 : i32
    %dma_wait3A_1899 = tpu.memref_slice %arg10[%dma_wait3A_1898] : memref<256x!tpu.dma_semaphore, #tpu.memory_space<semaphore_mem>> -> memref<1x!tpu.dma_semaphore, #tpu.memory_space<semaphore_mem>>
    %dma_wait3A_1900 = tpu.memref_squeeze %dma_wait3A_1899 : memref<1x!tpu.dma_semaphore, #tpu.memory_space<semaphore_mem>> -> memref<!tpu.dma_semaphore, #tpu.memory_space<semaphore_mem>>
    %dma_wait3A_1901 = arith.constant 0 : i32
    %dma_wait3A_1902 = arith.constant 0 : i32
    %dma_wait3A_1903 = tpu.memref_slice %arg9[%dma_wait3A_1901, %dma_wait3A_1902] : memref<16384x32xf32, #tpu.memory_space<vmem>> -> memref<1x32xf32, #tpu.memory_space<vmem>>
    %dma_wait3A_1904 = arith.constant 0 : i32
    %dma_wait3A_1905 = arith.constant 0 : i32
    %dma_wait3A_1906 = tpu.memref_slice %arg2[%dma_wait3A_1904, %dma_wait3A_1905] : memref<1000000x32xf32, #tpu.memory_space<hbm>> -> memref<1x32xf32, #tpu.memory_space<hbm>>
    tpu.wait_dma2 semaphore(%dma_wait3A_1900 : memref<!tpu.dma_semaphore, #tpu.memory_space<semaphore_mem>>) src(%dma_wait3A_1906 : memref<1x32xf32, #tpu.memory_space<hbm>>) dst(%dma_wait3A_1903 : memref<1x32xf32, #tpu.memory_space<vmem>>)
    %dma_wait3A_1907 = arith.constant 211 : i32
    %dma_wait3A_1908 = tpu.memref_slice %arg10[%dma_wait3A_1907] : memref<256x!tpu.dma_semaphore, #tpu.memory_space<semaphore_mem>> -> memref<1x!tpu.dma_semaphore, #tpu.memory_space<semaphore_mem>>
    %dma_wait3A_1909 = tpu.memref_squeeze %dma_wait3A_1908 : memref<1x!tpu.dma_semaphore, #tpu.memory_space<semaphore_mem>> -> memref<!tpu.dma_semaphore, #tpu.memory_space<semaphore_mem>>
    %dma_wait3A_1910 = arith.constant 0 : i32
    %dma_wait3A_1911 = arith.constant 0 : i32
    %dma_wait3A_1912 = tpu.memref_slice %arg9[%dma_wait3A_1910, %dma_wait3A_1911] : memref<16384x32xf32, #tpu.memory_space<vmem>> -> memref<1x32xf32, #tpu.memory_space<vmem>>
    %dma_wait3A_1913 = arith.constant 0 : i32
    %dma_wait3A_1914 = arith.constant 0 : i32
    %dma_wait3A_1915 = tpu.memref_slice %arg2[%dma_wait3A_1913, %dma_wait3A_1914] : memref<1000000x32xf32, #tpu.memory_space<hbm>> -> memref<1x32xf32, #tpu.memory_space<hbm>>
    tpu.wait_dma2 semaphore(%dma_wait3A_1909 : memref<!tpu.dma_semaphore, #tpu.memory_space<semaphore_mem>>) src(%dma_wait3A_1915 : memref<1x32xf32, #tpu.memory_space<hbm>>) dst(%dma_wait3A_1912 : memref<1x32xf32, #tpu.memory_space<vmem>>)
    %dma_wait3A_1916 = arith.constant 212 : i32
    %dma_wait3A_1917 = tpu.memref_slice %arg10[%dma_wait3A_1916] : memref<256x!tpu.dma_semaphore, #tpu.memory_space<semaphore_mem>> -> memref<1x!tpu.dma_semaphore, #tpu.memory_space<semaphore_mem>>
    %dma_wait3A_1918 = tpu.memref_squeeze %dma_wait3A_1917 : memref<1x!tpu.dma_semaphore, #tpu.memory_space<semaphore_mem>> -> memref<!tpu.dma_semaphore, #tpu.memory_space<semaphore_mem>>
    %dma_wait3A_1919 = arith.constant 0 : i32
    %dma_wait3A_1920 = arith.constant 0 : i32
    %dma_wait3A_1921 = tpu.memref_slice %arg9[%dma_wait3A_1919, %dma_wait3A_1920] : memref<16384x32xf32, #tpu.memory_space<vmem>> -> memref<1x32xf32, #tpu.memory_space<vmem>>
    %dma_wait3A_1922 = arith.constant 0 : i32
    %dma_wait3A_1923 = arith.constant 0 : i32
    %dma_wait3A_1924 = tpu.memref_slice %arg2[%dma_wait3A_1922, %dma_wait3A_1923] : memref<1000000x32xf32, #tpu.memory_space<hbm>> -> memref<1x32xf32, #tpu.memory_space<hbm>>
    tpu.wait_dma2 semaphore(%dma_wait3A_1918 : memref<!tpu.dma_semaphore, #tpu.memory_space<semaphore_mem>>) src(%dma_wait3A_1924 : memref<1x32xf32, #tpu.memory_space<hbm>>) dst(%dma_wait3A_1921 : memref<1x32xf32, #tpu.memory_space<vmem>>)
    %dma_wait3A_1925 = arith.constant 213 : i32
    %dma_wait3A_1926 = tpu.memref_slice %arg10[%dma_wait3A_1925] : memref<256x!tpu.dma_semaphore, #tpu.memory_space<semaphore_mem>> -> memref<1x!tpu.dma_semaphore, #tpu.memory_space<semaphore_mem>>
    %dma_wait3A_1927 = tpu.memref_squeeze %dma_wait3A_1926 : memref<1x!tpu.dma_semaphore, #tpu.memory_space<semaphore_mem>> -> memref<!tpu.dma_semaphore, #tpu.memory_space<semaphore_mem>>
    %dma_wait3A_1928 = arith.constant 0 : i32
    %dma_wait3A_1929 = arith.constant 0 : i32
    %dma_wait3A_1930 = tpu.memref_slice %arg9[%dma_wait3A_1928, %dma_wait3A_1929] : memref<16384x32xf32, #tpu.memory_space<vmem>> -> memref<1x32xf32, #tpu.memory_space<vmem>>
    %dma_wait3A_1931 = arith.constant 0 : i32
    %dma_wait3A_1932 = arith.constant 0 : i32
    %dma_wait3A_1933 = tpu.memref_slice %arg2[%dma_wait3A_1931, %dma_wait3A_1932] : memref<1000000x32xf32, #tpu.memory_space<hbm>> -> memref<1x32xf32, #tpu.memory_space<hbm>>
    tpu.wait_dma2 semaphore(%dma_wait3A_1927 : memref<!tpu.dma_semaphore, #tpu.memory_space<semaphore_mem>>) src(%dma_wait3A_1933 : memref<1x32xf32, #tpu.memory_space<hbm>>) dst(%dma_wait3A_1930 : memref<1x32xf32, #tpu.memory_space<vmem>>)
    %dma_wait3A_1934 = arith.constant 214 : i32
    %dma_wait3A_1935 = tpu.memref_slice %arg10[%dma_wait3A_1934] : memref<256x!tpu.dma_semaphore, #tpu.memory_space<semaphore_mem>> -> memref<1x!tpu.dma_semaphore, #tpu.memory_space<semaphore_mem>>
    %dma_wait3A_1936 = tpu.memref_squeeze %dma_wait3A_1935 : memref<1x!tpu.dma_semaphore, #tpu.memory_space<semaphore_mem>> -> memref<!tpu.dma_semaphore, #tpu.memory_space<semaphore_mem>>
    %dma_wait3A_1937 = arith.constant 0 : i32
    %dma_wait3A_1938 = arith.constant 0 : i32
    %dma_wait3A_1939 = tpu.memref_slice %arg9[%dma_wait3A_1937, %dma_wait3A_1938] : memref<16384x32xf32, #tpu.memory_space<vmem>> -> memref<1x32xf32, #tpu.memory_space<vmem>>
    %dma_wait3A_1940 = arith.constant 0 : i32
    %dma_wait3A_1941 = arith.constant 0 : i32
    %dma_wait3A_1942 = tpu.memref_slice %arg2[%dma_wait3A_1940, %dma_wait3A_1941] : memref<1000000x32xf32, #tpu.memory_space<hbm>> -> memref<1x32xf32, #tpu.memory_space<hbm>>
    tpu.wait_dma2 semaphore(%dma_wait3A_1936 : memref<!tpu.dma_semaphore, #tpu.memory_space<semaphore_mem>>) src(%dma_wait3A_1942 : memref<1x32xf32, #tpu.memory_space<hbm>>) dst(%dma_wait3A_1939 : memref<1x32xf32, #tpu.memory_space<vmem>>)
    %dma_wait3A_1943 = arith.constant 215 : i32
    %dma_wait3A_1944 = tpu.memref_slice %arg10[%dma_wait3A_1943] : memref<256x!tpu.dma_semaphore, #tpu.memory_space<semaphore_mem>> -> memref<1x!tpu.dma_semaphore, #tpu.memory_space<semaphore_mem>>
    %dma_wait3A_1945 = tpu.memref_squeeze %dma_wait3A_1944 : memref<1x!tpu.dma_semaphore, #tpu.memory_space<semaphore_mem>> -> memref<!tpu.dma_semaphore, #tpu.memory_space<semaphore_mem>>
    %dma_wait3A_1946 = arith.constant 0 : i32
    %dma_wait3A_1947 = arith.constant 0 : i32
    %dma_wait3A_1948 = tpu.memref_slice %arg9[%dma_wait3A_1946, %dma_wait3A_1947] : memref<16384x32xf32, #tpu.memory_space<vmem>> -> memref<1x32xf32, #tpu.memory_space<vmem>>
    %dma_wait3A_1949 = arith.constant 0 : i32
    %dma_wait3A_1950 = arith.constant 0 : i32
    %dma_wait3A_1951 = tpu.memref_slice %arg2[%dma_wait3A_1949, %dma_wait3A_1950] : memref<1000000x32xf32, #tpu.memory_space<hbm>> -> memref<1x32xf32, #tpu.memory_space<hbm>>
    tpu.wait_dma2 semaphore(%dma_wait3A_1945 : memref<!tpu.dma_semaphore, #tpu.memory_space<semaphore_mem>>) src(%dma_wait3A_1951 : memref<1x32xf32, #tpu.memory_space<hbm>>) dst(%dma_wait3A_1948 : memref<1x32xf32, #tpu.memory_space<vmem>>)
    %dma_wait3A_1952 = arith.constant 216 : i32
    %dma_wait3A_1953 = tpu.memref_slice %arg10[%dma_wait3A_1952] : memref<256x!tpu.dma_semaphore, #tpu.memory_space<semaphore_mem>> -> memref<1x!tpu.dma_semaphore, #tpu.memory_space<semaphore_mem>>
    %dma_wait3A_1954 = tpu.memref_squeeze %dma_wait3A_1953 : memref<1x!tpu.dma_semaphore, #tpu.memory_space<semaphore_mem>> -> memref<!tpu.dma_semaphore, #tpu.memory_space<semaphore_mem>>
    %dma_wait3A_1955 = arith.constant 0 : i32
    %dma_wait3A_1956 = arith.constant 0 : i32
    %dma_wait3A_1957 = tpu.memref_slice %arg9[%dma_wait3A_1955, %dma_wait3A_1956] : memref<16384x32xf32, #tpu.memory_space<vmem>> -> memref<1x32xf32, #tpu.memory_space<vmem>>
    %dma_wait3A_1958 = arith.constant 0 : i32
    %dma_wait3A_1959 = arith.constant 0 : i32
    %dma_wait3A_1960 = tpu.memref_slice %arg2[%dma_wait3A_1958, %dma_wait3A_1959] : memref<1000000x32xf32, #tpu.memory_space<hbm>> -> memref<1x32xf32, #tpu.memory_space<hbm>>
    tpu.wait_dma2 semaphore(%dma_wait3A_1954 : memref<!tpu.dma_semaphore, #tpu.memory_space<semaphore_mem>>) src(%dma_wait3A_1960 : memref<1x32xf32, #tpu.memory_space<hbm>>) dst(%dma_wait3A_1957 : memref<1x32xf32, #tpu.memory_space<vmem>>)
    %dma_wait3A_1961 = arith.constant 217 : i32
    %dma_wait3A_1962 = tpu.memref_slice %arg10[%dma_wait3A_1961] : memref<256x!tpu.dma_semaphore, #tpu.memory_space<semaphore_mem>> -> memref<1x!tpu.dma_semaphore, #tpu.memory_space<semaphore_mem>>
    %dma_wait3A_1963 = tpu.memref_squeeze %dma_wait3A_1962 : memref<1x!tpu.dma_semaphore, #tpu.memory_space<semaphore_mem>> -> memref<!tpu.dma_semaphore, #tpu.memory_space<semaphore_mem>>
    %dma_wait3A_1964 = arith.constant 0 : i32
    %dma_wait3A_1965 = arith.constant 0 : i32
    %dma_wait3A_1966 = tpu.memref_slice %arg9[%dma_wait3A_1964, %dma_wait3A_1965] : memref<16384x32xf32, #tpu.memory_space<vmem>> -> memref<1x32xf32, #tpu.memory_space<vmem>>
    %dma_wait3A_1967 = arith.constant 0 : i32
    %dma_wait3A_1968 = arith.constant 0 : i32
    %dma_wait3A_1969 = tpu.memref_slice %arg2[%dma_wait3A_1967, %dma_wait3A_1968] : memref<1000000x32xf32, #tpu.memory_space<hbm>> -> memref<1x32xf32, #tpu.memory_space<hbm>>
    tpu.wait_dma2 semaphore(%dma_wait3A_1963 : memref<!tpu.dma_semaphore, #tpu.memory_space<semaphore_mem>>) src(%dma_wait3A_1969 : memref<1x32xf32, #tpu.memory_space<hbm>>) dst(%dma_wait3A_1966 : memref<1x32xf32, #tpu.memory_space<vmem>>)
    %dma_wait3A_1970 = arith.constant 218 : i32
    %dma_wait3A_1971 = tpu.memref_slice %arg10[%dma_wait3A_1970] : memref<256x!tpu.dma_semaphore, #tpu.memory_space<semaphore_mem>> -> memref<1x!tpu.dma_semaphore, #tpu.memory_space<semaphore_mem>>
    %dma_wait3A_1972 = tpu.memref_squeeze %dma_wait3A_1971 : memref<1x!tpu.dma_semaphore, #tpu.memory_space<semaphore_mem>> -> memref<!tpu.dma_semaphore, #tpu.memory_space<semaphore_mem>>
    %dma_wait3A_1973 = arith.constant 0 : i32
    %dma_wait3A_1974 = arith.constant 0 : i32
    %dma_wait3A_1975 = tpu.memref_slice %arg9[%dma_wait3A_1973, %dma_wait3A_1974] : memref<16384x32xf32, #tpu.memory_space<vmem>> -> memref<1x32xf32, #tpu.memory_space<vmem>>
    %dma_wait3A_1976 = arith.constant 0 : i32
    %dma_wait3A_1977 = arith.constant 0 : i32
    %dma_wait3A_1978 = tpu.memref_slice %arg2[%dma_wait3A_1976, %dma_wait3A_1977] : memref<1000000x32xf32, #tpu.memory_space<hbm>> -> memref<1x32xf32, #tpu.memory_space<hbm>>
    tpu.wait_dma2 semaphore(%dma_wait3A_1972 : memref<!tpu.dma_semaphore, #tpu.memory_space<semaphore_mem>>) src(%dma_wait3A_1978 : memref<1x32xf32, #tpu.memory_space<hbm>>) dst(%dma_wait3A_1975 : memref<1x32xf32, #tpu.memory_space<vmem>>)
    %dma_wait3A_1979 = arith.constant 219 : i32
    %dma_wait3A_1980 = tpu.memref_slice %arg10[%dma_wait3A_1979] : memref<256x!tpu.dma_semaphore, #tpu.memory_space<semaphore_mem>> -> memref<1x!tpu.dma_semaphore, #tpu.memory_space<semaphore_mem>>
    %dma_wait3A_1981 = tpu.memref_squeeze %dma_wait3A_1980 : memref<1x!tpu.dma_semaphore, #tpu.memory_space<semaphore_mem>> -> memref<!tpu.dma_semaphore, #tpu.memory_space<semaphore_mem>>
    %dma_wait3A_1982 = arith.constant 0 : i32
    %dma_wait3A_1983 = arith.constant 0 : i32
    %dma_wait3A_1984 = tpu.memref_slice %arg9[%dma_wait3A_1982, %dma_wait3A_1983] : memref<16384x32xf32, #tpu.memory_space<vmem>> -> memref<1x32xf32, #tpu.memory_space<vmem>>
    %dma_wait3A_1985 = arith.constant 0 : i32
    %dma_wait3A_1986 = arith.constant 0 : i32
    %dma_wait3A_1987 = tpu.memref_slice %arg2[%dma_wait3A_1985, %dma_wait3A_1986] : memref<1000000x32xf32, #tpu.memory_space<hbm>> -> memref<1x32xf32, #tpu.memory_space<hbm>>
    tpu.wait_dma2 semaphore(%dma_wait3A_1981 : memref<!tpu.dma_semaphore, #tpu.memory_space<semaphore_mem>>) src(%dma_wait3A_1987 : memref<1x32xf32, #tpu.memory_space<hbm>>) dst(%dma_wait3A_1984 : memref<1x32xf32, #tpu.memory_space<vmem>>)
    %dma_wait3A_1988 = arith.constant 220 : i32
    %dma_wait3A_1989 = tpu.memref_slice %arg10[%dma_wait3A_1988] : memref<256x!tpu.dma_semaphore, #tpu.memory_space<semaphore_mem>> -> memref<1x!tpu.dma_semaphore, #tpu.memory_space<semaphore_mem>>
    %dma_wait3A_1990 = tpu.memref_squeeze %dma_wait3A_1989 : memref<1x!tpu.dma_semaphore, #tpu.memory_space<semaphore_mem>> -> memref<!tpu.dma_semaphore, #tpu.memory_space<semaphore_mem>>
    %dma_wait3A_1991 = arith.constant 0 : i32
    %dma_wait3A_1992 = arith.constant 0 : i32
    %dma_wait3A_1993 = tpu.memref_slice %arg9[%dma_wait3A_1991, %dma_wait3A_1992] : memref<16384x32xf32, #tpu.memory_space<vmem>> -> memref<1x32xf32, #tpu.memory_space<vmem>>
    %dma_wait3A_1994 = arith.constant 0 : i32
    %dma_wait3A_1995 = arith.constant 0 : i32
    %dma_wait3A_1996 = tpu.memref_slice %arg2[%dma_wait3A_1994, %dma_wait3A_1995] : memref<1000000x32xf32, #tpu.memory_space<hbm>> -> memref<1x32xf32, #tpu.memory_space<hbm>>
    tpu.wait_dma2 semaphore(%dma_wait3A_1990 : memref<!tpu.dma_semaphore, #tpu.memory_space<semaphore_mem>>) src(%dma_wait3A_1996 : memref<1x32xf32, #tpu.memory_space<hbm>>) dst(%dma_wait3A_1993 : memref<1x32xf32, #tpu.memory_space<vmem>>)
    %dma_wait3A_1997 = arith.constant 221 : i32
    %dma_wait3A_1998 = tpu.memref_slice %arg10[%dma_wait3A_1997] : memref<256x!tpu.dma_semaphore, #tpu.memory_space<semaphore_mem>> -> memref<1x!tpu.dma_semaphore, #tpu.memory_space<semaphore_mem>>
    %dma_wait3A_1999 = tpu.memref_squeeze %dma_wait3A_1998 : memref<1x!tpu.dma_semaphore, #tpu.memory_space<semaphore_mem>> -> memref<!tpu.dma_semaphore, #tpu.memory_space<semaphore_mem>>
    %dma_wait3A_2000 = arith.constant 0 : i32
    %dma_wait3A_2001 = arith.constant 0 : i32
    %dma_wait3A_2002 = tpu.memref_slice %arg9[%dma_wait3A_2000, %dma_wait3A_2001] : memref<16384x32xf32, #tpu.memory_space<vmem>> -> memref<1x32xf32, #tpu.memory_space<vmem>>
    %dma_wait3A_2003 = arith.constant 0 : i32
    %dma_wait3A_2004 = arith.constant 0 : i32
    %dma_wait3A_2005 = tpu.memref_slice %arg2[%dma_wait3A_2003, %dma_wait3A_2004] : memref<1000000x32xf32, #tpu.memory_space<hbm>> -> memref<1x32xf32, #tpu.memory_space<hbm>>
    tpu.wait_dma2 semaphore(%dma_wait3A_1999 : memref<!tpu.dma_semaphore, #tpu.memory_space<semaphore_mem>>) src(%dma_wait3A_2005 : memref<1x32xf32, #tpu.memory_space<hbm>>) dst(%dma_wait3A_2002 : memref<1x32xf32, #tpu.memory_space<vmem>>)
    %dma_wait3A_2006 = arith.constant 222 : i32
    %dma_wait3A_2007 = tpu.memref_slice %arg10[%dma_wait3A_2006] : memref<256x!tpu.dma_semaphore, #tpu.memory_space<semaphore_mem>> -> memref<1x!tpu.dma_semaphore, #tpu.memory_space<semaphore_mem>>
    %dma_wait3A_2008 = tpu.memref_squeeze %dma_wait3A_2007 : memref<1x!tpu.dma_semaphore, #tpu.memory_space<semaphore_mem>> -> memref<!tpu.dma_semaphore, #tpu.memory_space<semaphore_mem>>
    %dma_wait3A_2009 = arith.constant 0 : i32
    %dma_wait3A_2010 = arith.constant 0 : i32
    %dma_wait3A_2011 = tpu.memref_slice %arg9[%dma_wait3A_2009, %dma_wait3A_2010] : memref<16384x32xf32, #tpu.memory_space<vmem>> -> memref<1x32xf32, #tpu.memory_space<vmem>>
    %dma_wait3A_2012 = arith.constant 0 : i32
    %dma_wait3A_2013 = arith.constant 0 : i32
    %dma_wait3A_2014 = tpu.memref_slice %arg2[%dma_wait3A_2012, %dma_wait3A_2013] : memref<1000000x32xf32, #tpu.memory_space<hbm>> -> memref<1x32xf32, #tpu.memory_space<hbm>>
    tpu.wait_dma2 semaphore(%dma_wait3A_2008 : memref<!tpu.dma_semaphore, #tpu.memory_space<semaphore_mem>>) src(%dma_wait3A_2014 : memref<1x32xf32, #tpu.memory_space<hbm>>) dst(%dma_wait3A_2011 : memref<1x32xf32, #tpu.memory_space<vmem>>)
    %dma_wait3A_2015 = arith.constant 223 : i32
    %dma_wait3A_2016 = tpu.memref_slice %arg10[%dma_wait3A_2015] : memref<256x!tpu.dma_semaphore, #tpu.memory_space<semaphore_mem>> -> memref<1x!tpu.dma_semaphore, #tpu.memory_space<semaphore_mem>>
    %dma_wait3A_2017 = tpu.memref_squeeze %dma_wait3A_2016 : memref<1x!tpu.dma_semaphore, #tpu.memory_space<semaphore_mem>> -> memref<!tpu.dma_semaphore, #tpu.memory_space<semaphore_mem>>
    %dma_wait3A_2018 = arith.constant 0 : i32
    %dma_wait3A_2019 = arith.constant 0 : i32
    %dma_wait3A_2020 = tpu.memref_slice %arg9[%dma_wait3A_2018, %dma_wait3A_2019] : memref<16384x32xf32, #tpu.memory_space<vmem>> -> memref<1x32xf32, #tpu.memory_space<vmem>>
    %dma_wait3A_2021 = arith.constant 0 : i32
    %dma_wait3A_2022 = arith.constant 0 : i32
    %dma_wait3A_2023 = tpu.memref_slice %arg2[%dma_wait3A_2021, %dma_wait3A_2022] : memref<1000000x32xf32, #tpu.memory_space<hbm>> -> memref<1x32xf32, #tpu.memory_space<hbm>>
    tpu.wait_dma2 semaphore(%dma_wait3A_2017 : memref<!tpu.dma_semaphore, #tpu.memory_space<semaphore_mem>>) src(%dma_wait3A_2023 : memref<1x32xf32, #tpu.memory_space<hbm>>) dst(%dma_wait3A_2020 : memref<1x32xf32, #tpu.memory_space<vmem>>)
    %dma_wait3A_2024 = arith.constant 224 : i32
    %dma_wait3A_2025 = tpu.memref_slice %arg10[%dma_wait3A_2024] : memref<256x!tpu.dma_semaphore, #tpu.memory_space<semaphore_mem>> -> memref<1x!tpu.dma_semaphore, #tpu.memory_space<semaphore_mem>>
    %dma_wait3A_2026 = tpu.memref_squeeze %dma_wait3A_2025 : memref<1x!tpu.dma_semaphore, #tpu.memory_space<semaphore_mem>> -> memref<!tpu.dma_semaphore, #tpu.memory_space<semaphore_mem>>
    %dma_wait3A_2027 = arith.constant 0 : i32
    %dma_wait3A_2028 = arith.constant 0 : i32
    %dma_wait3A_2029 = tpu.memref_slice %arg9[%dma_wait3A_2027, %dma_wait3A_2028] : memref<16384x32xf32, #tpu.memory_space<vmem>> -> memref<1x32xf32, #tpu.memory_space<vmem>>
    %dma_wait3A_2030 = arith.constant 0 : i32
    %dma_wait3A_2031 = arith.constant 0 : i32
    %dma_wait3A_2032 = tpu.memref_slice %arg2[%dma_wait3A_2030, %dma_wait3A_2031] : memref<1000000x32xf32, #tpu.memory_space<hbm>> -> memref<1x32xf32, #tpu.memory_space<hbm>>
    tpu.wait_dma2 semaphore(%dma_wait3A_2026 : memref<!tpu.dma_semaphore, #tpu.memory_space<semaphore_mem>>) src(%dma_wait3A_2032 : memref<1x32xf32, #tpu.memory_space<hbm>>) dst(%dma_wait3A_2029 : memref<1x32xf32, #tpu.memory_space<vmem>>)
    %dma_wait3A_2033 = arith.constant 225 : i32
    %dma_wait3A_2034 = tpu.memref_slice %arg10[%dma_wait3A_2033] : memref<256x!tpu.dma_semaphore, #tpu.memory_space<semaphore_mem>> -> memref<1x!tpu.dma_semaphore, #tpu.memory_space<semaphore_mem>>
    %dma_wait3A_2035 = tpu.memref_squeeze %dma_wait3A_2034 : memref<1x!tpu.dma_semaphore, #tpu.memory_space<semaphore_mem>> -> memref<!tpu.dma_semaphore, #tpu.memory_space<semaphore_mem>>
    %dma_wait3A_2036 = arith.constant 0 : i32
    %dma_wait3A_2037 = arith.constant 0 : i32
    %dma_wait3A_2038 = tpu.memref_slice %arg9[%dma_wait3A_2036, %dma_wait3A_2037] : memref<16384x32xf32, #tpu.memory_space<vmem>> -> memref<1x32xf32, #tpu.memory_space<vmem>>
    %dma_wait3A_2039 = arith.constant 0 : i32
    %dma_wait3A_2040 = arith.constant 0 : i32
    %dma_wait3A_2041 = tpu.memref_slice %arg2[%dma_wait3A_2039, %dma_wait3A_2040] : memref<1000000x32xf32, #tpu.memory_space<hbm>> -> memref<1x32xf32, #tpu.memory_space<hbm>>
    tpu.wait_dma2 semaphore(%dma_wait3A_2035 : memref<!tpu.dma_semaphore, #tpu.memory_space<semaphore_mem>>) src(%dma_wait3A_2041 : memref<1x32xf32, #tpu.memory_space<hbm>>) dst(%dma_wait3A_2038 : memref<1x32xf32, #tpu.memory_space<vmem>>)
    %dma_wait3A_2042 = arith.constant 226 : i32
    %dma_wait3A_2043 = tpu.memref_slice %arg10[%dma_wait3A_2042] : memref<256x!tpu.dma_semaphore, #tpu.memory_space<semaphore_mem>> -> memref<1x!tpu.dma_semaphore, #tpu.memory_space<semaphore_mem>>
    %dma_wait3A_2044 = tpu.memref_squeeze %dma_wait3A_2043 : memref<1x!tpu.dma_semaphore, #tpu.memory_space<semaphore_mem>> -> memref<!tpu.dma_semaphore, #tpu.memory_space<semaphore_mem>>
    %dma_wait3A_2045 = arith.constant 0 : i32
    %dma_wait3A_2046 = arith.constant 0 : i32
    %dma_wait3A_2047 = tpu.memref_slice %arg9[%dma_wait3A_2045, %dma_wait3A_2046] : memref<16384x32xf32, #tpu.memory_space<vmem>> -> memref<1x32xf32, #tpu.memory_space<vmem>>
    %dma_wait3A_2048 = arith.constant 0 : i32
    %dma_wait3A_2049 = arith.constant 0 : i32
    %dma_wait3A_2050 = tpu.memref_slice %arg2[%dma_wait3A_2048, %dma_wait3A_2049] : memref<1000000x32xf32, #tpu.memory_space<hbm>> -> memref<1x32xf32, #tpu.memory_space<hbm>>
    tpu.wait_dma2 semaphore(%dma_wait3A_2044 : memref<!tpu.dma_semaphore, #tpu.memory_space<semaphore_mem>>) src(%dma_wait3A_2050 : memref<1x32xf32, #tpu.memory_space<hbm>>) dst(%dma_wait3A_2047 : memref<1x32xf32, #tpu.memory_space<vmem>>)
    %dma_wait3A_2051 = arith.constant 227 : i32
    %dma_wait3A_2052 = tpu.memref_slice %arg10[%dma_wait3A_2051] : memref<256x!tpu.dma_semaphore, #tpu.memory_space<semaphore_mem>> -> memref<1x!tpu.dma_semaphore, #tpu.memory_space<semaphore_mem>>
    %dma_wait3A_2053 = tpu.memref_squeeze %dma_wait3A_2052 : memref<1x!tpu.dma_semaphore, #tpu.memory_space<semaphore_mem>> -> memref<!tpu.dma_semaphore, #tpu.memory_space<semaphore_mem>>
    %dma_wait3A_2054 = arith.constant 0 : i32
    %dma_wait3A_2055 = arith.constant 0 : i32
    %dma_wait3A_2056 = tpu.memref_slice %arg9[%dma_wait3A_2054, %dma_wait3A_2055] : memref<16384x32xf32, #tpu.memory_space<vmem>> -> memref<1x32xf32, #tpu.memory_space<vmem>>
    %dma_wait3A_2057 = arith.constant 0 : i32
    %dma_wait3A_2058 = arith.constant 0 : i32
    %dma_wait3A_2059 = tpu.memref_slice %arg2[%dma_wait3A_2057, %dma_wait3A_2058] : memref<1000000x32xf32, #tpu.memory_space<hbm>> -> memref<1x32xf32, #tpu.memory_space<hbm>>
    tpu.wait_dma2 semaphore(%dma_wait3A_2053 : memref<!tpu.dma_semaphore, #tpu.memory_space<semaphore_mem>>) src(%dma_wait3A_2059 : memref<1x32xf32, #tpu.memory_space<hbm>>) dst(%dma_wait3A_2056 : memref<1x32xf32, #tpu.memory_space<vmem>>)
    %dma_wait3A_2060 = arith.constant 228 : i32
    %dma_wait3A_2061 = tpu.memref_slice %arg10[%dma_wait3A_2060] : memref<256x!tpu.dma_semaphore, #tpu.memory_space<semaphore_mem>> -> memref<1x!tpu.dma_semaphore, #tpu.memory_space<semaphore_mem>>
    %dma_wait3A_2062 = tpu.memref_squeeze %dma_wait3A_2061 : memref<1x!tpu.dma_semaphore, #tpu.memory_space<semaphore_mem>> -> memref<!tpu.dma_semaphore, #tpu.memory_space<semaphore_mem>>
    %dma_wait3A_2063 = arith.constant 0 : i32
    %dma_wait3A_2064 = arith.constant 0 : i32
    %dma_wait3A_2065 = tpu.memref_slice %arg9[%dma_wait3A_2063, %dma_wait3A_2064] : memref<16384x32xf32, #tpu.memory_space<vmem>> -> memref<1x32xf32, #tpu.memory_space<vmem>>
    %dma_wait3A_2066 = arith.constant 0 : i32
    %dma_wait3A_2067 = arith.constant 0 : i32
    %dma_wait3A_2068 = tpu.memref_slice %arg2[%dma_wait3A_2066, %dma_wait3A_2067] : memref<1000000x32xf32, #tpu.memory_space<hbm>> -> memref<1x32xf32, #tpu.memory_space<hbm>>
    tpu.wait_dma2 semaphore(%dma_wait3A_2062 : memref<!tpu.dma_semaphore, #tpu.memory_space<semaphore_mem>>) src(%dma_wait3A_2068 : memref<1x32xf32, #tpu.memory_space<hbm>>) dst(%dma_wait3A_2065 : memref<1x32xf32, #tpu.memory_space<vmem>>)
    %dma_wait3A_2069 = arith.constant 229 : i32
    %dma_wait3A_2070 = tpu.memref_slice %arg10[%dma_wait3A_2069] : memref<256x!tpu.dma_semaphore, #tpu.memory_space<semaphore_mem>> -> memref<1x!tpu.dma_semaphore, #tpu.memory_space<semaphore_mem>>
    %dma_wait3A_2071 = tpu.memref_squeeze %dma_wait3A_2070 : memref<1x!tpu.dma_semaphore, #tpu.memory_space<semaphore_mem>> -> memref<!tpu.dma_semaphore, #tpu.memory_space<semaphore_mem>>
    %dma_wait3A_2072 = arith.constant 0 : i32
    %dma_wait3A_2073 = arith.constant 0 : i32
    %dma_wait3A_2074 = tpu.memref_slice %arg9[%dma_wait3A_2072, %dma_wait3A_2073] : memref<16384x32xf32, #tpu.memory_space<vmem>> -> memref<1x32xf32, #tpu.memory_space<vmem>>
    %dma_wait3A_2075 = arith.constant 0 : i32
    %dma_wait3A_2076 = arith.constant 0 : i32
    %dma_wait3A_2077 = tpu.memref_slice %arg2[%dma_wait3A_2075, %dma_wait3A_2076] : memref<1000000x32xf32, #tpu.memory_space<hbm>> -> memref<1x32xf32, #tpu.memory_space<hbm>>
    tpu.wait_dma2 semaphore(%dma_wait3A_2071 : memref<!tpu.dma_semaphore, #tpu.memory_space<semaphore_mem>>) src(%dma_wait3A_2077 : memref<1x32xf32, #tpu.memory_space<hbm>>) dst(%dma_wait3A_2074 : memref<1x32xf32, #tpu.memory_space<vmem>>)
    %dma_wait3A_2078 = arith.constant 230 : i32
    %dma_wait3A_2079 = tpu.memref_slice %arg10[%dma_wait3A_2078] : memref<256x!tpu.dma_semaphore, #tpu.memory_space<semaphore_mem>> -> memref<1x!tpu.dma_semaphore, #tpu.memory_space<semaphore_mem>>
    %dma_wait3A_2080 = tpu.memref_squeeze %dma_wait3A_2079 : memref<1x!tpu.dma_semaphore, #tpu.memory_space<semaphore_mem>> -> memref<!tpu.dma_semaphore, #tpu.memory_space<semaphore_mem>>
    %dma_wait3A_2081 = arith.constant 0 : i32
    %dma_wait3A_2082 = arith.constant 0 : i32
    %dma_wait3A_2083 = tpu.memref_slice %arg9[%dma_wait3A_2081, %dma_wait3A_2082] : memref<16384x32xf32, #tpu.memory_space<vmem>> -> memref<1x32xf32, #tpu.memory_space<vmem>>
    %dma_wait3A_2084 = arith.constant 0 : i32
    %dma_wait3A_2085 = arith.constant 0 : i32
    %dma_wait3A_2086 = tpu.memref_slice %arg2[%dma_wait3A_2084, %dma_wait3A_2085] : memref<1000000x32xf32, #tpu.memory_space<hbm>> -> memref<1x32xf32, #tpu.memory_space<hbm>>
    tpu.wait_dma2 semaphore(%dma_wait3A_2080 : memref<!tpu.dma_semaphore, #tpu.memory_space<semaphore_mem>>) src(%dma_wait3A_2086 : memref<1x32xf32, #tpu.memory_space<hbm>>) dst(%dma_wait3A_2083 : memref<1x32xf32, #tpu.memory_space<vmem>>)
    %dma_wait3A_2087 = arith.constant 231 : i32
    %dma_wait3A_2088 = tpu.memref_slice %arg10[%dma_wait3A_2087] : memref<256x!tpu.dma_semaphore, #tpu.memory_space<semaphore_mem>> -> memref<1x!tpu.dma_semaphore, #tpu.memory_space<semaphore_mem>>
    %dma_wait3A_2089 = tpu.memref_squeeze %dma_wait3A_2088 : memref<1x!tpu.dma_semaphore, #tpu.memory_space<semaphore_mem>> -> memref<!tpu.dma_semaphore, #tpu.memory_space<semaphore_mem>>
    %dma_wait3A_2090 = arith.constant 0 : i32
    %dma_wait3A_2091 = arith.constant 0 : i32
    %dma_wait3A_2092 = tpu.memref_slice %arg9[%dma_wait3A_2090, %dma_wait3A_2091] : memref<16384x32xf32, #tpu.memory_space<vmem>> -> memref<1x32xf32, #tpu.memory_space<vmem>>
    %dma_wait3A_2093 = arith.constant 0 : i32
    %dma_wait3A_2094 = arith.constant 0 : i32
    %dma_wait3A_2095 = tpu.memref_slice %arg2[%dma_wait3A_2093, %dma_wait3A_2094] : memref<1000000x32xf32, #tpu.memory_space<hbm>> -> memref<1x32xf32, #tpu.memory_space<hbm>>
    tpu.wait_dma2 semaphore(%dma_wait3A_2089 : memref<!tpu.dma_semaphore, #tpu.memory_space<semaphore_mem>>) src(%dma_wait3A_2095 : memref<1x32xf32, #tpu.memory_space<hbm>>) dst(%dma_wait3A_2092 : memref<1x32xf32, #tpu.memory_space<vmem>>)
    %dma_wait3A_2096 = arith.constant 232 : i32
    %dma_wait3A_2097 = tpu.memref_slice %arg10[%dma_wait3A_2096] : memref<256x!tpu.dma_semaphore, #tpu.memory_space<semaphore_mem>> -> memref<1x!tpu.dma_semaphore, #tpu.memory_space<semaphore_mem>>
    %dma_wait3A_2098 = tpu.memref_squeeze %dma_wait3A_2097 : memref<1x!tpu.dma_semaphore, #tpu.memory_space<semaphore_mem>> -> memref<!tpu.dma_semaphore, #tpu.memory_space<semaphore_mem>>
    %dma_wait3A_2099 = arith.constant 0 : i32
    %dma_wait3A_2100 = arith.constant 0 : i32
    %dma_wait3A_2101 = tpu.memref_slice %arg9[%dma_wait3A_2099, %dma_wait3A_2100] : memref<16384x32xf32, #tpu.memory_space<vmem>> -> memref<1x32xf32, #tpu.memory_space<vmem>>
    %dma_wait3A_2102 = arith.constant 0 : i32
    %dma_wait3A_2103 = arith.constant 0 : i32
    %dma_wait3A_2104 = tpu.memref_slice %arg2[%dma_wait3A_2102, %dma_wait3A_2103] : memref<1000000x32xf32, #tpu.memory_space<hbm>> -> memref<1x32xf32, #tpu.memory_space<hbm>>
    tpu.wait_dma2 semaphore(%dma_wait3A_2098 : memref<!tpu.dma_semaphore, #tpu.memory_space<semaphore_mem>>) src(%dma_wait3A_2104 : memref<1x32xf32, #tpu.memory_space<hbm>>) dst(%dma_wait3A_2101 : memref<1x32xf32, #tpu.memory_space<vmem>>)
    %dma_wait3A_2105 = arith.constant 233 : i32
    %dma_wait3A_2106 = tpu.memref_slice %arg10[%dma_wait3A_2105] : memref<256x!tpu.dma_semaphore, #tpu.memory_space<semaphore_mem>> -> memref<1x!tpu.dma_semaphore, #tpu.memory_space<semaphore_mem>>
    %dma_wait3A_2107 = tpu.memref_squeeze %dma_wait3A_2106 : memref<1x!tpu.dma_semaphore, #tpu.memory_space<semaphore_mem>> -> memref<!tpu.dma_semaphore, #tpu.memory_space<semaphore_mem>>
    %dma_wait3A_2108 = arith.constant 0 : i32
    %dma_wait3A_2109 = arith.constant 0 : i32
    %dma_wait3A_2110 = tpu.memref_slice %arg9[%dma_wait3A_2108, %dma_wait3A_2109] : memref<16384x32xf32, #tpu.memory_space<vmem>> -> memref<1x32xf32, #tpu.memory_space<vmem>>
    %dma_wait3A_2111 = arith.constant 0 : i32
    %dma_wait3A_2112 = arith.constant 0 : i32
    %dma_wait3A_2113 = tpu.memref_slice %arg2[%dma_wait3A_2111, %dma_wait3A_2112] : memref<1000000x32xf32, #tpu.memory_space<hbm>> -> memref<1x32xf32, #tpu.memory_space<hbm>>
    tpu.wait_dma2 semaphore(%dma_wait3A_2107 : memref<!tpu.dma_semaphore, #tpu.memory_space<semaphore_mem>>) src(%dma_wait3A_2113 : memref<1x32xf32, #tpu.memory_space<hbm>>) dst(%dma_wait3A_2110 : memref<1x32xf32, #tpu.memory_space<vmem>>)
    %dma_wait3A_2114 = arith.constant 234 : i32
    %dma_wait3A_2115 = tpu.memref_slice %arg10[%dma_wait3A_2114] : memref<256x!tpu.dma_semaphore, #tpu.memory_space<semaphore_mem>> -> memref<1x!tpu.dma_semaphore, #tpu.memory_space<semaphore_mem>>
    %dma_wait3A_2116 = tpu.memref_squeeze %dma_wait3A_2115 : memref<1x!tpu.dma_semaphore, #tpu.memory_space<semaphore_mem>> -> memref<!tpu.dma_semaphore, #tpu.memory_space<semaphore_mem>>
    %dma_wait3A_2117 = arith.constant 0 : i32
    %dma_wait3A_2118 = arith.constant 0 : i32
    %dma_wait3A_2119 = tpu.memref_slice %arg9[%dma_wait3A_2117, %dma_wait3A_2118] : memref<16384x32xf32, #tpu.memory_space<vmem>> -> memref<1x32xf32, #tpu.memory_space<vmem>>
    %dma_wait3A_2120 = arith.constant 0 : i32
    %dma_wait3A_2121 = arith.constant 0 : i32
    %dma_wait3A_2122 = tpu.memref_slice %arg2[%dma_wait3A_2120, %dma_wait3A_2121] : memref<1000000x32xf32, #tpu.memory_space<hbm>> -> memref<1x32xf32, #tpu.memory_space<hbm>>
    tpu.wait_dma2 semaphore(%dma_wait3A_2116 : memref<!tpu.dma_semaphore, #tpu.memory_space<semaphore_mem>>) src(%dma_wait3A_2122 : memref<1x32xf32, #tpu.memory_space<hbm>>) dst(%dma_wait3A_2119 : memref<1x32xf32, #tpu.memory_space<vmem>>)
    %dma_wait3A_2123 = arith.constant 235 : i32
    %dma_wait3A_2124 = tpu.memref_slice %arg10[%dma_wait3A_2123] : memref<256x!tpu.dma_semaphore, #tpu.memory_space<semaphore_mem>> -> memref<1x!tpu.dma_semaphore, #tpu.memory_space<semaphore_mem>>
    %dma_wait3A_2125 = tpu.memref_squeeze %dma_wait3A_2124 : memref<1x!tpu.dma_semaphore, #tpu.memory_space<semaphore_mem>> -> memref<!tpu.dma_semaphore, #tpu.memory_space<semaphore_mem>>
    %dma_wait3A_2126 = arith.constant 0 : i32
    %dma_wait3A_2127 = arith.constant 0 : i32
    %dma_wait3A_2128 = tpu.memref_slice %arg9[%dma_wait3A_2126, %dma_wait3A_2127] : memref<16384x32xf32, #tpu.memory_space<vmem>> -> memref<1x32xf32, #tpu.memory_space<vmem>>
    %dma_wait3A_2129 = arith.constant 0 : i32
    %dma_wait3A_2130 = arith.constant 0 : i32
    %dma_wait3A_2131 = tpu.memref_slice %arg2[%dma_wait3A_2129, %dma_wait3A_2130] : memref<1000000x32xf32, #tpu.memory_space<hbm>> -> memref<1x32xf32, #tpu.memory_space<hbm>>
    tpu.wait_dma2 semaphore(%dma_wait3A_2125 : memref<!tpu.dma_semaphore, #tpu.memory_space<semaphore_mem>>) src(%dma_wait3A_2131 : memref<1x32xf32, #tpu.memory_space<hbm>>) dst(%dma_wait3A_2128 : memref<1x32xf32, #tpu.memory_space<vmem>>)
    %dma_wait3A_2132 = arith.constant 236 : i32
    %dma_wait3A_2133 = tpu.memref_slice %arg10[%dma_wait3A_2132] : memref<256x!tpu.dma_semaphore, #tpu.memory_space<semaphore_mem>> -> memref<1x!tpu.dma_semaphore, #tpu.memory_space<semaphore_mem>>
    %dma_wait3A_2134 = tpu.memref_squeeze %dma_wait3A_2133 : memref<1x!tpu.dma_semaphore, #tpu.memory_space<semaphore_mem>> -> memref<!tpu.dma_semaphore, #tpu.memory_space<semaphore_mem>>
    %dma_wait3A_2135 = arith.constant 0 : i32
    %dma_wait3A_2136 = arith.constant 0 : i32
    %dma_wait3A_2137 = tpu.memref_slice %arg9[%dma_wait3A_2135, %dma_wait3A_2136] : memref<16384x32xf32, #tpu.memory_space<vmem>> -> memref<1x32xf32, #tpu.memory_space<vmem>>
    %dma_wait3A_2138 = arith.constant 0 : i32
    %dma_wait3A_2139 = arith.constant 0 : i32
    %dma_wait3A_2140 = tpu.memref_slice %arg2[%dma_wait3A_2138, %dma_wait3A_2139] : memref<1000000x32xf32, #tpu.memory_space<hbm>> -> memref<1x32xf32, #tpu.memory_space<hbm>>
    tpu.wait_dma2 semaphore(%dma_wait3A_2134 : memref<!tpu.dma_semaphore, #tpu.memory_space<semaphore_mem>>) src(%dma_wait3A_2140 : memref<1x32xf32, #tpu.memory_space<hbm>>) dst(%dma_wait3A_2137 : memref<1x32xf32, #tpu.memory_space<vmem>>)
    %dma_wait3A_2141 = arith.constant 237 : i32
    %dma_wait3A_2142 = tpu.memref_slice %arg10[%dma_wait3A_2141] : memref<256x!tpu.dma_semaphore, #tpu.memory_space<semaphore_mem>> -> memref<1x!tpu.dma_semaphore, #tpu.memory_space<semaphore_mem>>
    %dma_wait3A_2143 = tpu.memref_squeeze %dma_wait3A_2142 : memref<1x!tpu.dma_semaphore, #tpu.memory_space<semaphore_mem>> -> memref<!tpu.dma_semaphore, #tpu.memory_space<semaphore_mem>>
    %dma_wait3A_2144 = arith.constant 0 : i32
    %dma_wait3A_2145 = arith.constant 0 : i32
    %dma_wait3A_2146 = tpu.memref_slice %arg9[%dma_wait3A_2144, %dma_wait3A_2145] : memref<16384x32xf32, #tpu.memory_space<vmem>> -> memref<1x32xf32, #tpu.memory_space<vmem>>
    %dma_wait3A_2147 = arith.constant 0 : i32
    %dma_wait3A_2148 = arith.constant 0 : i32
    %dma_wait3A_2149 = tpu.memref_slice %arg2[%dma_wait3A_2147, %dma_wait3A_2148] : memref<1000000x32xf32, #tpu.memory_space<hbm>> -> memref<1x32xf32, #tpu.memory_space<hbm>>
    tpu.wait_dma2 semaphore(%dma_wait3A_2143 : memref<!tpu.dma_semaphore, #tpu.memory_space<semaphore_mem>>) src(%dma_wait3A_2149 : memref<1x32xf32, #tpu.memory_space<hbm>>) dst(%dma_wait3A_2146 : memref<1x32xf32, #tpu.memory_space<vmem>>)
    %dma_wait3A_2150 = arith.constant 238 : i32
    %dma_wait3A_2151 = tpu.memref_slice %arg10[%dma_wait3A_2150] : memref<256x!tpu.dma_semaphore, #tpu.memory_space<semaphore_mem>> -> memref<1x!tpu.dma_semaphore, #tpu.memory_space<semaphore_mem>>
    %dma_wait3A_2152 = tpu.memref_squeeze %dma_wait3A_2151 : memref<1x!tpu.dma_semaphore, #tpu.memory_space<semaphore_mem>> -> memref<!tpu.dma_semaphore, #tpu.memory_space<semaphore_mem>>
    %dma_wait3A_2153 = arith.constant 0 : i32
    %dma_wait3A_2154 = arith.constant 0 : i32
    %dma_wait3A_2155 = tpu.memref_slice %arg9[%dma_wait3A_2153, %dma_wait3A_2154] : memref<16384x32xf32, #tpu.memory_space<vmem>> -> memref<1x32xf32, #tpu.memory_space<vmem>>
    %dma_wait3A_2156 = arith.constant 0 : i32
    %dma_wait3A_2157 = arith.constant 0 : i32
    %dma_wait3A_2158 = tpu.memref_slice %arg2[%dma_wait3A_2156, %dma_wait3A_2157] : memref<1000000x32xf32, #tpu.memory_space<hbm>> -> memref<1x32xf32, #tpu.memory_space<hbm>>
    tpu.wait_dma2 semaphore(%dma_wait3A_2152 : memref<!tpu.dma_semaphore, #tpu.memory_space<semaphore_mem>>) src(%dma_wait3A_2158 : memref<1x32xf32, #tpu.memory_space<hbm>>) dst(%dma_wait3A_2155 : memref<1x32xf32, #tpu.memory_space<vmem>>)
    %dma_wait3A_2159 = arith.constant 239 : i32
    %dma_wait3A_2160 = tpu.memref_slice %arg10[%dma_wait3A_2159] : memref<256x!tpu.dma_semaphore, #tpu.memory_space<semaphore_mem>> -> memref<1x!tpu.dma_semaphore, #tpu.memory_space<semaphore_mem>>
    %dma_wait3A_2161 = tpu.memref_squeeze %dma_wait3A_2160 : memref<1x!tpu.dma_semaphore, #tpu.memory_space<semaphore_mem>> -> memref<!tpu.dma_semaphore, #tpu.memory_space<semaphore_mem>>
    %dma_wait3A_2162 = arith.constant 0 : i32
    %dma_wait3A_2163 = arith.constant 0 : i32
    %dma_wait3A_2164 = tpu.memref_slice %arg9[%dma_wait3A_2162, %dma_wait3A_2163] : memref<16384x32xf32, #tpu.memory_space<vmem>> -> memref<1x32xf32, #tpu.memory_space<vmem>>
    %dma_wait3A_2165 = arith.constant 0 : i32
    %dma_wait3A_2166 = arith.constant 0 : i32
    %dma_wait3A_2167 = tpu.memref_slice %arg2[%dma_wait3A_2165, %dma_wait3A_2166] : memref<1000000x32xf32, #tpu.memory_space<hbm>> -> memref<1x32xf32, #tpu.memory_space<hbm>>
    tpu.wait_dma2 semaphore(%dma_wait3A_2161 : memref<!tpu.dma_semaphore, #tpu.memory_space<semaphore_mem>>) src(%dma_wait3A_2167 : memref<1x32xf32, #tpu.memory_space<hbm>>) dst(%dma_wait3A_2164 : memref<1x32xf32, #tpu.memory_space<vmem>>)
    %dma_wait3A_2168 = arith.constant 240 : i32
    %dma_wait3A_2169 = tpu.memref_slice %arg10[%dma_wait3A_2168] : memref<256x!tpu.dma_semaphore, #tpu.memory_space<semaphore_mem>> -> memref<1x!tpu.dma_semaphore, #tpu.memory_space<semaphore_mem>>
    %dma_wait3A_2170 = tpu.memref_squeeze %dma_wait3A_2169 : memref<1x!tpu.dma_semaphore, #tpu.memory_space<semaphore_mem>> -> memref<!tpu.dma_semaphore, #tpu.memory_space<semaphore_mem>>
    %dma_wait3A_2171 = arith.constant 0 : i32
    %dma_wait3A_2172 = arith.constant 0 : i32
    %dma_wait3A_2173 = tpu.memref_slice %arg9[%dma_wait3A_2171, %dma_wait3A_2172] : memref<16384x32xf32, #tpu.memory_space<vmem>> -> memref<1x32xf32, #tpu.memory_space<vmem>>
    %dma_wait3A_2174 = arith.constant 0 : i32
    %dma_wait3A_2175 = arith.constant 0 : i32
    %dma_wait3A_2176 = tpu.memref_slice %arg2[%dma_wait3A_2174, %dma_wait3A_2175] : memref<1000000x32xf32, #tpu.memory_space<hbm>> -> memref<1x32xf32, #tpu.memory_space<hbm>>
    tpu.wait_dma2 semaphore(%dma_wait3A_2170 : memref<!tpu.dma_semaphore, #tpu.memory_space<semaphore_mem>>) src(%dma_wait3A_2176 : memref<1x32xf32, #tpu.memory_space<hbm>>) dst(%dma_wait3A_2173 : memref<1x32xf32, #tpu.memory_space<vmem>>)
    %dma_wait3A_2177 = arith.constant 241 : i32
    %dma_wait3A_2178 = tpu.memref_slice %arg10[%dma_wait3A_2177] : memref<256x!tpu.dma_semaphore, #tpu.memory_space<semaphore_mem>> -> memref<1x!tpu.dma_semaphore, #tpu.memory_space<semaphore_mem>>
    %dma_wait3A_2179 = tpu.memref_squeeze %dma_wait3A_2178 : memref<1x!tpu.dma_semaphore, #tpu.memory_space<semaphore_mem>> -> memref<!tpu.dma_semaphore, #tpu.memory_space<semaphore_mem>>
    %dma_wait3A_2180 = arith.constant 0 : i32
    %dma_wait3A_2181 = arith.constant 0 : i32
    %dma_wait3A_2182 = tpu.memref_slice %arg9[%dma_wait3A_2180, %dma_wait3A_2181] : memref<16384x32xf32, #tpu.memory_space<vmem>> -> memref<1x32xf32, #tpu.memory_space<vmem>>
    %dma_wait3A_2183 = arith.constant 0 : i32
    %dma_wait3A_2184 = arith.constant 0 : i32
    %dma_wait3A_2185 = tpu.memref_slice %arg2[%dma_wait3A_2183, %dma_wait3A_2184] : memref<1000000x32xf32, #tpu.memory_space<hbm>> -> memref<1x32xf32, #tpu.memory_space<hbm>>
    tpu.wait_dma2 semaphore(%dma_wait3A_2179 : memref<!tpu.dma_semaphore, #tpu.memory_space<semaphore_mem>>) src(%dma_wait3A_2185 : memref<1x32xf32, #tpu.memory_space<hbm>>) dst(%dma_wait3A_2182 : memref<1x32xf32, #tpu.memory_space<vmem>>)
    %dma_wait3A_2186 = arith.constant 242 : i32
    %dma_wait3A_2187 = tpu.memref_slice %arg10[%dma_wait3A_2186] : memref<256x!tpu.dma_semaphore, #tpu.memory_space<semaphore_mem>> -> memref<1x!tpu.dma_semaphore, #tpu.memory_space<semaphore_mem>>
    %dma_wait3A_2188 = tpu.memref_squeeze %dma_wait3A_2187 : memref<1x!tpu.dma_semaphore, #tpu.memory_space<semaphore_mem>> -> memref<!tpu.dma_semaphore, #tpu.memory_space<semaphore_mem>>
    %dma_wait3A_2189 = arith.constant 0 : i32
    %dma_wait3A_2190 = arith.constant 0 : i32
    %dma_wait3A_2191 = tpu.memref_slice %arg9[%dma_wait3A_2189, %dma_wait3A_2190] : memref<16384x32xf32, #tpu.memory_space<vmem>> -> memref<1x32xf32, #tpu.memory_space<vmem>>
    %dma_wait3A_2192 = arith.constant 0 : i32
    %dma_wait3A_2193 = arith.constant 0 : i32
    %dma_wait3A_2194 = tpu.memref_slice %arg2[%dma_wait3A_2192, %dma_wait3A_2193] : memref<1000000x32xf32, #tpu.memory_space<hbm>> -> memref<1x32xf32, #tpu.memory_space<hbm>>
    tpu.wait_dma2 semaphore(%dma_wait3A_2188 : memref<!tpu.dma_semaphore, #tpu.memory_space<semaphore_mem>>) src(%dma_wait3A_2194 : memref<1x32xf32, #tpu.memory_space<hbm>>) dst(%dma_wait3A_2191 : memref<1x32xf32, #tpu.memory_space<vmem>>)
    %dma_wait3A_2195 = arith.constant 243 : i32
    %dma_wait3A_2196 = tpu.memref_slice %arg10[%dma_wait3A_2195] : memref<256x!tpu.dma_semaphore, #tpu.memory_space<semaphore_mem>> -> memref<1x!tpu.dma_semaphore, #tpu.memory_space<semaphore_mem>>
    %dma_wait3A_2197 = tpu.memref_squeeze %dma_wait3A_2196 : memref<1x!tpu.dma_semaphore, #tpu.memory_space<semaphore_mem>> -> memref<!tpu.dma_semaphore, #tpu.memory_space<semaphore_mem>>
    %dma_wait3A_2198 = arith.constant 0 : i32
    %dma_wait3A_2199 = arith.constant 0 : i32
    %dma_wait3A_2200 = tpu.memref_slice %arg9[%dma_wait3A_2198, %dma_wait3A_2199] : memref<16384x32xf32, #tpu.memory_space<vmem>> -> memref<1x32xf32, #tpu.memory_space<vmem>>
    %dma_wait3A_2201 = arith.constant 0 : i32
    %dma_wait3A_2202 = arith.constant 0 : i32
    %dma_wait3A_2203 = tpu.memref_slice %arg2[%dma_wait3A_2201, %dma_wait3A_2202] : memref<1000000x32xf32, #tpu.memory_space<hbm>> -> memref<1x32xf32, #tpu.memory_space<hbm>>
    tpu.wait_dma2 semaphore(%dma_wait3A_2197 : memref<!tpu.dma_semaphore, #tpu.memory_space<semaphore_mem>>) src(%dma_wait3A_2203 : memref<1x32xf32, #tpu.memory_space<hbm>>) dst(%dma_wait3A_2200 : memref<1x32xf32, #tpu.memory_space<vmem>>)
    %dma_wait3A_2204 = arith.constant 244 : i32
    %dma_wait3A_2205 = tpu.memref_slice %arg10[%dma_wait3A_2204] : memref<256x!tpu.dma_semaphore, #tpu.memory_space<semaphore_mem>> -> memref<1x!tpu.dma_semaphore, #tpu.memory_space<semaphore_mem>>
    %dma_wait3A_2206 = tpu.memref_squeeze %dma_wait3A_2205 : memref<1x!tpu.dma_semaphore, #tpu.memory_space<semaphore_mem>> -> memref<!tpu.dma_semaphore, #tpu.memory_space<semaphore_mem>>
    %dma_wait3A_2207 = arith.constant 0 : i32
    %dma_wait3A_2208 = arith.constant 0 : i32
    %dma_wait3A_2209 = tpu.memref_slice %arg9[%dma_wait3A_2207, %dma_wait3A_2208] : memref<16384x32xf32, #tpu.memory_space<vmem>> -> memref<1x32xf32, #tpu.memory_space<vmem>>
    %dma_wait3A_2210 = arith.constant 0 : i32
    %dma_wait3A_2211 = arith.constant 0 : i32
    %dma_wait3A_2212 = tpu.memref_slice %arg2[%dma_wait3A_2210, %dma_wait3A_2211] : memref<1000000x32xf32, #tpu.memory_space<hbm>> -> memref<1x32xf32, #tpu.memory_space<hbm>>
    tpu.wait_dma2 semaphore(%dma_wait3A_2206 : memref<!tpu.dma_semaphore, #tpu.memory_space<semaphore_mem>>) src(%dma_wait3A_2212 : memref<1x32xf32, #tpu.memory_space<hbm>>) dst(%dma_wait3A_2209 : memref<1x32xf32, #tpu.memory_space<vmem>>)
    %dma_wait3A_2213 = arith.constant 245 : i32
    %dma_wait3A_2214 = tpu.memref_slice %arg10[%dma_wait3A_2213] : memref<256x!tpu.dma_semaphore, #tpu.memory_space<semaphore_mem>> -> memref<1x!tpu.dma_semaphore, #tpu.memory_space<semaphore_mem>>
    %dma_wait3A_2215 = tpu.memref_squeeze %dma_wait3A_2214 : memref<1x!tpu.dma_semaphore, #tpu.memory_space<semaphore_mem>> -> memref<!tpu.dma_semaphore, #tpu.memory_space<semaphore_mem>>
    %dma_wait3A_2216 = arith.constant 0 : i32
    %dma_wait3A_2217 = arith.constant 0 : i32
    %dma_wait3A_2218 = tpu.memref_slice %arg9[%dma_wait3A_2216, %dma_wait3A_2217] : memref<16384x32xf32, #tpu.memory_space<vmem>> -> memref<1x32xf32, #tpu.memory_space<vmem>>
    %dma_wait3A_2219 = arith.constant 0 : i32
    %dma_wait3A_2220 = arith.constant 0 : i32
    %dma_wait3A_2221 = tpu.memref_slice %arg2[%dma_wait3A_2219, %dma_wait3A_2220] : memref<1000000x32xf32, #tpu.memory_space<hbm>> -> memref<1x32xf32, #tpu.memory_space<hbm>>
    tpu.wait_dma2 semaphore(%dma_wait3A_2215 : memref<!tpu.dma_semaphore, #tpu.memory_space<semaphore_mem>>) src(%dma_wait3A_2221 : memref<1x32xf32, #tpu.memory_space<hbm>>) dst(%dma_wait3A_2218 : memref<1x32xf32, #tpu.memory_space<vmem>>)
    %dma_wait3A_2222 = arith.constant 246 : i32
    %dma_wait3A_2223 = tpu.memref_slice %arg10[%dma_wait3A_2222] : memref<256x!tpu.dma_semaphore, #tpu.memory_space<semaphore_mem>> -> memref<1x!tpu.dma_semaphore, #tpu.memory_space<semaphore_mem>>
    %dma_wait3A_2224 = tpu.memref_squeeze %dma_wait3A_2223 : memref<1x!tpu.dma_semaphore, #tpu.memory_space<semaphore_mem>> -> memref<!tpu.dma_semaphore, #tpu.memory_space<semaphore_mem>>
    %dma_wait3A_2225 = arith.constant 0 : i32
    %dma_wait3A_2226 = arith.constant 0 : i32
    %dma_wait3A_2227 = tpu.memref_slice %arg9[%dma_wait3A_2225, %dma_wait3A_2226] : memref<16384x32xf32, #tpu.memory_space<vmem>> -> memref<1x32xf32, #tpu.memory_space<vmem>>
    %dma_wait3A_2228 = arith.constant 0 : i32
    %dma_wait3A_2229 = arith.constant 0 : i32
    %dma_wait3A_2230 = tpu.memref_slice %arg2[%dma_wait3A_2228, %dma_wait3A_2229] : memref<1000000x32xf32, #tpu.memory_space<hbm>> -> memref<1x32xf32, #tpu.memory_space<hbm>>
    tpu.wait_dma2 semaphore(%dma_wait3A_2224 : memref<!tpu.dma_semaphore, #tpu.memory_space<semaphore_mem>>) src(%dma_wait3A_2230 : memref<1x32xf32, #tpu.memory_space<hbm>>) dst(%dma_wait3A_2227 : memref<1x32xf32, #tpu.memory_space<vmem>>)
    %dma_wait3A_2231 = arith.constant 247 : i32
    %dma_wait3A_2232 = tpu.memref_slice %arg10[%dma_wait3A_2231] : memref<256x!tpu.dma_semaphore, #tpu.memory_space<semaphore_mem>> -> memref<1x!tpu.dma_semaphore, #tpu.memory_space<semaphore_mem>>
    %dma_wait3A_2233 = tpu.memref_squeeze %dma_wait3A_2232 : memref<1x!tpu.dma_semaphore, #tpu.memory_space<semaphore_mem>> -> memref<!tpu.dma_semaphore, #tpu.memory_space<semaphore_mem>>
    %dma_wait3A_2234 = arith.constant 0 : i32
    %dma_wait3A_2235 = arith.constant 0 : i32
    %dma_wait3A_2236 = tpu.memref_slice %arg9[%dma_wait3A_2234, %dma_wait3A_2235] : memref<16384x32xf32, #tpu.memory_space<vmem>> -> memref<1x32xf32, #tpu.memory_space<vmem>>
    %dma_wait3A_2237 = arith.constant 0 : i32
    %dma_wait3A_2238 = arith.constant 0 : i32
    %dma_wait3A_2239 = tpu.memref_slice %arg2[%dma_wait3A_2237, %dma_wait3A_2238] : memref<1000000x32xf32, #tpu.memory_space<hbm>> -> memref<1x32xf32, #tpu.memory_space<hbm>>
    tpu.wait_dma2 semaphore(%dma_wait3A_2233 : memref<!tpu.dma_semaphore, #tpu.memory_space<semaphore_mem>>) src(%dma_wait3A_2239 : memref<1x32xf32, #tpu.memory_space<hbm>>) dst(%dma_wait3A_2236 : memref<1x32xf32, #tpu.memory_space<vmem>>)
    %dma_wait3A_2240 = arith.constant 248 : i32
    %dma_wait3A_2241 = tpu.memref_slice %arg10[%dma_wait3A_2240] : memref<256x!tpu.dma_semaphore, #tpu.memory_space<semaphore_mem>> -> memref<1x!tpu.dma_semaphore, #tpu.memory_space<semaphore_mem>>
    %dma_wait3A_2242 = tpu.memref_squeeze %dma_wait3A_2241 : memref<1x!tpu.dma_semaphore, #tpu.memory_space<semaphore_mem>> -> memref<!tpu.dma_semaphore, #tpu.memory_space<semaphore_mem>>
    %dma_wait3A_2243 = arith.constant 0 : i32
    %dma_wait3A_2244 = arith.constant 0 : i32
    %dma_wait3A_2245 = tpu.memref_slice %arg9[%dma_wait3A_2243, %dma_wait3A_2244] : memref<16384x32xf32, #tpu.memory_space<vmem>> -> memref<1x32xf32, #tpu.memory_space<vmem>>
    %dma_wait3A_2246 = arith.constant 0 : i32
    %dma_wait3A_2247 = arith.constant 0 : i32
    %dma_wait3A_2248 = tpu.memref_slice %arg2[%dma_wait3A_2246, %dma_wait3A_2247] : memref<1000000x32xf32, #tpu.memory_space<hbm>> -> memref<1x32xf32, #tpu.memory_space<hbm>>
    tpu.wait_dma2 semaphore(%dma_wait3A_2242 : memref<!tpu.dma_semaphore, #tpu.memory_space<semaphore_mem>>) src(%dma_wait3A_2248 : memref<1x32xf32, #tpu.memory_space<hbm>>) dst(%dma_wait3A_2245 : memref<1x32xf32, #tpu.memory_space<vmem>>)
    %dma_wait3A_2249 = arith.constant 249 : i32
    %dma_wait3A_2250 = tpu.memref_slice %arg10[%dma_wait3A_2249] : memref<256x!tpu.dma_semaphore, #tpu.memory_space<semaphore_mem>> -> memref<1x!tpu.dma_semaphore, #tpu.memory_space<semaphore_mem>>
    %dma_wait3A_2251 = tpu.memref_squeeze %dma_wait3A_2250 : memref<1x!tpu.dma_semaphore, #tpu.memory_space<semaphore_mem>> -> memref<!tpu.dma_semaphore, #tpu.memory_space<semaphore_mem>>
    %dma_wait3A_2252 = arith.constant 0 : i32
    %dma_wait3A_2253 = arith.constant 0 : i32
    %dma_wait3A_2254 = tpu.memref_slice %arg9[%dma_wait3A_2252, %dma_wait3A_2253] : memref<16384x32xf32, #tpu.memory_space<vmem>> -> memref<1x32xf32, #tpu.memory_space<vmem>>
    %dma_wait3A_2255 = arith.constant 0 : i32
    %dma_wait3A_2256 = arith.constant 0 : i32
    %dma_wait3A_2257 = tpu.memref_slice %arg2[%dma_wait3A_2255, %dma_wait3A_2256] : memref<1000000x32xf32, #tpu.memory_space<hbm>> -> memref<1x32xf32, #tpu.memory_space<hbm>>
    tpu.wait_dma2 semaphore(%dma_wait3A_2251 : memref<!tpu.dma_semaphore, #tpu.memory_space<semaphore_mem>>) src(%dma_wait3A_2257 : memref<1x32xf32, #tpu.memory_space<hbm>>) dst(%dma_wait3A_2254 : memref<1x32xf32, #tpu.memory_space<vmem>>)
    %dma_wait3A_2258 = arith.constant 250 : i32
    %dma_wait3A_2259 = tpu.memref_slice %arg10[%dma_wait3A_2258] : memref<256x!tpu.dma_semaphore, #tpu.memory_space<semaphore_mem>> -> memref<1x!tpu.dma_semaphore, #tpu.memory_space<semaphore_mem>>
    %dma_wait3A_2260 = tpu.memref_squeeze %dma_wait3A_2259 : memref<1x!tpu.dma_semaphore, #tpu.memory_space<semaphore_mem>> -> memref<!tpu.dma_semaphore, #tpu.memory_space<semaphore_mem>>
    %dma_wait3A_2261 = arith.constant 0 : i32
    %dma_wait3A_2262 = arith.constant 0 : i32
    %dma_wait3A_2263 = tpu.memref_slice %arg9[%dma_wait3A_2261, %dma_wait3A_2262] : memref<16384x32xf32, #tpu.memory_space<vmem>> -> memref<1x32xf32, #tpu.memory_space<vmem>>
    %dma_wait3A_2264 = arith.constant 0 : i32
    %dma_wait3A_2265 = arith.constant 0 : i32
    %dma_wait3A_2266 = tpu.memref_slice %arg2[%dma_wait3A_2264, %dma_wait3A_2265] : memref<1000000x32xf32, #tpu.memory_space<hbm>> -> memref<1x32xf32, #tpu.memory_space<hbm>>
    tpu.wait_dma2 semaphore(%dma_wait3A_2260 : memref<!tpu.dma_semaphore, #tpu.memory_space<semaphore_mem>>) src(%dma_wait3A_2266 : memref<1x32xf32, #tpu.memory_space<hbm>>) dst(%dma_wait3A_2263 : memref<1x32xf32, #tpu.memory_space<vmem>>)
    %dma_wait3A_2267 = arith.constant 251 : i32
    %dma_wait3A_2268 = tpu.memref_slice %arg10[%dma_wait3A_2267] : memref<256x!tpu.dma_semaphore, #tpu.memory_space<semaphore_mem>> -> memref<1x!tpu.dma_semaphore, #tpu.memory_space<semaphore_mem>>
    %dma_wait3A_2269 = tpu.memref_squeeze %dma_wait3A_2268 : memref<1x!tpu.dma_semaphore, #tpu.memory_space<semaphore_mem>> -> memref<!tpu.dma_semaphore, #tpu.memory_space<semaphore_mem>>
    %dma_wait3A_2270 = arith.constant 0 : i32
    %dma_wait3A_2271 = arith.constant 0 : i32
    %dma_wait3A_2272 = tpu.memref_slice %arg9[%dma_wait3A_2270, %dma_wait3A_2271] : memref<16384x32xf32, #tpu.memory_space<vmem>> -> memref<1x32xf32, #tpu.memory_space<vmem>>
    %dma_wait3A_2273 = arith.constant 0 : i32
    %dma_wait3A_2274 = arith.constant 0 : i32
    %dma_wait3A_2275 = tpu.memref_slice %arg2[%dma_wait3A_2273, %dma_wait3A_2274] : memref<1000000x32xf32, #tpu.memory_space<hbm>> -> memref<1x32xf32, #tpu.memory_space<hbm>>
    tpu.wait_dma2 semaphore(%dma_wait3A_2269 : memref<!tpu.dma_semaphore, #tpu.memory_space<semaphore_mem>>) src(%dma_wait3A_2275 : memref<1x32xf32, #tpu.memory_space<hbm>>) dst(%dma_wait3A_2272 : memref<1x32xf32, #tpu.memory_space<vmem>>)
    %dma_wait3A_2276 = arith.constant 252 : i32
    %dma_wait3A_2277 = tpu.memref_slice %arg10[%dma_wait3A_2276] : memref<256x!tpu.dma_semaphore, #tpu.memory_space<semaphore_mem>> -> memref<1x!tpu.dma_semaphore, #tpu.memory_space<semaphore_mem>>
    %dma_wait3A_2278 = tpu.memref_squeeze %dma_wait3A_2277 : memref<1x!tpu.dma_semaphore, #tpu.memory_space<semaphore_mem>> -> memref<!tpu.dma_semaphore, #tpu.memory_space<semaphore_mem>>
    %dma_wait3A_2279 = arith.constant 0 : i32
    %dma_wait3A_2280 = arith.constant 0 : i32
    %dma_wait3A_2281 = tpu.memref_slice %arg9[%dma_wait3A_2279, %dma_wait3A_2280] : memref<16384x32xf32, #tpu.memory_space<vmem>> -> memref<1x32xf32, #tpu.memory_space<vmem>>
    %dma_wait3A_2282 = arith.constant 0 : i32
    %dma_wait3A_2283 = arith.constant 0 : i32
    %dma_wait3A_2284 = tpu.memref_slice %arg2[%dma_wait3A_2282, %dma_wait3A_2283] : memref<1000000x32xf32, #tpu.memory_space<hbm>> -> memref<1x32xf32, #tpu.memory_space<hbm>>
    tpu.wait_dma2 semaphore(%dma_wait3A_2278 : memref<!tpu.dma_semaphore, #tpu.memory_space<semaphore_mem>>) src(%dma_wait3A_2284 : memref<1x32xf32, #tpu.memory_space<hbm>>) dst(%dma_wait3A_2281 : memref<1x32xf32, #tpu.memory_space<vmem>>)
    %dma_wait3A_2285 = arith.constant 253 : i32
    %dma_wait3A_2286 = tpu.memref_slice %arg10[%dma_wait3A_2285] : memref<256x!tpu.dma_semaphore, #tpu.memory_space<semaphore_mem>> -> memref<1x!tpu.dma_semaphore, #tpu.memory_space<semaphore_mem>>
    %dma_wait3A_2287 = tpu.memref_squeeze %dma_wait3A_2286 : memref<1x!tpu.dma_semaphore, #tpu.memory_space<semaphore_mem>> -> memref<!tpu.dma_semaphore, #tpu.memory_space<semaphore_mem>>
    %dma_wait3A_2288 = arith.constant 0 : i32
    %dma_wait3A_2289 = arith.constant 0 : i32
    %dma_wait3A_2290 = tpu.memref_slice %arg9[%dma_wait3A_2288, %dma_wait3A_2289] : memref<16384x32xf32, #tpu.memory_space<vmem>> -> memref<1x32xf32, #tpu.memory_space<vmem>>
    %dma_wait3A_2291 = arith.constant 0 : i32
    %dma_wait3A_2292 = arith.constant 0 : i32
    %dma_wait3A_2293 = tpu.memref_slice %arg2[%dma_wait3A_2291, %dma_wait3A_2292] : memref<1000000x32xf32, #tpu.memory_space<hbm>> -> memref<1x32xf32, #tpu.memory_space<hbm>>
    tpu.wait_dma2 semaphore(%dma_wait3A_2287 : memref<!tpu.dma_semaphore, #tpu.memory_space<semaphore_mem>>) src(%dma_wait3A_2293 : memref<1x32xf32, #tpu.memory_space<hbm>>) dst(%dma_wait3A_2290 : memref<1x32xf32, #tpu.memory_space<vmem>>)
    %dma_wait3A_2294 = arith.constant 254 : i32
    %dma_wait3A_2295 = tpu.memref_slice %arg10[%dma_wait3A_2294] : memref<256x!tpu.dma_semaphore, #tpu.memory_space<semaphore_mem>> -> memref<1x!tpu.dma_semaphore, #tpu.memory_space<semaphore_mem>>
    %dma_wait3A_2296 = tpu.memref_squeeze %dma_wait3A_2295 : memref<1x!tpu.dma_semaphore, #tpu.memory_space<semaphore_mem>> -> memref<!tpu.dma_semaphore, #tpu.memory_space<semaphore_mem>>
    %dma_wait3A_2297 = arith.constant 0 : i32
    %dma_wait3A_2298 = arith.constant 0 : i32
    %dma_wait3A_2299 = tpu.memref_slice %arg9[%dma_wait3A_2297, %dma_wait3A_2298] : memref<16384x32xf32, #tpu.memory_space<vmem>> -> memref<1x32xf32, #tpu.memory_space<vmem>>
    %dma_wait3A_2300 = arith.constant 0 : i32
    %dma_wait3A_2301 = arith.constant 0 : i32
    %dma_wait3A_2302 = tpu.memref_slice %arg2[%dma_wait3A_2300, %dma_wait3A_2301] : memref<1000000x32xf32, #tpu.memory_space<hbm>> -> memref<1x32xf32, #tpu.memory_space<hbm>>
    tpu.wait_dma2 semaphore(%dma_wait3A_2296 : memref<!tpu.dma_semaphore, #tpu.memory_space<semaphore_mem>>) src(%dma_wait3A_2302 : memref<1x32xf32, #tpu.memory_space<hbm>>) dst(%dma_wait3A_2299 : memref<1x32xf32, #tpu.memory_space<vmem>>)
    %dma_wait3A_2303 = arith.constant 255 : i32
    %dma_wait3A_2304 = tpu.memref_slice %arg10[%dma_wait3A_2303] : memref<256x!tpu.dma_semaphore, #tpu.memory_space<semaphore_mem>> -> memref<1x!tpu.dma_semaphore, #tpu.memory_space<semaphore_mem>>
    %dma_wait3A_2305 = tpu.memref_squeeze %dma_wait3A_2304 : memref<1x!tpu.dma_semaphore, #tpu.memory_space<semaphore_mem>> -> memref<!tpu.dma_semaphore, #tpu.memory_space<semaphore_mem>>
    %dma_wait3A_2306 = arith.constant 0 : i32
    %dma_wait3A_2307 = arith.constant 0 : i32
    %dma_wait3A_2308 = tpu.memref_slice %arg9[%dma_wait3A_2306, %dma_wait3A_2307] : memref<16384x32xf32, #tpu.memory_space<vmem>> -> memref<1x32xf32, #tpu.memory_space<vmem>>
    %dma_wait3A_2309 = arith.constant 0 : i32
    %dma_wait3A_2310 = arith.constant 0 : i32
    %dma_wait3A_2311 = tpu.memref_slice %arg2[%dma_wait3A_2309, %dma_wait3A_2310] : memref<1000000x32xf32, #tpu.memory_space<hbm>> -> memref<1x32xf32, #tpu.memory_space<hbm>>
    tpu.wait_dma2 semaphore(%dma_wait3A_2305 : memref<!tpu.dma_semaphore, #tpu.memory_space<semaphore_mem>>) src(%dma_wait3A_2311 : memref<1x32xf32, #tpu.memory_space<hbm>>) dst(%dma_wait3A_2308 : memref<1x32xf32, #tpu.memory_space<vmem>>)
    %get3A = arith.constant 0 : index
    %get3A_2312 = arith.constant 0 : index
    %get3A_2313 = vector.load %arg9[%get3A, %get3A_2312] : memref<16384x32xf32, #tpu.memory_space<vmem>>, vector<16384x32xf32>
    %get3A_2314 = arith.constant 0 : index
    %get3A_2315 = arith.constant 0 : index
    %get3A_2316 = vector.load %arg4[%get3A_2314, %get3A_2315] : memref<64x64xf32, #tpu.memory_space<vmem>>, vector<32x64xf32>
    %dot_general3A = arith.constant dense<0.000000e+00> : vector<16384x64xf32>
    %dot_general3A_2317 = tpu.matmul %get3A_2313, %get3A_2316, %dot_general3A {dimension_numbers = #tpu.dot_dimension_numbers<[1], [0], [0], [1], [0, 0, 1, 1], [], []>, transpose_lhs_hint = false} : vector<16384x32xf32>, vector<32x64xf32>, vector<16384x64xf32> -> vector<16384x64xf32>
    %get3A_2318 = arith.constant 0 : index
    %get3A_2319 = arith.constant 0 : index
    %get3A_2320 = vector.load %arg3[%get3A_2318, %get3A_2319] : memref<16384x32xf32, #tpu.memory_space<vmem>>, vector<16384x32xf32>
    %get3A_2321 = arith.constant 32 : index
    %get3A_2322 = arith.constant 0 : index
    %get3A_2323 = vector.load %arg4[%get3A_2321, %get3A_2322] : memref<64x64xf32, #tpu.memory_space<vmem>>, vector<32x64xf32>
    %dot_general3A_2324 = arith.constant dense<0.000000e+00> : vector<16384x64xf32>
    %dot_general3A_2325 = tpu.matmul %get3A_2320, %get3A_2323, %dot_general3A_2324 {dimension_numbers = #tpu.dot_dimension_numbers<[1], [0], [0], [1], [0, 0, 1, 1], [], []>, transpose_lhs_hint = false} : vector<16384x32xf32>, vector<32x64xf32>, vector<16384x64xf32> -> vector<16384x64xf32>
    %add3A = arith.addf %dot_general3A_2317, %dot_general3A_2325 : vector<16384x64xf32>
    %get3A_2326 = arith.constant 0 : index
    %get3A_2327 = arith.constant 0 : index
    %get3A_2328 = vector.load %arg5[%get3A_2326, %get3A_2327] : memref<1x64xf32, #tpu.memory_space<vmem>>, vector<1x64xf32>
    %add3A_2329 = vector.broadcast %get3A_2328 : vector<1x64xf32> to vector<16384x64xf32>
    %add3A_2330 = arith.addf %add3A, %add3A_2329 : vector<16384x64xf32>
    %max3A = arith.constant 0.000000e+00 : f32
    %max3A_2331 = vector.broadcast %max3A : f32 to vector<16384x64xf32>
    %max3A_2332 = arith.maximumf %add3A_2330, %max3A_2331 : vector<16384x64xf32>
    %get3A_2333 = arith.constant 0 : index
    %get3A_2334 = arith.constant 0 : index
    %get3A_2335 = vector.load %arg6[%get3A_2333, %get3A_2334] : memref<1x64xf32, #tpu.memory_space<vmem>>, vector<1x64xf32>
    %mul3A = vector.broadcast %get3A_2335 : vector<1x64xf32> to vector<16384x64xf32>
    %mul3A_2336 = arith.mulf %max3A_2332, %mul3A : vector<16384x64xf32>
    %reduce_sum3A = arith.constant dense<0.000000e+00> : vector<16384xf32>
    %reduce_sum3A_2337 = vector.multi_reduction <add>, %mul3A_2336, %reduce_sum3A [1] : vector<16384x64xf32> to vector<16384xf32>
    %get3A_2338 = arith.constant 0 : index
    %get3A_2339 = arith.constant 0 : index
    %get3A_2340 = vector.load %arg7[%get3A_2338, %get3A_2339] : memref<1x1xf32, #tpu.memory_space<vmem>>, vector<1x1xf32>
    %get3A_2341 = vector.extract %get3A_2340[0, 0] : f32 from vector<1x1xf32>
    %add3A_2342 = vector.broadcast %get3A_2341 : f32 to vector<16384xf32>
    %add3A_2343 = arith.addf %reduce_sum3A_2337, %add3A_2342 : vector<16384xf32>
    %logistic3A = arith.negf %add3A_2343 : vector<16384xf32>
    %logistic3A_2344 = math.exp %logistic3A : vector<16384xf32>
    %logistic3A_2345 = arith.constant 1.000000e+00 : f32
    %logistic3A_2346 = vector.broadcast %logistic3A_2345 : f32 to vector<16384xf32>
    %logistic3A_2347 = arith.addf %logistic3A_2346, %logistic3A_2344 : vector<16384xf32>
    %logistic3A_2348 = arith.divf %logistic3A_2346, %logistic3A_2347 : vector<16384xf32>
    %swap3A = arith.constant 0 : index
    %swap3A_2349 = vector.load %arg8[%swap3A] : memref<16384xf32, #tpu.memory_space<vmem>>, vector<16384xf32>
    tpu.vector_store %arg8[%swap3A], %logistic3A_2348 {strides = array<i32>} : memref<16384xf32, #tpu.memory_space<vmem>>, vector<16384xf32>,
    return
  }
  func.func @transform_1(%arg0: i32, %arg1: memref<16384xi32, #tpu.memory_space<smem>>) -> (i32, i32) {
    %c0_i32 = arith.constant 0 : i32
    %c0_i32_0 = arith.constant 0 : i32
    %c0_i32_1 = arith.constant 0 : i32
    return %c0_i32, %c0_i32_0 : i32, i32
  }
  func.func @transform_2(%arg0: i32, %arg1: memref<16384xi32, #tpu.memory_space<smem>>) -> (i32, i32) {
    %c0_i32 = arith.constant 0 : i32
    %c0_i32_0 = arith.constant 0 : i32
    %c0_i32_1 = arith.constant 0 : i32
    return %c0_i32, %c0_i32_0 : i32, i32
  }
  func.func @transform_3(%arg0: i32, %arg1: memref<16384xi32, #tpu.memory_space<smem>>) -> (i32, i32) {
    %c0_i32 = arith.constant 0 : i32
    %c0_i32_0 = arith.constant 0 : i32
    %c0_i32_1 = arith.constant 0 : i32
    return %c0_i32, %c0_i32_0 : i32, i32
  }
  func.func @transform_4(%arg0: i32, %arg1: memref<16384xi32, #tpu.memory_space<smem>>) -> (i32, i32) {
    %c0_i32 = arith.constant 0 : i32
    %c0_i32_0 = arith.constant 0 : i32
    %c0_i32_1 = arith.constant 0 : i32
    return %c0_i32, %c0_i32_0 : i32, i32
  }
  func.func @transform_5(%arg0: i32, %arg1: memref<16384xi32, #tpu.memory_space<smem>>) -> (i32, i32) {
    %c0_i32 = arith.constant 0 : i32
    %c0_i32_0 = arith.constant 0 : i32
    %c0_i32_1 = arith.constant 0 : i32
    return %c0_i32, %c0_i32_0 : i32, i32
  }
  func.func @transform_6(%arg0: i32, %arg1: memref<16384xi32, #tpu.memory_space<smem>>) -> i32 {
    %c0_i32 = arith.constant 0 : i32
    %c0_i32_0 = arith.constant 0 : i32
    return %c0_i32 : i32
  }
}

</mosaic_0001>

<sc_bundles>
// kernel: kernel.4.cloned.1.call-start
scs
__scs_entry_jumppad:
0x0: {  	(pc) =	sbr.rel $0x88, $3  }
0x1: {  	(tag) =	ssettag $0x0;
	lr =	simm.s32 $0x1  }
0x2: {  	[smem:$0x3F99] =	sst lr;
	_ =	strace $0xD0000000  }
0x3: {  	_ = 	snop  }
0x4: {  	_ = 	snop  }
0x5: {  	_ = 	snop  }
0x6: {  	_ = 	snop  }
0x7: {  	_ = 	snop  }
__scs_overlays_trampoline_lowered:
0x8: {  	[smem:$0x3FA8] =	sst s0  }
0x9: {  	[smem:$0x3FA9] =	sst s1  }
0xa: {  	[smem:$0x3FAA] =	sst s2  }
0xb: {  	[smem:$0x3FAB] =	sst s3  }
0xc: {  	[smem:$0x3FAC] =	sst s4  }
0xd: {  	[smem:$0x3FAD] =	sst s5  }
0xe: {  	[smem:$0x3FAE] =	sst s6  }
0xf: {  	[smem:$0x3FAF] =	sst s7  }
0x10: {  	[smem:$0x3FB0] =	sst s8  }
0x11: {  	[smem:$0x3FB1] =	sst s9;
	s0 =	simm.s32 @!p0 $0x0  }
0x12: {  	s1 =	sld [smem:$0x3F97];
	s0 =	simm.s32 @p0 $0x1  }
0x13: {  	[smem:$0x3FB2] =	sst s0;
	s0 =	simm.s32 @!p1 $0x0  }
0x14: {  	s2 =	sld [smem:$0x3F96];
	s0 =	simm.s32 @p1 $0x1  }
0x15: {  	[smem:$0x3FB3] =	sst s0;
	s0 =	simm.s32 @!p2 $0x0  }
0x16: {  	s3 =	sld [smem:$0x3FDB];
	s0 =	simm.s32 @p2 $0x1  }
0x17: {  	s4 =	simm.s32 $0x1BF5;
	[smem:$0x3FB5] =	sst s0  }
0x18: {  	s0 =	sld [smem:$0x3F98];
	_ =	swait.ge [sflag:s4], $0x0  }
0x19: {  	s7 =	sld [smem:$0x3F99]  }
0x1a: {  	s8 =	sadd.s32 $0xFFFFE003, lr  }
0x1b: {  	s9 =	sadd.s32 $0xFFFFFEF7, lr;
	s5 =	simm.s32 $0xFFFFFFFF;
	p2 =	slt.u32 s8, $0xFFFFF086  }
0x1c: {  	p1 =	slt.u32 s9, $0xF7A;
	s5 =	simm.s32 @!p2 $0x0  }
0x1d: {  	s5 =	simm.s32 @p1 $0x1;
	p0 =	seq.s32 s7, s2  }
0x1e: {  	s7 =	smul.u32 @!p0 $0xF7A, s2;
	p2 =	seq.s32 @!p0 s5, $0x0  }
0x1f: {  	s9 =	smul.u32 $0xF7A, s1;
	s8 =	simm.s32 @!p0 $0x1BF5;
	p2 =	por !p2, p0  }
0x20: {  	[sflag:s8] =	ssyncset.s32 @!p0 $0xFFFFF086;
	s6 =	sadd.s32 @!p0 s3, s7;
	s7 =	simm.s32 @!p0 $0x108  }
0x21: {  	s3 =	sadd.s32 s3, s9;
	s6 =	sadd.s32 @!p0 $0x88, s6;
	s7 =	simm.s32 @p2 $0x1082  }
0x22: {  	[simem:s7], [sflag:s8] =	dma.local @!p0 [hbm:s6], $0xF7A  }
0x23: {  	s9 =	sor.u32 $0xD0000000, s2;
	s6 =	simm.s32 $0x108;
	_ =	swait.ge @!p0 [sflag:s8], $0x0  }
0x24: {  	s3 =	sadd.s32 $0x88, s3;
	s6 =	simm.s32 @!p1 $0x1082;
	[sflag:s4] =	ssyncset.s32 $0xFFFFF086  }
0x25: {  	[simem:s6], [sflag:s4] =	dma.local [hbm:s3], $0xF7A  }
0x26: {  	[smem:$0x3F99] =	sst s1;
	(tag) =	ssettag s2;
	_ =	strace s9  }
0x27: {  	s1 =	sld [smem:$0x3FA9]  }
0x28: {  	s2 =	sld [smem:$0x3FAA]  }
0x29: {  	s4 =	sld [smem:$0x3FAC]  }
0x2a: {  	p0 =	seq.s32 s5, $0x0;
	s5 =	sld [smem:$0x3FAD]  }
0x2b: {  	s6 =	sld [smem:$0x3FAE]  }
0x2c: {  	s7 =	sld [smem:$0x3FAF]  }
0x2d: {  	s3 =	simm.s32 $0x108;
	s8 =	sld [smem:$0x3FB0]  }
0x2e: {  	s3 =	simm.s32 @!p0 $0x1082;
	s9 =	sld [smem:$0x3FB1]  }
0x2f: {  	lr =	sadd.s32 s0, s3;
	s0 =	sld [smem:$0x3FA8]  }
0x30: {  	s3 =	sld [smem:$0x3FAB]  }
0x31: {  	[smem:$0x3FB4] =	sst s10  }
0x32: {  	s10 =	sld [smem:$0x3FB2];
	_ =	sdelay $0x3  }
0x33: {  	p0 =	seq.s32 s10, $0x1;
	s10 =	sld [smem:$0x3FB4];
	_ =	sdelay $0x3  }
0x34: {  	[smem:$0x3FB4] =	sst s10  }
0x35: {  	s10 =	sld [smem:$0x3FB3];
	_ =	sdelay $0x3  }
0x36: {  	p1 =	seq.s32 s10, $0x1;
	s10 =	sld [smem:$0x3FB4];
	_ =	sdelay $0x3  }
0x37: {  	[smem:$0x3FB4] =	sst s10  }
0x38: {  	s10 =	sld [smem:$0x3FB5]  }
0x39: {  	_ = 	snop;
	(pc) =	sbr.ind lr, $3  }
0x3a: {  	_ = 	snop  }
0x3b: {  	_ = 	snop  }
0x3c: {  	p2 =	seq.s32 s10, $0x1;
	s10 =	sld [smem:$0x3FB4]  }
0x3d: {  	_ =	shalt  }
0x3e: {  	_ =	shalt  }
0x3f: {  	_ =	shalt  }
0x40: {  	_ =	shalt  }
0x41: {  	_ =	shalt  }
0x42: {  	_ =	shalt  }
0x43: {  	_ =	shalt  }
0x44: {  	_ =	shalt  }
0x45: {  	_ =	shalt  }
0x46: {  	_ =	shalt  }
0x47: {  	_ =	shalt  }
0x48: {  	_ =	shalt  }
0x49: {  	_ =	shalt  }
0x4a: {  	_ =	shalt  }
0x4b: {  	_ =	shalt  }
0x4c: {  	_ =	shalt  }
0x4d: {  	_ =	shalt  }
0x4e: {  	_ =	shalt  }
0x4f: {  	_ =	shalt  }
0x50: {  	_ =	shalt  }
0x51: {  	_ =	shalt  }
0x52: {  	_ =	shalt  }
0x53: {  	_ =	shalt  }
0x54: {  	_ =	shalt  }
0x55: {  	_ =	shalt  }
0x56: {  	_ =	shalt  }
0x57: {  	_ =	shalt  }
0x58: {  	_ =	shalt  }
0x59: {  	_ =	shalt  }
0x5a: {  	_ =	shalt  }
0x5b: {  	_ =	shalt  }
0x5c: {  	_ =	shalt  }
0x5d: {  	_ =	shalt  }
0x5e: {  	_ =	shalt  }
0x5f: {  	_ =	shalt  }
0x60: {  	_ =	shalt  }
0x61: {  	_ =	shalt  }
0x62: {  	_ =	shalt  }
0x63: {  	_ =	shalt  }
0x64: {  	_ =	shalt  }
0x65: {  	_ =	shalt  }
0x66: {  	_ =	shalt  }
0x67: {  	_ =	shalt  }
0x68: {  	_ =	shalt  }
0x69: {  	_ =	shalt  }
0x6a: {  	_ =	shalt  }
0x6b: {  	_ =	shalt  }
0x6c: {  	_ =	shalt  }
0x6d: {  	_ =	shalt  }
0x6e: {  	_ =	shalt  }
0x6f: {  	_ =	shalt  }
0x70: {  	_ =	shalt  }
0x71: {  	_ =	shalt  }
0x72: {  	_ =	shalt  }
0x73: {  	_ =	shalt  }
0x74: {  	_ =	shalt  }
0x75: {  	_ =	shalt  }
0x76: {  	_ =	shalt  }
0x77: {  	_ =	shalt  }
0x78: {  	_ =	shalt  }
0x79: {  	_ =	shalt  }
0x7a: {  	_ =	shalt  }
0x7b: {  	_ =	shalt  }
0x7c: {  	_ =	shalt  }
0x7d: {  	_ =	shalt  }
0x7e: {  	_ =	shalt  }
0x7f: {  	_ =	shalt  }
0x80: {  	_ =	shalt  }
0x81: {  	_ =	shalt  }
0x82: {  	_ =	shalt  }
0x83: {  	_ =	shalt  }
0x84: {  	_ =	shalt  }
0x85: {  	_ =	shalt  }
0x86: {  	_ =	shalt  }
0x87: {  	_ =	shalt  }
.Lfunc_end0:
.L_simem_size_0:
called_computation_lowered:
.L_overlay_start_0:
0x88: {  	s2 =	sld [smem:$0x3FD9]  }
0x89: {  	s3 =	sld [smem:$0x3FFE];
	_ =	sdelay $0x1  }
0x8a: {  	s1 =	srdreg.scid  }
0x8b: {  	s0 =	sand.u32 $0x1, s1  }
0x8c: {  	s17 =	sshll.u32 s0, $0xA;
	s2 =	sadd.s32 s3, s2  }
0x8d: {  	s2 =	sadd.s32 s2, s17  }
0x8e: {  	[smem:$0x3FC0] =	sst s2  }
0x8f: {  	_ = 	snop  }
0x90: {  	s2 =	sld [smem:$0x3FC8];
	(tm) =	ssettm $0x1  }
0x91: {  	s18 =	sld [smem:$0x3FFB];
	_ =	sdelay $0x3  }
0x92: {  	_ =	strace s18  }
0x93: {  	s3 =	sld [smem:$0x3FFC];
	_ =	sdelay $0x3  }
0x94: {  	_ =	strace s3  }
0x95: {  	s3 =	sld [smem:$0x3FFD];
	_ =	sdelay $0x3  }
0x96: {  	_ =	strace s3  }
0x97: {  	_ =	strace $0x8FFFFFFF  }
0x98: {  	s19 =	sld [smem:$0x3FDB];
	_ =	sdelay $0x1  }
0x99: {  	s4 =	simm.s32 $_scs_section_size  }
0x9a: {  	s5 =	simm.s32 $_size__tile_overlayer_lowered;
	s6 =	simm.s32 $_tile_overlayer_lowered  }
0x9b: {  	s22 =	simm.s32 $0x1BFF;
	s21 =	sshll.u32 s6, $0x1;
	s3 =	sadd.s32 s4, s19  }
0x9c: {  	s7 =	simm.s32 $0x0;
	s20 =	sshll.u32 s5, $0x1;
	s5 =	sadd.s32 s21, s3  }
0x9d: {  	[timem:s7], [sflag:s22] =	dma.local [hbm:s5], s20  }
0x9e: {  	_ =	swait.ge [sflag:s22], s20  }
0x9f: {  	s4 =	ssub.s32 $0x0, s20;
	[sflag:s22] =	ssyncset.done $0x0  }
0xa0: {  	[sflag:s22] =	ssyncadd.s32 s4;
	_ =	sdelay $0x1  }
0xa1: {  	s23 =	simm.s32 $0x1B8B  }
0xa2: {  	_ =	swait.ge [sflag:s23], $0x1  }
0xa3: {  	[sflag:s23] =	ssyncset.done $0x0  }
0xa4: {  	s25 =	simm.s32 $0x1B8E;
	s24 =	sld [smem:$0x3FFE];
	[sflag:s23] =	ssyncadd.s32 $0xFFFFFFFF  }
0xa5: {  	s26 =	simm.s32 $execute0_lowered;
	[smem:$0x3FD2] =	sst s25  }
0xa6: {  	s5 =	sshll.u32 s26, $0x1;
	_ =	strace $0x80000046;
	[dreg:$0x1] =	wrdreg $0xFFFFFFFF  }
0xa7: {  	s28 =	simm.s32 $_size_execute0_lowered;
	s3 =	sadd.s32 s3, s5;
	[dreg:$0x0] =	wrdreg $0x0  }
0xa8: {  	s5 =	sshll.u32 s28, $0x1;
	[dreg:$0x2] =	wrdreg s3  }
0xa9: {  	[dreg:$0x3] =	wrdreg s5  }
0xaa: {  	[dreg:$0x4] =	wrdreg $0xC0  }
0xab: {  	_ =	task [dreg:s7], $0x5FFFF  }
0xac: {  	[dreg:$0x1] =	wrdreg $0xFFFFFFFF  }
0xad: {  	[dreg:$0x0] =	wrdreg $0x60  }
0xae: {  	[dreg:$0x2] =	wrdreg s2  }
0xaf: {  	[dreg:$0x3] =	wrdreg s24  }
0xb0: {  	[dreg:$0x4] =	wrdreg $0x9  }
0xb1: {  	_ =	task.clear_ibuf [dreg:s7], $0x5FFFF;
	_ =	strace $0x90000046  }
0xb2: {  	s29 =	simm.s32 $0x9;
	_ =	strace $0x80000048  }
0xb3: {  	_ =	swait.ge [sflag:s29], $0x1  }
0xb4: {  	[sflag:s29] =	ssyncadd.s32 $0xFFFFFFFF  }
0xb5: {  	_ =	strace $0x90000048  }
0xb6: {  	_ =	sfence  }
0xb7: {  	s30 =	sld [smem:$0x0];
	_ =	sdelay $0x2  }
0xb8: {  	s31 =	sshll.u32 s1, $0xD;
	s1 =	sshrl.u32 s1, $0x2  }
0xb9: {  	s3 =	sand.u32 $0x4000, s31;
	s1 =	sadd.s32 s1, s30  }
0xba: {  	s0 =	sor.u32 s3, s0;
	s1 =	sshll.u32 s1, $0x11  }
0xbb: {  	s0 =	sor.u32 s1, s0  }
0xbc: {  	s0 =	sadd.s32 $0x8F2B, s0  }
0xbd: {  	[sflag:s0] =	ssyncadd.remote.s32 $0x1  }
0xbe: {  	_ =	sfence.sel $0xFFFF  }
0xbf: {  	[dreg:$0x0] =	wrdreg $0xFFFFFFFF;
	(pc) =	sbr.abs _section_cstart, $3  }
0xc0: {  	[dreg:$0x1] =	wrdreg $0xFFFFFFFF  }
0xc1: {  	_ =	task.clear_ibuf [dreg:s7], $0x2FFFF;
	_ =	strace $0x9FFFFFFF  }
0xc2: {  	(tm) =	ssettm $0x7FFFFFFF  }
0xc3: {  	_ =	shalt  }
tec
execute0_lowered:
.L_overlay_start_1:
0x0: {  	(tag) =	ssettag $0x1  }
0x1: {  	s4 =	rddreg [dreg:$0x0]  }
0x2: {  	s5 =	rddreg [dreg:$0x1];
	s0 =	simm.s32 $0x0;
	s25 =	stileid.u32  }
0x3: {  	s7 =	srdreg.scid;
	[smem:$0x7FF] =	sst s0  }
0x4: {  	s6 =	sshll.u32 s25, $0xE;
	s29 =	sadd.s32 $0xE00, s5;
	s26 =	sand.u32 $0x1, s7  }
0x5: {  	s8 =	sshll.u32 s25, $0xA;
	s31 =	sshll.u32 s25, $0x6;
	_ =	strace $0x80000047  }
0x6: {  	s5 =	sadd.s32 s6, s5;
	s9 =	sshll.u32 s26, $0x9;
	s6 =	sshll.u32 s26, $0xD  }
0x7: {  	s7 =	ssub.s32 $0x2, s26;
	s8 =	sor.u32 s9, s8;
	s6 =	sadd.s32 s6, s5  }
0x8: {  	s28 =	sshrl.u32 s7, $0x1;
	s8 =	sshrl.u32 s8, $0x3;
	s6 =	sadd.s32 $0xF43200, s6  }
0x9: {  	s7 =	ssub.s32 s7, s28;
	s1 =	sadd.s32 s4, s8;
	[dreg:$0x3] =	wrdreg s6  }
0xa: {  	s30 =	smax.u32 s7, $0x1;
	s7 =	sor.u32 $0x1C01, s31;
	[dreg:$0xd] =	wrdreg s1  }
0xb: {  	s8 =	simm.s32 $0x1;
	[dreg:$0xe] =	wrdreg s30;
	s1 =	simm.s32 $0x0  }
.LBB2_1:
0xc: {  	[dreg:$0xf] =	wrdreg s1  }
0xd: {  	s0 =	simm.s32 $0x0;
	s31 =	rddreg [dreg:$0xd];
	s1 =	simm.s32 $0x2  }
0xe: {  	[tilespmem:s0], [sflag:$0x2] =	stream.linear.gather [hbm4b:s31+s0], $0x200, $0x38;
	[tilespmem:$0x200] =	vst v63  }
0xf: {  	_ =	swait.ge [sflag:s1], $0x200  }
0x10: {  	[sflag:s1] =	ssyncset.done $0x0  }
0x11: {  	[sflag:s1] =	ssyncadd.s32 $0xFFFFFE00;
	s1 =	simm.s32 $0x10  }
0x12: {  	v0 =	vld [tilespmem:s1+$0xFFFFFFF0];
	_ =	sdelay $0x4  }
0x13: {  	v0 =	vshll.u32 v0, $0x4  }
0x14: {  	(v2sf) =	vpush v0, $0xB  }
0x15: {  	(v2sf) =	vpush v0, $0xA  }
0x16: {  	(v2sf) =	vpush v0, $0x1  }
0x17: {  	(v2sf) =	vpush v0, $0xC  }
0x18: {  	(v2sf) =	vpush v0, $0xD  }
0x19: {  	(v2sf) =	vpush v0, $0xE  }
0x1a: {  	(v2sf) =	vpush v0, $0xF  }
0x1b: {  	(v2sf) =	vpush v0, $0x0  }
0x1c: {  	(v2sf) =	vpush v0, $0x2  }
0x1d: {  	(v2sf) =	vpush v0, $0x3;
	_ =	sdelay $0x2  }
0x1e: {  	(v2sf) =	vpush v0, $0x4  }
0x1f: {  	(v2sf) =	vpush v0, $0x5  }
0x20: {  	(v2sf) =	vpush v0, $0x6  }
0x21: {  	(v2sf) =	vpush v0, $0x7;
	s12 =	spop (v2sf)  }
0x22: {  	(v2sf) =	vpush v0, $0x8;
	s13 =	spop (v2sf)  }
0x23: {  	s22 =	rddreg [dreg:$0x3];
	(v2sf) =	vpush v0, $0x9;
	s12 =	sand.u32 $0x1FFFFFF0, s12;
	s14 =	spop (v2sf)  }
0x24: {  	s13 =	sand.u32 $0x1FFFFFF0, s13;
	s12 =	sadd.s32 s29, s12;
	s15 =	spop (v2sf)  }
0x25: {  	s14 =	sand.u32 $0x1FFFFFF0, s14;
	s13 =	sadd.s32 s29, s13;
	s16 =	spop (v2sf)  }
0x26: {  	s14 =	sadd.s32 s29, s14;
	s3 =	sand.u32 $0x1FFFFFF0, s15;
	s17 =	spop (v2sf)  }
0x27: {  	s4 =	sand.u32 $0x1FFFFFF0, s16;
	s18 =	spop (v2sf);
	s5 =	sand.u32 $0x1FFFFFF0, s17  }
0x28: {  	s15 =	sadd.s32 s29, s4;
	s11 =	spop (v2sf);
	s16 =	sadd.s32 s29, s5  }
0x29: {  	s6 =	sand.u32 $0x1FFFFFF0, s18;
	s19 =	spop (v2sf);
	s26 =	sand.u32 $0x1FFFFFF0, s11  }
0x2a: {  	s11 =	sadd.s32 $0x0, s22;
	s17 =	sadd.s32 s29, s6;
	s20 =	spop (v2sf)  }
0x2b: {  	s26 =	sadd.s32 s29, s26;
	s2 =	sadd.s32 $0x10, s11;
	s9 =	sand.u32 $0x1FFFFFF0, s19  }
0x2c: {  	s10 =	sadd.s32 $0x20, s11;
	s19 =	sadd.s32 $0x30, s11;
	s24 =	sadd.s32 $0x40, s11  }
0x2d: {  	s30 =	sadd.s32 $0x50, s11;
	s4 =	sadd.s32 $0xC0, s11;
	s21 =	spop (v2sf)  }
0x2e: {  	s5 =	sadd.s32 $0xB0, s11;
	s18 =	sadd.s32 s29, s9;
	s23 =	spop (v2sf)  }
0x2f: {  	s20 =	sand.u32 $0x1FFFFFF0, s20;
	s9 =	sadd.s32 $0x70, s11;
	s0 =	spop (v2sf)  }
0x30: {  	s20 =	sadd.s32 s29, s20;
	s23 =	sand.u32 $0x1FFFFFF0, s23;
	s25 =	spop (v2sf)  }
0x31: {  	s31 =	sadd.s32 s29, s23;
	s0 =	sand.u32 $0x1FFFFFF0, s0;
	s22 =	spop (v2sf)  }
0x32: {  	s23 =	sadd.s32 s29, s0;
	s6 =	sand.u32 $0x1FFFFFF0, s25;
	s28 =	spop (v2sf)  }
0x33: {  	[hbm:s11], [sflag:s7] =	dma.local [hbm:s26], $0x10  }
0x34: {  	s0 =	sadd.s32 s29, s6;
	s22 =	sand.u32 $0x1FFFFFF0, s22;
	s26 =	sand.u32 $0x1FFFFFF0, s21  }
0x35: {  	[hbm:s2], [sflag:s7] =	dma.local [hbm:s14], $0x10  }
0x36: {  	s21 =	sadd.s32 $0x90, s11;
	s22 =	sadd.s32 s29, s22;
	s14 =	sadd.s32 s29, s3  }
0x37: {  	[hbm:s10], [sflag:s7] =	dma.local [hbm:s18], $0x10  }
0x38: {  	[hbm:s19], [sflag:s7] =	dma.local [hbm:s20], $0x10  }
0x39: {  	s2 =	sadd.s32 $0xA0, s11;
	s3 =	sadd.s32 $0x60, s11;
	s20 =	sadd.s32 s29, s26  }
0x3a: {  	[hbm:s24], [sflag:s7] =	dma.local [hbm:s20], $0x10  }
0x3b: {  	s18 =	sadd.s32 $0xF0, s11;
	s10 =	sadd.s32 $0x80, s11;
	s24 =	sand.u32 $0x1FFFFFF0, s28  }
0x3c: {  	[hbm:s30], [sflag:s7] =	dma.local [hbm:s31], $0x10  }
0x3d: {  	s26 =	sadd.s32 $0xD0, s11;
	s28 =	sadd.s32 $0xE0, s11;
	s25 =	sadd.s32 s29, s24  }
0x3e: {  	[hbm:s3], [sflag:s7] =	dma.local [hbm:s23], $0x10  }
0x3f: {  	[hbm:s9], [sflag:s7] =	dma.local [hbm:s0], $0x10  }
0x40: {  	[hbm:s10], [sflag:s7] =	dma.local [hbm:s22], $0x10  }
0x41: {  	[hbm:s21], [sflag:s7] =	dma.local [hbm:s25], $0x10  }
0x42: {  	[hbm:s2], [sflag:s7] =	dma.local [hbm:s13], $0x10  }
0x43: {  	[hbm:s5], [sflag:s7] =	dma.local [hbm:s12], $0x10  }
0x44: {  	[hbm:s4], [sflag:s7] =	dma.local [hbm:s14], $0x10  }
0x45: {  	[hbm:s26], [sflag:s7] =	dma.local [hbm:s15], $0x10  }
0x46: {  	[hbm:s28], [sflag:s7] =	dma.local [hbm:s16], $0x10  }
0x47: {  	[hbm:s18], [sflag:s7] =	dma.local [hbm:s17], $0x10  }
0x48: {  	v63 =	vld [tilespmem:s1+$0x0];
	_ =	sdelay $0x4  }
0x49: {  	v0 =	vshll.u32 v63, $0x4  }
0x4a: {  	(v2sf) =	vpush v0, $0xA  }
0x4b: {  	(v2sf) =	vpush v0, $0xC  }
0x4c: {  	(v2sf) =	vpush v0, $0xE  }
0x4d: {  	(v2sf) =	vpush v0, $0xB  }
0x4e: {  	(v2sf) =	vpush v0, $0x9  }
0x4f: {  	(v2sf) =	vpush v0, $0x2  }
0x50: {  	(v2sf) =	vpush v0, $0x3  }
0x51: {  	(v2sf) =	vpush v0, $0x4  }
0x52: {  	(v2sf) =	vpush v0, $0x6  }
0x53: {  	(v2sf) =	vpush v0, $0x1  }
0x54: {  	(v2sf) =	vpush v0, $0x0  }
0x55: {  	(v2sf) =	vpush v0, $0x5  }
0x56: {  	(v2sf) =	vpush v0, $0x7  }
0x57: {  	(v2sf) =	vpush v0, $0x8;
	_ =	sdelay $0x1  }
0x58: {  	s14 =	spop (v2sf)  }
0x59: {  	s13 =	spop (v2sf)  }
0x5a: {  	s6 =	sadd.s32 $0x100, s11;
	(v2sf) =	vpush v0, $0xD;
	s12 =	spop (v2sf)  }
0x5b: {  	s20 =	sadd.s32 $0x190, s11;
	s30 =	simm.s32 $0x10;
	(v2sf) =	vpush v0, $0xF;
	s15 =	spop (v2sf)  }
0x5c: {  	s24 =	sadd.s32 $0x120, s11;
	s10 =	sadd.s32 $0x110, s11;
	s16 =	spop (v2sf)  }
0x5d: {  	s28 =	sadd.s32 $0x130, s11;
	[dreg:$0x4] =	wrdreg s30;
	s17 =	spop (v2sf)  }
0x5e: {  	s14 =	sand.u32 $0x1FFFFFF0, s14;
	s13 =	sand.u32 $0x1FFFFFF0, s13;
	s18 =	spop (v2sf)  }
0x5f: {  	s14 =	sadd.s32 s29, s14;
	s13 =	sadd.s32 s29, s13;
	s31 =	spop (v2sf)  }
0x60: {  	s12 =	sand.u32 $0x1FFFFFF0, s12;
	s23 =	sand.u32 $0x1FFFFFF0, s15;
	s0 =	spop (v2sf)  }
0x61: {  	s12 =	sadd.s32 s29, s12;
	s16 =	sand.u32 $0x1FFFFFF0, s16;
	s2 =	spop (v2sf)  }
0x62: {  	s17 =	sand.u32 $0x1FFFFFF0, s17;
	s16 =	sadd.s32 s29, s16;
	s3 =	spop (v2sf)  }
0x63: {  	s17 =	sadd.s32 s29, s17;
	s25 =	sand.u32 $0x1FFFFFF0, s18;
	s4 =	spop (v2sf)  }
0x64: {  	s21 =	sand.u32 $0x1FFFFFF0, s2;
	s22 =	sand.u32 $0x1FFFFFF0, s3;
	s5 =	spop (v2sf)  }
0x65: {  	s21 =	sadd.s32 s29, s21;
	s22 =	sadd.s32 s29, s22;
	s9 =	spop (v2sf)  }
0x66: {  	[hbm:s6], [sflag:s7] =	dma.local [hbm:s22], $0x10  }
0x67: {  	[hbm:s10], [sflag:s7] =	dma.local [hbm:s21], $0x10  }
0x68: {  	[hbm:s24], [sflag:s7] =	dma.local [hbm:s17], $0x10  }
0x69: {  	s30 =	sand.u32 $0x1FFFFFF0, s31;
	s31 =	sadd.s32 $0x140, s11;
	s18 =	spop (v2sf)  }
0x6a: {  	s2 =	sadd.s32 $0x150, s11;
	s17 =	sadd.s32 s29, s25;
	s22 =	spop (v2sf)  }
0x6b: {  	[hbm:s28], [sflag:s7] =	dma.local [hbm:s17], $0x10  }
0x6c: {  	s3 =	sand.u32 $0x1FFFFFF0, s0;
	s1 =	sand.u32 $0x1FFFFFF0, s4;
	s17 =	sadd.s32 s29, s30  }
0x6d: {  	[hbm:s31], [sflag:s7] =	dma.local [hbm:s17], $0x10  }
0x6e: {  	s4 =	sadd.s32 $0x160, s11;
	s5 =	sand.u32 $0x1FFFFFF0, s5;
	s17 =	sadd.s32 s29, s1  }
0x6f: {  	[hbm:s2], [sflag:s7] =	dma.local [hbm:s17], $0x10  }
0x70: {  	s6 =	sadd.s32 $0x170, s11;
	s9 =	sand.u32 $0x1FFFFFF0, s9;
	s17 =	sadd.s32 s29, s3  }
0x71: {  	[hbm:s4], [sflag:s7] =	dma.local [hbm:s17], $0x10  }
0x72: {  	s10 =	sadd.s32 $0x180, s11;
	s21 =	sadd.s32 $0x1A0, s11;
	s17 =	sadd.s32 s29, s5  }
0x73: {  	[hbm:s6], [sflag:s7] =	dma.local [hbm:s17], $0x10  }
0x74: {  	s24 =	sadd.s32 $0x1B0, s11;
	s25 =	sadd.s32 $0x1C0, s11;
	s17 =	sadd.s32 s29, s9  }
0x75: {  	[hbm:s10], [sflag:s7] =	dma.local [hbm:s17], $0x10  }
0x76: {  	[hbm:s20], [sflag:s7] =	dma.local [hbm:s16], $0x10  }
0x77: {  	[hbm:s21], [sflag:s7] =	dma.local [hbm:s14], $0x10  }
0x78: {  	s26 =	sand.u32 $0x1FFFFFF0, s18;
	s28 =	sadd.s32 $0x1D0, s11;
	s14 =	sadd.s32 s29, s23  }
0x79: {  	[hbm:s24], [sflag:s7] =	dma.local [hbm:s14], $0x10  }
0x7a: {  	[hbm:s25], [sflag:s7] =	dma.local [hbm:s13], $0x10  }
0x7b: {  	s30 =	sadd.s32 $0x1E0, s11;
	s31 =	sand.u32 $0x1FFFFFF0, s22;
	s13 =	sadd.s32 s29, s26  }
0x7c: {  	[hbm:s28], [sflag:s7] =	dma.local [hbm:s13], $0x10  }
0x7d: {  	[hbm:s30], [sflag:s7] =	dma.local [hbm:s12], $0x10  }
0x7e: {  	s11 =	sadd.s32 $0x1F0, s11;
	s12 =	sadd.s32 s29, s31  }
0x7f: {  	[hbm:s11], [sflag:s7] =	dma.local [hbm:s12], $0x10  }
0x80: {  	_ =	swait.ge [sflag:s8], $0x10  }
0x81: {  	[sflag:s8] =	ssyncset.done $0x0  }
0x82: {  	[sflag:s8] =	ssyncadd.s32 $0xFFFFFFF0  }
0x83: {  	_ =	swait.ge [sflag:s8], $0x10  }
0x84: {  	[sflag:s8] =	ssyncset.done $0x0  }
0x85: {  	[sflag:s8] =	ssyncadd.s32 $0xFFFFFFF0  }
0x86: {  	_ =	swait.ge [sflag:s8], $0x10  }
0x87: {  	[sflag:s8] =	ssyncset.done $0x0  }
0x88: {  	[sflag:s8] =	ssyncadd.s32 $0xFFFFFFF0  }
0x89: {  	_ =	swait.ge [sflag:s8], $0x10  }
0x8a: {  	[sflag:s8] =	ssyncset.done $0x0  }
0x8b: {  	[sflag:s8] =	ssyncadd.s32 $0xFFFFFFF0  }
0x8c: {  	_ =	swait.ge [sflag:s8], $0x10  }
0x8d: {  	[sflag:s8] =	ssyncset.done $0x0  }
0x8e: {  	[sflag:s8] =	ssyncadd.s32 $0xFFFFFFF0  }
0x8f: {  	_ =	swait.ge [sflag:s8], $0x10  }
0x90: {  	[sflag:s8] =	ssyncset.done $0x0  }
0x91: {  	[sflag:s8] =	ssyncadd.s32 $0xFFFFFFF0  }
0x92: {  	_ =	swait.ge [sflag:s8], $0x10  }
0x93: {  	[sflag:s8] =	ssyncset.done $0x0  }
0x94: {  	[sflag:s8] =	ssyncadd.s32 $0xFFFFFFF0  }
0x95: {  	_ =	swait.ge [sflag:s8], $0x10  }
0x96: {  	[sflag:s8] =	ssyncset.done $0x0  }
0x97: {  	[sflag:s8] =	ssyncadd.s32 $0xFFFFFFF0  }
0x98: {  	_ =	swait.ge [sflag:s8], $0x10  }
0x99: {  	[sflag:s8] =	ssyncset.done $0x0  }
0x9a: {  	[sflag:s8] =	ssyncadd.s32 $0xFFFFFFF0  }
0x9b: {  	_ =	swait.ge [sflag:s8], $0x10  }
0x9c: {  	[sflag:s8] =	ssyncset.done $0x0  }
0x9d: {  	[sflag:s8] =	ssyncadd.s32 $0xFFFFFFF0  }
0x9e: {  	_ =	swait.ge [sflag:s8], $0x10  }
0x9f: {  	[sflag:s8] =	ssyncset.done $0x0  }
0xa0: {  	[sflag:s8] =	ssyncadd.s32 $0xFFFFFFF0  }
0xa1: {  	_ =	swait.ge [sflag:s8], $0x10  }
0xa2: {  	[sflag:s8] =	ssyncset.done $0x0  }
0xa3: {  	[sflag:s8] =	ssyncadd.s32 $0xFFFFFFF0  }
0xa4: {  	_ =	swait.ge [sflag:s8], $0x10  }
0xa5: {  	[sflag:s8] =	ssyncset.done $0x0  }
0xa6: {  	[sflag:s8] =	ssyncadd.s32 $0xFFFFFFF0  }
0xa7: {  	_ =	swait.ge [sflag:s8], $0x10  }
0xa8: {  	[sflag:s8] =	ssyncset.done $0x0  }
0xa9: {  	[sflag:s8] =	ssyncadd.s32 $0xFFFFFFF0  }
0xaa: {  	_ =	swait.ge [sflag:s8], $0x10  }
0xab: {  	[sflag:s8] =	ssyncset.done $0x0  }
0xac: {  	[sflag:s8] =	ssyncadd.s32 $0xFFFFFFF0  }
0xad: {  	_ =	swait.ge [sflag:s8], $0x10  }
0xae: {  	[sflag:s8] =	ssyncset.done $0x0  }
0xaf: {  	[sflag:s8] =	ssyncadd.s32 $0xFFFFFFF0  }
0xb0: {  	s0 =	simm.s32 $0x200;
	_ =	swait.ge [sflag:s8], $0x10  }
.LBB2_2:
0xb1: {  	[sflag:s8] =	ssyncset.done $0x0;
	s26 =	sadd.s32 $0x200, s0  }
0xb2: {  	[sflag:s8] =	ssyncadd.s32 $0xFFFFFFF0;
	[dreg:$0x5] =	wrdreg s26  }
0xb3: {  	s21 =	rddreg [dreg:$0x4];
	_ =	swait.ge [sflag:s8], $0x10  }
0xb4: {  	[sflag:s8] =	ssyncset.done $0x0  }
0xb5: {  	[sflag:s8] =	ssyncadd.s32 $0xFFFFFFF0  }
0xb6: {  	_ =	swait.ge [sflag:s8], $0x10  }
0xb7: {  	[sflag:s8] =	ssyncset.done $0x0  }
0xb8: {  	[sflag:s8] =	ssyncadd.s32 $0xFFFFFFF0  }
0xb9: {  	_ =	swait.ge [sflag:s8], $0x10  }
0xba: {  	[sflag:s8] =	ssyncset.done $0x0  }
0xbb: {  	[sflag:s8] =	ssyncadd.s32 $0xFFFFFFF0  }
0xbc: {  	_ =	swait.ge [sflag:s8], $0x10  }
0xbd: {  	[sflag:s8] =	ssyncset.done $0x0  }
0xbe: {  	[sflag:s8] =	ssyncadd.s32 $0xFFFFFFF0  }
0xbf: {  	_ =	swait.ge [sflag:s8], $0x10  }
0xc0: {  	[sflag:s8] =	ssyncset.done $0x0  }
0xc1: {  	[sflag:s8] =	ssyncadd.s32 $0xFFFFFFF0  }
0xc2: {  	_ =	swait.ge [sflag:s8], $0x10  }
0xc3: {  	[sflag:s8] =	ssyncset.done $0x0  }
0xc4: {  	[sflag:s8] =	ssyncadd.s32 $0xFFFFFFF0  }
0xc5: {  	_ =	swait.ge [sflag:s8], $0x10  }
0xc6: {  	[sflag:s8] =	ssyncset.done $0x0  }
0xc7: {  	[sflag:s8] =	ssyncadd.s32 $0xFFFFFFF0  }
0xc8: {  	_ =	swait.ge [sflag:s8], $0x10  }
0xc9: {  	[sflag:s8] =	ssyncset.done $0x0  }
0xca: {  	[sflag:s8] =	ssyncadd.s32 $0xFFFFFFF0  }
0xcb: {  	_ =	swait.ge [sflag:s8], $0x10  }
0xcc: {  	[sflag:s8] =	ssyncset.done $0x0  }
0xcd: {  	[sflag:s8] =	ssyncadd.s32 $0xFFFFFFF0  }
0xce: {  	_ =	swait.ge [sflag:s8], $0x10  }
0xcf: {  	[sflag:s8] =	ssyncset.done $0x0  }
0xd0: {  	[sflag:s8] =	ssyncadd.s32 $0xFFFFFFF0  }
0xd1: {  	_ =	swait.ge [sflag:s8], $0x10  }
0xd2: {  	[sflag:s8] =	ssyncset.done $0x0  }
0xd3: {  	[sflag:s8] =	ssyncadd.s32 $0xFFFFFFF0  }
0xd4: {  	_ =	swait.ge [sflag:s8], $0x10  }
0xd5: {  	[sflag:s8] =	ssyncset.done $0x0  }
0xd6: {  	[sflag:s8] =	ssyncadd.s32 $0xFFFFFFF0  }
0xd7: {  	_ =	swait.ge [sflag:s8], $0x10  }
0xd8: {  	[sflag:s8] =	ssyncset.done $0x0  }
0xd9: {  	[sflag:s8] =	ssyncadd.s32 $0xFFFFFFF0  }
0xda: {  	_ =	swait.ge [sflag:s8], $0x10  }
0xdb: {  	[sflag:s8] =	ssyncset.done $0x0  }
0xdc: {  	[sflag:s8] =	ssyncadd.s32 $0xFFFFFFF0  }
0xdd: {  	_ =	swait.ge [sflag:s8], $0x10  }
0xde: {  	[sflag:s8] =	ssyncset.done $0x0  }
0xdf: {  	s21 =	sadd.s32 $0x20, s21;
	[sflag:s8] =	ssyncadd.s32 $0xFFFFFFF0  }
0xe0: {  	v0 =	vld [tilespmem:s21+$0xFFFFFFF0];
	_ =	sdelay $0x4  }
0xe1: {  	v0 =	vshll.u32 v0, $0x4  }
0xe2: {  	(v2sf) =	vpush v0, $0xB  }
0xe3: {  	(v2sf) =	vpush v0, $0xA  }
0xe4: {  	(v2sf) =	vpush v0, $0x1;
	_ =	sdelay $0x1  }
0xe5: {  	(v2sf) =	vpush v0, $0xC  }
0xe6: {  	(v2sf) =	vpush v0, $0xD  }
0xe7: {  	(v2sf) =	vpush v0, $0xE;
	_ =	sdelay $0x5  }
0xe8: {  	(v2sf) =	vpush v0, $0xF  }
0xe9: {  	(v2sf) =	vpush v0, $0x0  }
0xea: {  	(v2sf) =	vpush v0, $0x2  }
0xeb: {  	(v2sf) =	vpush v0, $0x3;
	s14 =	spop (v2sf)  }
0xec: {  	(v2sf) =	vpush v0, $0x4;
	s13 =	spop (v2sf)  }
0xed: {  	s26 =	spop (v2sf);
	(v2sf) =	vpush v0, $0x5  }
0xee: {  	s12 =	smov.u32 s0;
	s18 =	rddreg [dreg:$0x3];
	(v2sf) =	vpush v0, $0x6  }
0xef: {  	s12 =	sadd.s32 s12, s18;
	s15 =	spop (v2sf);
	(v2sf) =	vpush v0, $0x7  }
0xf0: {  	p0 =	sne.s32 s0, $0x1E00;
	s4 =	sadd.s32 $0x70, s12;
	s16 =	spop (v2sf);
	(v2sf) =	vpush v0, $0x8  }
0xf1: {  	s5 =	sadd.s32 $0x80, s12;
	s14 =	sand.u32 $0x1FFFFFF0, s14;
	s17 =	spop (v2sf);
	(v2sf) =	vpush v0, $0x9  }
0xf2: {  	s13 =	sand.u32 $0x1FFFFFF0, s13;
	s30 =	sadd.s32 s29, s14;
	s14 =	sadd.s32 $0x60, s12  }
0xf3: {  	s28 =	sadd.s32 s29, s13;
	[dreg:$0x9] =	wrdreg s30;
	s13 =	sadd.s32 $0x30, s12  }
0xf4: {  	s26 =	sand.u32 $0x1FFFFFF0, s26;
	[dreg:$0x8] =	wrdreg s28;
	s15 =	sand.u32 $0x1FFFFFF0, s15  }
0xf5: {  	s28 =	sadd.s32 $0x10, s12;
	s26 =	sadd.s32 s29, s26;
	s31 =	sadd.s32 s29, s15  }
0xf6: {  	s16 =	sand.u32 $0x1FFFFFF0, s16;
	s15 =	sadd.s32 $0x20, s12;
	[dreg:$0xa] =	wrdreg s31  }
0xf7: {  	s1 =	sadd.s32 s29, s16;
	s17 =	sand.u32 $0x1FFFFFF0, s17;
	s19 =	spop (v2sf)  }
0xf8: {  	s31 =	sadd.s32 $0x40, s12;
	[dreg:$0xb] =	wrdreg s1;
	s20 =	spop (v2sf)  }
0xf9: {  	s2 =	sadd.s32 s29, s17;
	s17 =	sadd.s32 $0x90, s12;
	s6 =	spop (v2sf)  }
0xfa: {  	[dreg:$0xc] =	wrdreg s2;
	s20 =	sand.u32 $0x1FFFFFF0, s20;
	s9 =	spop (v2sf)  }
0xfb: {  	s2 =	sadd.s32 $0x50, s12;
	s6 =	sand.u32 $0x1FFFFFF0, s6;
	s10 =	spop (v2sf)  }
0xfc: {  	s30 =	sadd.s32 s29, s20;
	s6 =	sadd.s32 s29, s6;
	s11 =	spop (v2sf)  }
0xfd: {  	s9 =	sand.u32 $0x1FFFFFF0, s9;
	s10 =	sand.u32 $0x1FFFFFF0, s10;
	s3 =	spop (v2sf)  }
0xfe: {  	s9 =	sadd.s32 s29, s9;
	s10 =	sadd.s32 s29, s10;
	s1 =	spop (v2sf)  }
0xff: {  	s11 =	sand.u32 $0x1FFFFFF0, s11;
	s0 =	sand.u32 $0x1FFFFFF0, s3;
	s3 =	spop (v2sf)  }
0x100: {  	s11 =	sadd.s32 s29, s11;
	s0 =	sadd.s32 s29, s0;
	s24 =	spop (v2sf)  }
0x101: {  	s1 =	sand.u32 $0x1FFFFFF0, s1;
	s3 =	sand.u32 $0x1FFFFFF0, s3;
	s24 =	sand.u32 $0x1FFFFFF0, s24  }
0x102: {  	[hbm:s12], [sflag:s7] =	dma.local [hbm:s30], $0x10  }
0x103: {  	s1 =	sadd.s32 s29, s1;
	s3 =	sadd.s32 s29, s3;
	s24 =	sadd.s32 s29, s24  }
0x104: {  	[hbm:s28], [sflag:s7] =	dma.local [hbm:s26], $0x10  }
0x105: {  	[hbm:s15], [sflag:s7] =	dma.local [hbm:s6], $0x10  }
0x106: {  	[hbm:s13], [sflag:s7] =	dma.local [hbm:s9], $0x10  }
0x107: {  	[hbm:s31], [sflag:s7] =	dma.local [hbm:s10], $0x10  }
0x108: {  	[hbm:s2], [sflag:s7] =	dma.local [hbm:s11], $0x10  }
0x109: {  	[hbm:s14], [sflag:s7] =	dma.local [hbm:s0], $0x10  }
0x10a: {  	[hbm:s4], [sflag:s7] =	dma.local [hbm:s1], $0x10  }
0x10b: {  	[hbm:s5], [sflag:s7] =	dma.local [hbm:s3], $0x10  }
0x10c: {  	[hbm:s17], [sflag:s7] =	dma.local [hbm:s24], $0x10  }
0x10d: {  	s23 =	sadd.s32 $0xA0, s12;
	s5 =	rddreg [dreg:$0x8]  }
0x10e: {  	[hbm:s23], [sflag:s7] =	dma.local [hbm:s5], $0x10  }
0x10f: {  	s25 =	sadd.s32 $0xB0, s12;
	s0 =	rddreg [dreg:$0x9]  }
0x110: {  	[hbm:s25], [sflag:s7] =	dma.local [hbm:s0], $0x10  }
0x111: {  	s22 =	sadd.s32 $0xD0, s12;
	s20 =	sadd.s32 $0xC0, s12;
	s0 =	rddreg [dreg:$0xa]  }
0x112: {  	[hbm:s20], [sflag:s7] =	dma.local [hbm:s0], $0x10  }
0x113: {  	s16 =	sadd.s32 $0xE0, s12;
	s19 =	sand.u32 $0x1FFFFFF0, s19;
	s0 =	rddreg [dreg:$0xb]  }
0x114: {  	[hbm:s22], [sflag:s7] =	dma.local [hbm:s0], $0x10  }
0x115: {  	s18 =	sadd.s32 s29, s19;
	s19 =	sadd.s32 $0xF0, s12;
	s0 =	rddreg [dreg:$0xc]  }
0x116: {  	[hbm:s16], [sflag:s7] =	dma.local [hbm:s0], $0x10  }
0x117: {  	[hbm:s19], [sflag:s7] =	dma.local [hbm:s18], $0x10  }
0x118: {  	v63 =	vld [tilespmem:s21+$0x0];
	_ =	sdelay $0x4  }
0x119: {  	v0 =	vshll.u32 v63, $0x4  }
0x11a: {  	(v2sf) =	vpush v0, $0xA  }
0x11b: {  	(v2sf) =	vpush v0, $0xC  }
0x11c: {  	(v2sf) =	vpush v0, $0xE  }
0x11d: {  	(v2sf) =	vpush v0, $0xB  }
0x11e: {  	(v2sf) =	vpush v0, $0x9;
	_ =	sdelay $0x1  }
0x11f: {  	(v2sf) =	vpush v0, $0x2  }
0x120: {  	(v2sf) =	vpush v0, $0x3  }
0x121: {  	(v2sf) =	vpush v0, $0x4  }
0x122: {  	(v2sf) =	vpush v0, $0x6  }
0x123: {  	(v2sf) =	vpush v0, $0x1  }
0x124: {  	s6 =	sadd.s32 $0x1F0, s12;
	s15 =	sadd.s32 $0x1D0, s12;
	s9 =	sadd.s32 $0x1E0, s12;
	(v2sf) =	vpush v0, $0x0  }
0x125: {  	s14 =	sadd.s32 $0x140, s12;
	s17 =	sadd.s32 $0x1B0, s12;
	s23 =	sadd.s32 $0x150, s12;
	(v2sf) =	vpush v0, $0x5  }
0x126: {  	s5 =	sadd.s32 $0x120, s12;
	s25 =	sadd.s32 $0x130, s12;
	[dreg:$0x4] =	wrdreg s21;
	(v2sf) =	vpush v0, $0x7  }
0x127: {  	s20 =	sadd.s32 $0x180, s12;
	s22 =	sadd.s32 $0x160, s12;
	[dreg:$0x6] =	wrdreg s6;
	(v2sf) =	vpush v0, $0x8  }
0x128: {  	s16 =	sadd.s32 $0x1C0, s12;
	[dreg:$0x7] =	wrdreg s9;
	s10 =	spop (v2sf)  }
0x129: {  	s19 =	sadd.s32 $0x190, s12;
	s18 =	sadd.s32 $0x1A0, s12;
	s11 =	spop (v2sf)  }
0x12a: {  	s9 =	sadd.s32 $0x100, s12;
	s21 =	sadd.s32 $0x170, s12;
	s13 =	spop (v2sf)  }
0x12b: {  	s26 =	sand.u32 $0x1FFFFFF0, s11;
	s2 =	sand.u32 $0x1FFFFFF0, s13;
	s24 =	spop (v2sf);
	(v2sf) =	vpush v0, $0xD  }
0x12c: {  	s13 =	sand.u32 $0x1FFFFFF0, s10;
	s10 =	sadd.s32 $0x110, s12;
	s28 =	spop (v2sf);
	(v2sf) =	vpush v0, $0xF  }
0x12d: {  	s3 =	sand.u32 $0x1FFFFFF0, s24;
	s12 =	sadd.s32 s29, s2;
	s13 =	sadd.s32 s29, s13  }
0x12e: {  	s4 =	sand.u32 $0x1FFFFFF0, s28;
	s30 =	spop (v2sf);
	s3 =	sadd.s32 s29, s3  }
0x12f: {  	s31 =	spop (v2sf);
	s6 =	sand.u32 $0x1FFFFFF0, s30;
	s4 =	sadd.s32 s29, s4  }
0x130: {  	s11 =	sand.u32 $0x1FFFFFF0, s31;
	s0 =	spop (v2sf);
	s6 =	sadd.s32 s29, s6  }
0x131: {  	s11 =	sadd.s32 s29, s11;
	s1 =	sand.u32 $0x1FFFFFF0, s0;
	s28 =	spop (v2sf)  }
0x132: {  	s30 =	sand.u32 $0x1FFFFFF0, s28;
	s2 =	spop (v2sf);
	s24 =	sadd.s32 s29, s1  }
0x133: {  	s28 =	sadd.s32 s29, s30;
	s31 =	spop (v2sf);
	s2 =	sand.u32 $0x1FFFFFF0, s2  }
0x134: {  	s30 =	sand.u32 $0x1FFFFFF0, s31;
	s0 =	spop (v2sf);
	s2 =	sadd.s32 s29, s2  }
0x135: {  	s30 =	sadd.s32 s29, s30;
	s31 =	sand.u32 $0x1FFFFFF0, s0;
	s1 =	spop (v2sf)  }
0x136: {  	s0 =	sand.u32 $0x1FFFFFF0, s1;
	s1 =	spop (v2sf);
	s31 =	sadd.s32 s29, s31  }
0x137: {  	[hbm:s9], [sflag:s7] =	dma.local [hbm:s30], $0x10  }
0x138: {  	[hbm:s10], [sflag:s7] =	dma.local [hbm:s2], $0x10  }
0x139: {  	[hbm:s5], [sflag:s7] =	dma.local [hbm:s6], $0x10  }
0x13a: {  	s0 =	sadd.s32 s29, s0;
	s1 =	sand.u32 $0x1FFFFFF0, s1;
	s5 =	spop (v2sf)  }
0x13b: {  	s30 =	sadd.s32 s29, s26;
	s5 =	sand.u32 $0x1FFFFFF0, s5;
	s6 =	spop (v2sf)  }
0x13c: {  	[hbm:s25], [sflag:s7] =	dma.local [hbm:s11], $0x10  }
0x13d: {  	[hbm:s14], [sflag:s7] =	dma.local [hbm:s24], $0x10  }
0x13e: {  	[hbm:s23], [sflag:s7] =	dma.local [hbm:s31], $0x10  }
0x13f: {  	[hbm:s22], [sflag:s7] =	dma.local [hbm:s28], $0x10  }
0x140: {  	[hbm:s21], [sflag:s7] =	dma.local [hbm:s0], $0x10  }
0x141: {  	s1 =	sadd.s32 s29, s1;
	s5 =	sadd.s32 s29, s5;
	s0 =	rddreg [dreg:$0x5]  }
0x142: {  	[hbm:s20], [sflag:s7] =	dma.local [hbm:s1], $0x10  }
0x143: {  	[hbm:s19], [sflag:s7] =	dma.local [hbm:s4], $0x10  }
0x144: {  	[hbm:s18], [sflag:s7] =	dma.local [hbm:s13], $0x10  }
0x145: {  	[hbm:s17], [sflag:s7] =	dma.local [hbm:s3], $0x10  }
0x146: {  	[hbm:s16], [sflag:s7] =	dma.local [hbm:s30], $0x10  }
0x147: {  	[hbm:s15], [sflag:s7] =	dma.local [hbm:s5], $0x10  }
0x148: {  	s6 =	sand.u32 $0x1FFFFFF0, s6;
	s31 =	rddreg [dreg:$0x7]  }
0x149: {  	[hbm:s31], [sflag:s7] =	dma.local [hbm:s12], $0x10  }
0x14a: {  	s6 =	sadd.s32 s29, s6;
	s1 =	rddreg [dreg:$0x6]  }
0x14b: {  	[hbm:s1], [sflag:s7] =	dma.local [hbm:s6], $0x10  }
0x14c: {  	_ =	swait.ge [sflag:s8], $0x10  }
0x14d: {  	[sflag:s8] =	ssyncset.done $0x0  }
0x14e: {  	[sflag:s8] =	ssyncadd.s32 $0xFFFFFFF0  }
0x14f: {  	_ =	swait.ge [sflag:s8], $0x10  }
0x150: {  	[sflag:s8] =	ssyncset.done $0x0  }
0x151: {  	[sflag:s8] =	ssyncadd.s32 $0xFFFFFFF0  }
0x152: {  	_ =	swait.ge [sflag:s8], $0x10  }
0x153: {  	[sflag:s8] =	ssyncset.done $0x0  }
0x154: {  	[sflag:s8] =	ssyncadd.s32 $0xFFFFFFF0  }
0x155: {  	_ =	swait.ge [sflag:s8], $0x10  }
0x156: {  	[sflag:s8] =	ssyncset.done $0x0  }
0x157: {  	[sflag:s8] =	ssyncadd.s32 $0xFFFFFFF0  }
0x158: {  	_ =	swait.ge [sflag:s8], $0x10  }
0x159: {  	[sflag:s8] =	ssyncset.done $0x0  }
0x15a: {  	[sflag:s8] =	ssyncadd.s32 $0xFFFFFFF0  }
0x15b: {  	_ =	swait.ge [sflag:s8], $0x10  }
0x15c: {  	[sflag:s8] =	ssyncset.done $0x0  }
0x15d: {  	[sflag:s8] =	ssyncadd.s32 $0xFFFFFFF0  }
0x15e: {  	_ =	swait.ge [sflag:s8], $0x10  }
0x15f: {  	[sflag:s8] =	ssyncset.done $0x0  }
0x160: {  	[sflag:s8] =	ssyncadd.s32 $0xFFFFFFF0  }
0x161: {  	_ =	swait.ge [sflag:s8], $0x10  }
0x162: {  	[sflag:s8] =	ssyncset.done $0x0  }
0x163: {  	[sflag:s8] =	ssyncadd.s32 $0xFFFFFFF0  }
0x164: {  	_ =	swait.ge [sflag:s8], $0x10  }
0x165: {  	[sflag:s8] =	ssyncset.done $0x0  }
0x166: {  	[sflag:s8] =	ssyncadd.s32 $0xFFFFFFF0  }
0x167: {  	_ =	swait.ge [sflag:s8], $0x10  }
0x168: {  	[sflag:s8] =	ssyncset.done $0x0  }
0x169: {  	[sflag:s8] =	ssyncadd.s32 $0xFFFFFFF0  }
0x16a: {  	_ =	swait.ge [sflag:s8], $0x10  }
0x16b: {  	[sflag:s8] =	ssyncset.done $0x0  }
0x16c: {  	[sflag:s8] =	ssyncadd.s32 $0xFFFFFFF0  }
0x16d: {  	_ =	swait.ge [sflag:s8], $0x10  }
0x16e: {  	[sflag:s8] =	ssyncset.done $0x0  }
0x16f: {  	[sflag:s8] =	ssyncadd.s32 $0xFFFFFFF0  }
0x170: {  	_ =	swait.ge [sflag:s8], $0x10  }
0x171: {  	[sflag:s8] =	ssyncset.done $0x0  }
0x172: {  	[sflag:s8] =	ssyncadd.s32 $0xFFFFFFF0  }
0x173: {  	_ =	swait.ge [sflag:s8], $0x10  }
0x174: {  	[sflag:s8] =	ssyncset.done $0x0  }
0x175: {  	[sflag:s8] =	ssyncadd.s32 $0xFFFFFFF0  }
0x176: {  	_ =	swait.ge [sflag:s8], $0x10  }
0x177: {  	[sflag:s8] =	ssyncset.done $0x0  }
.Ltmp0:
0x178: {  	[sflag:s8] =	ssyncadd.s32 $0xFFFFFFF0;
	(pc) =	sbr.rel @p0 .LBB2_2-.Ltmp0, $4  }
0x179: {  	_ =	swait.ge [sflag:s8], $0x10  }
0x17a: {  	[sflag:s8] =	ssyncset.done $0x0  }
0x17b: {  	[sflag:s8] =	ssyncadd.s32 $0xFFFFFFF0  }
0x17c: {  	_ =	swait.ge [sflag:s8], $0x10  }
0x17d: {  	[sflag:s8] =	ssyncset.done $0x0  }
0x17e: {  	[sflag:s8] =	ssyncadd.s32 $0xFFFFFFF0  }
0x17f: {  	_ =	swait.ge [sflag:s8], $0x10  }
0x180: {  	[sflag:s8] =	ssyncset.done $0x0  }
0x181: {  	[sflag:s8] =	ssyncadd.s32 $0xFFFFFFF0  }
0x182: {  	_ =	swait.ge [sflag:s8], $0x10  }
0x183: {  	[sflag:s8] =	ssyncset.done $0x0  }
0x184: {  	[sflag:s8] =	ssyncadd.s32 $0xFFFFFFF0  }
0x185: {  	_ =	swait.ge [sflag:s8], $0x10  }
0x186: {  	[sflag:s8] =	ssyncset.done $0x0  }
0x187: {  	[sflag:s8] =	ssyncadd.s32 $0xFFFFFFF0  }
0x188: {  	_ =	swait.ge [sflag:s8], $0x10  }
0x189: {  	[sflag:s8] =	ssyncset.done $0x0  }
0x18a: {  	[sflag:s8] =	ssyncadd.s32 $0xFFFFFFF0  }
0x18b: {  	_ =	swait.ge [sflag:s8], $0x10  }
0x18c: {  	[sflag:s8] =	ssyncset.done $0x0  }
0x18d: {  	[sflag:s8] =	ssyncadd.s32 $0xFFFFFFF0  }
0x18e: {  	_ =	swait.ge [sflag:s8], $0x10  }
0x18f: {  	[sflag:s8] =	ssyncset.done $0x0  }
0x190: {  	[sflag:s8] =	ssyncadd.s32 $0xFFFFFFF0  }
0x191: {  	_ =	swait.ge [sflag:s8], $0x10  }
0x192: {  	[sflag:s8] =	ssyncset.done $0x0  }
0x193: {  	[sflag:s8] =	ssyncadd.s32 $0xFFFFFFF0  }
0x194: {  	_ =	swait.ge [sflag:s8], $0x10  }
0x195: {  	[sflag:s8] =	ssyncset.done $0x0  }
0x196: {  	[sflag:s8] =	ssyncadd.s32 $0xFFFFFFF0  }
0x197: {  	_ =	swait.ge [sflag:s8], $0x10  }
0x198: {  	[sflag:s8] =	ssyncset.done $0x0  }
0x199: {  	[sflag:s8] =	ssyncadd.s32 $0xFFFFFFF0  }
0x19a: {  	_ =	swait.ge [sflag:s8], $0x10  }
0x19b: {  	[sflag:s8] =	ssyncset.done $0x0  }
0x19c: {  	[sflag:s8] =	ssyncadd.s32 $0xFFFFFFF0  }
0x19d: {  	_ =	swait.ge [sflag:s8], $0x10  }
0x19e: {  	[sflag:s8] =	ssyncset.done $0x0  }
0x19f: {  	[sflag:s8] =	ssyncadd.s32 $0xFFFFFFF0  }
0x1a0: {  	_ =	swait.ge [sflag:s8], $0x10  }
0x1a1: {  	[sflag:s8] =	ssyncset.done $0x0  }
0x1a2: {  	[sflag:s8] =	ssyncadd.s32 $0xFFFFFFF0  }
0x1a3: {  	_ =	swait.ge [sflag:s8], $0x10  }
0x1a4: {  	[sflag:s8] =	ssyncset.done $0x0  }
0x1a5: {  	[sflag:s8] =	ssyncadd.s32 $0xFFFFFFF0  }
0x1a6: {  	_ =	swait.ge [sflag:s8], $0x10  }
0x1a7: {  	[sflag:s8] =	ssyncset.done $0x0  }
0x1a8: {  	[sflag:s8] =	ssyncadd.s32 $0xFFFFFFF0  }
0x1a9: {  	_ =	swait.ge [sflag:s8], $0x10  }
0x1aa: {  	s1 =	rddreg [dreg:$0xf]  }
0x1ab: {  	s0 =	rddreg [dreg:$0xe];
	s1 =	sadd.s32 $0x1, s1  }
0x1ac: {  	p0 =	sne.s32 s1, s0  }
.Ltmp1:
0x1ad: {  	_ = 	snop;
	(pc) =	sbr.rel @p0 .LBB2_1-.Ltmp1, $3  }
0x1ae: {  	_ =	sdelay $0x1  }
0x1af: {  	[sflag:s8] =	ssyncset.done $0x0  }
0x1b0: {  	[sflag:s8] =	ssyncadd.s32 $0xFFFFFFF0  }
0x1b1: {  	_ =	sfence.sel $0x180000  }
0x1b2: {  	[bflag:$0x0] =	sbarrier.arrive $0xFFFF  }
0x1b3: {  	_ =	strace $0x90000047  }
0x1b4: {  	s0 =	stileid.u32;
	[bflag:$0x2] =	sbarrier.arrive $0xFFFF  }
0x1b5: {  	p0 =	sne.s32 s0, $0x0;
	s0 =	rddreg [dreg:$0x2]  }
0x1b6: {  	s0 =	sadd.s32 @!p0 $0x100000, s0  }
0x1b7: {  	[sflag:s0] =	ssyncadd.tile.s32 @!p0 $0x1;
	_ =	shalt  }
.Lfunc_end2:
_tile_overlayer_lowered:
.L_overlay_start_2:
0x1b8: {  	(tag) =	ssettag $0x2  }
0x1b9: {  	s0 =	rddreg [dreg:$0x0];
	s2 =	stileid.u32  }
0x1ba: {  	s1 =	rddreg [dreg:$0x1];
	p0 =	sne.s32 s2, $0x0  }
0x1bb: {  	s3 =	rddreg [dreg:$0x2];
	[bflag:$0x3] =	sbarrier.arrive $0xFFFF;
	s2 =	simm.s32 @!p0 $0x1C02  }
0x1bc: {  	[timem:s3], [sflag:s2] =	dma.local @!p0 [hbm:s0], s1  }
0x1bd: {  	s0 =	simm.s32 @!p0 $0x2  }
0x1be: {  	_ =	swait.ge @!p0 [sflag:s0], s1  }
0x1bf: {  	s1 =	ssub.s32 @!p0 $0x0, s1;
	[sflag:s0] =	ssyncset.done @!p0 $0x0  }
0x1c0: {  	[sflag:s0] =	ssyncadd.s32 @!p0 s1  }
0x1c1: {  	[bflag:$0x3] =	sbarrier.arrive $0xFFFF  }
0x1c2: {  	_ =	shalt  }

</sc_bundles>
